<compile_context>
chip_gen: v7x
topology: tpu7x:2x2x1
jax: 0.10.2.dev20260603
libtpu: 0.0.44.dev20260713+nightly
codegen_flags: <defaults>
</compile_context>

<pallas_src>
import functools

import jax
import jax.numpy as jnp
from jax import lax
from jax.experimental import pallas as pl
from jax.experimental.pallas import tpu as pltpu
import jax.experimental.pallas.tpu_sc as plsc

N = 10000
D = 128
H = D // 2
NPAD = 10240
ROW = 128
BR = 1000


def _sc_mesh():
    return plsc.VectorSubcoreMesh(core_axis_name="c", subcore_axis_name="s")


def _deg_call(dstp, R):
    RW = R // 32
    GRPS = RW // 8
    seg = NPAD // 16

    def body(dst_hbm, deg0_hbm, deg1_hbm, deg_sh, didx_v, ones_v, zer_v):
        c = lax.axis_index("c")
        s = lax.axis_index("s")
        for i in range(ROW // 16):
            ones_v[pl.ds(i * 16, 16)] = jnp.ones((16,), jnp.float32)
        for i in range(seg // 16):
            zer_v[pl.ds(i * 16, 16)] = jnp.zeros((16,), jnp.float32)
        pltpu.sync_copy(zer_v, deg_sh.at[pl.ds(s * seg, seg)])
        plsc.subcore_barrier()
        w = c * 16 + s

        def grp(g, carry):
            row0 = w * RW + g * 8
            pltpu.sync_copy(dst_hbm.at[pl.ds(row0, 8)], didx_v)
            for j in range(8):
                pltpu.sync_copy(ones_v, deg_sh.at[didx_v.at[j]], add=True)
            return carry

        lax.fori_loop(0, GRPS, grp, 0)
        plsc.subcore_barrier()

        @pl.when(c == 0)
        def _():
            pltpu.sync_copy(deg_sh.at[pl.ds(s * seg, seg)],
                            deg0_hbm.at[pl.ds(s * seg, seg)])

        @pl.when(c == 1)
        def _():
            pltpu.sync_copy(deg_sh.at[pl.ds(s * seg, seg)],
                            deg1_hbm.at[pl.ds(s * seg, seg)])

    f = pl.kernel(
        body,
        out_type=(jax.ShapeDtypeStruct((NPAD,), jnp.float32),
                  jax.ShapeDtypeStruct((NPAD,), jnp.float32)),
        mesh=_sc_mesh(),
        compiler_params=pltpu.CompilerParams(use_tc_tiling_on_sc=False),
        scratch_types=(
            pltpu.VMEM_SHARED((NPAD,), jnp.float32),
            pltpu.VMEM((8, ROW), jnp.int32),
            pltpu.VMEM((ROW,), jnp.float32),
            pltpu.VMEM((seg,), jnp.float32),
        ),
    )
    return f(dstp)


def _edge_call(g, comb2, R2):
    CW = 80
    RW = R2 // 32
    K = RW // 8
    stg = 624
    tail = N - 16 * stg
    outr = NPAD // 16

    def body(g_hbm, comb_hbm, out0_hbm, out1_hbm,
             acc_sh, ibuf0, ibuf1, rows4,
             gsem0, gsem1, gsem2, gsem3, ssem0, ssem1, ssem2, ssem3,
             isem0, isem1):
        c = lax.axis_index("c")
        s = lax.axis_index("s")
        gsems = (gsem0, gsem1, gsem2, gsem3)
        ssems = (ssem0, ssem1, ssem2, ssem3)
        base = (c * 16 + s) * RW
        dummy_idx = comb_hbm.at[pl.ds(0, 4)]
        dummy_rows = g_hbm.at[pl.ds(0, CW)]

        off = s * stg
        pltpu.sync_copy(g_hbm.at[pl.ds(off, stg)],
                        acc_sh.at[pl.ds(off, stg)])

        @pl.when(s == 0)
        def _():
            pltpu.sync_copy(g_hbm.at[pl.ds(16 * stg, tail)],
                            acc_sh.at[pl.ds(16 * stg, tail)])

        plsc.subcore_barrier()

        pltpu.sync_copy(comb_hbm.at[pl.ds(base, 4)], ibuf0)
        pltpu.async_copy(comb_hbm.at[pl.ds(base + 4, 4)], ibuf1, isem1)
        pltpu.async_copy(g_hbm.at[ibuf0.at[0, 0]], rows4.at[0], gsem0)
        pltpu.async_copy(g_hbm.at[ibuf0.at[1, 0]], rows4.at[1], gsem1)

        def outer(k, carry):
            for j in range(8):
                b = j % 4
                nb = (j + 2) % 4
                ib = ibuf0 if j < 4 else ibuf1
                pltpu.make_async_copy(dummy_rows, rows4.at[b],
                                      gsems[b]).wait()
                if j == 2:
                    pltpu.make_async_copy(dummy_idx, ibuf1, isem1).wait()
                if j < 2:
                    @pl.when(k > 0)
                    def _():
                        pltpu.make_async_copy(dummy_rows, rows4.at[nb],
                                              ssems[nb]).wait()
                else:
                    pltpu.make_async_copy(dummy_rows, rows4.at[nb],
                                          ssems[nb]).wait()
                if j == 1:
                    @pl.when(k > 0)
                    def _():
                        pltpu.async_copy(
                            comb_hbm.at[pl.ds(base + 8 * k + 4, 4)],
                            ibuf1, isem1)
                if j == 5:
                    @pl.when(k < K - 1)
                    def _():
                        pltpu.async_copy(
                            comb_hbm.at[pl.ds(base + 8 * k + 8, 4)],
                            ibuf0, isem0)
                if j < 6:
                    gib = ibuf0 if j + 2 < 4 else ibuf1
                    pltpu.async_copy(g_hbm.at[gib.at[(j + 2) % 4, 0]],
                                     rows4.at[nb], gsems[nb])
                elif j == 6:
                    @pl.when(k < K - 1)
                    def _():
                        pltpu.make_async_copy(dummy_idx, ibuf0,
                                              isem0).wait()
                        pltpu.async_copy(g_hbm.at[ibuf0.at[0, 0]],
                                         rows4.at[nb], gsems[nb])
                else:
                    @pl.when(k < K - 1)
                    def _():
                        pltpu.async_copy(g_hbm.at[ibuf0.at[1, 0]],
                                         rows4.at[nb], gsems[nb])
                pltpu.async_copy(rows4.at[b], acc_sh.at[ib.at[j % 4, 1]],
                                 ssems[b], priority=1, add=True)
            return carry

        lax.fori_loop(0, K, outer, 0)
        pltpu.make_async_copy(dummy_rows, rows4.at[2], ssem2).wait()
        pltpu.make_async_copy(dummy_rows, rows4.at[3], ssem3).wait()
        plsc.subcore_barrier()

        @pl.when(c == 0)
        def _():
            pltpu.sync_copy(acc_sh.at[pl.ds(s * outr, outr)],
                            out0_hbm.at[pl.ds(s * outr, outr)])

        @pl.when(c == 1)
        def _():
            pltpu.sync_copy(acc_sh.at[pl.ds(s * outr, outr)],
                            out1_hbm.at[pl.ds(s * outr, outr)])

    f = pl.kernel(
        body,
        out_type=(jax.ShapeDtypeStruct((NPAD, D), jnp.float32),
                  jax.ShapeDtypeStruct((NPAD, D), jnp.float32)),
        mesh=_sc_mesh(),
        compiler_params=pltpu.CompilerParams(use_tc_tiling_on_sc=False),
        scratch_types=(
            pltpu.VMEM_SHARED((NPAD, D), jnp.float32),
            pltpu.VMEM((4, 2, CW), jnp.int32),
            pltpu.VMEM((4, 2, CW), jnp.int32),
            pltpu.VMEM((4, CW, D), jnp.float32),
            pltpu.SemaphoreType.DMA,
            pltpu.SemaphoreType.DMA,
            pltpu.SemaphoreType.DMA,
            pltpu.SemaphoreType.DMA,
            pltpu.SemaphoreType.DMA,
            pltpu.SemaphoreType.DMA,
            pltpu.SemaphoreType.DMA,
            pltpu.SemaphoreType.DMA,
            pltpu.SemaphoreType.DMA,
            pltpu.SemaphoreType.DMA,
        ),
    )
    return f(g, comb2)


def _tc_first(x, W, dis):
    def body(x_ref, w_ref, d_ref, g_ref):
        g = jnp.dot(x_ref[...], w_ref[...], preferred_element_type=jnp.float32)
        g_ref[...] = g * d_ref[...]

    return pl.pallas_call(
        body,
        grid=(N // BR,),
        in_specs=[
            pl.BlockSpec((BR, D), lambda i: (i, 0)),
            pl.BlockSpec((D, D), lambda i: (0, 0)),
            pl.BlockSpec((BR, 1), lambda i: (i, 0)),
        ],
        out_specs=pl.BlockSpec((BR, D), lambda i: (i, 0)),
        out_shape=jax.ShapeDtypeStruct((N, D), jnp.float32),
    )(x, W, dis)


def _tc_mid(a0, a1, g, dis, b, W):
    def body(a0_ref, a1_ref, g_ref, d_ref, b_ref, w_ref, o_ref):
        acc = a0_ref[...] + a1_ref[...] - g_ref[...]
        h = jnp.maximum(acc * d_ref[...] + b_ref[...], 0.0)
        gn = jnp.dot(h, w_ref[...], preferred_element_type=jnp.float32)
        o_ref[...] = gn * d_ref[...]

    return pl.pallas_call(
        body,
        grid=(N // BR,),
        in_specs=[
            pl.BlockSpec((BR, D), lambda i: (i, 0)),
            pl.BlockSpec((BR, D), lambda i: (i, 0)),
            pl.BlockSpec((BR, D), lambda i: (i, 0)),
            pl.BlockSpec((BR, 1), lambda i: (i, 0)),
            pl.BlockSpec((1, D), lambda i: (0, 0)),
            pl.BlockSpec((D, D), lambda i: (0, 0)),
        ],
        out_specs=pl.BlockSpec((BR, D), lambda i: (i, 0)),
        out_shape=jax.ShapeDtypeStruct((N, D), jnp.float32),
    )(a0, a1, g, dis, b, W)


def _tc_final(a0, a1, g, dis, b):
    def body(a0_ref, a1_ref, g_ref, d_ref, b_ref, o_ref):
        acc = a0_ref[...] + a1_ref[...] - g_ref[...]
        o_ref[...] = acc * d_ref[...] + b_ref[...]

    return pl.pallas_call(
        body,
        grid=(N // BR,),
        in_specs=[
            pl.BlockSpec((BR, D), lambda i: (i, 0)),
            pl.BlockSpec((BR, D), lambda i: (i, 0)),
            pl.BlockSpec((BR, D), lambda i: (i, 0)),
            pl.BlockSpec((BR, 1), lambda i: (i, 0)),
            pl.BlockSpec((1, D), lambda i: (0, 0)),
        ],
        out_specs=pl.BlockSpec((BR, D), lambda i: (i, 0)),
        out_shape=jax.ShapeDtypeStruct((N, D), jnp.float32),
    )(a0, a1, g, dis, b)


def kernel(x, edge_index, W1, b1, W2, b2, W3, b3):
    src = edge_index[0].astype(jnp.int32)
    dst = edge_index[1].astype(jnp.int32)
    E = src.shape[0]
    rows = (E + ROW - 1) // ROW
    R = ((rows + 255) // 256) * 256
    P = R * ROW - E
    ar = jnp.arange(P, dtype=jnp.int32)
    srcp = jnp.concatenate([src, ar % ROW]).reshape(R, ROW)
    dstp = jnp.concatenate([dst, N + ar % (NPAD - N)]).reshape(R, ROW)
    R2 = R * ROW // 80
    comb2 = jnp.stack([srcp.reshape(R2, 80), dstp.reshape(R2, 80)], axis=1)

    deg0, deg1 = _deg_call(dstp, R)
    deg = deg0[:N] + deg1[:N] + 1.0
    dis = lax.rsqrt(deg)[:, None]
    b1r, b2r, b3r = b1[None, :], b2[None, :], b3[None, :]

    g = _tc_first(x, W1, dis)
    a0, a1 = _edge_call(g, comb2, R2)
    g = _tc_mid(a0, a1, g, dis, b1r, W2)
    a0, a1 = _edge_call(g, comb2, R2)
    g = _tc_mid(a0, a1, g, dis, b2r, W3)
    a0, a1 = _edge_call(g, comb2, R2)
    return _tc_final(a0, a1, g, dis, b3r)

# --- scband reference (transcript-rebuilt; emitter-appended) ---
"""Pipeline reference for scband-gcn-65240553226643 (READ-ONLY COPY).

The authoritative reference and input builder live on the scoring server;
editing this copy changes nothing except your own understanding.
"""

import jax, jax.numpy as jnp
import numpy as np

N_NODES = 10000


def _gcn_conv(x, edge_index, W, b):
    num_nodes = x.shape[0]
    src = edge_index[0]
    dst = edge_index[1]
    # add self loops (PyG GCNConv default)
    loop = jnp.arange(num_nodes, dtype=edge_index.dtype)
    src = jnp.concatenate([src, loop])
    dst = jnp.concatenate([dst, loop])
    # symmetric normalization: deg computed over dst
    deg = jnp.zeros((num_nodes,), dtype=x.dtype).at[dst].add(1.0)
    deg_inv_sqrt = jnp.where(deg > 0, 1.0 / jnp.sqrt(deg), 0.0)
    norm = deg_inv_sqrt[src] * deg_inv_sqrt[dst]
    h = x @ W
    msg = h[src] * norm[:, None]
    out = jnp.zeros((num_nodes, W.shape[1]), dtype=x.dtype).at[dst].add(msg)
    return out + b


def setup_inputs(seed: int = 0) -> dict:
    key = jax.random.key(seed)
    ks = jax.random.split(key, 8)
    d_in, d_hid, d_out = 128, 128, 128
    x = jax.random.normal(ks[0], (N_NODES, d_in), dtype=jnp.float32)
    edge_index = jax.random.randint(ks[1], (2, 320000), 0, N_NODES, dtype=jnp.int64)
    s1 = 1.0 / np.sqrt(d_in)
    s2 = 1.0 / np.sqrt(d_hid)
    W1 = jax.random.uniform(ks[2], (d_in, d_hid), jnp.float32, -s1, s1)
    b1 = jnp.zeros((d_hid,), dtype=jnp.float32)
    W2 = jax.random.uniform(ks[3], (d_hid, d_hid), jnp.float32, -s2, s2)
    b2 = jnp.zeros((d_hid,), dtype=jnp.float32)
    W3 = jax.random.uniform(ks[4], (d_hid, d_out), jnp.float32, -s2, s2)
    b3 = jnp.zeros((d_out,), dtype=jnp.float32)
    return {"x": x, "edge_index": edge_index, "W1": W1, "b1": b1, "W2": W2, "b2": b2, "W3": W3, "b3": b3}


def reference(x, edge_index, W1, b1, W2, b2, W3, b3):
    h = jax.nn.relu(_gcn_conv(x, edge_index, W1, b1))
    h = jax.nn.relu(_gcn_conv(h, edge_index, W2, b2))
    out = _gcn_conv(h, edge_index, W3, b3)
    return out

if __name__ == "__main__":
    import jax
    _d = setup_inputs()
    print(jax.jit(kernel)(*tuple(_d.values())))

</pallas_src>

<mosaic_0001>
#map = affine_map<(d0, d1) -> (0, 0)>
#map1 = affine_map<(d0, d1) -> (0, 0, 0)>
module attributes {stable_mosaic.version = 14 : i64} {
  func.func @body(%arg0: i32, %arg1: i32, %arg2: memref<10000x128xf32, #tpu.memory_space<hbm>>, %arg3: memref<4096x2x80xi32, #tpu.memory_space<hbm>>, %arg4: memref<10240x128xf32, #tpu.memory_space<hbm>>, %arg5: memref<10240x128xf32, #tpu.memory_space<hbm>>, %arg6: memref<10240x128xf32, #tpu.memory_space<vmem_shared>>, %arg7: memref<4x2x80xi32, #tpu.memory_space<vmem>>, %arg8: memref<4x2x80xi32, #tpu.memory_space<vmem>>, %arg9: memref<4x80x128xf32, #tpu.memory_space<vmem>>, %arg10: memref<!tpu.dma_semaphore, #tpu.memory_space<semaphore_mem>>, %arg11: memref<!tpu.dma_semaphore, #tpu.memory_space<semaphore_mem>>, %arg12: memref<!tpu.dma_semaphore, #tpu.memory_space<semaphore_mem>>, %arg13: memref<!tpu.dma_semaphore, #tpu.memory_space<semaphore_mem>>, %arg14: memref<!tpu.dma_semaphore, #tpu.memory_space<semaphore_mem>>, %arg15: memref<!tpu.dma_semaphore, #tpu.memory_space<semaphore_mem>>, %arg16: memref<!tpu.dma_semaphore, #tpu.memory_space<semaphore_mem>>, %arg17: memref<!tpu.dma_semaphore, #tpu.memory_space<semaphore_mem>>, %arg18: memref<!tpu.dma_semaphore, #tpu.memory_space<semaphore_mem>>, %arg19: memref<!tpu.dma_semaphore, #tpu.memory_space<semaphore_mem>>) attributes {dimension_semantics = [#tpu.dimension_semantics<core_parallel>, #tpu.dimension_semantics<subcore_parallel>], iteration_bounds = array<i64: 2, 16>, scalar_prefetch = 0 : i64, scratch_operands = 14 : i64, tpu.core_type = #tpu.core_type<sc_vector_subcore>, window_params = [{transform_indices = #map}, {transform_indices = #map1}, {transform_indices = #map}, {transform_indices = #map}]} {
    %mul3A = arith.constant 16 : i32
    %mul3A_0 = arith.muli %arg0, %mul3A : i32
    %add3A = arith.addi %mul3A_0, %arg1 : i32
    %mul3A_1 = arith.constant 128 : i32
    %mul3A_2 = arith.muli %add3A, %mul3A_1 : i32
    %mul3A_3 = arith.constant 624 : i32
    %mul3A_4 = arith.muli %arg1, %mul3A_3 : i32
    "tpu.region"() ({
      %run_scoped3A = tpu.sem_alloc : memref<!tpu.dma_semaphore, #tpu.memory_space<semaphore_mem>>
      %dma_start3A_85 = arith.constant 0 : i32
      %dma_start3A_86 = tpu.memref_slice %arg6[%mul3A_4, %dma_start3A_85] : memref<10240x128xf32, #tpu.memory_space<vmem_shared>> -> memref<624x128xf32, #tpu.memory_space<vmem_shared>>
      %dma_start3A_87 = arith.constant 0 : i32
      %dma_start3A_88 = tpu.memref_slice %arg2[%mul3A_4, %dma_start3A_87] : memref<10000x128xf32, #tpu.memory_space<hbm>> -> memref<624x128xf32, #tpu.memory_space<hbm>>
      tpu.enqueue_dma source(%dma_start3A_88 : memref<624x128xf32, #tpu.memory_space<hbm>>) target(%dma_start3A_86 : memref<624x128xf32, #tpu.memory_space<vmem_shared>>) target_semaphore(%run_scoped3A : memref<!tpu.dma_semaphore, #tpu.memory_space<semaphore_mem>>)
      %dma_wait3A_89 = arith.constant 0 : i32
      %dma_wait3A_90 = tpu.memref_slice %arg6[%mul3A_4, %dma_wait3A_89] : memref<10240x128xf32, #tpu.memory_space<vmem_shared>> -> memref<624x128xf32, #tpu.memory_space<vmem_shared>>
      %dma_wait3A_91 = arith.constant 0 : i32
      %dma_wait3A_92 = tpu.memref_slice %arg2[%mul3A_4, %dma_wait3A_91] : memref<10000x128xf32, #tpu.memory_space<hbm>> -> memref<624x128xf32, #tpu.memory_space<hbm>>
      tpu.wait_dma2 semaphore(%run_scoped3A : memref<!tpu.dma_semaphore, #tpu.memory_space<semaphore_mem>>) src(%dma_wait3A_92 : memref<624x128xf32, #tpu.memory_space<hbm>>) dst(%dma_wait3A_90 : memref<624x128xf32, #tpu.memory_space<vmem_shared>>)
      tpu.yield
    }) : () -> ()
    %eq3A = arith.constant 0 : i32
    %eq3A_5 = arith.cmpi eq, %arg1, %eq3A : i32
    %convert_element_type3A = arith.extui %eq3A_5 : i1 to i32
    %cond3A = arith.constant 0 : i32
    %cond3A_6 = arith.cmpi ne, %convert_element_type3A, %cond3A : i32
    scf.if %cond3A_6 {
      "tpu.region"() ({
        %run_scoped3A = tpu.sem_alloc : memref<!tpu.dma_semaphore, #tpu.memory_space<semaphore_mem>>
        %dma_start3A_85 = arith.constant 9984 : i32
        %dma_start3A_86 = arith.constant 0 : i32
        %dma_start3A_87 = tpu.memref_slice %arg6[%dma_start3A_85, %dma_start3A_86] : memref<10240x128xf32, #tpu.memory_space<vmem_shared>> -> memref<16x128xf32, #tpu.memory_space<vmem_shared>>
        %dma_start3A_88 = arith.constant 9984 : i32
        %dma_start3A_89 = arith.constant 0 : i32
        %dma_start3A_90 = tpu.memref_slice %arg2[%dma_start3A_88, %dma_start3A_89] : memref<10000x128xf32, #tpu.memory_space<hbm>> -> memref<16x128xf32, #tpu.memory_space<hbm>>
        tpu.enqueue_dma source(%dma_start3A_90 : memref<16x128xf32, #tpu.memory_space<hbm>>) target(%dma_start3A_87 : memref<16x128xf32, #tpu.memory_space<vmem_shared>>) target_semaphore(%run_scoped3A : memref<!tpu.dma_semaphore, #tpu.memory_space<semaphore_mem>>)
        %dma_wait3A_91 = arith.constant 9984 : i32
        %dma_wait3A_92 = arith.constant 0 : i32
        %dma_wait3A_93 = tpu.memref_slice %arg6[%dma_wait3A_91, %dma_wait3A_92] : memref<10240x128xf32, #tpu.memory_space<vmem_shared>> -> memref<16x128xf32, #tpu.memory_space<vmem_shared>>
        %dma_wait3A_94 = arith.constant 9984 : i32
        %dma_wait3A_95 = arith.constant 0 : i32
        %dma_wait3A_96 = tpu.memref_slice %arg2[%dma_wait3A_94, %dma_wait3A_95] : memref<10000x128xf32, #tpu.memory_space<hbm>> -> memref<16x128xf32, #tpu.memory_space<hbm>>
        tpu.wait_dma2 semaphore(%run_scoped3A : memref<!tpu.dma_semaphore, #tpu.memory_space<semaphore_mem>>) src(%dma_wait3A_96 : memref<16x128xf32, #tpu.memory_space<hbm>>) dst(%dma_wait3A_93 : memref<16x128xf32, #tpu.memory_space<vmem_shared>>)
        tpu.yield
      }) : () -> ()
    } else {
    }
    %barrier3A = arith.constant 0 : index
    tpu.barrier barrier_id(%barrier3A)
    "tpu.region"() ({
      %run_scoped3A = tpu.sem_alloc : memref<!tpu.dma_semaphore, #tpu.memory_space<semaphore_mem>>
      %dma_start3A_85 = arith.constant 0 : i32
      %dma_start3A_86 = arith.constant 0 : i32
      %dma_start3A_87 = tpu.memref_slice %arg3[%mul3A_2, %dma_start3A_85, %dma_start3A_86] : memref<4096x2x80xi32, #tpu.memory_space<hbm>> -> memref<4x2x80xi32, #tpu.memory_space<hbm>>
      %dma_start3A_88 = arith.constant 0 : i32
      %dma_start3A_89 = arith.constant 0 : i32
      %dma_start3A_90 = tpu.memref_slice %arg3[%mul3A_2, %dma_start3A_88, %dma_start3A_89] : memref<4096x2x80xi32, #tpu.memory_space<hbm>> -> memref<4x2x80xi32, #tpu.memory_space<hbm>>
      tpu.enqueue_dma source(%dma_start3A_90 : memref<4x2x80xi32, #tpu.memory_space<hbm>>) target(%arg7 : memref<4x2x80xi32, #tpu.memory_space<vmem>>) target_semaphore(%run_scoped3A : memref<!tpu.dma_semaphore, #tpu.memory_space<semaphore_mem>>)
      %dma_wait3A_91 = arith.constant 0 : i32
      %dma_wait3A_92 = arith.constant 0 : i32
      %dma_wait3A_93 = tpu.memref_slice %arg3[%mul3A_2, %dma_wait3A_91, %dma_wait3A_92] : memref<4096x2x80xi32, #tpu.memory_space<hbm>> -> memref<4x2x80xi32, #tpu.memory_space<hbm>>
      %dma_wait3A_94 = arith.constant 0 : i32
      %dma_wait3A_95 = arith.constant 0 : i32
      %dma_wait3A_96 = tpu.memref_slice %arg3[%mul3A_2, %dma_wait3A_94, %dma_wait3A_95] : memref<4096x2x80xi32, #tpu.memory_space<hbm>> -> memref<4x2x80xi32, #tpu.memory_space<hbm>>
      tpu.wait_dma2 semaphore(%run_scoped3A : memref<!tpu.dma_semaphore, #tpu.memory_space<semaphore_mem>>) src(%dma_wait3A_96 : memref<4x2x80xi32, #tpu.memory_space<hbm>>) dst(%arg7 : memref<4x2x80xi32, #tpu.memory_space<vmem>>)
      tpu.yield
    }) : () -> ()
    %add3A_7 = arith.constant 4 : i32
    %add3A_8 = arith.addi %mul3A_2, %add3A_7 : i32
    %dma_start3A = arith.constant 0 : i32
    %dma_start3A_9 = arith.constant 0 : i32
    %dma_start3A_10 = tpu.memref_slice %arg3[%add3A_8, %dma_start3A, %dma_start3A_9] : memref<4096x2x80xi32, #tpu.memory_space<hbm>> -> memref<4x2x80xi32, #tpu.memory_space<hbm>>
    %dma_start3A_11 = arith.constant 0 : i32
    %dma_start3A_12 = arith.constant 0 : i32
    %dma_start3A_13 = tpu.memref_slice %arg3[%add3A_8, %dma_start3A_11, %dma_start3A_12] : memref<4096x2x80xi32, #tpu.memory_space<hbm>> -> memref<4x2x80xi32, #tpu.memory_space<hbm>>
    tpu.enqueue_dma source(%dma_start3A_13 : memref<4x2x80xi32, #tpu.memory_space<hbm>>) target(%arg8 : memref<4x2x80xi32, #tpu.memory_space<vmem>>) target_semaphore(%arg19 : memref<!tpu.dma_semaphore, #tpu.memory_space<semaphore_mem>>)
    %dma_start3A_14 = arith.constant 0 : i32
    %dma_start3A_15 = arith.constant 0 : i32
    %dma_start3A_16 = arith.constant 0 : i32
    %dma_start3A_17 = arith.constant 0 : i32
    %dma_start3A_18 = arith.constant 0 : i32
    %dma_start3A_19 = tpu.memref_slice %arg9[%dma_start3A_16, %dma_start3A_17, %dma_start3A_18] : memref<4x80x128xf32, #tpu.memory_space<vmem>> -> memref<1x80x128xf32, #tpu.memory_space<vmem>>
    %dma_start3A_20 = tpu.memref_squeeze %dma_start3A_19 : memref<1x80x128xf32, #tpu.memory_space<vmem>> -> memref<80x128xf32, #tpu.memory_space<vmem>>
    %dma_start3A_21 = arith.constant 0 : i32
    %dma_start3A_22 = tpu.memref_slice %arg7[%dma_start3A_14, %dma_start3A_15, %dma_start3A_21] : memref<4x2x80xi32, #tpu.memory_space<vmem>> -> memref<1x1x80xi32, #tpu.memory_space<vmem>>
    %dma_start3A_23 = tpu.memref_squeeze %dma_start3A_22 : memref<1x1x80xi32, #tpu.memory_space<vmem>> -> memref<80xi32, #tpu.memory_space<vmem>>
    %dma_start3A_24 = arith.constant 0 : i32
    %dma_start3A_25 = arith.constant 0 : i32
    %dma_start3A_26 = tpu.memref_slice %arg2[%dma_start3A_24, %dma_start3A_25] : memref<10000x128xf32, #tpu.memory_space<hbm>> -> memref<10000x128xf32, #tpu.memory_space<hbm>>
    tpu.enqueue_indirect_dma source(%dma_start3A_26 : memref<10000x128xf32, #tpu.memory_space<hbm>>) target(%dma_start3A_20 : memref<80x128xf32, #tpu.memory_space<vmem>>) offsets(%dma_start3A_23 : memref<80xi32, #tpu.memory_space<vmem>>) semaphore(%arg10 : memref<!tpu.dma_semaphore, #tpu.memory_space<semaphore_mem>>)
    %dma_start3A_27 = arith.constant 1 : i32
    %dma_start3A_28 = arith.constant 0 : i32
    %dma_start3A_29 = arith.constant 1 : i32
    %dma_start3A_30 = arith.constant 0 : i32
    %dma_start3A_31 = arith.constant 0 : i32
    %dma_start3A_32 = tpu.memref_slice %arg9[%dma_start3A_29, %dma_start3A_30, %dma_start3A_31] : memref<4x80x128xf32, #tpu.memory_space<vmem>> -> memref<1x80x128xf32, #tpu.memory_space<vmem>>
    %dma_start3A_33 = tpu.memref_squeeze %dma_start3A_32 : memref<1x80x128xf32, #tpu.memory_space<vmem>> -> memref<80x128xf32, #tpu.memory_space<vmem>>
    %dma_start3A_34 = arith.constant 0 : i32
    %dma_start3A_35 = tpu.memref_slice %arg7[%dma_start3A_27, %dma_start3A_28, %dma_start3A_34] : memref<4x2x80xi32, #tpu.memory_space<vmem>> -> memref<1x1x80xi32, #tpu.memory_space<vmem>>
    %dma_start3A_36 = tpu.memref_squeeze %dma_start3A_35 : memref<1x1x80xi32, #tpu.memory_space<vmem>> -> memref<80xi32, #tpu.memory_space<vmem>>
    %dma_start3A_37 = arith.constant 0 : i32
    %dma_start3A_38 = arith.constant 0 : i32
    %dma_start3A_39 = tpu.memref_slice %arg2[%dma_start3A_37, %dma_start3A_38] : memref<10000x128xf32, #tpu.memory_space<hbm>> -> memref<10000x128xf32, #tpu.memory_space<hbm>>
    tpu.enqueue_indirect_dma source(%dma_start3A_39 : memref<10000x128xf32, #tpu.memory_space<hbm>>) target(%dma_start3A_33 : memref<80x128xf32, #tpu.memory_space<vmem>>) offsets(%dma_start3A_36 : memref<80xi32, #tpu.memory_space<vmem>>) semaphore(%arg11 : memref<!tpu.dma_semaphore, #tpu.memory_space<semaphore_mem>>)
    %scan3A = arith.constant 0 : i32
    %scan3A_40 = arith.constant 0 : i32
    %scan3A_41 = arith.constant 16 : i32
    %scan3A_42 = arith.addi %scan3A_40, %scan3A_41 : i32
    %scan3A_43 = arith.constant 1 : i32
    scf.for %scan3A_85 = %scan3A_40 to %scan3A_42 step %scan3A_43  : i32 {
      %dma_wait3A_86 = arith.constant 0 : i32
      %dma_wait3A_87 = arith.constant 0 : i32
      %dma_wait3A_88 = arith.constant 0 : i32
      %dma_wait3A_89 = tpu.memref_slice %arg9[%dma_wait3A_86, %dma_wait3A_87, %dma_wait3A_88] : memref<4x80x128xf32, #tpu.memory_space<vmem>> -> memref<1x80x128xf32, #tpu.memory_space<vmem>>
      %dma_wait3A_90 = tpu.memref_squeeze %dma_wait3A_89 : memref<1x80x128xf32, #tpu.memory_space<vmem>> -> memref<80x128xf32, #tpu.memory_space<vmem>>
      %dma_wait3A_91 = arith.constant 0 : i32
      %dma_wait3A_92 = arith.constant 0 : i32
      %dma_wait3A_93 = tpu.memref_slice %arg2[%dma_wait3A_91, %dma_wait3A_92] : memref<10000x128xf32, #tpu.memory_space<hbm>> -> memref<80x128xf32, #tpu.memory_space<hbm>>
      %dma_wait3A_94 = arith.constant 0 : i32
      %dma_wait3A_95 = arith.constant 0 : i32
      %dma_wait3A_96 = tpu.memref_slice %arg9[%dma_wait3A_86, %dma_wait3A_94, %dma_wait3A_95] : memref<4x80x128xf32, #tpu.memory_space<vmem>> -> memref<1x80x128xf32, #tpu.memory_space<vmem>>
      %dma_wait3A_97 = tpu.memref_squeeze %dma_wait3A_96 : memref<1x80x128xf32, #tpu.memory_space<vmem>> -> memref<80x128xf32, #tpu.memory_space<vmem>>
      %dma_wait3A_98 = arith.constant 0 : i32
      %dma_wait3A_99 = arith.constant 0 : i32
      %dma_wait3A_100 = tpu.memref_slice %arg2[%dma_wait3A_98, %dma_wait3A_99] : memref<10000x128xf32, #tpu.memory_space<hbm>> -> memref<80x128xf32, #tpu.memory_space<hbm>>
      tpu.wait_dma2 semaphore(%arg10 : memref<!tpu.dma_semaphore, #tpu.memory_space<semaphore_mem>>) src(%dma_wait3A_100 : memref<80x128xf32, #tpu.memory_space<hbm>>) dst(%dma_wait3A_97 : memref<80x128xf32, #tpu.memory_space<vmem>>)
      %gt3A = arith.constant 0 : i32
      %gt3A_101 = arith.cmpi sgt, %scan3A_85, %gt3A : i32
      %convert_element_type3A_102 = arith.extui %gt3A_101 : i1 to i32
      %cond3A_103 = arith.constant 0 : i32
      %cond3A_104 = arith.cmpi ne, %convert_element_type3A_102, %cond3A_103 : i32
      scf.if %cond3A_104 {
        %dma_wait3A_514 = arith.constant 2 : i32
        %dma_wait3A_515 = arith.constant 0 : i32
        %dma_wait3A_516 = arith.constant 0 : i32
        %dma_wait3A_517 = tpu.memref_slice %arg9[%dma_wait3A_514, %dma_wait3A_515, %dma_wait3A_516] : memref<4x80x128xf32, #tpu.memory_space<vmem>> -> memref<1x80x128xf32, #tpu.memory_space<vmem>>
        %dma_wait3A_518 = tpu.memref_squeeze %dma_wait3A_517 : memref<1x80x128xf32, #tpu.memory_space<vmem>> -> memref<80x128xf32, #tpu.memory_space<vmem>>
        %dma_wait3A_519 = arith.constant 0 : i32
        %dma_wait3A_520 = arith.constant 0 : i32
        %dma_wait3A_521 = tpu.memref_slice %arg2[%dma_wait3A_519, %dma_wait3A_520] : memref<10000x128xf32, #tpu.memory_space<hbm>> -> memref<80x128xf32, #tpu.memory_space<hbm>>
        %dma_wait3A_522 = arith.constant 0 : i32
        %dma_wait3A_523 = arith.constant 0 : i32
        %dma_wait3A_524 = tpu.memref_slice %arg9[%dma_wait3A_514, %dma_wait3A_522, %dma_wait3A_523] : memref<4x80x128xf32, #tpu.memory_space<vmem>> -> memref<1x80x128xf32, #tpu.memory_space<vmem>>
        %dma_wait3A_525 = tpu.memref_squeeze %dma_wait3A_524 : memref<1x80x128xf32, #tpu.memory_space<vmem>> -> memref<80x128xf32, #tpu.memory_space<vmem>>
        %dma_wait3A_526 = arith.constant 0 : i32
        %dma_wait3A_527 = arith.constant 0 : i32
        %dma_wait3A_528 = tpu.memref_slice %arg2[%dma_wait3A_526, %dma_wait3A_527] : memref<10000x128xf32, #tpu.memory_space<hbm>> -> memref<80x128xf32, #tpu.memory_space<hbm>>
        tpu.wait_dma2 semaphore(%arg16 : memref<!tpu.dma_semaphore, #tpu.memory_space<semaphore_mem>>) src(%dma_wait3A_528 : memref<80x128xf32, #tpu.memory_space<hbm>>) dst(%dma_wait3A_525 : memref<80x128xf32, #tpu.memory_space<vmem>>)
      } else {
      }
      %dma_start3A_105 = arith.constant 2 : i32
      %dma_start3A_106 = arith.constant 0 : i32
      %dma_start3A_107 = arith.constant 2 : i32
      %dma_start3A_108 = arith.constant 0 : i32
      %dma_start3A_109 = arith.constant 0 : i32
      %dma_start3A_110 = tpu.memref_slice %arg9[%dma_start3A_107, %dma_start3A_108, %dma_start3A_109] : memref<4x80x128xf32, #tpu.memory_space<vmem>> -> memref<1x80x128xf32, #tpu.memory_space<vmem>>
      %dma_start3A_111 = tpu.memref_squeeze %dma_start3A_110 : memref<1x80x128xf32, #tpu.memory_space<vmem>> -> memref<80x128xf32, #tpu.memory_space<vmem>>
      %dma_start3A_112 = arith.constant 0 : i32
      %dma_start3A_113 = tpu.memref_slice %arg7[%dma_start3A_105, %dma_start3A_106, %dma_start3A_112] : memref<4x2x80xi32, #tpu.memory_space<vmem>> -> memref<1x1x80xi32, #tpu.memory_space<vmem>>
      %dma_start3A_114 = tpu.memref_squeeze %dma_start3A_113 : memref<1x1x80xi32, #tpu.memory_space<vmem>> -> memref<80xi32, #tpu.memory_space<vmem>>
      %dma_start3A_115 = arith.constant 0 : i32
      %dma_start3A_116 = arith.constant 0 : i32
      %dma_start3A_117 = tpu.memref_slice %arg2[%dma_start3A_115, %dma_start3A_116] : memref<10000x128xf32, #tpu.memory_space<hbm>> -> memref<10000x128xf32, #tpu.memory_space<hbm>>
      tpu.enqueue_indirect_dma source(%dma_start3A_117 : memref<10000x128xf32, #tpu.memory_space<hbm>>) target(%dma_start3A_111 : memref<80x128xf32, #tpu.memory_space<vmem>>) offsets(%dma_start3A_114 : memref<80xi32, #tpu.memory_space<vmem>>) semaphore(%arg12 : memref<!tpu.dma_semaphore, #tpu.memory_space<semaphore_mem>>)
      %dma_start3A_118 = arith.constant 0 : i32
      %dma_start3A_119 = arith.constant 0 : i32
      %dma_start3A_120 = arith.constant 1 : i32
      %dma_start3A_121 = arith.constant 0 : i32
      %dma_start3A_122 = arith.constant 0 : i32
      %dma_start3A_123 = tpu.memref_slice %arg9[%dma_start3A_118, %dma_start3A_121, %dma_start3A_122] : memref<4x80x128xf32, #tpu.memory_space<vmem>> -> memref<1x80x128xf32, #tpu.memory_space<vmem>>
      %dma_start3A_124 = tpu.memref_squeeze %dma_start3A_123 : memref<1x80x128xf32, #tpu.memory_space<vmem>> -> memref<80x128xf32, #tpu.memory_space<vmem>>
      %dma_start3A_125 = arith.constant 0 : i32
      %dma_start3A_126 = tpu.memref_slice %arg7[%dma_start3A_119, %dma_start3A_120, %dma_start3A_125] : memref<4x2x80xi32, #tpu.memory_space<vmem>> -> memref<1x1x80xi32, #tpu.memory_space<vmem>>
      %dma_start3A_127 = tpu.memref_squeeze %dma_start3A_126 : memref<1x1x80xi32, #tpu.memory_space<vmem>> -> memref<80xi32, #tpu.memory_space<vmem>>
      %dma_start3A_128 = arith.constant 0 : i32
      %dma_start3A_129 = arith.constant 0 : i32
      %dma_start3A_130 = tpu.memref_slice %arg6[%dma_start3A_128, %dma_start3A_129] : memref<10240x128xf32, #tpu.memory_space<vmem_shared>> -> memref<10240x128xf32, #tpu.memory_space<vmem_shared>>
      tpu.enqueue_indirect_dma source(%dma_start3A_124 : memref<80x128xf32, #tpu.memory_space<vmem>>) target(%dma_start3A_130 : memref<10240x128xf32, #tpu.memory_space<vmem_shared>>) offsets(%dma_start3A_127 : memref<80xi32, #tpu.memory_space<vmem>>) semaphore(%arg14 : memref<!tpu.dma_semaphore, #tpu.memory_space<semaphore_mem>>) {add = true}
      %dma_wait3A_131 = arith.constant 1 : i32
      %dma_wait3A_132 = arith.constant 0 : i32
      %dma_wait3A_133 = arith.constant 0 : i32
      %dma_wait3A_134 = tpu.memref_slice %arg9[%dma_wait3A_131, %dma_wait3A_132, %dma_wait3A_133] : memref<4x80x128xf32, #tpu.memory_space<vmem>> -> memref<1x80x128xf32, #tpu.memory_space<vmem>>
      %dma_wait3A_135 = tpu.memref_squeeze %dma_wait3A_134 : memref<1x80x128xf32, #tpu.memory_space<vmem>> -> memref<80x128xf32, #tpu.memory_space<vmem>>
      %dma_wait3A_136 = arith.constant 0 : i32
      %dma_wait3A_137 = arith.constant 0 : i32
      %dma_wait3A_138 = tpu.memref_slice %arg2[%dma_wait3A_136, %dma_wait3A_137] : memref<10000x128xf32, #tpu.memory_space<hbm>> -> memref<80x128xf32, #tpu.memory_space<hbm>>
      %dma_wait3A_139 = arith.constant 0 : i32
      %dma_wait3A_140 = arith.constant 0 : i32
      %dma_wait3A_141 = tpu.memref_slice %arg9[%dma_wait3A_131, %dma_wait3A_139, %dma_wait3A_140] : memref<4x80x128xf32, #tpu.memory_space<vmem>> -> memref<1x80x128xf32, #tpu.memory_space<vmem>>
      %dma_wait3A_142 = tpu.memref_squeeze %dma_wait3A_141 : memref<1x80x128xf32, #tpu.memory_space<vmem>> -> memref<80x128xf32, #tpu.memory_space<vmem>>
      %dma_wait3A_143 = arith.constant 0 : i32
      %dma_wait3A_144 = arith.constant 0 : i32
      %dma_wait3A_145 = tpu.memref_slice %arg2[%dma_wait3A_143, %dma_wait3A_144] : memref<10000x128xf32, #tpu.memory_space<hbm>> -> memref<80x128xf32, #tpu.memory_space<hbm>>
      tpu.wait_dma2 semaphore(%arg11 : memref<!tpu.dma_semaphore, #tpu.memory_space<semaphore_mem>>) src(%dma_wait3A_145 : memref<80x128xf32, #tpu.memory_space<hbm>>) dst(%dma_wait3A_142 : memref<80x128xf32, #tpu.memory_space<vmem>>)
      %gt3A_146 = arith.constant 0 : i32
      %gt3A_147 = arith.cmpi sgt, %scan3A_85, %gt3A_146 : i32
      %convert_element_type3A_148 = arith.extui %gt3A_147 : i1 to i32
      %cond3A_149 = arith.constant 0 : i32
      %cond3A_150 = arith.cmpi ne, %convert_element_type3A_148, %cond3A_149 : i32
      scf.if %cond3A_150 {
        %dma_wait3A_514 = arith.constant 3 : i32
        %dma_wait3A_515 = arith.constant 0 : i32
        %dma_wait3A_516 = arith.constant 0 : i32
        %dma_wait3A_517 = tpu.memref_slice %arg9[%dma_wait3A_514, %dma_wait3A_515, %dma_wait3A_516] : memref<4x80x128xf32, #tpu.memory_space<vmem>> -> memref<1x80x128xf32, #tpu.memory_space<vmem>>
        %dma_wait3A_518 = tpu.memref_squeeze %dma_wait3A_517 : memref<1x80x128xf32, #tpu.memory_space<vmem>> -> memref<80x128xf32, #tpu.memory_space<vmem>>
        %dma_wait3A_519 = arith.constant 0 : i32
        %dma_wait3A_520 = arith.constant 0 : i32
        %dma_wait3A_521 = tpu.memref_slice %arg2[%dma_wait3A_519, %dma_wait3A_520] : memref<10000x128xf32, #tpu.memory_space<hbm>> -> memref<80x128xf32, #tpu.memory_space<hbm>>
        %dma_wait3A_522 = arith.constant 0 : i32
        %dma_wait3A_523 = arith.constant 0 : i32
        %dma_wait3A_524 = tpu.memref_slice %arg9[%dma_wait3A_514, %dma_wait3A_522, %dma_wait3A_523] : memref<4x80x128xf32, #tpu.memory_space<vmem>> -> memref<1x80x128xf32, #tpu.memory_space<vmem>>
        %dma_wait3A_525 = tpu.memref_squeeze %dma_wait3A_524 : memref<1x80x128xf32, #tpu.memory_space<vmem>> -> memref<80x128xf32, #tpu.memory_space<vmem>>
        %dma_wait3A_526 = arith.constant 0 : i32
        %dma_wait3A_527 = arith.constant 0 : i32
        %dma_wait3A_528 = tpu.memref_slice %arg2[%dma_wait3A_526, %dma_wait3A_527] : memref<10000x128xf32, #tpu.memory_space<hbm>> -> memref<80x128xf32, #tpu.memory_space<hbm>>
        tpu.wait_dma2 semaphore(%arg17 : memref<!tpu.dma_semaphore, #tpu.memory_space<semaphore_mem>>) src(%dma_wait3A_528 : memref<80x128xf32, #tpu.memory_space<hbm>>) dst(%dma_wait3A_525 : memref<80x128xf32, #tpu.memory_space<vmem>>)
      } else {
      }
      %gt3A_151 = arith.constant 0 : i32
      %gt3A_152 = arith.cmpi sgt, %scan3A_85, %gt3A_151 : i32
      %convert_element_type3A_153 = arith.extui %gt3A_152 : i1 to i32
      %cond3A_154 = arith.constant 0 : i32
      %cond3A_155 = arith.cmpi ne, %convert_element_type3A_153, %cond3A_154 : i32
      scf.if %cond3A_155 {
        %mul3A_514 = arith.constant 8 : i32
        %mul3A_515 = arith.muli %mul3A_514, %scan3A_85 : i32
        %add3A_516 = arith.addi %mul3A_2, %mul3A_515 : i32
        %add3A_517 = arith.constant 4 : i32
        %add3A_518 = arith.addi %add3A_516, %add3A_517 : i32
        %dma_start3A_519 = arith.constant 0 : i32
        %dma_start3A_520 = arith.constant 0 : i32
        %dma_start3A_521 = tpu.memref_slice %arg3[%add3A_518, %dma_start3A_519, %dma_start3A_520] : memref<4096x2x80xi32, #tpu.memory_space<hbm>> -> memref<4x2x80xi32, #tpu.memory_space<hbm>>
        %dma_start3A_522 = arith.constant 0 : i32
        %dma_start3A_523 = arith.constant 0 : i32
        %dma_start3A_524 = tpu.memref_slice %arg3[%add3A_518, %dma_start3A_522, %dma_start3A_523] : memref<4096x2x80xi32, #tpu.memory_space<hbm>> -> memref<4x2x80xi32, #tpu.memory_space<hbm>>
        tpu.enqueue_dma source(%dma_start3A_524 : memref<4x2x80xi32, #tpu.memory_space<hbm>>) target(%arg8 : memref<4x2x80xi32, #tpu.memory_space<vmem>>) target_semaphore(%arg19 : memref<!tpu.dma_semaphore, #tpu.memory_space<semaphore_mem>>)
      } else {
      }
      %dma_start3A_156 = arith.constant 3 : i32
      %dma_start3A_157 = arith.constant 0 : i32
      %dma_start3A_158 = arith.constant 3 : i32
      %dma_start3A_159 = arith.constant 0 : i32
      %dma_start3A_160 = arith.constant 0 : i32
      %dma_start3A_161 = tpu.memref_slice %arg9[%dma_start3A_158, %dma_start3A_159, %dma_start3A_160] : memref<4x80x128xf32, #tpu.memory_space<vmem>> -> memref<1x80x128xf32, #tpu.memory_space<vmem>>
      %dma_start3A_162 = tpu.memref_squeeze %dma_start3A_161 : memref<1x80x128xf32, #tpu.memory_space<vmem>> -> memref<80x128xf32, #tpu.memory_space<vmem>>
      %dma_start3A_163 = arith.constant 0 : i32
      %dma_start3A_164 = tpu.memref_slice %arg7[%dma_start3A_156, %dma_start3A_157, %dma_start3A_163] : memref<4x2x80xi32, #tpu.memory_space<vmem>> -> memref<1x1x80xi32, #tpu.memory_space<vmem>>
      %dma_start3A_165 = tpu.memref_squeeze %dma_start3A_164 : memref<1x1x80xi32, #tpu.memory_space<vmem>> -> memref<80xi32, #tpu.memory_space<vmem>>
      %dma_start3A_166 = arith.constant 0 : i32
      %dma_start3A_167 = arith.constant 0 : i32
      %dma_start3A_168 = tpu.memref_slice %arg2[%dma_start3A_166, %dma_start3A_167] : memref<10000x128xf32, #tpu.memory_space<hbm>> -> memref<10000x128xf32, #tpu.memory_space<hbm>>
      tpu.enqueue_indirect_dma source(%dma_start3A_168 : memref<10000x128xf32, #tpu.memory_space<hbm>>) target(%dma_start3A_162 : memref<80x128xf32, #tpu.memory_space<vmem>>) offsets(%dma_start3A_165 : memref<80xi32, #tpu.memory_space<vmem>>) semaphore(%arg13 : memref<!tpu.dma_semaphore, #tpu.memory_space<semaphore_mem>>)
      %dma_start3A_169 = arith.constant 1 : i32
      %dma_start3A_170 = arith.constant 1 : i32
      %dma_start3A_171 = arith.constant 1 : i32
      %dma_start3A_172 = arith.constant 0 : i32
      %dma_start3A_173 = arith.constant 0 : i32
      %dma_start3A_174 = tpu.memref_slice %arg9[%dma_start3A_169, %dma_start3A_172, %dma_start3A_173] : memref<4x80x128xf32, #tpu.memory_space<vmem>> -> memref<1x80x128xf32, #tpu.memory_space<vmem>>
      %dma_start3A_175 = tpu.memref_squeeze %dma_start3A_174 : memref<1x80x128xf32, #tpu.memory_space<vmem>> -> memref<80x128xf32, #tpu.memory_space<vmem>>
      %dma_start3A_176 = arith.constant 0 : i32
      %dma_start3A_177 = tpu.memref_slice %arg7[%dma_start3A_170, %dma_start3A_171, %dma_start3A_176] : memref<4x2x80xi32, #tpu.memory_space<vmem>> -> memref<1x1x80xi32, #tpu.memory_space<vmem>>
      %dma_start3A_178 = tpu.memref_squeeze %dma_start3A_177 : memref<1x1x80xi32, #tpu.memory_space<vmem>> -> memref<80xi32, #tpu.memory_space<vmem>>
      %dma_start3A_179 = arith.constant 0 : i32
      %dma_start3A_180 = arith.constant 0 : i32
      %dma_start3A_181 = tpu.memref_slice %arg6[%dma_start3A_179, %dma_start3A_180] : memref<10240x128xf32, #tpu.memory_space<vmem_shared>> -> memref<10240x128xf32, #tpu.memory_space<vmem_shared>>
      tpu.enqueue_indirect_dma source(%dma_start3A_175 : memref<80x128xf32, #tpu.memory_space<vmem>>) target(%dma_start3A_181 : memref<10240x128xf32, #tpu.memory_space<vmem_shared>>) offsets(%dma_start3A_178 : memref<80xi32, #tpu.memory_space<vmem>>) semaphore(%arg15 : memref<!tpu.dma_semaphore, #tpu.memory_space<semaphore_mem>>) {add = true}
      %dma_wait3A_182 = arith.constant 2 : i32
      %dma_wait3A_183 = arith.constant 0 : i32
      %dma_wait3A_184 = arith.constant 0 : i32
      %dma_wait3A_185 = tpu.memref_slice %arg9[%dma_wait3A_182, %dma_wait3A_183, %dma_wait3A_184] : memref<4x80x128xf32, #tpu.memory_space<vmem>> -> memref<1x80x128xf32, #tpu.memory_space<vmem>>
      %dma_wait3A_186 = tpu.memref_squeeze %dma_wait3A_185 : memref<1x80x128xf32, #tpu.memory_space<vmem>> -> memref<80x128xf32, #tpu.memory_space<vmem>>
      %dma_wait3A_187 = arith.constant 0 : i32
      %dma_wait3A_188 = arith.constant 0 : i32
      %dma_wait3A_189 = tpu.memref_slice %arg2[%dma_wait3A_187, %dma_wait3A_188] : memref<10000x128xf32, #tpu.memory_space<hbm>> -> memref<80x128xf32, #tpu.memory_space<hbm>>
      %dma_wait3A_190 = arith.constant 0 : i32
      %dma_wait3A_191 = arith.constant 0 : i32
      %dma_wait3A_192 = tpu.memref_slice %arg9[%dma_wait3A_182, %dma_wait3A_190, %dma_wait3A_191] : memref<4x80x128xf32, #tpu.memory_space<vmem>> -> memref<1x80x128xf32, #tpu.memory_space<vmem>>
      %dma_wait3A_193 = tpu.memref_squeeze %dma_wait3A_192 : memref<1x80x128xf32, #tpu.memory_space<vmem>> -> memref<80x128xf32, #tpu.memory_space<vmem>>
      %dma_wait3A_194 = arith.constant 0 : i32
      %dma_wait3A_195 = arith.constant 0 : i32
      %dma_wait3A_196 = tpu.memref_slice %arg2[%dma_wait3A_194, %dma_wait3A_195] : memref<10000x128xf32, #tpu.memory_space<hbm>> -> memref<80x128xf32, #tpu.memory_space<hbm>>
      tpu.wait_dma2 semaphore(%arg12 : memref<!tpu.dma_semaphore, #tpu.memory_space<semaphore_mem>>) src(%dma_wait3A_196 : memref<80x128xf32, #tpu.memory_space<hbm>>) dst(%dma_wait3A_193 : memref<80x128xf32, #tpu.memory_space<vmem>>)
      %dma_wait3A_197 = arith.constant 0 : i32
      %dma_wait3A_198 = arith.constant 0 : i32
      %dma_wait3A_199 = arith.constant 0 : i32
      %dma_wait3A_200 = tpu.memref_slice %arg3[%dma_wait3A_197, %dma_wait3A_198, %dma_wait3A_199] : memref<4096x2x80xi32, #tpu.memory_space<hbm>> -> memref<4x2x80xi32, #tpu.memory_space<hbm>>
      %dma_wait3A_201 = arith.constant 0 : i32
      %dma_wait3A_202 = arith.constant 0 : i32
      %dma_wait3A_203 = arith.constant 0 : i32
      %dma_wait3A_204 = tpu.memref_slice %arg3[%dma_wait3A_201, %dma_wait3A_202, %dma_wait3A_203] : memref<4096x2x80xi32, #tpu.memory_space<hbm>> -> memref<4x2x80xi32, #tpu.memory_space<hbm>>
      tpu.wait_dma2 semaphore(%arg19 : memref<!tpu.dma_semaphore, #tpu.memory_space<semaphore_mem>>) src(%dma_wait3A_204 : memref<4x2x80xi32, #tpu.memory_space<hbm>>) dst(%arg8 : memref<4x2x80xi32, #tpu.memory_space<vmem>>)
      %dma_wait3A_205 = arith.constant 0 : i32
      %dma_wait3A_206 = arith.constant 0 : i32
      %dma_wait3A_207 = arith.constant 0 : i32
      %dma_wait3A_208 = tpu.memref_slice %arg9[%dma_wait3A_205, %dma_wait3A_206, %dma_wait3A_207] : memref<4x80x128xf32, #tpu.memory_space<vmem>> -> memref<1x80x128xf32, #tpu.memory_space<vmem>>
      %dma_wait3A_209 = tpu.memref_squeeze %dma_wait3A_208 : memref<1x80x128xf32, #tpu.memory_space<vmem>> -> memref<80x128xf32, #tpu.memory_space<vmem>>
      %dma_wait3A_210 = arith.constant 0 : i32
      %dma_wait3A_211 = arith.constant 0 : i32
      %dma_wait3A_212 = tpu.memref_slice %arg2[%dma_wait3A_210, %dma_wait3A_211] : memref<10000x128xf32, #tpu.memory_space<hbm>> -> memref<80x128xf32, #tpu.memory_space<hbm>>
      %dma_wait3A_213 = arith.constant 0 : i32
      %dma_wait3A_214 = arith.constant 0 : i32
      %dma_wait3A_215 = tpu.memref_slice %arg9[%dma_wait3A_205, %dma_wait3A_213, %dma_wait3A_214] : memref<4x80x128xf32, #tpu.memory_space<vmem>> -> memref<1x80x128xf32, #tpu.memory_space<vmem>>
      %dma_wait3A_216 = tpu.memref_squeeze %dma_wait3A_215 : memref<1x80x128xf32, #tpu.memory_space<vmem>> -> memref<80x128xf32, #tpu.memory_space<vmem>>
      %dma_wait3A_217 = arith.constant 0 : i32
      %dma_wait3A_218 = arith.constant 0 : i32
      %dma_wait3A_219 = tpu.memref_slice %arg2[%dma_wait3A_217, %dma_wait3A_218] : memref<10000x128xf32, #tpu.memory_space<hbm>> -> memref<80x128xf32, #tpu.memory_space<hbm>>
      tpu.wait_dma2 semaphore(%arg14 : memref<!tpu.dma_semaphore, #tpu.memory_space<semaphore_mem>>) src(%dma_wait3A_219 : memref<80x128xf32, #tpu.memory_space<hbm>>) dst(%dma_wait3A_216 : memref<80x128xf32, #tpu.memory_space<vmem>>)
      %dma_start3A_220 = arith.constant 0 : i32
      %dma_start3A_221 = arith.constant 0 : i32
      %dma_start3A_222 = arith.constant 0 : i32
      %dma_start3A_223 = arith.constant 0 : i32
      %dma_start3A_224 = arith.constant 0 : i32
      %dma_start3A_225 = tpu.memref_slice %arg9[%dma_start3A_222, %dma_start3A_223, %dma_start3A_224] : memref<4x80x128xf32, #tpu.memory_space<vmem>> -> memref<1x80x128xf32, #tpu.memory_space<vmem>>
      %dma_start3A_226 = tpu.memref_squeeze %dma_start3A_225 : memref<1x80x128xf32, #tpu.memory_space<vmem>> -> memref<80x128xf32, #tpu.memory_space<vmem>>
      %dma_start3A_227 = arith.constant 0 : i32
      %dma_start3A_228 = tpu.memref_slice %arg8[%dma_start3A_220, %dma_start3A_221, %dma_start3A_227] : memref<4x2x80xi32, #tpu.memory_space<vmem>> -> memref<1x1x80xi32, #tpu.memory_space<vmem>>
      %dma_start3A_229 = tpu.memref_squeeze %dma_start3A_228 : memref<1x1x80xi32, #tpu.memory_space<vmem>> -> memref<80xi32, #tpu.memory_space<vmem>>
      %dma_start3A_230 = arith.constant 0 : i32
      %dma_start3A_231 = arith.constant 0 : i32
      %dma_start3A_232 = tpu.memref_slice %arg2[%dma_start3A_230, %dma_start3A_231] : memref<10000x128xf32, #tpu.memory_space<hbm>> -> memref<10000x128xf32, #tpu.memory_space<hbm>>
      tpu.enqueue_indirect_dma source(%dma_start3A_232 : memref<10000x128xf32, #tpu.memory_space<hbm>>) target(%dma_start3A_226 : memref<80x128xf32, #tpu.memory_space<vmem>>) offsets(%dma_start3A_229 : memref<80xi32, #tpu.memory_space<vmem>>) semaphore(%arg10 : memref<!tpu.dma_semaphore, #tpu.memory_space<semaphore_mem>>)
      %dma_start3A_233 = arith.constant 2 : i32
      %dma_start3A_234 = arith.constant 2 : i32
      %dma_start3A_235 = arith.constant 1 : i32
      %dma_start3A_236 = arith.constant 0 : i32
      %dma_start3A_237 = arith.constant 0 : i32
      %dma_start3A_238 = tpu.memref_slice %arg9[%dma_start3A_233, %dma_start3A_236, %dma_start3A_237] : memref<4x80x128xf32, #tpu.memory_space<vmem>> -> memref<1x80x128xf32, #tpu.memory_space<vmem>>
      %dma_start3A_239 = tpu.memref_squeeze %dma_start3A_238 : memref<1x80x128xf32, #tpu.memory_space<vmem>> -> memref<80x128xf32, #tpu.memory_space<vmem>>
      %dma_start3A_240 = arith.constant 0 : i32
      %dma_start3A_241 = tpu.memref_slice %arg7[%dma_start3A_234, %dma_start3A_235, %dma_start3A_240] : memref<4x2x80xi32, #tpu.memory_space<vmem>> -> memref<1x1x80xi32, #tpu.memory_space<vmem>>
      %dma_start3A_242 = tpu.memref_squeeze %dma_start3A_241 : memref<1x1x80xi32, #tpu.memory_space<vmem>> -> memref<80xi32, #tpu.memory_space<vmem>>
      %dma_start3A_243 = arith.constant 0 : i32
      %dma_start3A_244 = arith.constant 0 : i32
      %dma_start3A_245 = tpu.memref_slice %arg6[%dma_start3A_243, %dma_start3A_244] : memref<10240x128xf32, #tpu.memory_space<vmem_shared>> -> memref<10240x128xf32, #tpu.memory_space<vmem_shared>>
      tpu.enqueue_indirect_dma source(%dma_start3A_239 : memref<80x128xf32, #tpu.memory_space<vmem>>) target(%dma_start3A_245 : memref<10240x128xf32, #tpu.memory_space<vmem_shared>>) offsets(%dma_start3A_242 : memref<80xi32, #tpu.memory_space<vmem>>) semaphore(%arg16 : memref<!tpu.dma_semaphore, #tpu.memory_space<semaphore_mem>>) {add = true}
      %dma_wait3A_246 = arith.constant 3 : i32
      %dma_wait3A_247 = arith.constant 0 : i32
      %dma_wait3A_248 = arith.constant 0 : i32
      %dma_wait3A_249 = tpu.memref_slice %arg9[%dma_wait3A_246, %dma_wait3A_247, %dma_wait3A_248] : memref<4x80x128xf32, #tpu.memory_space<vmem>> -> memref<1x80x128xf32, #tpu.memory_space<vmem>>
      %dma_wait3A_250 = tpu.memref_squeeze %dma_wait3A_249 : memref<1x80x128xf32, #tpu.memory_space<vmem>> -> memref<80x128xf32, #tpu.memory_space<vmem>>
      %dma_wait3A_251 = arith.constant 0 : i32
      %dma_wait3A_252 = arith.constant 0 : i32
      %dma_wait3A_253 = tpu.memref_slice %arg2[%dma_wait3A_251, %dma_wait3A_252] : memref<10000x128xf32, #tpu.memory_space<hbm>> -> memref<80x128xf32, #tpu.memory_space<hbm>>
      %dma_wait3A_254 = arith.constant 0 : i32
      %dma_wait3A_255 = arith.constant 0 : i32
      %dma_wait3A_256 = tpu.memref_slice %arg9[%dma_wait3A_246, %dma_wait3A_254, %dma_wait3A_255] : memref<4x80x128xf32, #tpu.memory_space<vmem>> -> memref<1x80x128xf32, #tpu.memory_space<vmem>>
      %dma_wait3A_257 = tpu.memref_squeeze %dma_wait3A_256 : memref<1x80x128xf32, #tpu.memory_space<vmem>> -> memref<80x128xf32, #tpu.memory_space<vmem>>
      %dma_wait3A_258 = arith.constant 0 : i32
      %dma_wait3A_259 = arith.constant 0 : i32
      %dma_wait3A_260 = tpu.memref_slice %arg2[%dma_wait3A_258, %dma_wait3A_259] : memref<10000x128xf32, #tpu.memory_space<hbm>> -> memref<80x128xf32, #tpu.memory_space<hbm>>
      tpu.wait_dma2 semaphore(%arg13 : memref<!tpu.dma_semaphore, #tpu.memory_space<semaphore_mem>>) src(%dma_wait3A_260 : memref<80x128xf32, #tpu.memory_space<hbm>>) dst(%dma_wait3A_257 : memref<80x128xf32, #tpu.memory_space<vmem>>)
      %dma_wait3A_261 = arith.constant 1 : i32
      %dma_wait3A_262 = arith.constant 0 : i32
      %dma_wait3A_263 = arith.constant 0 : i32
      %dma_wait3A_264 = tpu.memref_slice %arg9[%dma_wait3A_261, %dma_wait3A_262, %dma_wait3A_263] : memref<4x80x128xf32, #tpu.memory_space<vmem>> -> memref<1x80x128xf32, #tpu.memory_space<vmem>>
      %dma_wait3A_265 = tpu.memref_squeeze %dma_wait3A_264 : memref<1x80x128xf32, #tpu.memory_space<vmem>> -> memref<80x128xf32, #tpu.memory_space<vmem>>
      %dma_wait3A_266 = arith.constant 0 : i32
      %dma_wait3A_267 = arith.constant 0 : i32
      %dma_wait3A_268 = tpu.memref_slice %arg2[%dma_wait3A_266, %dma_wait3A_267] : memref<10000x128xf32, #tpu.memory_space<hbm>> -> memref<80x128xf32, #tpu.memory_space<hbm>>
      %dma_wait3A_269 = arith.constant 0 : i32
      %dma_wait3A_270 = arith.constant 0 : i32
      %dma_wait3A_271 = tpu.memref_slice %arg9[%dma_wait3A_261, %dma_wait3A_269, %dma_wait3A_270] : memref<4x80x128xf32, #tpu.memory_space<vmem>> -> memref<1x80x128xf32, #tpu.memory_space<vmem>>
      %dma_wait3A_272 = tpu.memref_squeeze %dma_wait3A_271 : memref<1x80x128xf32, #tpu.memory_space<vmem>> -> memref<80x128xf32, #tpu.memory_space<vmem>>
      %dma_wait3A_273 = arith.constant 0 : i32
      %dma_wait3A_274 = arith.constant 0 : i32
      %dma_wait3A_275 = tpu.memref_slice %arg2[%dma_wait3A_273, %dma_wait3A_274] : memref<10000x128xf32, #tpu.memory_space<hbm>> -> memref<80x128xf32, #tpu.memory_space<hbm>>
      tpu.wait_dma2 semaphore(%arg15 : memref<!tpu.dma_semaphore, #tpu.memory_space<semaphore_mem>>) src(%dma_wait3A_275 : memref<80x128xf32, #tpu.memory_space<hbm>>) dst(%dma_wait3A_272 : memref<80x128xf32, #tpu.memory_space<vmem>>)
      %dma_start3A_276 = arith.constant 1 : i32
      %dma_start3A_277 = arith.constant 0 : i32
      %dma_start3A_278 = arith.constant 1 : i32
      %dma_start3A_279 = arith.constant 0 : i32
      %dma_start3A_280 = arith.constant 0 : i32
      %dma_start3A_281 = tpu.memref_slice %arg9[%dma_start3A_278, %dma_start3A_279, %dma_start3A_280] : memref<4x80x128xf32, #tpu.memory_space<vmem>> -> memref<1x80x128xf32, #tpu.memory_space<vmem>>
      %dma_start3A_282 = tpu.memref_squeeze %dma_start3A_281 : memref<1x80x128xf32, #tpu.memory_space<vmem>> -> memref<80x128xf32, #tpu.memory_space<vmem>>
      %dma_start3A_283 = arith.constant 0 : i32
      %dma_start3A_284 = tpu.memref_slice %arg8[%dma_start3A_276, %dma_start3A_277, %dma_start3A_283] : memref<4x2x80xi32, #tpu.memory_space<vmem>> -> memref<1x1x80xi32, #tpu.memory_space<vmem>>
      %dma_start3A_285 = tpu.memref_squeeze %dma_start3A_284 : memref<1x1x80xi32, #tpu.memory_space<vmem>> -> memref<80xi32, #tpu.memory_space<vmem>>
      %dma_start3A_286 = arith.constant 0 : i32
      %dma_start3A_287 = arith.constant 0 : i32
      %dma_start3A_288 = tpu.memref_slice %arg2[%dma_start3A_286, %dma_start3A_287] : memref<10000x128xf32, #tpu.memory_space<hbm>> -> memref<10000x128xf32, #tpu.memory_space<hbm>>
      tpu.enqueue_indirect_dma source(%dma_start3A_288 : memref<10000x128xf32, #tpu.memory_space<hbm>>) target(%dma_start3A_282 : memref<80x128xf32, #tpu.memory_space<vmem>>) offsets(%dma_start3A_285 : memref<80xi32, #tpu.memory_space<vmem>>) semaphore(%arg11 : memref<!tpu.dma_semaphore, #tpu.memory_space<semaphore_mem>>)
      %dma_start3A_289 = arith.constant 3 : i32
      %dma_start3A_290 = arith.constant 3 : i32
      %dma_start3A_291 = arith.constant 1 : i32
      %dma_start3A_292 = arith.constant 0 : i32
      %dma_start3A_293 = arith.constant 0 : i32
      %dma_start3A_294 = tpu.memref_slice %arg9[%dma_start3A_289, %dma_start3A_292, %dma_start3A_293] : memref<4x80x128xf32, #tpu.memory_space<vmem>> -> memref<1x80x128xf32, #tpu.memory_space<vmem>>
      %dma_start3A_295 = tpu.memref_squeeze %dma_start3A_294 : memref<1x80x128xf32, #tpu.memory_space<vmem>> -> memref<80x128xf32, #tpu.memory_space<vmem>>
      %dma_start3A_296 = arith.constant 0 : i32
      %dma_start3A_297 = tpu.memref_slice %arg7[%dma_start3A_290, %dma_start3A_291, %dma_start3A_296] : memref<4x2x80xi32, #tpu.memory_space<vmem>> -> memref<1x1x80xi32, #tpu.memory_space<vmem>>
      %dma_start3A_298 = tpu.memref_squeeze %dma_start3A_297 : memref<1x1x80xi32, #tpu.memory_space<vmem>> -> memref<80xi32, #tpu.memory_space<vmem>>
      %dma_start3A_299 = arith.constant 0 : i32
      %dma_start3A_300 = arith.constant 0 : i32
      %dma_start3A_301 = tpu.memref_slice %arg6[%dma_start3A_299, %dma_start3A_300] : memref<10240x128xf32, #tpu.memory_space<vmem_shared>> -> memref<10240x128xf32, #tpu.memory_space<vmem_shared>>
      tpu.enqueue_indirect_dma source(%dma_start3A_295 : memref<80x128xf32, #tpu.memory_space<vmem>>) target(%dma_start3A_301 : memref<10240x128xf32, #tpu.memory_space<vmem_shared>>) offsets(%dma_start3A_298 : memref<80xi32, #tpu.memory_space<vmem>>) semaphore(%arg17 : memref<!tpu.dma_semaphore, #tpu.memory_space<semaphore_mem>>) {add = true}
      %dma_wait3A_302 = arith.constant 0 : i32
      %dma_wait3A_303 = arith.constant 0 : i32
      %dma_wait3A_304 = arith.constant 0 : i32
      %dma_wait3A_305 = tpu.memref_slice %arg9[%dma_wait3A_302, %dma_wait3A_303, %dma_wait3A_304] : memref<4x80x128xf32, #tpu.memory_space<vmem>> -> memref<1x80x128xf32, #tpu.memory_space<vmem>>
      %dma_wait3A_306 = tpu.memref_squeeze %dma_wait3A_305 : memref<1x80x128xf32, #tpu.memory_space<vmem>> -> memref<80x128xf32, #tpu.memory_space<vmem>>
      %dma_wait3A_307 = arith.constant 0 : i32
      %dma_wait3A_308 = arith.constant 0 : i32
      %dma_wait3A_309 = tpu.memref_slice %arg2[%dma_wait3A_307, %dma_wait3A_308] : memref<10000x128xf32, #tpu.memory_space<hbm>> -> memref<80x128xf32, #tpu.memory_space<hbm>>
      %dma_wait3A_310 = arith.constant 0 : i32
      %dma_wait3A_311 = arith.constant 0 : i32
      %dma_wait3A_312 = tpu.memref_slice %arg9[%dma_wait3A_302, %dma_wait3A_310, %dma_wait3A_311] : memref<4x80x128xf32, #tpu.memory_space<vmem>> -> memref<1x80x128xf32, #tpu.memory_space<vmem>>
      %dma_wait3A_313 = tpu.memref_squeeze %dma_wait3A_312 : memref<1x80x128xf32, #tpu.memory_space<vmem>> -> memref<80x128xf32, #tpu.memory_space<vmem>>
      %dma_wait3A_314 = arith.constant 0 : i32
      %dma_wait3A_315 = arith.constant 0 : i32
      %dma_wait3A_316 = tpu.memref_slice %arg2[%dma_wait3A_314, %dma_wait3A_315] : memref<10000x128xf32, #tpu.memory_space<hbm>> -> memref<80x128xf32, #tpu.memory_space<hbm>>
      tpu.wait_dma2 semaphore(%arg10 : memref<!tpu.dma_semaphore, #tpu.memory_space<semaphore_mem>>) src(%dma_wait3A_316 : memref<80x128xf32, #tpu.memory_space<hbm>>) dst(%dma_wait3A_313 : memref<80x128xf32, #tpu.memory_space<vmem>>)
      %dma_wait3A_317 = arith.constant 2 : i32
      %dma_wait3A_318 = arith.constant 0 : i32
      %dma_wait3A_319 = arith.constant 0 : i32
      %dma_wait3A_320 = tpu.memref_slice %arg9[%dma_wait3A_317, %dma_wait3A_318, %dma_wait3A_319] : memref<4x80x128xf32, #tpu.memory_space<vmem>> -> memref<1x80x128xf32, #tpu.memory_space<vmem>>
      %dma_wait3A_321 = tpu.memref_squeeze %dma_wait3A_320 : memref<1x80x128xf32, #tpu.memory_space<vmem>> -> memref<80x128xf32, #tpu.memory_space<vmem>>
      %dma_wait3A_322 = arith.constant 0 : i32
      %dma_wait3A_323 = arith.constant 0 : i32
      %dma_wait3A_324 = tpu.memref_slice %arg2[%dma_wait3A_322, %dma_wait3A_323] : memref<10000x128xf32, #tpu.memory_space<hbm>> -> memref<80x128xf32, #tpu.memory_space<hbm>>
      %dma_wait3A_325 = arith.constant 0 : i32
      %dma_wait3A_326 = arith.constant 0 : i32
      %dma_wait3A_327 = tpu.memref_slice %arg9[%dma_wait3A_317, %dma_wait3A_325, %dma_wait3A_326] : memref<4x80x128xf32, #tpu.memory_space<vmem>> -> memref<1x80x128xf32, #tpu.memory_space<vmem>>
      %dma_wait3A_328 = tpu.memref_squeeze %dma_wait3A_327 : memref<1x80x128xf32, #tpu.memory_space<vmem>> -> memref<80x128xf32, #tpu.memory_space<vmem>>
      %dma_wait3A_329 = arith.constant 0 : i32
      %dma_wait3A_330 = arith.constant 0 : i32
      %dma_wait3A_331 = tpu.memref_slice %arg2[%dma_wait3A_329, %dma_wait3A_330] : memref<10000x128xf32, #tpu.memory_space<hbm>> -> memref<80x128xf32, #tpu.memory_space<hbm>>
      tpu.wait_dma2 semaphore(%arg16 : memref<!tpu.dma_semaphore, #tpu.memory_space<semaphore_mem>>) src(%dma_wait3A_331 : memref<80x128xf32, #tpu.memory_space<hbm>>) dst(%dma_wait3A_328 : memref<80x128xf32, #tpu.memory_space<vmem>>)
      %dma_start3A_332 = arith.constant 2 : i32
      %dma_start3A_333 = arith.constant 0 : i32
      %dma_start3A_334 = arith.constant 2 : i32
      %dma_start3A_335 = arith.constant 0 : i32
      %dma_start3A_336 = arith.constant 0 : i32
      %dma_start3A_337 = tpu.memref_slice %arg9[%dma_start3A_334, %dma_start3A_335, %dma_start3A_336] : memref<4x80x128xf32, #tpu.memory_space<vmem>> -> memref<1x80x128xf32, #tpu.memory_space<vmem>>
      %dma_start3A_338 = tpu.memref_squeeze %dma_start3A_337 : memref<1x80x128xf32, #tpu.memory_space<vmem>> -> memref<80x128xf32, #tpu.memory_space<vmem>>
      %dma_start3A_339 = arith.constant 0 : i32
      %dma_start3A_340 = tpu.memref_slice %arg8[%dma_start3A_332, %dma_start3A_333, %dma_start3A_339] : memref<4x2x80xi32, #tpu.memory_space<vmem>> -> memref<1x1x80xi32, #tpu.memory_space<vmem>>
      %dma_start3A_341 = tpu.memref_squeeze %dma_start3A_340 : memref<1x1x80xi32, #tpu.memory_space<vmem>> -> memref<80xi32, #tpu.memory_space<vmem>>
      %dma_start3A_342 = arith.constant 0 : i32
      %dma_start3A_343 = arith.constant 0 : i32
      %dma_start3A_344 = tpu.memref_slice %arg2[%dma_start3A_342, %dma_start3A_343] : memref<10000x128xf32, #tpu.memory_space<hbm>> -> memref<10000x128xf32, #tpu.memory_space<hbm>>
      tpu.enqueue_indirect_dma source(%dma_start3A_344 : memref<10000x128xf32, #tpu.memory_space<hbm>>) target(%dma_start3A_338 : memref<80x128xf32, #tpu.memory_space<vmem>>) offsets(%dma_start3A_341 : memref<80xi32, #tpu.memory_space<vmem>>) semaphore(%arg12 : memref<!tpu.dma_semaphore, #tpu.memory_space<semaphore_mem>>)
      %dma_start3A_345 = arith.constant 0 : i32
      %dma_start3A_346 = arith.constant 0 : i32
      %dma_start3A_347 = arith.constant 1 : i32
      %dma_start3A_348 = arith.constant 0 : i32
      %dma_start3A_349 = arith.constant 0 : i32
      %dma_start3A_350 = tpu.memref_slice %arg9[%dma_start3A_345, %dma_start3A_348, %dma_start3A_349] : memref<4x80x128xf32, #tpu.memory_space<vmem>> -> memref<1x80x128xf32, #tpu.memory_space<vmem>>
      %dma_start3A_351 = tpu.memref_squeeze %dma_start3A_350 : memref<1x80x128xf32, #tpu.memory_space<vmem>> -> memref<80x128xf32, #tpu.memory_space<vmem>>
      %dma_start3A_352 = arith.constant 0 : i32
      %dma_start3A_353 = tpu.memref_slice %arg8[%dma_start3A_346, %dma_start3A_347, %dma_start3A_352] : memref<4x2x80xi32, #tpu.memory_space<vmem>> -> memref<1x1x80xi32, #tpu.memory_space<vmem>>
      %dma_start3A_354 = tpu.memref_squeeze %dma_start3A_353 : memref<1x1x80xi32, #tpu.memory_space<vmem>> -> memref<80xi32, #tpu.memory_space<vmem>>
      %dma_start3A_355 = arith.constant 0 : i32
      %dma_start3A_356 = arith.constant 0 : i32
      %dma_start3A_357 = tpu.memref_slice %arg6[%dma_start3A_355, %dma_start3A_356] : memref<10240x128xf32, #tpu.memory_space<vmem_shared>> -> memref<10240x128xf32, #tpu.memory_space<vmem_shared>>
      tpu.enqueue_indirect_dma source(%dma_start3A_351 : memref<80x128xf32, #tpu.memory_space<vmem>>) target(%dma_start3A_357 : memref<10240x128xf32, #tpu.memory_space<vmem_shared>>) offsets(%dma_start3A_354 : memref<80xi32, #tpu.memory_space<vmem>>) semaphore(%arg14 : memref<!tpu.dma_semaphore, #tpu.memory_space<semaphore_mem>>) {add = true}
      %dma_wait3A_358 = arith.constant 1 : i32
      %dma_wait3A_359 = arith.constant 0 : i32
      %dma_wait3A_360 = arith.constant 0 : i32
      %dma_wait3A_361 = tpu.memref_slice %arg9[%dma_wait3A_358, %dma_wait3A_359, %dma_wait3A_360] : memref<4x80x128xf32, #tpu.memory_space<vmem>> -> memref<1x80x128xf32, #tpu.memory_space<vmem>>
      %dma_wait3A_362 = tpu.memref_squeeze %dma_wait3A_361 : memref<1x80x128xf32, #tpu.memory_space<vmem>> -> memref<80x128xf32, #tpu.memory_space<vmem>>
      %dma_wait3A_363 = arith.constant 0 : i32
      %dma_wait3A_364 = arith.constant 0 : i32
      %dma_wait3A_365 = tpu.memref_slice %arg2[%dma_wait3A_363, %dma_wait3A_364] : memref<10000x128xf32, #tpu.memory_space<hbm>> -> memref<80x128xf32, #tpu.memory_space<hbm>>
      %dma_wait3A_366 = arith.constant 0 : i32
      %dma_wait3A_367 = arith.constant 0 : i32
      %dma_wait3A_368 = tpu.memref_slice %arg9[%dma_wait3A_358, %dma_wait3A_366, %dma_wait3A_367] : memref<4x80x128xf32, #tpu.memory_space<vmem>> -> memref<1x80x128xf32, #tpu.memory_space<vmem>>
      %dma_wait3A_369 = tpu.memref_squeeze %dma_wait3A_368 : memref<1x80x128xf32, #tpu.memory_space<vmem>> -> memref<80x128xf32, #tpu.memory_space<vmem>>
      %dma_wait3A_370 = arith.constant 0 : i32
      %dma_wait3A_371 = arith.constant 0 : i32
      %dma_wait3A_372 = tpu.memref_slice %arg2[%dma_wait3A_370, %dma_wait3A_371] : memref<10000x128xf32, #tpu.memory_space<hbm>> -> memref<80x128xf32, #tpu.memory_space<hbm>>
      tpu.wait_dma2 semaphore(%arg11 : memref<!tpu.dma_semaphore, #tpu.memory_space<semaphore_mem>>) src(%dma_wait3A_372 : memref<80x128xf32, #tpu.memory_space<hbm>>) dst(%dma_wait3A_369 : memref<80x128xf32, #tpu.memory_space<vmem>>)
      %dma_wait3A_373 = arith.constant 3 : i32
      %dma_wait3A_374 = arith.constant 0 : i32
      %dma_wait3A_375 = arith.constant 0 : i32
      %dma_wait3A_376 = tpu.memref_slice %arg9[%dma_wait3A_373, %dma_wait3A_374, %dma_wait3A_375] : memref<4x80x128xf32, #tpu.memory_space<vmem>> -> memref<1x80x128xf32, #tpu.memory_space<vmem>>
      %dma_wait3A_377 = tpu.memref_squeeze %dma_wait3A_376 : memref<1x80x128xf32, #tpu.memory_space<vmem>> -> memref<80x128xf32, #tpu.memory_space<vmem>>
      %dma_wait3A_378 = arith.constant 0 : i32
      %dma_wait3A_379 = arith.constant 0 : i32
      %dma_wait3A_380 = tpu.memref_slice %arg2[%dma_wait3A_378, %dma_wait3A_379] : memref<10000x128xf32, #tpu.memory_space<hbm>> -> memref<80x128xf32, #tpu.memory_space<hbm>>
      %dma_wait3A_381 = arith.constant 0 : i32
      %dma_wait3A_382 = arith.constant 0 : i32
      %dma_wait3A_383 = tpu.memref_slice %arg9[%dma_wait3A_373, %dma_wait3A_381, %dma_wait3A_382] : memref<4x80x128xf32, #tpu.memory_space<vmem>> -> memref<1x80x128xf32, #tpu.memory_space<vmem>>
      %dma_wait3A_384 = tpu.memref_squeeze %dma_wait3A_383 : memref<1x80x128xf32, #tpu.memory_space<vmem>> -> memref<80x128xf32, #tpu.memory_space<vmem>>
      %dma_wait3A_385 = arith.constant 0 : i32
      %dma_wait3A_386 = arith.constant 0 : i32
      %dma_wait3A_387 = tpu.memref_slice %arg2[%dma_wait3A_385, %dma_wait3A_386] : memref<10000x128xf32, #tpu.memory_space<hbm>> -> memref<80x128xf32, #tpu.memory_space<hbm>>
      tpu.wait_dma2 semaphore(%arg17 : memref<!tpu.dma_semaphore, #tpu.memory_space<semaphore_mem>>) src(%dma_wait3A_387 : memref<80x128xf32, #tpu.memory_space<hbm>>) dst(%dma_wait3A_384 : memref<80x128xf32, #tpu.memory_space<vmem>>)
      %lt3A = arith.constant 15 : i32
      %lt3A_388 = arith.cmpi slt, %scan3A_85, %lt3A : i32
      %convert_element_type3A_389 = arith.extui %lt3A_388 : i1 to i32
      %cond3A_390 = arith.constant 0 : i32
      %cond3A_391 = arith.cmpi ne, %convert_element_type3A_389, %cond3A_390 : i32
      scf.if %cond3A_391 {
        %mul3A_514 = arith.constant 8 : i32
        %mul3A_515 = arith.muli %mul3A_514, %scan3A_85 : i32
        %add3A_516 = arith.addi %mul3A_2, %mul3A_515 : i32
        %add3A_517 = arith.constant 8 : i32
        %add3A_518 = arith.addi %add3A_516, %add3A_517 : i32
        %dma_start3A_519 = arith.constant 0 : i32
        %dma_start3A_520 = arith.constant 0 : i32
        %dma_start3A_521 = tpu.memref_slice %arg3[%add3A_518, %dma_start3A_519, %dma_start3A_520] : memref<4096x2x80xi32, #tpu.memory_space<hbm>> -> memref<4x2x80xi32, #tpu.memory_space<hbm>>
        %dma_start3A_522 = arith.constant 0 : i32
        %dma_start3A_523 = arith.constant 0 : i32
        %dma_start3A_524 = tpu.memref_slice %arg3[%add3A_518, %dma_start3A_522, %dma_start3A_523] : memref<4096x2x80xi32, #tpu.memory_space<hbm>> -> memref<4x2x80xi32, #tpu.memory_space<hbm>>
        tpu.enqueue_dma source(%dma_start3A_524 : memref<4x2x80xi32, #tpu.memory_space<hbm>>) target(%arg7 : memref<4x2x80xi32, #tpu.memory_space<vmem>>) target_semaphore(%arg18 : memref<!tpu.dma_semaphore, #tpu.memory_space<semaphore_mem>>)
      } else {
      }
      %dma_start3A_392 = arith.constant 3 : i32
      %dma_start3A_393 = arith.constant 0 : i32
      %dma_start3A_394 = arith.constant 3 : i32
      %dma_start3A_395 = arith.constant 0 : i32
      %dma_start3A_396 = arith.constant 0 : i32
      %dma_start3A_397 = tpu.memref_slice %arg9[%dma_start3A_394, %dma_start3A_395, %dma_start3A_396] : memref<4x80x128xf32, #tpu.memory_space<vmem>> -> memref<1x80x128xf32, #tpu.memory_space<vmem>>
      %dma_start3A_398 = tpu.memref_squeeze %dma_start3A_397 : memref<1x80x128xf32, #tpu.memory_space<vmem>> -> memref<80x128xf32, #tpu.memory_space<vmem>>
      %dma_start3A_399 = arith.constant 0 : i32
      %dma_start3A_400 = tpu.memref_slice %arg8[%dma_start3A_392, %dma_start3A_393, %dma_start3A_399] : memref<4x2x80xi32, #tpu.memory_space<vmem>> -> memref<1x1x80xi32, #tpu.memory_space<vmem>>
      %dma_start3A_401 = tpu.memref_squeeze %dma_start3A_400 : memref<1x1x80xi32, #tpu.memory_space<vmem>> -> memref<80xi32, #tpu.memory_space<vmem>>
      %dma_start3A_402 = arith.constant 0 : i32
      %dma_start3A_403 = arith.constant 0 : i32
      %dma_start3A_404 = tpu.memref_slice %arg2[%dma_start3A_402, %dma_start3A_403] : memref<10000x128xf32, #tpu.memory_space<hbm>> -> memref<10000x128xf32, #tpu.memory_space<hbm>>
      tpu.enqueue_indirect_dma source(%dma_start3A_404 : memref<10000x128xf32, #tpu.memory_space<hbm>>) target(%dma_start3A_398 : memref<80x128xf32, #tpu.memory_space<vmem>>) offsets(%dma_start3A_401 : memref<80xi32, #tpu.memory_space<vmem>>) semaphore(%arg13 : memref<!tpu.dma_semaphore, #tpu.memory_space<semaphore_mem>>)
      %dma_start3A_405 = arith.constant 1 : i32
      %dma_start3A_406 = arith.constant 1 : i32
      %dma_start3A_407 = arith.constant 1 : i32
      %dma_start3A_408 = arith.constant 0 : i32
      %dma_start3A_409 = arith.constant 0 : i32
      %dma_start3A_410 = tpu.memref_slice %arg9[%dma_start3A_405, %dma_start3A_408, %dma_start3A_409] : memref<4x80x128xf32, #tpu.memory_space<vmem>> -> memref<1x80x128xf32, #tpu.memory_space<vmem>>
      %dma_start3A_411 = tpu.memref_squeeze %dma_start3A_410 : memref<1x80x128xf32, #tpu.memory_space<vmem>> -> memref<80x128xf32, #tpu.memory_space<vmem>>
      %dma_start3A_412 = arith.constant 0 : i32
      %dma_start3A_413 = tpu.memref_slice %arg8[%dma_start3A_406, %dma_start3A_407, %dma_start3A_412] : memref<4x2x80xi32, #tpu.memory_space<vmem>> -> memref<1x1x80xi32, #tpu.memory_space<vmem>>
      %dma_start3A_414 = tpu.memref_squeeze %dma_start3A_413 : memref<1x1x80xi32, #tpu.memory_space<vmem>> -> memref<80xi32, #tpu.memory_space<vmem>>
      %dma_start3A_415 = arith.constant 0 : i32
      %dma_start3A_416 = arith.constant 0 : i32
      %dma_start3A_417 = tpu.memref_slice %arg6[%dma_start3A_415, %dma_start3A_416] : memref<10240x128xf32, #tpu.memory_space<vmem_shared>> -> memref<10240x128xf32, #tpu.memory_space<vmem_shared>>
      tpu.enqueue_indirect_dma source(%dma_start3A_411 : memref<80x128xf32, #tpu.memory_space<vmem>>) target(%dma_start3A_417 : memref<10240x128xf32, #tpu.memory_space<vmem_shared>>) offsets(%dma_start3A_414 : memref<80xi32, #tpu.memory_space<vmem>>) semaphore(%arg15 : memref<!tpu.dma_semaphore, #tpu.memory_space<semaphore_mem>>) {add = true}
      %dma_wait3A_418 = arith.constant 2 : i32
      %dma_wait3A_419 = arith.constant 0 : i32
      %dma_wait3A_420 = arith.constant 0 : i32
      %dma_wait3A_421 = tpu.memref_slice %arg9[%dma_wait3A_418, %dma_wait3A_419, %dma_wait3A_420] : memref<4x80x128xf32, #tpu.memory_space<vmem>> -> memref<1x80x128xf32, #tpu.memory_space<vmem>>
      %dma_wait3A_422 = tpu.memref_squeeze %dma_wait3A_421 : memref<1x80x128xf32, #tpu.memory_space<vmem>> -> memref<80x128xf32, #tpu.memory_space<vmem>>
      %dma_wait3A_423 = arith.constant 0 : i32
      %dma_wait3A_424 = arith.constant 0 : i32
      %dma_wait3A_425 = tpu.memref_slice %arg2[%dma_wait3A_423, %dma_wait3A_424] : memref<10000x128xf32, #tpu.memory_space<hbm>> -> memref<80x128xf32, #tpu.memory_space<hbm>>
      %dma_wait3A_426 = arith.constant 0 : i32
      %dma_wait3A_427 = arith.constant 0 : i32
      %dma_wait3A_428 = tpu.memref_slice %arg9[%dma_wait3A_418, %dma_wait3A_426, %dma_wait3A_427] : memref<4x80x128xf32, #tpu.memory_space<vmem>> -> memref<1x80x128xf32, #tpu.memory_space<vmem>>
      %dma_wait3A_429 = tpu.memref_squeeze %dma_wait3A_428 : memref<1x80x128xf32, #tpu.memory_space<vmem>> -> memref<80x128xf32, #tpu.memory_space<vmem>>
      %dma_wait3A_430 = arith.constant 0 : i32
      %dma_wait3A_431 = arith.constant 0 : i32
      %dma_wait3A_432 = tpu.memref_slice %arg2[%dma_wait3A_430, %dma_wait3A_431] : memref<10000x128xf32, #tpu.memory_space<hbm>> -> memref<80x128xf32, #tpu.memory_space<hbm>>
      tpu.wait_dma2 semaphore(%arg12 : memref<!tpu.dma_semaphore, #tpu.memory_space<semaphore_mem>>) src(%dma_wait3A_432 : memref<80x128xf32, #tpu.memory_space<hbm>>) dst(%dma_wait3A_429 : memref<80x128xf32, #tpu.memory_space<vmem>>)
      %dma_wait3A_433 = arith.constant 0 : i32
      %dma_wait3A_434 = arith.constant 0 : i32
      %dma_wait3A_435 = arith.constant 0 : i32
      %dma_wait3A_436 = tpu.memref_slice %arg9[%dma_wait3A_433, %dma_wait3A_434, %dma_wait3A_435] : memref<4x80x128xf32, #tpu.memory_space<vmem>> -> memref<1x80x128xf32, #tpu.memory_space<vmem>>
      %dma_wait3A_437 = tpu.memref_squeeze %dma_wait3A_436 : memref<1x80x128xf32, #tpu.memory_space<vmem>> -> memref<80x128xf32, #tpu.memory_space<vmem>>
      %dma_wait3A_438 = arith.constant 0 : i32
      %dma_wait3A_439 = arith.constant 0 : i32
      %dma_wait3A_440 = tpu.memref_slice %arg2[%dma_wait3A_438, %dma_wait3A_439] : memref<10000x128xf32, #tpu.memory_space<hbm>> -> memref<80x128xf32, #tpu.memory_space<hbm>>
      %dma_wait3A_441 = arith.constant 0 : i32
      %dma_wait3A_442 = arith.constant 0 : i32
      %dma_wait3A_443 = tpu.memref_slice %arg9[%dma_wait3A_433, %dma_wait3A_441, %dma_wait3A_442] : memref<4x80x128xf32, #tpu.memory_space<vmem>> -> memref<1x80x128xf32, #tpu.memory_space<vmem>>
      %dma_wait3A_444 = tpu.memref_squeeze %dma_wait3A_443 : memref<1x80x128xf32, #tpu.memory_space<vmem>> -> memref<80x128xf32, #tpu.memory_space<vmem>>
      %dma_wait3A_445 = arith.constant 0 : i32
      %dma_wait3A_446 = arith.constant 0 : i32
      %dma_wait3A_447 = tpu.memref_slice %arg2[%dma_wait3A_445, %dma_wait3A_446] : memref<10000x128xf32, #tpu.memory_space<hbm>> -> memref<80x128xf32, #tpu.memory_space<hbm>>
      tpu.wait_dma2 semaphore(%arg14 : memref<!tpu.dma_semaphore, #tpu.memory_space<semaphore_mem>>) src(%dma_wait3A_447 : memref<80x128xf32, #tpu.memory_space<hbm>>) dst(%dma_wait3A_444 : memref<80x128xf32, #tpu.memory_space<vmem>>)
      %lt3A_448 = arith.constant 15 : i32
      %lt3A_449 = arith.cmpi slt, %scan3A_85, %lt3A_448 : i32
      %convert_element_type3A_450 = arith.extui %lt3A_449 : i1 to i32
      %cond3A_451 = arith.constant 0 : i32
      %cond3A_452 = arith.cmpi ne, %convert_element_type3A_450, %cond3A_451 : i32
      scf.if %cond3A_452 {
        %dma_wait3A_514 = arith.constant 0 : i32
        %dma_wait3A_515 = arith.constant 0 : i32
        %dma_wait3A_516 = arith.constant 0 : i32
        %dma_wait3A_517 = tpu.memref_slice %arg3[%dma_wait3A_514, %dma_wait3A_515, %dma_wait3A_516] : memref<4096x2x80xi32, #tpu.memory_space<hbm>> -> memref<4x2x80xi32, #tpu.memory_space<hbm>>
        %dma_wait3A_518 = arith.constant 0 : i32
        %dma_wait3A_519 = arith.constant 0 : i32
        %dma_wait3A_520 = arith.constant 0 : i32
        %dma_wait3A_521 = tpu.memref_slice %arg3[%dma_wait3A_518, %dma_wait3A_519, %dma_wait3A_520] : memref<4096x2x80xi32, #tpu.memory_space<hbm>> -> memref<4x2x80xi32, #tpu.memory_space<hbm>>
        tpu.wait_dma2 semaphore(%arg18 : memref<!tpu.dma_semaphore, #tpu.memory_space<semaphore_mem>>) src(%dma_wait3A_521 : memref<4x2x80xi32, #tpu.memory_space<hbm>>) dst(%arg7 : memref<4x2x80xi32, #tpu.memory_space<vmem>>)
        %dma_start3A_522 = arith.constant 0 : i32
        %dma_start3A_523 = arith.constant 0 : i32
        %dma_start3A_524 = arith.constant 0 : i32
        %dma_start3A_525 = arith.constant 0 : i32
        %dma_start3A_526 = arith.constant 0 : i32
        %dma_start3A_527 = tpu.memref_slice %arg9[%dma_start3A_524, %dma_start3A_525, %dma_start3A_526] : memref<4x80x128xf32, #tpu.memory_space<vmem>> -> memref<1x80x128xf32, #tpu.memory_space<vmem>>
        %dma_start3A_528 = tpu.memref_squeeze %dma_start3A_527 : memref<1x80x128xf32, #tpu.memory_space<vmem>> -> memref<80x128xf32, #tpu.memory_space<vmem>>
        %dma_start3A_529 = arith.constant 0 : i32
        %dma_start3A_530 = tpu.memref_slice %arg7[%dma_start3A_522, %dma_start3A_523, %dma_start3A_529] : memref<4x2x80xi32, #tpu.memory_space<vmem>> -> memref<1x1x80xi32, #tpu.memory_space<vmem>>
        %dma_start3A_531 = tpu.memref_squeeze %dma_start3A_530 : memref<1x1x80xi32, #tpu.memory_space<vmem>> -> memref<80xi32, #tpu.memory_space<vmem>>
        %dma_start3A_532 = arith.constant 0 : i32
        %dma_start3A_533 = arith.constant 0 : i32
        %dma_start3A_534 = tpu.memref_slice %arg2[%dma_start3A_532, %dma_start3A_533] : memref<10000x128xf32, #tpu.memory_space<hbm>> -> memref<10000x128xf32, #tpu.memory_space<hbm>>
        tpu.enqueue_indirect_dma source(%dma_start3A_534 : memref<10000x128xf32, #tpu.memory_space<hbm>>) target(%dma_start3A_528 : memref<80x128xf32, #tpu.memory_space<vmem>>) offsets(%dma_start3A_531 : memref<80xi32, #tpu.memory_space<vmem>>) semaphore(%arg10 : memref<!tpu.dma_semaphore, #tpu.memory_space<semaphore_mem>>)
      } else {
      }
      %dma_start3A_453 = arith.constant 2 : i32
      %dma_start3A_454 = arith.constant 2 : i32
      %dma_start3A_455 = arith.constant 1 : i32
      %dma_start3A_456 = arith.constant 0 : i32
      %dma_start3A_457 = arith.constant 0 : i32
      %dma_start3A_458 = tpu.memref_slice %arg9[%dma_start3A_453, %dma_start3A_456, %dma_start3A_457] : memref<4x80x128xf32, #tpu.memory_space<vmem>> -> memref<1x80x128xf32, #tpu.memory_space<vmem>>
      %dma_start3A_459 = tpu.memref_squeeze %dma_start3A_458 : memref<1x80x128xf32, #tpu.memory_space<vmem>> -> memref<80x128xf32, #tpu.memory_space<vmem>>
      %dma_start3A_460 = arith.constant 0 : i32
      %dma_start3A_461 = tpu.memref_slice %arg8[%dma_start3A_454, %dma_start3A_455, %dma_start3A_460] : memref<4x2x80xi32, #tpu.memory_space<vmem>> -> memref<1x1x80xi32, #tpu.memory_space<vmem>>
      %dma_start3A_462 = tpu.memref_squeeze %dma_start3A_461 : memref<1x1x80xi32, #tpu.memory_space<vmem>> -> memref<80xi32, #tpu.memory_space<vmem>>
      %dma_start3A_463 = arith.constant 0 : i32
      %dma_start3A_464 = arith.constant 0 : i32
      %dma_start3A_465 = tpu.memref_slice %arg6[%dma_start3A_463, %dma_start3A_464] : memref<10240x128xf32, #tpu.memory_space<vmem_shared>> -> memref<10240x128xf32, #tpu.memory_space<vmem_shared>>
      tpu.enqueue_indirect_dma source(%dma_start3A_459 : memref<80x128xf32, #tpu.memory_space<vmem>>) target(%dma_start3A_465 : memref<10240x128xf32, #tpu.memory_space<vmem_shared>>) offsets(%dma_start3A_462 : memref<80xi32, #tpu.memory_space<vmem>>) semaphore(%arg16 : memref<!tpu.dma_semaphore, #tpu.memory_space<semaphore_mem>>) {add = true}
      %dma_wait3A_466 = arith.constant 3 : i32
      %dma_wait3A_467 = arith.constant 0 : i32
      %dma_wait3A_468 = arith.constant 0 : i32
      %dma_wait3A_469 = tpu.memref_slice %arg9[%dma_wait3A_466, %dma_wait3A_467, %dma_wait3A_468] : memref<4x80x128xf32, #tpu.memory_space<vmem>> -> memref<1x80x128xf32, #tpu.memory_space<vmem>>
      %dma_wait3A_470 = tpu.memref_squeeze %dma_wait3A_469 : memref<1x80x128xf32, #tpu.memory_space<vmem>> -> memref<80x128xf32, #tpu.memory_space<vmem>>
      %dma_wait3A_471 = arith.constant 0 : i32
      %dma_wait3A_472 = arith.constant 0 : i32
      %dma_wait3A_473 = tpu.memref_slice %arg2[%dma_wait3A_471, %dma_wait3A_472] : memref<10000x128xf32, #tpu.memory_space<hbm>> -> memref<80x128xf32, #tpu.memory_space<hbm>>
      %dma_wait3A_474 = arith.constant 0 : i32
      %dma_wait3A_475 = arith.constant 0 : i32
      %dma_wait3A_476 = tpu.memref_slice %arg9[%dma_wait3A_466, %dma_wait3A_474, %dma_wait3A_475] : memref<4x80x128xf32, #tpu.memory_space<vmem>> -> memref<1x80x128xf32, #tpu.memory_space<vmem>>
      %dma_wait3A_477 = tpu.memref_squeeze %dma_wait3A_476 : memref<1x80x128xf32, #tpu.memory_space<vmem>> -> memref<80x128xf32, #tpu.memory_space<vmem>>
      %dma_wait3A_478 = arith.constant 0 : i32
      %dma_wait3A_479 = arith.constant 0 : i32
      %dma_wait3A_480 = tpu.memref_slice %arg2[%dma_wait3A_478, %dma_wait3A_479] : memref<10000x128xf32, #tpu.memory_space<hbm>> -> memref<80x128xf32, #tpu.memory_space<hbm>>
      tpu.wait_dma2 semaphore(%arg13 : memref<!tpu.dma_semaphore, #tpu.memory_space<semaphore_mem>>) src(%dma_wait3A_480 : memref<80x128xf32, #tpu.memory_space<hbm>>) dst(%dma_wait3A_477 : memref<80x128xf32, #tpu.memory_space<vmem>>)
      %dma_wait3A_481 = arith.constant 1 : i32
      %dma_wait3A_482 = arith.constant 0 : i32
      %dma_wait3A_483 = arith.constant 0 : i32
      %dma_wait3A_484 = tpu.memref_slice %arg9[%dma_wait3A_481, %dma_wait3A_482, %dma_wait3A_483] : memref<4x80x128xf32, #tpu.memory_space<vmem>> -> memref<1x80x128xf32, #tpu.memory_space<vmem>>
      %dma_wait3A_485 = tpu.memref_squeeze %dma_wait3A_484 : memref<1x80x128xf32, #tpu.memory_space<vmem>> -> memref<80x128xf32, #tpu.memory_space<vmem>>
      %dma_wait3A_486 = arith.constant 0 : i32
      %dma_wait3A_487 = arith.constant 0 : i32
      %dma_wait3A_488 = tpu.memref_slice %arg2[%dma_wait3A_486, %dma_wait3A_487] : memref<10000x128xf32, #tpu.memory_space<hbm>> -> memref<80x128xf32, #tpu.memory_space<hbm>>
      %dma_wait3A_489 = arith.constant 0 : i32
      %dma_wait3A_490 = arith.constant 0 : i32
      %dma_wait3A_491 = tpu.memref_slice %arg9[%dma_wait3A_481, %dma_wait3A_489, %dma_wait3A_490] : memref<4x80x128xf32, #tpu.memory_space<vmem>> -> memref<1x80x128xf32, #tpu.memory_space<vmem>>
      %dma_wait3A_492 = tpu.memref_squeeze %dma_wait3A_491 : memref<1x80x128xf32, #tpu.memory_space<vmem>> -> memref<80x128xf32, #tpu.memory_space<vmem>>
      %dma_wait3A_493 = arith.constant 0 : i32
      %dma_wait3A_494 = arith.constant 0 : i32
      %dma_wait3A_495 = tpu.memref_slice %arg2[%dma_wait3A_493, %dma_wait3A_494] : memref<10000x128xf32, #tpu.memory_space<hbm>> -> memref<80x128xf32, #tpu.memory_space<hbm>>
      tpu.wait_dma2 semaphore(%arg15 : memref<!tpu.dma_semaphore, #tpu.memory_space<semaphore_mem>>) src(%dma_wait3A_495 : memref<80x128xf32, #tpu.memory_space<hbm>>) dst(%dma_wait3A_492 : memref<80x128xf32, #tpu.memory_space<vmem>>)
      %lt3A_496 = arith.constant 15 : i32
      %lt3A_497 = arith.cmpi slt, %scan3A_85, %lt3A_496 : i32
      %convert_element_type3A_498 = arith.extui %lt3A_497 : i1 to i32
      %cond3A_499 = arith.constant 0 : i32
      %cond3A_500 = arith.cmpi ne, %convert_element_type3A_498, %cond3A_499 : i32
      scf.if %cond3A_500 {
        %dma_start3A_514 = arith.constant 1 : i32
        %dma_start3A_515 = arith.constant 0 : i32
        %dma_start3A_516 = arith.constant 1 : i32
        %dma_start3A_517 = arith.constant 0 : i32
        %dma_start3A_518 = arith.constant 0 : i32
        %dma_start3A_519 = tpu.memref_slice %arg9[%dma_start3A_516, %dma_start3A_517, %dma_start3A_518] : memref<4x80x128xf32, #tpu.memory_space<vmem>> -> memref<1x80x128xf32, #tpu.memory_space<vmem>>
        %dma_start3A_520 = tpu.memref_squeeze %dma_start3A_519 : memref<1x80x128xf32, #tpu.memory_space<vmem>> -> memref<80x128xf32, #tpu.memory_space<vmem>>
        %dma_start3A_521 = arith.constant 0 : i32
        %dma_start3A_522 = tpu.memref_slice %arg7[%dma_start3A_514, %dma_start3A_515, %dma_start3A_521] : memref<4x2x80xi32, #tpu.memory_space<vmem>> -> memref<1x1x80xi32, #tpu.memory_space<vmem>>
        %dma_start3A_523 = tpu.memref_squeeze %dma_start3A_522 : memref<1x1x80xi32, #tpu.memory_space<vmem>> -> memref<80xi32, #tpu.memory_space<vmem>>
        %dma_start3A_524 = arith.constant 0 : i32
        %dma_start3A_525 = arith.constant 0 : i32
        %dma_start3A_526 = tpu.memref_slice %arg2[%dma_start3A_524, %dma_start3A_525] : memref<10000x128xf32, #tpu.memory_space<hbm>> -> memref<10000x128xf32, #tpu.memory_space<hbm>>
        tpu.enqueue_indirect_dma source(%dma_start3A_526 : memref<10000x128xf32, #tpu.memory_space<hbm>>) target(%dma_start3A_520 : memref<80x128xf32, #tpu.memory_space<vmem>>) offsets(%dma_start3A_523 : memref<80xi32, #tpu.memory_space<vmem>>) semaphore(%arg11 : memref<!tpu.dma_semaphore, #tpu.memory_space<semaphore_mem>>)
      } else {
      }
      %dma_start3A_501 = arith.constant 3 : i32
      %dma_start3A_502 = arith.constant 3 : i32
      %dma_start3A_503 = arith.constant 1 : i32
      %dma_start3A_504 = arith.constant 0 : i32
      %dma_start3A_505 = arith.constant 0 : i32
      %dma_start3A_506 = tpu.memref_slice %arg9[%dma_start3A_501, %dma_start3A_504, %dma_start3A_505] : memref<4x80x128xf32, #tpu.memory_space<vmem>> -> memref<1x80x128xf32, #tpu.memory_space<vmem>>
      %dma_start3A_507 = tpu.memref_squeeze %dma_start3A_506 : memref<1x80x128xf32, #tpu.memory_space<vmem>> -> memref<80x128xf32, #tpu.memory_space<vmem>>
      %dma_start3A_508 = arith.constant 0 : i32
      %dma_start3A_509 = tpu.memref_slice %arg8[%dma_start3A_502, %dma_start3A_503, %dma_start3A_508] : memref<4x2x80xi32, #tpu.memory_space<vmem>> -> memref<1x1x80xi32, #tpu.memory_space<vmem>>
      %dma_start3A_510 = tpu.memref_squeeze %dma_start3A_509 : memref<1x1x80xi32, #tpu.memory_space<vmem>> -> memref<80xi32, #tpu.memory_space<vmem>>
      %dma_start3A_511 = arith.constant 0 : i32
      %dma_start3A_512 = arith.constant 0 : i32
      %dma_start3A_513 = tpu.memref_slice %arg6[%dma_start3A_511, %dma_start3A_512] : memref<10240x128xf32, #tpu.memory_space<vmem_shared>> -> memref<10240x128xf32, #tpu.memory_space<vmem_shared>>
      tpu.enqueue_indirect_dma source(%dma_start3A_507 : memref<80x128xf32, #tpu.memory_space<vmem>>) target(%dma_start3A_513 : memref<10240x128xf32, #tpu.memory_space<vmem_shared>>) offsets(%dma_start3A_510 : memref<80xi32, #tpu.memory_space<vmem>>) semaphore(%arg17 : memref<!tpu.dma_semaphore, #tpu.memory_space<semaphore_mem>>) {add = true}
    }
    %scan3A_44 = arith.constant 16 : i32
    %dma_wait3A = arith.constant 2 : i32
    %dma_wait3A_45 = arith.constant 0 : i32
    %dma_wait3A_46 = arith.constant 0 : i32
    %dma_wait3A_47 = tpu.memref_slice %arg9[%dma_wait3A, %dma_wait3A_45, %dma_wait3A_46] : memref<4x80x128xf32, #tpu.memory_space<vmem>> -> memref<1x80x128xf32, #tpu.memory_space<vmem>>
    %dma_wait3A_48 = tpu.memref_squeeze %dma_wait3A_47 : memref<1x80x128xf32, #tpu.memory_space<vmem>> -> memref<80x128xf32, #tpu.memory_space<vmem>>
    %dma_wait3A_49 = arith.constant 0 : i32
    %dma_wait3A_50 = arith.constant 0 : i32
    %dma_wait3A_51 = tpu.memref_slice %arg2[%dma_wait3A_49, %dma_wait3A_50] : memref<10000x128xf32, #tpu.memory_space<hbm>> -> memref<80x128xf32, #tpu.memory_space<hbm>>
    %dma_wait3A_52 = arith.constant 0 : i32
    %dma_wait3A_53 = arith.constant 0 : i32
    %dma_wait3A_54 = tpu.memref_slice %arg9[%dma_wait3A, %dma_wait3A_52, %dma_wait3A_53] : memref<4x80x128xf32, #tpu.memory_space<vmem>> -> memref<1x80x128xf32, #tpu.memory_space<vmem>>
    %dma_wait3A_55 = tpu.memref_squeeze %dma_wait3A_54 : memref<1x80x128xf32, #tpu.memory_space<vmem>> -> memref<80x128xf32, #tpu.memory_space<vmem>>
    %dma_wait3A_56 = arith.constant 0 : i32
    %dma_wait3A_57 = arith.constant 0 : i32
    %dma_wait3A_58 = tpu.memref_slice %arg2[%dma_wait3A_56, %dma_wait3A_57] : memref<10000x128xf32, #tpu.memory_space<hbm>> -> memref<80x128xf32, #tpu.memory_space<hbm>>
    tpu.wait_dma2 semaphore(%arg16 : memref<!tpu.dma_semaphore, #tpu.memory_space<semaphore_mem>>) src(%dma_wait3A_58 : memref<80x128xf32, #tpu.memory_space<hbm>>) dst(%dma_wait3A_55 : memref<80x128xf32, #tpu.memory_space<vmem>>)
    %dma_wait3A_59 = arith.constant 3 : i32
    %dma_wait3A_60 = arith.constant 0 : i32
    %dma_wait3A_61 = arith.constant 0 : i32
    %dma_wait3A_62 = tpu.memref_slice %arg9[%dma_wait3A_59, %dma_wait3A_60, %dma_wait3A_61] : memref<4x80x128xf32, #tpu.memory_space<vmem>> -> memref<1x80x128xf32, #tpu.memory_space<vmem>>
    %dma_wait3A_63 = tpu.memref_squeeze %dma_wait3A_62 : memref<1x80x128xf32, #tpu.memory_space<vmem>> -> memref<80x128xf32, #tpu.memory_space<vmem>>
    %dma_wait3A_64 = arith.constant 0 : i32
    %dma_wait3A_65 = arith.constant 0 : i32
    %dma_wait3A_66 = tpu.memref_slice %arg2[%dma_wait3A_64, %dma_wait3A_65] : memref<10000x128xf32, #tpu.memory_space<hbm>> -> memref<80x128xf32, #tpu.memory_space<hbm>>
    %dma_wait3A_67 = arith.constant 0 : i32
    %dma_wait3A_68 = arith.constant 0 : i32
    %dma_wait3A_69 = tpu.memref_slice %arg9[%dma_wait3A_59, %dma_wait3A_67, %dma_wait3A_68] : memref<4x80x128xf32, #tpu.memory_space<vmem>> -> memref<1x80x128xf32, #tpu.memory_space<vmem>>
    %dma_wait3A_70 = tpu.memref_squeeze %dma_wait3A_69 : memref<1x80x128xf32, #tpu.memory_space<vmem>> -> memref<80x128xf32, #tpu.memory_space<vmem>>
    %dma_wait3A_71 = arith.constant 0 : i32
    %dma_wait3A_72 = arith.constant 0 : i32
    %dma_wait3A_73 = tpu.memref_slice %arg2[%dma_wait3A_71, %dma_wait3A_72] : memref<10000x128xf32, #tpu.memory_space<hbm>> -> memref<80x128xf32, #tpu.memory_space<hbm>>
    tpu.wait_dma2 semaphore(%arg17 : memref<!tpu.dma_semaphore, #tpu.memory_space<semaphore_mem>>) src(%dma_wait3A_73 : memref<80x128xf32, #tpu.memory_space<hbm>>) dst(%dma_wait3A_70 : memref<80x128xf32, #tpu.memory_space<vmem>>)
    %barrier3A_74 = arith.constant 0 : index
    tpu.barrier barrier_id(%barrier3A_74)
    %eq3A_75 = arith.constant 0 : i32
    %eq3A_76 = arith.cmpi eq, %arg0, %eq3A_75 : i32
    %convert_element_type3A_77 = arith.extui %eq3A_76 : i1 to i32
    %cond3A_78 = arith.constant 0 : i32
    %cond3A_79 = arith.cmpi ne, %convert_element_type3A_77, %cond3A_78 : i32
    scf.if %cond3A_79 {
      %mul3A_85 = arith.constant 640 : i32
      %mul3A_86 = arith.muli %arg1, %mul3A_85 : i32
      %mul3A_87 = arith.constant 640 : i32
      %mul3A_88 = arith.muli %arg1, %mul3A_87 : i32
      "tpu.region"() ({
        %run_scoped3A = tpu.sem_alloc : memref<!tpu.dma_semaphore, #tpu.memory_space<semaphore_mem>>
        %dma_start3A_89 = arith.constant 0 : i32
        %dma_start3A_90 = tpu.memref_slice %arg4[%mul3A_88, %dma_start3A_89] : memref<10240x128xf32, #tpu.memory_space<hbm>> -> memref<640x128xf32, #tpu.memory_space<hbm>>
        %dma_start3A_91 = arith.constant 0 : i32
        %dma_start3A_92 = tpu.memref_slice %arg6[%mul3A_86, %dma_start3A_91] : memref<10240x128xf32, #tpu.memory_space<vmem_shared>> -> memref<640x128xf32, #tpu.memory_space<vmem_shared>>
        tpu.enqueue_dma source(%dma_start3A_92 : memref<640x128xf32, #tpu.memory_space<vmem_shared>>) target(%dma_start3A_90 : memref<640x128xf32, #tpu.memory_space<hbm>>) target_semaphore(%run_scoped3A : memref<!tpu.dma_semaphore, #tpu.memory_space<semaphore_mem>>)
        %dma_wait3A_93 = arith.constant 0 : i32
        %dma_wait3A_94 = tpu.memref_slice %arg4[%mul3A_88, %dma_wait3A_93] : memref<10240x128xf32, #tpu.memory_space<hbm>> -> memref<640x128xf32, #tpu.memory_space<hbm>>
        %dma_wait3A_95 = arith.constant 0 : i32
        %dma_wait3A_96 = tpu.memref_slice %arg6[%mul3A_86, %dma_wait3A_95] : memref<10240x128xf32, #tpu.memory_space<vmem_shared>> -> memref<640x128xf32, #tpu.memory_space<vmem_shared>>
        tpu.wait_dma2 semaphore(%run_scoped3A : memref<!tpu.dma_semaphore, #tpu.memory_space<semaphore_mem>>) src(%dma_wait3A_96 : memref<640x128xf32, #tpu.memory_space<vmem_shared>>) dst(%dma_wait3A_94 : memref<640x128xf32, #tpu.memory_space<hbm>>)
        tpu.yield
      }) : () -> ()
    } else {
    }
    %eq3A_80 = arith.constant 1 : i32
    %eq3A_81 = arith.cmpi eq, %arg0, %eq3A_80 : i32
    %convert_element_type3A_82 = arith.extui %eq3A_81 : i1 to i32
    %cond3A_83 = arith.constant 0 : i32
    %cond3A_84 = arith.cmpi ne, %convert_element_type3A_82, %cond3A_83 : i32
    scf.if %cond3A_84 {
      %mul3A_85 = arith.constant 640 : i32
      %mul3A_86 = arith.muli %arg1, %mul3A_85 : i32
      %mul3A_87 = arith.constant 640 : i32
      %mul3A_88 = arith.muli %arg1, %mul3A_87 : i32
      "tpu.region"() ({
        %run_scoped3A = tpu.sem_alloc : memref<!tpu.dma_semaphore, #tpu.memory_space<semaphore_mem>>
        %dma_start3A_89 = arith.constant 0 : i32
        %dma_start3A_90 = tpu.memref_slice %arg5[%mul3A_88, %dma_start3A_89] : memref<10240x128xf32, #tpu.memory_space<hbm>> -> memref<640x128xf32, #tpu.memory_space<hbm>>
        %dma_start3A_91 = arith.constant 0 : i32
        %dma_start3A_92 = tpu.memref_slice %arg6[%mul3A_86, %dma_start3A_91] : memref<10240x128xf32, #tpu.memory_space<vmem_shared>> -> memref<640x128xf32, #tpu.memory_space<vmem_shared>>
        tpu.enqueue_dma source(%dma_start3A_92 : memref<640x128xf32, #tpu.memory_space<vmem_shared>>) target(%dma_start3A_90 : memref<640x128xf32, #tpu.memory_space<hbm>>) target_semaphore(%run_scoped3A : memref<!tpu.dma_semaphore, #tpu.memory_space<semaphore_mem>>)
        %dma_wait3A_93 = arith.constant 0 : i32
        %dma_wait3A_94 = tpu.memref_slice %arg5[%mul3A_88, %dma_wait3A_93] : memref<10240x128xf32, #tpu.memory_space<hbm>> -> memref<640x128xf32, #tpu.memory_space<hbm>>
        %dma_wait3A_95 = arith.constant 0 : i32
        %dma_wait3A_96 = tpu.memref_slice %arg6[%mul3A_86, %dma_wait3A_95] : memref<10240x128xf32, #tpu.memory_space<vmem_shared>> -> memref<640x128xf32, #tpu.memory_space<vmem_shared>>
        tpu.wait_dma2 semaphore(%run_scoped3A : memref<!tpu.dma_semaphore, #tpu.memory_space<semaphore_mem>>) src(%dma_wait3A_96 : memref<640x128xf32, #tpu.memory_space<vmem_shared>>) dst(%dma_wait3A_94 : memref<640x128xf32, #tpu.memory_space<hbm>>)
        tpu.yield
      }) : () -> ()
    } else {
    }
    return
  }
}

#map = affine_map<(d0, d1) -> (0, 0)>
#map1 = affine_map<(d0, d1) -> (0)>
module attributes {stable_mosaic.version = 14 : i64} {
  func.func @body(%arg0: i32, %arg1: i32, %arg2: memref<2560x128xi32, #tpu.memory_space<hbm>>, %arg3: memref<10240xf32, #tpu.memory_space<hbm>>, %arg4: memref<10240xf32, #tpu.memory_space<hbm>>, %arg5: memref<10240xf32, #tpu.memory_space<vmem_shared>>, %arg6: memref<8x128xi32, #tpu.memory_space<vmem>>, %arg7: memref<128xf32, #tpu.memory_space<vmem>>, %arg8: memref<640xf32, #tpu.memory_space<vmem>>) attributes {dimension_semantics = [#tpu.dimension_semantics<core_parallel>, #tpu.dimension_semantics<subcore_parallel>], iteration_bounds = array<i64: 2, 16>, scalar_prefetch = 0 : i64, scratch_operands = 4 : i64, tpu.core_type = #tpu.core_type<sc_vector_subcore>, window_params = [{transform_indices = #map}, {transform_indices = #map1}, {transform_indices = #map1}]} {
    %broadcast_in_dim3A = arith.constant 1.000000e+00 : f32
    %broadcast_in_dim3A_0 = vector.broadcast %broadcast_in_dim3A : f32 to vector<16xf32>
    %swap3A = arith.constant 0 : index
    %swap3A_1 = tpu.vector_load %arg7[%swap3A] {strides = array<i32>} : memref<128xf32, #tpu.memory_space<vmem>>, vector<16xf32>,
    %swap3A_2 = vector.shape_cast %swap3A_1 : vector<16xf32> to vector<16xf32>
    %swap3A_3 = vector.shape_cast %broadcast_in_dim3A_0 : vector<16xf32> to vector<16xf32>
    tpu.vector_store %arg7[%swap3A], %swap3A_3 {strides = array<i32>} : memref<128xf32, #tpu.memory_space<vmem>>, vector<16xf32>,
    %broadcast_in_dim3A_4 = arith.constant 1.000000e+00 : f32
    %broadcast_in_dim3A_5 = vector.broadcast %broadcast_in_dim3A_4 : f32 to vector<16xf32>
    %swap3A_6 = arith.constant 16 : index
    %swap3A_7 = tpu.vector_load %arg7[%swap3A_6] {strides = array<i32>} : memref<128xf32, #tpu.memory_space<vmem>>, vector<16xf32>,
    %swap3A_8 = vector.shape_cast %swap3A_7 : vector<16xf32> to vector<16xf32>
    %swap3A_9 = vector.shape_cast %broadcast_in_dim3A_5 : vector<16xf32> to vector<16xf32>
    tpu.vector_store %arg7[%swap3A_6], %swap3A_9 {strides = array<i32>} : memref<128xf32, #tpu.memory_space<vmem>>, vector<16xf32>,
    %broadcast_in_dim3A_10 = arith.constant 1.000000e+00 : f32
    %broadcast_in_dim3A_11 = vector.broadcast %broadcast_in_dim3A_10 : f32 to vector<16xf32>
    %swap3A_12 = arith.constant 32 : index
    %swap3A_13 = tpu.vector_load %arg7[%swap3A_12] {strides = array<i32>} : memref<128xf32, #tpu.memory_space<vmem>>, vector<16xf32>,
    %swap3A_14 = vector.shape_cast %swap3A_13 : vector<16xf32> to vector<16xf32>
    %swap3A_15 = vector.shape_cast %broadcast_in_dim3A_11 : vector<16xf32> to vector<16xf32>
    tpu.vector_store %arg7[%swap3A_12], %swap3A_15 {strides = array<i32>} : memref<128xf32, #tpu.memory_space<vmem>>, vector<16xf32>,
    %broadcast_in_dim3A_16 = arith.constant 1.000000e+00 : f32
    %broadcast_in_dim3A_17 = vector.broadcast %broadcast_in_dim3A_16 : f32 to vector<16xf32>
    %swap3A_18 = arith.constant 48 : index
    %swap3A_19 = tpu.vector_load %arg7[%swap3A_18] {strides = array<i32>} : memref<128xf32, #tpu.memory_space<vmem>>, vector<16xf32>,
    %swap3A_20 = vector.shape_cast %swap3A_19 : vector<16xf32> to vector<16xf32>
    %swap3A_21 = vector.shape_cast %broadcast_in_dim3A_17 : vector<16xf32> to vector<16xf32>
    tpu.vector_store %arg7[%swap3A_18], %swap3A_21 {strides = array<i32>} : memref<128xf32, #tpu.memory_space<vmem>>, vector<16xf32>,
    %broadcast_in_dim3A_22 = arith.constant 1.000000e+00 : f32
    %broadcast_in_dim3A_23 = vector.broadcast %broadcast_in_dim3A_22 : f32 to vector<16xf32>
    %swap3A_24 = arith.constant 64 : index
    %swap3A_25 = tpu.vector_load %arg7[%swap3A_24] {strides = array<i32>} : memref<128xf32, #tpu.memory_space<vmem>>, vector<16xf32>,
    %swap3A_26 = vector.shape_cast %swap3A_25 : vector<16xf32> to vector<16xf32>
    %swap3A_27 = vector.shape_cast %broadcast_in_dim3A_23 : vector<16xf32> to vector<16xf32>
    tpu.vector_store %arg7[%swap3A_24], %swap3A_27 {strides = array<i32>} : memref<128xf32, #tpu.memory_space<vmem>>, vector<16xf32>,
    %broadcast_in_dim3A_28 = arith.constant 1.000000e+00 : f32
    %broadcast_in_dim3A_29 = vector.broadcast %broadcast_in_dim3A_28 : f32 to vector<16xf32>
    %swap3A_30 = arith.constant 80 : index
    %swap3A_31 = tpu.vector_load %arg7[%swap3A_30] {strides = array<i32>} : memref<128xf32, #tpu.memory_space<vmem>>, vector<16xf32>,
    %swap3A_32 = vector.shape_cast %swap3A_31 : vector<16xf32> to vector<16xf32>
    %swap3A_33 = vector.shape_cast %broadcast_in_dim3A_29 : vector<16xf32> to vector<16xf32>
    tpu.vector_store %arg7[%swap3A_30], %swap3A_33 {strides = array<i32>} : memref<128xf32, #tpu.memory_space<vmem>>, vector<16xf32>,
    %broadcast_in_dim3A_34 = arith.constant 1.000000e+00 : f32
    %broadcast_in_dim3A_35 = vector.broadcast %broadcast_in_dim3A_34 : f32 to vector<16xf32>
    %swap3A_36 = arith.constant 96 : index
    %swap3A_37 = tpu.vector_load %arg7[%swap3A_36] {strides = array<i32>} : memref<128xf32, #tpu.memory_space<vmem>>, vector<16xf32>,
    %swap3A_38 = vector.shape_cast %swap3A_37 : vector<16xf32> to vector<16xf32>
    %swap3A_39 = vector.shape_cast %broadcast_in_dim3A_35 : vector<16xf32> to vector<16xf32>
    tpu.vector_store %arg7[%swap3A_36], %swap3A_39 {strides = array<i32>} : memref<128xf32, #tpu.memory_space<vmem>>, vector<16xf32>,
    %broadcast_in_dim3A_40 = arith.constant 1.000000e+00 : f32
    %broadcast_in_dim3A_41 = vector.broadcast %broadcast_in_dim3A_40 : f32 to vector<16xf32>
    %swap3A_42 = arith.constant 112 : index
    %swap3A_43 = tpu.vector_load %arg7[%swap3A_42] {strides = array<i32>} : memref<128xf32, #tpu.memory_space<vmem>>, vector<16xf32>,
    %swap3A_44 = vector.shape_cast %swap3A_43 : vector<16xf32> to vector<16xf32>
    %swap3A_45 = vector.shape_cast %broadcast_in_dim3A_41 : vector<16xf32> to vector<16xf32>
    tpu.vector_store %arg7[%swap3A_42], %swap3A_45 {strides = array<i32>} : memref<128xf32, #tpu.memory_space<vmem>>, vector<16xf32>,
    %broadcast_in_dim3A_46 = arith.constant 0.000000e+00 : f32
    %broadcast_in_dim3A_47 = vector.broadcast %broadcast_in_dim3A_46 : f32 to vector<16xf32>
    %swap3A_48 = arith.constant 0 : index
    %swap3A_49 = tpu.vector_load %arg8[%swap3A_48] {strides = array<i32>} : memref<640xf32, #tpu.memory_space<vmem>>, vector<16xf32>,
    %swap3A_50 = vector.shape_cast %swap3A_49 : vector<16xf32> to vector<16xf32>
    %swap3A_51 = vector.shape_cast %broadcast_in_dim3A_47 : vector<16xf32> to vector<16xf32>
    tpu.vector_store %arg8[%swap3A_48], %swap3A_51 {strides = array<i32>} : memref<640xf32, #tpu.memory_space<vmem>>, vector<16xf32>,
    %broadcast_in_dim3A_52 = arith.constant 0.000000e+00 : f32
    %broadcast_in_dim3A_53 = vector.broadcast %broadcast_in_dim3A_52 : f32 to vector<16xf32>
    %swap3A_54 = arith.constant 16 : index
    %swap3A_55 = tpu.vector_load %arg8[%swap3A_54] {strides = array<i32>} : memref<640xf32, #tpu.memory_space<vmem>>, vector<16xf32>,
    %swap3A_56 = vector.shape_cast %swap3A_55 : vector<16xf32> to vector<16xf32>
    %swap3A_57 = vector.shape_cast %broadcast_in_dim3A_53 : vector<16xf32> to vector<16xf32>
    tpu.vector_store %arg8[%swap3A_54], %swap3A_57 {strides = array<i32>} : memref<640xf32, #tpu.memory_space<vmem>>, vector<16xf32>,
    %broadcast_in_dim3A_58 = arith.constant 0.000000e+00 : f32
    %broadcast_in_dim3A_59 = vector.broadcast %broadcast_in_dim3A_58 : f32 to vector<16xf32>
    %swap3A_60 = arith.constant 32 : index
    %swap3A_61 = tpu.vector_load %arg8[%swap3A_60] {strides = array<i32>} : memref<640xf32, #tpu.memory_space<vmem>>, vector<16xf32>,
    %swap3A_62 = vector.shape_cast %swap3A_61 : vector<16xf32> to vector<16xf32>
    %swap3A_63 = vector.shape_cast %broadcast_in_dim3A_59 : vector<16xf32> to vector<16xf32>
    tpu.vector_store %arg8[%swap3A_60], %swap3A_63 {strides = array<i32>} : memref<640xf32, #tpu.memory_space<vmem>>, vector<16xf32>,
    %broadcast_in_dim3A_64 = arith.constant 0.000000e+00 : f32
    %broadcast_in_dim3A_65 = vector.broadcast %broadcast_in_dim3A_64 : f32 to vector<16xf32>
    %swap3A_66 = arith.constant 48 : index
    %swap3A_67 = tpu.vector_load %arg8[%swap3A_66] {strides = array<i32>} : memref<640xf32, #tpu.memory_space<vmem>>, vector<16xf32>,
    %swap3A_68 = vector.shape_cast %swap3A_67 : vector<16xf32> to vector<16xf32>
    %swap3A_69 = vector.shape_cast %broadcast_in_dim3A_65 : vector<16xf32> to vector<16xf32>
    tpu.vector_store %arg8[%swap3A_66], %swap3A_69 {strides = array<i32>} : memref<640xf32, #tpu.memory_space<vmem>>, vector<16xf32>,
    %broadcast_in_dim3A_70 = arith.constant 0.000000e+00 : f32
    %broadcast_in_dim3A_71 = vector.broadcast %broadcast_in_dim3A_70 : f32 to vector<16xf32>
    %swap3A_72 = arith.constant 64 : index
    %swap3A_73 = tpu.vector_load %arg8[%swap3A_72] {strides = array<i32>} : memref<640xf32, #tpu.memory_space<vmem>>, vector<16xf32>,
    %swap3A_74 = vector.shape_cast %swap3A_73 : vector<16xf32> to vector<16xf32>
    %swap3A_75 = vector.shape_cast %broadcast_in_dim3A_71 : vector<16xf32> to vector<16xf32>
    tpu.vector_store %arg8[%swap3A_72], %swap3A_75 {strides = array<i32>} : memref<640xf32, #tpu.memory_space<vmem>>, vector<16xf32>,
    %broadcast_in_dim3A_76 = arith.constant 0.000000e+00 : f32
    %broadcast_in_dim3A_77 = vector.broadcast %broadcast_in_dim3A_76 : f32 to vector<16xf32>
    %swap3A_78 = arith.constant 80 : index
    %swap3A_79 = tpu.vector_load %arg8[%swap3A_78] {strides = array<i32>} : memref<640xf32, #tpu.memory_space<vmem>>, vector<16xf32>,
    %swap3A_80 = vector.shape_cast %swap3A_79 : vector<16xf32> to vector<16xf32>
    %swap3A_81 = vector.shape_cast %broadcast_in_dim3A_77 : vector<16xf32> to vector<16xf32>
    tpu.vector_store %arg8[%swap3A_78], %swap3A_81 {strides = array<i32>} : memref<640xf32, #tpu.memory_space<vmem>>, vector<16xf32>,
    %broadcast_in_dim3A_82 = arith.constant 0.000000e+00 : f32
    %broadcast_in_dim3A_83 = vector.broadcast %broadcast_in_dim3A_82 : f32 to vector<16xf32>
    %swap3A_84 = arith.constant 96 : index
    %swap3A_85 = tpu.vector_load %arg8[%swap3A_84] {strides = array<i32>} : memref<640xf32, #tpu.memory_space<vmem>>, vector<16xf32>,
    %swap3A_86 = vector.shape_cast %swap3A_85 : vector<16xf32> to vector<16xf32>
    %swap3A_87 = vector.shape_cast %broadcast_in_dim3A_83 : vector<16xf32> to vector<16xf32>
    tpu.vector_store %arg8[%swap3A_84], %swap3A_87 {strides = array<i32>} : memref<640xf32, #tpu.memory_space<vmem>>, vector<16xf32>,
    %broadcast_in_dim3A_88 = arith.constant 0.000000e+00 : f32
    %broadcast_in_dim3A_89 = vector.broadcast %broadcast_in_dim3A_88 : f32 to vector<16xf32>
    %swap3A_90 = arith.constant 112 : index
    %swap3A_91 = tpu.vector_load %arg8[%swap3A_90] {strides = array<i32>} : memref<640xf32, #tpu.memory_space<vmem>>, vector<16xf32>,
    %swap3A_92 = vector.shape_cast %swap3A_91 : vector<16xf32> to vector<16xf32>
    %swap3A_93 = vector.shape_cast %broadcast_in_dim3A_89 : vector<16xf32> to vector<16xf32>
    tpu.vector_store %arg8[%swap3A_90], %swap3A_93 {strides = array<i32>} : memref<640xf32, #tpu.memory_space<vmem>>, vector<16xf32>,
    %broadcast_in_dim3A_94 = arith.constant 0.000000e+00 : f32
    %broadcast_in_dim3A_95 = vector.broadcast %broadcast_in_dim3A_94 : f32 to vector<16xf32>
    %swap3A_96 = arith.constant 128 : index
    %swap3A_97 = tpu.vector_load %arg8[%swap3A_96] {strides = array<i32>} : memref<640xf32, #tpu.memory_space<vmem>>, vector<16xf32>,
    %swap3A_98 = vector.shape_cast %swap3A_97 : vector<16xf32> to vector<16xf32>
    %swap3A_99 = vector.shape_cast %broadcast_in_dim3A_95 : vector<16xf32> to vector<16xf32>
    tpu.vector_store %arg8[%swap3A_96], %swap3A_99 {strides = array<i32>} : memref<640xf32, #tpu.memory_space<vmem>>, vector<16xf32>,
    %broadcast_in_dim3A_100 = arith.constant 0.000000e+00 : f32
    %broadcast_in_dim3A_101 = vector.broadcast %broadcast_in_dim3A_100 : f32 to vector<16xf32>
    %swap3A_102 = arith.constant 144 : index
    %swap3A_103 = tpu.vector_load %arg8[%swap3A_102] {strides = array<i32>} : memref<640xf32, #tpu.memory_space<vmem>>, vector<16xf32>,
    %swap3A_104 = vector.shape_cast %swap3A_103 : vector<16xf32> to vector<16xf32>
    %swap3A_105 = vector.shape_cast %broadcast_in_dim3A_101 : vector<16xf32> to vector<16xf32>
    tpu.vector_store %arg8[%swap3A_102], %swap3A_105 {strides = array<i32>} : memref<640xf32, #tpu.memory_space<vmem>>, vector<16xf32>,
    %broadcast_in_dim3A_106 = arith.constant 0.000000e+00 : f32
    %broadcast_in_dim3A_107 = vector.broadcast %broadcast_in_dim3A_106 : f32 to vector<16xf32>
    %swap3A_108 = arith.constant 160 : index
    %swap3A_109 = tpu.vector_load %arg8[%swap3A_108] {strides = array<i32>} : memref<640xf32, #tpu.memory_space<vmem>>, vector<16xf32>,
    %swap3A_110 = vector.shape_cast %swap3A_109 : vector<16xf32> to vector<16xf32>
    %swap3A_111 = vector.shape_cast %broadcast_in_dim3A_107 : vector<16xf32> to vector<16xf32>
    tpu.vector_store %arg8[%swap3A_108], %swap3A_111 {strides = array<i32>} : memref<640xf32, #tpu.memory_space<vmem>>, vector<16xf32>,
    %broadcast_in_dim3A_112 = arith.constant 0.000000e+00 : f32
    %broadcast_in_dim3A_113 = vector.broadcast %broadcast_in_dim3A_112 : f32 to vector<16xf32>
    %swap3A_114 = arith.constant 176 : index
    %swap3A_115 = tpu.vector_load %arg8[%swap3A_114] {strides = array<i32>} : memref<640xf32, #tpu.memory_space<vmem>>, vector<16xf32>,
    %swap3A_116 = vector.shape_cast %swap3A_115 : vector<16xf32> to vector<16xf32>
    %swap3A_117 = vector.shape_cast %broadcast_in_dim3A_113 : vector<16xf32> to vector<16xf32>
    tpu.vector_store %arg8[%swap3A_114], %swap3A_117 {strides = array<i32>} : memref<640xf32, #tpu.memory_space<vmem>>, vector<16xf32>,
    %broadcast_in_dim3A_118 = arith.constant 0.000000e+00 : f32
    %broadcast_in_dim3A_119 = vector.broadcast %broadcast_in_dim3A_118 : f32 to vector<16xf32>
    %swap3A_120 = arith.constant 192 : index
    %swap3A_121 = tpu.vector_load %arg8[%swap3A_120] {strides = array<i32>} : memref<640xf32, #tpu.memory_space<vmem>>, vector<16xf32>,
    %swap3A_122 = vector.shape_cast %swap3A_121 : vector<16xf32> to vector<16xf32>
    %swap3A_123 = vector.shape_cast %broadcast_in_dim3A_119 : vector<16xf32> to vector<16xf32>
    tpu.vector_store %arg8[%swap3A_120], %swap3A_123 {strides = array<i32>} : memref<640xf32, #tpu.memory_space<vmem>>, vector<16xf32>,
    %broadcast_in_dim3A_124 = arith.constant 0.000000e+00 : f32
    %broadcast_in_dim3A_125 = vector.broadcast %broadcast_in_dim3A_124 : f32 to vector<16xf32>
    %swap3A_126 = arith.constant 208 : index
    %swap3A_127 = tpu.vector_load %arg8[%swap3A_126] {strides = array<i32>} : memref<640xf32, #tpu.memory_space<vmem>>, vector<16xf32>,
    %swap3A_128 = vector.shape_cast %swap3A_127 : vector<16xf32> to vector<16xf32>
    %swap3A_129 = vector.shape_cast %broadcast_in_dim3A_125 : vector<16xf32> to vector<16xf32>
    tpu.vector_store %arg8[%swap3A_126], %swap3A_129 {strides = array<i32>} : memref<640xf32, #tpu.memory_space<vmem>>, vector<16xf32>,
    %broadcast_in_dim3A_130 = arith.constant 0.000000e+00 : f32
    %broadcast_in_dim3A_131 = vector.broadcast %broadcast_in_dim3A_130 : f32 to vector<16xf32>
    %swap3A_132 = arith.constant 224 : index
    %swap3A_133 = tpu.vector_load %arg8[%swap3A_132] {strides = array<i32>} : memref<640xf32, #tpu.memory_space<vmem>>, vector<16xf32>,
    %swap3A_134 = vector.shape_cast %swap3A_133 : vector<16xf32> to vector<16xf32>
    %swap3A_135 = vector.shape_cast %broadcast_in_dim3A_131 : vector<16xf32> to vector<16xf32>
    tpu.vector_store %arg8[%swap3A_132], %swap3A_135 {strides = array<i32>} : memref<640xf32, #tpu.memory_space<vmem>>, vector<16xf32>,
    %broadcast_in_dim3A_136 = arith.constant 0.000000e+00 : f32
    %broadcast_in_dim3A_137 = vector.broadcast %broadcast_in_dim3A_136 : f32 to vector<16xf32>
    %swap3A_138 = arith.constant 240 : index
    %swap3A_139 = tpu.vector_load %arg8[%swap3A_138] {strides = array<i32>} : memref<640xf32, #tpu.memory_space<vmem>>, vector<16xf32>,
    %swap3A_140 = vector.shape_cast %swap3A_139 : vector<16xf32> to vector<16xf32>
    %swap3A_141 = vector.shape_cast %broadcast_in_dim3A_137 : vector<16xf32> to vector<16xf32>
    tpu.vector_store %arg8[%swap3A_138], %swap3A_141 {strides = array<i32>} : memref<640xf32, #tpu.memory_space<vmem>>, vector<16xf32>,
    %broadcast_in_dim3A_142 = arith.constant 0.000000e+00 : f32
    %broadcast_in_dim3A_143 = vector.broadcast %broadcast_in_dim3A_142 : f32 to vector<16xf32>
    %swap3A_144 = arith.constant 256 : index
    %swap3A_145 = tpu.vector_load %arg8[%swap3A_144] {strides = array<i32>} : memref<640xf32, #tpu.memory_space<vmem>>, vector<16xf32>,
    %swap3A_146 = vector.shape_cast %swap3A_145 : vector<16xf32> to vector<16xf32>
    %swap3A_147 = vector.shape_cast %broadcast_in_dim3A_143 : vector<16xf32> to vector<16xf32>
    tpu.vector_store %arg8[%swap3A_144], %swap3A_147 {strides = array<i32>} : memref<640xf32, #tpu.memory_space<vmem>>, vector<16xf32>,
    %broadcast_in_dim3A_148 = arith.constant 0.000000e+00 : f32
    %broadcast_in_dim3A_149 = vector.broadcast %broadcast_in_dim3A_148 : f32 to vector<16xf32>
    %swap3A_150 = arith.constant 272 : index
    %swap3A_151 = tpu.vector_load %arg8[%swap3A_150] {strides = array<i32>} : memref<640xf32, #tpu.memory_space<vmem>>, vector<16xf32>,
    %swap3A_152 = vector.shape_cast %swap3A_151 : vector<16xf32> to vector<16xf32>
    %swap3A_153 = vector.shape_cast %broadcast_in_dim3A_149 : vector<16xf32> to vector<16xf32>
    tpu.vector_store %arg8[%swap3A_150], %swap3A_153 {strides = array<i32>} : memref<640xf32, #tpu.memory_space<vmem>>, vector<16xf32>,
    %broadcast_in_dim3A_154 = arith.constant 0.000000e+00 : f32
    %broadcast_in_dim3A_155 = vector.broadcast %broadcast_in_dim3A_154 : f32 to vector<16xf32>
    %swap3A_156 = arith.constant 288 : index
    %swap3A_157 = tpu.vector_load %arg8[%swap3A_156] {strides = array<i32>} : memref<640xf32, #tpu.memory_space<vmem>>, vector<16xf32>,
    %swap3A_158 = vector.shape_cast %swap3A_157 : vector<16xf32> to vector<16xf32>
    %swap3A_159 = vector.shape_cast %broadcast_in_dim3A_155 : vector<16xf32> to vector<16xf32>
    tpu.vector_store %arg8[%swap3A_156], %swap3A_159 {strides = array<i32>} : memref<640xf32, #tpu.memory_space<vmem>>, vector<16xf32>,
    %broadcast_in_dim3A_160 = arith.constant 0.000000e+00 : f32
    %broadcast_in_dim3A_161 = vector.broadcast %broadcast_in_dim3A_160 : f32 to vector<16xf32>
    %swap3A_162 = arith.constant 304 : index
    %swap3A_163 = tpu.vector_load %arg8[%swap3A_162] {strides = array<i32>} : memref<640xf32, #tpu.memory_space<vmem>>, vector<16xf32>,
    %swap3A_164 = vector.shape_cast %swap3A_163 : vector<16xf32> to vector<16xf32>
    %swap3A_165 = vector.shape_cast %broadcast_in_dim3A_161 : vector<16xf32> to vector<16xf32>
    tpu.vector_store %arg8[%swap3A_162], %swap3A_165 {strides = array<i32>} : memref<640xf32, #tpu.memory_space<vmem>>, vector<16xf32>,
    %broadcast_in_dim3A_166 = arith.constant 0.000000e+00 : f32
    %broadcast_in_dim3A_167 = vector.broadcast %broadcast_in_dim3A_166 : f32 to vector<16xf32>
    %swap3A_168 = arith.constant 320 : index
    %swap3A_169 = tpu.vector_load %arg8[%swap3A_168] {strides = array<i32>} : memref<640xf32, #tpu.memory_space<vmem>>, vector<16xf32>,
    %swap3A_170 = vector.shape_cast %swap3A_169 : vector<16xf32> to vector<16xf32>
    %swap3A_171 = vector.shape_cast %broadcast_in_dim3A_167 : vector<16xf32> to vector<16xf32>
    tpu.vector_store %arg8[%swap3A_168], %swap3A_171 {strides = array<i32>} : memref<640xf32, #tpu.memory_space<vmem>>, vector<16xf32>,
    %broadcast_in_dim3A_172 = arith.constant 0.000000e+00 : f32
    %broadcast_in_dim3A_173 = vector.broadcast %broadcast_in_dim3A_172 : f32 to vector<16xf32>
    %swap3A_174 = arith.constant 336 : index
    %swap3A_175 = tpu.vector_load %arg8[%swap3A_174] {strides = array<i32>} : memref<640xf32, #tpu.memory_space<vmem>>, vector<16xf32>,
    %swap3A_176 = vector.shape_cast %swap3A_175 : vector<16xf32> to vector<16xf32>
    %swap3A_177 = vector.shape_cast %broadcast_in_dim3A_173 : vector<16xf32> to vector<16xf32>
    tpu.vector_store %arg8[%swap3A_174], %swap3A_177 {strides = array<i32>} : memref<640xf32, #tpu.memory_space<vmem>>, vector<16xf32>,
    %broadcast_in_dim3A_178 = arith.constant 0.000000e+00 : f32
    %broadcast_in_dim3A_179 = vector.broadcast %broadcast_in_dim3A_178 : f32 to vector<16xf32>
    %swap3A_180 = arith.constant 352 : index
    %swap3A_181 = tpu.vector_load %arg8[%swap3A_180] {strides = array<i32>} : memref<640xf32, #tpu.memory_space<vmem>>, vector<16xf32>,
    %swap3A_182 = vector.shape_cast %swap3A_181 : vector<16xf32> to vector<16xf32>
    %swap3A_183 = vector.shape_cast %broadcast_in_dim3A_179 : vector<16xf32> to vector<16xf32>
    tpu.vector_store %arg8[%swap3A_180], %swap3A_183 {strides = array<i32>} : memref<640xf32, #tpu.memory_space<vmem>>, vector<16xf32>,
    %broadcast_in_dim3A_184 = arith.constant 0.000000e+00 : f32
    %broadcast_in_dim3A_185 = vector.broadcast %broadcast_in_dim3A_184 : f32 to vector<16xf32>
    %swap3A_186 = arith.constant 368 : index
    %swap3A_187 = tpu.vector_load %arg8[%swap3A_186] {strides = array<i32>} : memref<640xf32, #tpu.memory_space<vmem>>, vector<16xf32>,
    %swap3A_188 = vector.shape_cast %swap3A_187 : vector<16xf32> to vector<16xf32>
    %swap3A_189 = vector.shape_cast %broadcast_in_dim3A_185 : vector<16xf32> to vector<16xf32>
    tpu.vector_store %arg8[%swap3A_186], %swap3A_189 {strides = array<i32>} : memref<640xf32, #tpu.memory_space<vmem>>, vector<16xf32>,
    %broadcast_in_dim3A_190 = arith.constant 0.000000e+00 : f32
    %broadcast_in_dim3A_191 = vector.broadcast %broadcast_in_dim3A_190 : f32 to vector<16xf32>
    %swap3A_192 = arith.constant 384 : index
    %swap3A_193 = tpu.vector_load %arg8[%swap3A_192] {strides = array<i32>} : memref<640xf32, #tpu.memory_space<vmem>>, vector<16xf32>,
    %swap3A_194 = vector.shape_cast %swap3A_193 : vector<16xf32> to vector<16xf32>
    %swap3A_195 = vector.shape_cast %broadcast_in_dim3A_191 : vector<16xf32> to vector<16xf32>
    tpu.vector_store %arg8[%swap3A_192], %swap3A_195 {strides = array<i32>} : memref<640xf32, #tpu.memory_space<vmem>>, vector<16xf32>,
    %broadcast_in_dim3A_196 = arith.constant 0.000000e+00 : f32
    %broadcast_in_dim3A_197 = vector.broadcast %broadcast_in_dim3A_196 : f32 to vector<16xf32>
    %swap3A_198 = arith.constant 400 : index
    %swap3A_199 = tpu.vector_load %arg8[%swap3A_198] {strides = array<i32>} : memref<640xf32, #tpu.memory_space<vmem>>, vector<16xf32>,
    %swap3A_200 = vector.shape_cast %swap3A_199 : vector<16xf32> to vector<16xf32>
    %swap3A_201 = vector.shape_cast %broadcast_in_dim3A_197 : vector<16xf32> to vector<16xf32>
    tpu.vector_store %arg8[%swap3A_198], %swap3A_201 {strides = array<i32>} : memref<640xf32, #tpu.memory_space<vmem>>, vector<16xf32>,
    %broadcast_in_dim3A_202 = arith.constant 0.000000e+00 : f32
    %broadcast_in_dim3A_203 = vector.broadcast %broadcast_in_dim3A_202 : f32 to vector<16xf32>
    %swap3A_204 = arith.constant 416 : index
    %swap3A_205 = tpu.vector_load %arg8[%swap3A_204] {strides = array<i32>} : memref<640xf32, #tpu.memory_space<vmem>>, vector<16xf32>,
    %swap3A_206 = vector.shape_cast %swap3A_205 : vector<16xf32> to vector<16xf32>
    %swap3A_207 = vector.shape_cast %broadcast_in_dim3A_203 : vector<16xf32> to vector<16xf32>
    tpu.vector_store %arg8[%swap3A_204], %swap3A_207 {strides = array<i32>} : memref<640xf32, #tpu.memory_space<vmem>>, vector<16xf32>,
    %broadcast_in_dim3A_208 = arith.constant 0.000000e+00 : f32
    %broadcast_in_dim3A_209 = vector.broadcast %broadcast_in_dim3A_208 : f32 to vector<16xf32>
    %swap3A_210 = arith.constant 432 : index
    %swap3A_211 = tpu.vector_load %arg8[%swap3A_210] {strides = array<i32>} : memref<640xf32, #tpu.memory_space<vmem>>, vector<16xf32>,
    %swap3A_212 = vector.shape_cast %swap3A_211 : vector<16xf32> to vector<16xf32>
    %swap3A_213 = vector.shape_cast %broadcast_in_dim3A_209 : vector<16xf32> to vector<16xf32>
    tpu.vector_store %arg8[%swap3A_210], %swap3A_213 {strides = array<i32>} : memref<640xf32, #tpu.memory_space<vmem>>, vector<16xf32>,
    %broadcast_in_dim3A_214 = arith.constant 0.000000e+00 : f32
    %broadcast_in_dim3A_215 = vector.broadcast %broadcast_in_dim3A_214 : f32 to vector<16xf32>
    %swap3A_216 = arith.constant 448 : index
    %swap3A_217 = tpu.vector_load %arg8[%swap3A_216] {strides = array<i32>} : memref<640xf32, #tpu.memory_space<vmem>>, vector<16xf32>,
    %swap3A_218 = vector.shape_cast %swap3A_217 : vector<16xf32> to vector<16xf32>
    %swap3A_219 = vector.shape_cast %broadcast_in_dim3A_215 : vector<16xf32> to vector<16xf32>
    tpu.vector_store %arg8[%swap3A_216], %swap3A_219 {strides = array<i32>} : memref<640xf32, #tpu.memory_space<vmem>>, vector<16xf32>,
    %broadcast_in_dim3A_220 = arith.constant 0.000000e+00 : f32
    %broadcast_in_dim3A_221 = vector.broadcast %broadcast_in_dim3A_220 : f32 to vector<16xf32>
    %swap3A_222 = arith.constant 464 : index
    %swap3A_223 = tpu.vector_load %arg8[%swap3A_222] {strides = array<i32>} : memref<640xf32, #tpu.memory_space<vmem>>, vector<16xf32>,
    %swap3A_224 = vector.shape_cast %swap3A_223 : vector<16xf32> to vector<16xf32>
    %swap3A_225 = vector.shape_cast %broadcast_in_dim3A_221 : vector<16xf32> to vector<16xf32>
    tpu.vector_store %arg8[%swap3A_222], %swap3A_225 {strides = array<i32>} : memref<640xf32, #tpu.memory_space<vmem>>, vector<16xf32>,
    %broadcast_in_dim3A_226 = arith.constant 0.000000e+00 : f32
    %broadcast_in_dim3A_227 = vector.broadcast %broadcast_in_dim3A_226 : f32 to vector<16xf32>
    %swap3A_228 = arith.constant 480 : index
    %swap3A_229 = tpu.vector_load %arg8[%swap3A_228] {strides = array<i32>} : memref<640xf32, #tpu.memory_space<vmem>>, vector<16xf32>,
    %swap3A_230 = vector.shape_cast %swap3A_229 : vector<16xf32> to vector<16xf32>
    %swap3A_231 = vector.shape_cast %broadcast_in_dim3A_227 : vector<16xf32> to vector<16xf32>
    tpu.vector_store %arg8[%swap3A_228], %swap3A_231 {strides = array<i32>} : memref<640xf32, #tpu.memory_space<vmem>>, vector<16xf32>,
    %broadcast_in_dim3A_232 = arith.constant 0.000000e+00 : f32
    %broadcast_in_dim3A_233 = vector.broadcast %broadcast_in_dim3A_232 : f32 to vector<16xf32>
    %swap3A_234 = arith.constant 496 : index
    %swap3A_235 = tpu.vector_load %arg8[%swap3A_234] {strides = array<i32>} : memref<640xf32, #tpu.memory_space<vmem>>, vector<16xf32>,
    %swap3A_236 = vector.shape_cast %swap3A_235 : vector<16xf32> to vector<16xf32>
    %swap3A_237 = vector.shape_cast %broadcast_in_dim3A_233 : vector<16xf32> to vector<16xf32>
    tpu.vector_store %arg8[%swap3A_234], %swap3A_237 {strides = array<i32>} : memref<640xf32, #tpu.memory_space<vmem>>, vector<16xf32>,
    %broadcast_in_dim3A_238 = arith.constant 0.000000e+00 : f32
    %broadcast_in_dim3A_239 = vector.broadcast %broadcast_in_dim3A_238 : f32 to vector<16xf32>
    %swap3A_240 = arith.constant 512 : index
    %swap3A_241 = tpu.vector_load %arg8[%swap3A_240] {strides = array<i32>} : memref<640xf32, #tpu.memory_space<vmem>>, vector<16xf32>,
    %swap3A_242 = vector.shape_cast %swap3A_241 : vector<16xf32> to vector<16xf32>
    %swap3A_243 = vector.shape_cast %broadcast_in_dim3A_239 : vector<16xf32> to vector<16xf32>
    tpu.vector_store %arg8[%swap3A_240], %swap3A_243 {strides = array<i32>} : memref<640xf32, #tpu.memory_space<vmem>>, vector<16xf32>,
    %broadcast_in_dim3A_244 = arith.constant 0.000000e+00 : f32
    %broadcast_in_dim3A_245 = vector.broadcast %broadcast_in_dim3A_244 : f32 to vector<16xf32>
    %swap3A_246 = arith.constant 528 : index
    %swap3A_247 = tpu.vector_load %arg8[%swap3A_246] {strides = array<i32>} : memref<640xf32, #tpu.memory_space<vmem>>, vector<16xf32>,
    %swap3A_248 = vector.shape_cast %swap3A_247 : vector<16xf32> to vector<16xf32>
    %swap3A_249 = vector.shape_cast %broadcast_in_dim3A_245 : vector<16xf32> to vector<16xf32>
    tpu.vector_store %arg8[%swap3A_246], %swap3A_249 {strides = array<i32>} : memref<640xf32, #tpu.memory_space<vmem>>, vector<16xf32>,
    %broadcast_in_dim3A_250 = arith.constant 0.000000e+00 : f32
    %broadcast_in_dim3A_251 = vector.broadcast %broadcast_in_dim3A_250 : f32 to vector<16xf32>
    %swap3A_252 = arith.constant 544 : index
    %swap3A_253 = tpu.vector_load %arg8[%swap3A_252] {strides = array<i32>} : memref<640xf32, #tpu.memory_space<vmem>>, vector<16xf32>,
    %swap3A_254 = vector.shape_cast %swap3A_253 : vector<16xf32> to vector<16xf32>
    %swap3A_255 = vector.shape_cast %broadcast_in_dim3A_251 : vector<16xf32> to vector<16xf32>
    tpu.vector_store %arg8[%swap3A_252], %swap3A_255 {strides = array<i32>} : memref<640xf32, #tpu.memory_space<vmem>>, vector<16xf32>,
    %broadcast_in_dim3A_256 = arith.constant 0.000000e+00 : f32
    %broadcast_in_dim3A_257 = vector.broadcast %broadcast_in_dim3A_256 : f32 to vector<16xf32>
    %swap3A_258 = arith.constant 560 : index
    %swap3A_259 = tpu.vector_load %arg8[%swap3A_258] {strides = array<i32>} : memref<640xf32, #tpu.memory_space<vmem>>, vector<16xf32>,
    %swap3A_260 = vector.shape_cast %swap3A_259 : vector<16xf32> to vector<16xf32>
    %swap3A_261 = vector.shape_cast %broadcast_in_dim3A_257 : vector<16xf32> to vector<16xf32>
    tpu.vector_store %arg8[%swap3A_258], %swap3A_261 {strides = array<i32>} : memref<640xf32, #tpu.memory_space<vmem>>, vector<16xf32>,
    %broadcast_in_dim3A_262 = arith.constant 0.000000e+00 : f32
    %broadcast_in_dim3A_263 = vector.broadcast %broadcast_in_dim3A_262 : f32 to vector<16xf32>
    %swap3A_264 = arith.constant 576 : index
    %swap3A_265 = tpu.vector_load %arg8[%swap3A_264] {strides = array<i32>} : memref<640xf32, #tpu.memory_space<vmem>>, vector<16xf32>,
    %swap3A_266 = vector.shape_cast %swap3A_265 : vector<16xf32> to vector<16xf32>
    %swap3A_267 = vector.shape_cast %broadcast_in_dim3A_263 : vector<16xf32> to vector<16xf32>
    tpu.vector_store %arg8[%swap3A_264], %swap3A_267 {strides = array<i32>} : memref<640xf32, #tpu.memory_space<vmem>>, vector<16xf32>,
    %broadcast_in_dim3A_268 = arith.constant 0.000000e+00 : f32
    %broadcast_in_dim3A_269 = vector.broadcast %broadcast_in_dim3A_268 : f32 to vector<16xf32>
    %swap3A_270 = arith.constant 592 : index
    %swap3A_271 = tpu.vector_load %arg8[%swap3A_270] {strides = array<i32>} : memref<640xf32, #tpu.memory_space<vmem>>, vector<16xf32>,
    %swap3A_272 = vector.shape_cast %swap3A_271 : vector<16xf32> to vector<16xf32>
    %swap3A_273 = vector.shape_cast %broadcast_in_dim3A_269 : vector<16xf32> to vector<16xf32>
    tpu.vector_store %arg8[%swap3A_270], %swap3A_273 {strides = array<i32>} : memref<640xf32, #tpu.memory_space<vmem>>, vector<16xf32>,
    %broadcast_in_dim3A_274 = arith.constant 0.000000e+00 : f32
    %broadcast_in_dim3A_275 = vector.broadcast %broadcast_in_dim3A_274 : f32 to vector<16xf32>
    %swap3A_276 = arith.constant 608 : index
    %swap3A_277 = tpu.vector_load %arg8[%swap3A_276] {strides = array<i32>} : memref<640xf32, #tpu.memory_space<vmem>>, vector<16xf32>,
    %swap3A_278 = vector.shape_cast %swap3A_277 : vector<16xf32> to vector<16xf32>
    %swap3A_279 = vector.shape_cast %broadcast_in_dim3A_275 : vector<16xf32> to vector<16xf32>
    tpu.vector_store %arg8[%swap3A_276], %swap3A_279 {strides = array<i32>} : memref<640xf32, #tpu.memory_space<vmem>>, vector<16xf32>,
    %broadcast_in_dim3A_280 = arith.constant 0.000000e+00 : f32
    %broadcast_in_dim3A_281 = vector.broadcast %broadcast_in_dim3A_280 : f32 to vector<16xf32>
    %swap3A_282 = arith.constant 624 : index
    %swap3A_283 = tpu.vector_load %arg8[%swap3A_282] {strides = array<i32>} : memref<640xf32, #tpu.memory_space<vmem>>, vector<16xf32>,
    %swap3A_284 = vector.shape_cast %swap3A_283 : vector<16xf32> to vector<16xf32>
    %swap3A_285 = vector.shape_cast %broadcast_in_dim3A_281 : vector<16xf32> to vector<16xf32>
    tpu.vector_store %arg8[%swap3A_282], %swap3A_285 {strides = array<i32>} : memref<640xf32, #tpu.memory_space<vmem>>, vector<16xf32>,
    %mul3A = arith.constant 640 : i32
    %mul3A_286 = arith.muli %arg1, %mul3A : i32
    "tpu.region"() ({
      %run_scoped3A = tpu.sem_alloc : memref<!tpu.dma_semaphore, #tpu.memory_space<semaphore_mem>>
      %dma_start3A = tpu.memref_slice %arg5[%mul3A_286] : memref<10240xf32, #tpu.memory_space<vmem_shared>> -> memref<640xf32, #tpu.memory_space<vmem_shared>>
      %dma_start3A_302 = tpu.memref_slice %arg5[%mul3A_286] : memref<10240xf32, #tpu.memory_space<vmem_shared>> -> memref<640xf32, #tpu.memory_space<vmem_shared>>
      tpu.enqueue_dma source(%arg8 : memref<640xf32, #tpu.memory_space<vmem>>) target(%dma_start3A_302 : memref<640xf32, #tpu.memory_space<vmem_shared>>) target_semaphore(%run_scoped3A : memref<!tpu.dma_semaphore, #tpu.memory_space<semaphore_mem>>)
      %dma_wait3A = tpu.memref_slice %arg5[%mul3A_286] : memref<10240xf32, #tpu.memory_space<vmem_shared>> -> memref<640xf32, #tpu.memory_space<vmem_shared>>
      %dma_wait3A_303 = tpu.memref_slice %arg5[%mul3A_286] : memref<10240xf32, #tpu.memory_space<vmem_shared>> -> memref<640xf32, #tpu.memory_space<vmem_shared>>
      tpu.wait_dma2 semaphore(%run_scoped3A : memref<!tpu.dma_semaphore, #tpu.memory_space<semaphore_mem>>) src(%arg8 : memref<640xf32, #tpu.memory_space<vmem>>) dst(%dma_wait3A_303 : memref<640xf32, #tpu.memory_space<vmem_shared>>)
      tpu.yield
    }) : () -> ()
    %barrier3A = arith.constant 0 : index
    tpu.barrier barrier_id(%barrier3A)
    %mul3A_287 = arith.constant 16 : i32
    %mul3A_288 = arith.muli %arg0, %mul3A_287 : i32
    %add3A = arith.addi %mul3A_288, %arg1 : i32
    %scan3A = arith.constant 0 : i32
    %scan3A_289 = arith.constant 0 : i32
    %scan3A_290 = arith.constant 10 : i32
    %scan3A_291 = arith.addi %scan3A_289, %scan3A_290 : i32
    %scan3A_292 = arith.constant 1 : i32
    scf.for %scan3A_302 = %scan3A_289 to %scan3A_291 step %scan3A_292  : i32 {
      %mul3A_303 = arith.constant 80 : i32
      %mul3A_304 = arith.muli %add3A, %mul3A_303 : i32
      %mul3A_305 = arith.constant 8 : i32
      %mul3A_306 = arith.muli %scan3A_302, %mul3A_305 : i32
      %add3A_307 = arith.addi %mul3A_304, %mul3A_306 : i32
      "tpu.region"() ({
        %run_scoped3A_315 = tpu.sem_alloc : memref<!tpu.dma_semaphore, #tpu.memory_space<semaphore_mem>>
        %dma_start3A = arith.constant 0 : i32
        %dma_start3A_316 = tpu.memref_slice %arg2[%add3A_307, %dma_start3A] : memref<2560x128xi32, #tpu.memory_space<hbm>> -> memref<8x128xi32, #tpu.memory_space<hbm>>
        %dma_start3A_317 = arith.constant 0 : i32
        %dma_start3A_318 = tpu.memref_slice %arg2[%add3A_307, %dma_start3A_317] : memref<2560x128xi32, #tpu.memory_space<hbm>> -> memref<8x128xi32, #tpu.memory_space<hbm>>
        tpu.enqueue_dma source(%dma_start3A_318 : memref<8x128xi32, #tpu.memory_space<hbm>>) target(%arg6 : memref<8x128xi32, #tpu.memory_space<vmem>>) target_semaphore(%run_scoped3A_315 : memref<!tpu.dma_semaphore, #tpu.memory_space<semaphore_mem>>)
        %dma_wait3A = arith.constant 0 : i32
        %dma_wait3A_319 = tpu.memref_slice %arg2[%add3A_307, %dma_wait3A] : memref<2560x128xi32, #tpu.memory_space<hbm>> -> memref<8x128xi32, #tpu.memory_space<hbm>>
        %dma_wait3A_320 = arith.constant 0 : i32
        %dma_wait3A_321 = tpu.memref_slice %arg2[%add3A_307, %dma_wait3A_320] : memref<2560x128xi32, #tpu.memory_space<hbm>> -> memref<8x128xi32, #tpu.memory_space<hbm>>
        tpu.wait_dma2 semaphore(%run_scoped3A_315 : memref<!tpu.dma_semaphore, #tpu.memory_space<semaphore_mem>>) src(%dma_wait3A_321 : memref<8x128xi32, #tpu.memory_space<hbm>>) dst(%arg6 : memref<8x128xi32, #tpu.memory_space<vmem>>)
        tpu.yield
      }) : () -> ()
      %run_scoped3A = arith.constant 0 : i32
      "tpu.region"() ({
        %run_scoped3A_315 = tpu.sem_alloc : memref<!tpu.dma_semaphore, #tpu.memory_space<semaphore_mem>>
        %dma_start3A = arith.constant 0 : i32
        %dma_start3A_316 = tpu.memref_slice %arg6[%run_scoped3A, %dma_start3A] : memref<8x128xi32, #tpu.memory_space<vmem>> -> memref<1x128xi32, #tpu.memory_space<vmem>>
        %dma_start3A_317 = tpu.memref_squeeze %dma_start3A_316 : memref<1x128xi32, #tpu.memory_space<vmem>> -> memref<128xi32, #tpu.memory_space<vmem>>
        %dma_start3A_318 = arith.constant 0 : i32
        %dma_start3A_319 = tpu.memref_slice %arg5[%dma_start3A_318] : memref<10240xf32, #tpu.memory_space<vmem_shared>> -> memref<10240xf32, #tpu.memory_space<vmem_shared>>
        tpu.enqueue_indirect_dma source(%arg7 : memref<128xf32, #tpu.memory_space<vmem>>) target(%dma_start3A_319 : memref<10240xf32, #tpu.memory_space<vmem_shared>>) offsets(%dma_start3A_317 : memref<128xi32, #tpu.memory_space<vmem>>) semaphore(%run_scoped3A_315 : memref<!tpu.dma_semaphore, #tpu.memory_space<semaphore_mem>>) {add = true}
        %dma_wait3A = arith.constant 0 : i32
        %dma_wait3A_320 = tpu.memref_slice %arg6[%run_scoped3A, %dma_wait3A] : memref<8x128xi32, #tpu.memory_space<vmem>> -> memref<1x128xi32, #tpu.memory_space<vmem>>
        %dma_wait3A_321 = tpu.memref_squeeze %dma_wait3A_320 : memref<1x128xi32, #tpu.memory_space<vmem>> -> memref<128xi32, #tpu.memory_space<vmem>>
        %dma_wait3A_322 = arith.constant 0 : i32
        %dma_wait3A_323 = tpu.memref_slice %arg5[%dma_wait3A_322] : memref<10240xf32, #tpu.memory_space<vmem_shared>> -> memref<10240xf32, #tpu.memory_space<vmem_shared>>
        tpu.wait_indirect_dma semaphore(%run_scoped3A_315 : memref<!tpu.dma_semaphore, #tpu.memory_space<semaphore_mem>>) src(%arg7 : memref<128xf32, #tpu.memory_space<vmem>>) dst(%dma_wait3A_323 : memref<10240xf32, #tpu.memory_space<vmem_shared>>)
        tpu.yield
      }) : () -> ()
      %run_scoped3A_308 = arith.constant 1 : i32
      "tpu.region"() ({
        %run_scoped3A_315 = tpu.sem_alloc : memref<!tpu.dma_semaphore, #tpu.memory_space<semaphore_mem>>
        %dma_start3A = arith.constant 0 : i32
        %dma_start3A_316 = tpu.memref_slice %arg6[%run_scoped3A_308, %dma_start3A] : memref<8x128xi32, #tpu.memory_space<vmem>> -> memref<1x128xi32, #tpu.memory_space<vmem>>
        %dma_start3A_317 = tpu.memref_squeeze %dma_start3A_316 : memref<1x128xi32, #tpu.memory_space<vmem>> -> memref<128xi32, #tpu.memory_space<vmem>>
        %dma_start3A_318 = arith.constant 0 : i32
        %dma_start3A_319 = tpu.memref_slice %arg5[%dma_start3A_318] : memref<10240xf32, #tpu.memory_space<vmem_shared>> -> memref<10240xf32, #tpu.memory_space<vmem_shared>>
        tpu.enqueue_indirect_dma source(%arg7 : memref<128xf32, #tpu.memory_space<vmem>>) target(%dma_start3A_319 : memref<10240xf32, #tpu.memory_space<vmem_shared>>) offsets(%dma_start3A_317 : memref<128xi32, #tpu.memory_space<vmem>>) semaphore(%run_scoped3A_315 : memref<!tpu.dma_semaphore, #tpu.memory_space<semaphore_mem>>) {add = true}
        %dma_wait3A = arith.constant 0 : i32
        %dma_wait3A_320 = tpu.memref_slice %arg6[%run_scoped3A_308, %dma_wait3A] : memref<8x128xi32, #tpu.memory_space<vmem>> -> memref<1x128xi32, #tpu.memory_space<vmem>>
        %dma_wait3A_321 = tpu.memref_squeeze %dma_wait3A_320 : memref<1x128xi32, #tpu.memory_space<vmem>> -> memref<128xi32, #tpu.memory_space<vmem>>
        %dma_wait3A_322 = arith.constant 0 : i32
        %dma_wait3A_323 = tpu.memref_slice %arg5[%dma_wait3A_322] : memref<10240xf32, #tpu.memory_space<vmem_shared>> -> memref<10240xf32, #tpu.memory_space<vmem_shared>>
        tpu.wait_indirect_dma semaphore(%run_scoped3A_315 : memref<!tpu.dma_semaphore, #tpu.memory_space<semaphore_mem>>) src(%arg7 : memref<128xf32, #tpu.memory_space<vmem>>) dst(%dma_wait3A_323 : memref<10240xf32, #tpu.memory_space<vmem_shared>>)
        tpu.yield
      }) : () -> ()
      %run_scoped3A_309 = arith.constant 2 : i32
      "tpu.region"() ({
        %run_scoped3A_315 = tpu.sem_alloc : memref<!tpu.dma_semaphore, #tpu.memory_space<semaphore_mem>>
        %dma_start3A = arith.constant 0 : i32
        %dma_start3A_316 = tpu.memref_slice %arg6[%run_scoped3A_309, %dma_start3A] : memref<8x128xi32, #tpu.memory_space<vmem>> -> memref<1x128xi32, #tpu.memory_space<vmem>>
        %dma_start3A_317 = tpu.memref_squeeze %dma_start3A_316 : memref<1x128xi32, #tpu.memory_space<vmem>> -> memref<128xi32, #tpu.memory_space<vmem>>
        %dma_start3A_318 = arith.constant 0 : i32
        %dma_start3A_319 = tpu.memref_slice %arg5[%dma_start3A_318] : memref<10240xf32, #tpu.memory_space<vmem_shared>> -> memref<10240xf32, #tpu.memory_space<vmem_shared>>
        tpu.enqueue_indirect_dma source(%arg7 : memref<128xf32, #tpu.memory_space<vmem>>) target(%dma_start3A_319 : memref<10240xf32, #tpu.memory_space<vmem_shared>>) offsets(%dma_start3A_317 : memref<128xi32, #tpu.memory_space<vmem>>) semaphore(%run_scoped3A_315 : memref<!tpu.dma_semaphore, #tpu.memory_space<semaphore_mem>>) {add = true}
        %dma_wait3A = arith.constant 0 : i32
        %dma_wait3A_320 = tpu.memref_slice %arg6[%run_scoped3A_309, %dma_wait3A] : memref<8x128xi32, #tpu.memory_space<vmem>> -> memref<1x128xi32, #tpu.memory_space<vmem>>
        %dma_wait3A_321 = tpu.memref_squeeze %dma_wait3A_320 : memref<1x128xi32, #tpu.memory_space<vmem>> -> memref<128xi32, #tpu.memory_space<vmem>>
        %dma_wait3A_322 = arith.constant 0 : i32
        %dma_wait3A_323 = tpu.memref_slice %arg5[%dma_wait3A_322] : memref<10240xf32, #tpu.memory_space<vmem_shared>> -> memref<10240xf32, #tpu.memory_space<vmem_shared>>
        tpu.wait_indirect_dma semaphore(%run_scoped3A_315 : memref<!tpu.dma_semaphore, #tpu.memory_space<semaphore_mem>>) src(%arg7 : memref<128xf32, #tpu.memory_space<vmem>>) dst(%dma_wait3A_323 : memref<10240xf32, #tpu.memory_space<vmem_shared>>)
        tpu.yield
      }) : () -> ()
      %run_scoped3A_310 = arith.constant 3 : i32
      "tpu.region"() ({
        %run_scoped3A_315 = tpu.sem_alloc : memref<!tpu.dma_semaphore, #tpu.memory_space<semaphore_mem>>
        %dma_start3A = arith.constant 0 : i32
        %dma_start3A_316 = tpu.memref_slice %arg6[%run_scoped3A_310, %dma_start3A] : memref<8x128xi32, #tpu.memory_space<vmem>> -> memref<1x128xi32, #tpu.memory_space<vmem>>
        %dma_start3A_317 = tpu.memref_squeeze %dma_start3A_316 : memref<1x128xi32, #tpu.memory_space<vmem>> -> memref<128xi32, #tpu.memory_space<vmem>>
        %dma_start3A_318 = arith.constant 0 : i32
        %dma_start3A_319 = tpu.memref_slice %arg5[%dma_start3A_318] : memref<10240xf32, #tpu.memory_space<vmem_shared>> -> memref<10240xf32, #tpu.memory_space<vmem_shared>>
        tpu.enqueue_indirect_dma source(%arg7 : memref<128xf32, #tpu.memory_space<vmem>>) target(%dma_start3A_319 : memref<10240xf32, #tpu.memory_space<vmem_shared>>) offsets(%dma_start3A_317 : memref<128xi32, #tpu.memory_space<vmem>>) semaphore(%run_scoped3A_315 : memref<!tpu.dma_semaphore, #tpu.memory_space<semaphore_mem>>) {add = true}
        %dma_wait3A = arith.constant 0 : i32
        %dma_wait3A_320 = tpu.memref_slice %arg6[%run_scoped3A_310, %dma_wait3A] : memref<8x128xi32, #tpu.memory_space<vmem>> -> memref<1x128xi32, #tpu.memory_space<vmem>>
        %dma_wait3A_321 = tpu.memref_squeeze %dma_wait3A_320 : memref<1x128xi32, #tpu.memory_space<vmem>> -> memref<128xi32, #tpu.memory_space<vmem>>
        %dma_wait3A_322 = arith.constant 0 : i32
        %dma_wait3A_323 = tpu.memref_slice %arg5[%dma_wait3A_322] : memref<10240xf32, #tpu.memory_space<vmem_shared>> -> memref<10240xf32, #tpu.memory_space<vmem_shared>>
        tpu.wait_indirect_dma semaphore(%run_scoped3A_315 : memref<!tpu.dma_semaphore, #tpu.memory_space<semaphore_mem>>) src(%arg7 : memref<128xf32, #tpu.memory_space<vmem>>) dst(%dma_wait3A_323 : memref<10240xf32, #tpu.memory_space<vmem_shared>>)
        tpu.yield
      }) : () -> ()
      %run_scoped3A_311 = arith.constant 4 : i32
      "tpu.region"() ({
        %run_scoped3A_315 = tpu.sem_alloc : memref<!tpu.dma_semaphore, #tpu.memory_space<semaphore_mem>>
        %dma_start3A = arith.constant 0 : i32
        %dma_start3A_316 = tpu.memref_slice %arg6[%run_scoped3A_311, %dma_start3A] : memref<8x128xi32, #tpu.memory_space<vmem>> -> memref<1x128xi32, #tpu.memory_space<vmem>>
        %dma_start3A_317 = tpu.memref_squeeze %dma_start3A_316 : memref<1x128xi32, #tpu.memory_space<vmem>> -> memref<128xi32, #tpu.memory_space<vmem>>
        %dma_start3A_318 = arith.constant 0 : i32
        %dma_start3A_319 = tpu.memref_slice %arg5[%dma_start3A_318] : memref<10240xf32, #tpu.memory_space<vmem_shared>> -> memref<10240xf32, #tpu.memory_space<vmem_shared>>
        tpu.enqueue_indirect_dma source(%arg7 : memref<128xf32, #tpu.memory_space<vmem>>) target(%dma_start3A_319 : memref<10240xf32, #tpu.memory_space<vmem_shared>>) offsets(%dma_start3A_317 : memref<128xi32, #tpu.memory_space<vmem>>) semaphore(%run_scoped3A_315 : memref<!tpu.dma_semaphore, #tpu.memory_space<semaphore_mem>>) {add = true}
        %dma_wait3A = arith.constant 0 : i32
        %dma_wait3A_320 = tpu.memref_slice %arg6[%run_scoped3A_311, %dma_wait3A] : memref<8x128xi32, #tpu.memory_space<vmem>> -> memref<1x128xi32, #tpu.memory_space<vmem>>
        %dma_wait3A_321 = tpu.memref_squeeze %dma_wait3A_320 : memref<1x128xi32, #tpu.memory_space<vmem>> -> memref<128xi32, #tpu.memory_space<vmem>>
        %dma_wait3A_322 = arith.constant 0 : i32
        %dma_wait3A_323 = tpu.memref_slice %arg5[%dma_wait3A_322] : memref<10240xf32, #tpu.memory_space<vmem_shared>> -> memref<10240xf32, #tpu.memory_space<vmem_shared>>
        tpu.wait_indirect_dma semaphore(%run_scoped3A_315 : memref<!tpu.dma_semaphore, #tpu.memory_space<semaphore_mem>>) src(%arg7 : memref<128xf32, #tpu.memory_space<vmem>>) dst(%dma_wait3A_323 : memref<10240xf32, #tpu.memory_space<vmem_shared>>)
        tpu.yield
      }) : () -> ()
      %run_scoped3A_312 = arith.constant 5 : i32
      "tpu.region"() ({
        %run_scoped3A_315 = tpu.sem_alloc : memref<!tpu.dma_semaphore, #tpu.memory_space<semaphore_mem>>
        %dma_start3A = arith.constant 0 : i32
        %dma_start3A_316 = tpu.memref_slice %arg6[%run_scoped3A_312, %dma_start3A] : memref<8x128xi32, #tpu.memory_space<vmem>> -> memref<1x128xi32, #tpu.memory_space<vmem>>
        %dma_start3A_317 = tpu.memref_squeeze %dma_start3A_316 : memref<1x128xi32, #tpu.memory_space<vmem>> -> memref<128xi32, #tpu.memory_space<vmem>>
        %dma_start3A_318 = arith.constant 0 : i32
        %dma_start3A_319 = tpu.memref_slice %arg5[%dma_start3A_318] : memref<10240xf32, #tpu.memory_space<vmem_shared>> -> memref<10240xf32, #tpu.memory_space<vmem_shared>>
        tpu.enqueue_indirect_dma source(%arg7 : memref<128xf32, #tpu.memory_space<vmem>>) target(%dma_start3A_319 : memref<10240xf32, #tpu.memory_space<vmem_shared>>) offsets(%dma_start3A_317 : memref<128xi32, #tpu.memory_space<vmem>>) semaphore(%run_scoped3A_315 : memref<!tpu.dma_semaphore, #tpu.memory_space<semaphore_mem>>) {add = true}
        %dma_wait3A = arith.constant 0 : i32
        %dma_wait3A_320 = tpu.memref_slice %arg6[%run_scoped3A_312, %dma_wait3A] : memref<8x128xi32, #tpu.memory_space<vmem>> -> memref<1x128xi32, #tpu.memory_space<vmem>>
        %dma_wait3A_321 = tpu.memref_squeeze %dma_wait3A_320 : memref<1x128xi32, #tpu.memory_space<vmem>> -> memref<128xi32, #tpu.memory_space<vmem>>
        %dma_wait3A_322 = arith.constant 0 : i32
        %dma_wait3A_323 = tpu.memref_slice %arg5[%dma_wait3A_322] : memref<10240xf32, #tpu.memory_space<vmem_shared>> -> memref<10240xf32, #tpu.memory_space<vmem_shared>>
        tpu.wait_indirect_dma semaphore(%run_scoped3A_315 : memref<!tpu.dma_semaphore, #tpu.memory_space<semaphore_mem>>) src(%arg7 : memref<128xf32, #tpu.memory_space<vmem>>) dst(%dma_wait3A_323 : memref<10240xf32, #tpu.memory_space<vmem_shared>>)
        tpu.yield
      }) : () -> ()
      %run_scoped3A_313 = arith.constant 6 : i32
      "tpu.region"() ({
        %run_scoped3A_315 = tpu.sem_alloc : memref<!tpu.dma_semaphore, #tpu.memory_space<semaphore_mem>>
        %dma_start3A = arith.constant 0 : i32
        %dma_start3A_316 = tpu.memref_slice %arg6[%run_scoped3A_313, %dma_start3A] : memref<8x128xi32, #tpu.memory_space<vmem>> -> memref<1x128xi32, #tpu.memory_space<vmem>>
        %dma_start3A_317 = tpu.memref_squeeze %dma_start3A_316 : memref<1x128xi32, #tpu.memory_space<vmem>> -> memref<128xi32, #tpu.memory_space<vmem>>
        %dma_start3A_318 = arith.constant 0 : i32
        %dma_start3A_319 = tpu.memref_slice %arg5[%dma_start3A_318] : memref<10240xf32, #tpu.memory_space<vmem_shared>> -> memref<10240xf32, #tpu.memory_space<vmem_shared>>
        tpu.enqueue_indirect_dma source(%arg7 : memref<128xf32, #tpu.memory_space<vmem>>) target(%dma_start3A_319 : memref<10240xf32, #tpu.memory_space<vmem_shared>>) offsets(%dma_start3A_317 : memref<128xi32, #tpu.memory_space<vmem>>) semaphore(%run_scoped3A_315 : memref<!tpu.dma_semaphore, #tpu.memory_space<semaphore_mem>>) {add = true}
        %dma_wait3A = arith.constant 0 : i32
        %dma_wait3A_320 = tpu.memref_slice %arg6[%run_scoped3A_313, %dma_wait3A] : memref<8x128xi32, #tpu.memory_space<vmem>> -> memref<1x128xi32, #tpu.memory_space<vmem>>
        %dma_wait3A_321 = tpu.memref_squeeze %dma_wait3A_320 : memref<1x128xi32, #tpu.memory_space<vmem>> -> memref<128xi32, #tpu.memory_space<vmem>>
        %dma_wait3A_322 = arith.constant 0 : i32
        %dma_wait3A_323 = tpu.memref_slice %arg5[%dma_wait3A_322] : memref<10240xf32, #tpu.memory_space<vmem_shared>> -> memref<10240xf32, #tpu.memory_space<vmem_shared>>
        tpu.wait_indirect_dma semaphore(%run_scoped3A_315 : memref<!tpu.dma_semaphore, #tpu.memory_space<semaphore_mem>>) src(%arg7 : memref<128xf32, #tpu.memory_space<vmem>>) dst(%dma_wait3A_323 : memref<10240xf32, #tpu.memory_space<vmem_shared>>)
        tpu.yield
      }) : () -> ()
      %run_scoped3A_314 = arith.constant 7 : i32
      "tpu.region"() ({
        %run_scoped3A_315 = tpu.sem_alloc : memref<!tpu.dma_semaphore, #tpu.memory_space<semaphore_mem>>
        %dma_start3A = arith.constant 0 : i32
        %dma_start3A_316 = tpu.memref_slice %arg6[%run_scoped3A_314, %dma_start3A] : memref<8x128xi32, #tpu.memory_space<vmem>> -> memref<1x128xi32, #tpu.memory_space<vmem>>
        %dma_start3A_317 = tpu.memref_squeeze %dma_start3A_316 : memref<1x128xi32, #tpu.memory_space<vmem>> -> memref<128xi32, #tpu.memory_space<vmem>>
        %dma_start3A_318 = arith.constant 0 : i32
        %dma_start3A_319 = tpu.memref_slice %arg5[%dma_start3A_318] : memref<10240xf32, #tpu.memory_space<vmem_shared>> -> memref<10240xf32, #tpu.memory_space<vmem_shared>>
        tpu.enqueue_indirect_dma source(%arg7 : memref<128xf32, #tpu.memory_space<vmem>>) target(%dma_start3A_319 : memref<10240xf32, #tpu.memory_space<vmem_shared>>) offsets(%dma_start3A_317 : memref<128xi32, #tpu.memory_space<vmem>>) semaphore(%run_scoped3A_315 : memref<!tpu.dma_semaphore, #tpu.memory_space<semaphore_mem>>) {add = true}
        %dma_wait3A = arith.constant 0 : i32
        %dma_wait3A_320 = tpu.memref_slice %arg6[%run_scoped3A_314, %dma_wait3A] : memref<8x128xi32, #tpu.memory_space<vmem>> -> memref<1x128xi32, #tpu.memory_space<vmem>>
        %dma_wait3A_321 = tpu.memref_squeeze %dma_wait3A_320 : memref<1x128xi32, #tpu.memory_space<vmem>> -> memref<128xi32, #tpu.memory_space<vmem>>
        %dma_wait3A_322 = arith.constant 0 : i32
        %dma_wait3A_323 = tpu.memref_slice %arg5[%dma_wait3A_322] : memref<10240xf32, #tpu.memory_space<vmem_shared>> -> memref<10240xf32, #tpu.memory_space<vmem_shared>>
        tpu.wait_indirect_dma semaphore(%run_scoped3A_315 : memref<!tpu.dma_semaphore, #tpu.memory_space<semaphore_mem>>) src(%arg7 : memref<128xf32, #tpu.memory_space<vmem>>) dst(%dma_wait3A_323 : memref<10240xf32, #tpu.memory_space<vmem_shared>>)
        tpu.yield
      }) : () -> ()
    }
    %scan3A_293 = arith.constant 10 : i32
    %barrier3A_294 = arith.constant 0 : index
    tpu.barrier barrier_id(%barrier3A_294)
    %eq3A = arith.constant 0 : i32
    %eq3A_295 = arith.cmpi eq, %arg0, %eq3A : i32
    %convert_element_type3A = arith.extui %eq3A_295 : i1 to i32
    %cond3A = arith.constant 0 : i32
    %cond3A_296 = arith.cmpi ne, %convert_element_type3A, %cond3A : i32
    scf.if %cond3A_296 {
      %mul3A_302 = arith.constant 640 : i32
      %mul3A_303 = arith.muli %arg1, %mul3A_302 : i32
      %mul3A_304 = arith.constant 640 : i32
      %mul3A_305 = arith.muli %arg1, %mul3A_304 : i32
      "tpu.region"() ({
        %run_scoped3A = tpu.sem_alloc : memref<!tpu.dma_semaphore, #tpu.memory_space<semaphore_mem>>
        %dma_start3A = tpu.memref_slice %arg3[%mul3A_305] : memref<10240xf32, #tpu.memory_space<hbm>> -> memref<640xf32, #tpu.memory_space<hbm>>
        %dma_start3A_306 = tpu.memref_slice %arg5[%mul3A_303] : memref<10240xf32, #tpu.memory_space<vmem_shared>> -> memref<640xf32, #tpu.memory_space<vmem_shared>>
        tpu.enqueue_dma source(%dma_start3A_306 : memref<640xf32, #tpu.memory_space<vmem_shared>>) target(%dma_start3A : memref<640xf32, #tpu.memory_space<hbm>>) target_semaphore(%run_scoped3A : memref<!tpu.dma_semaphore, #tpu.memory_space<semaphore_mem>>)
        %dma_wait3A = tpu.memref_slice %arg3[%mul3A_305] : memref<10240xf32, #tpu.memory_space<hbm>> -> memref<640xf32, #tpu.memory_space<hbm>>
        %dma_wait3A_307 = tpu.memref_slice %arg5[%mul3A_303] : memref<10240xf32, #tpu.memory_space<vmem_shared>> -> memref<640xf32, #tpu.memory_space<vmem_shared>>
        tpu.wait_dma2 semaphore(%run_scoped3A : memref<!tpu.dma_semaphore, #tpu.memory_space<semaphore_mem>>) src(%dma_wait3A_307 : memref<640xf32, #tpu.memory_space<vmem_shared>>) dst(%dma_wait3A : memref<640xf32, #tpu.memory_space<hbm>>)
        tpu.yield
      }) : () -> ()
    } else {
    }
    %eq3A_297 = arith.constant 1 : i32
    %eq3A_298 = arith.cmpi eq, %arg0, %eq3A_297 : i32
    %convert_element_type3A_299 = arith.extui %eq3A_298 : i1 to i32
    %cond3A_300 = arith.constant 0 : i32
    %cond3A_301 = arith.cmpi ne, %convert_element_type3A_299, %cond3A_300 : i32
    scf.if %cond3A_301 {
      %mul3A_302 = arith.constant 640 : i32
      %mul3A_303 = arith.muli %arg1, %mul3A_302 : i32
      %mul3A_304 = arith.constant 640 : i32
      %mul3A_305 = arith.muli %arg1, %mul3A_304 : i32
      "tpu.region"() ({
        %run_scoped3A = tpu.sem_alloc : memref<!tpu.dma_semaphore, #tpu.memory_space<semaphore_mem>>
        %dma_start3A = tpu.memref_slice %arg4[%mul3A_305] : memref<10240xf32, #tpu.memory_space<hbm>> -> memref<640xf32, #tpu.memory_space<hbm>>
        %dma_start3A_306 = tpu.memref_slice %arg5[%mul3A_303] : memref<10240xf32, #tpu.memory_space<vmem_shared>> -> memref<640xf32, #tpu.memory_space<vmem_shared>>
        tpu.enqueue_dma source(%dma_start3A_306 : memref<640xf32, #tpu.memory_space<vmem_shared>>) target(%dma_start3A : memref<640xf32, #tpu.memory_space<hbm>>) target_semaphore(%run_scoped3A : memref<!tpu.dma_semaphore, #tpu.memory_space<semaphore_mem>>)
        %dma_wait3A = tpu.memref_slice %arg4[%mul3A_305] : memref<10240xf32, #tpu.memory_space<hbm>> -> memref<640xf32, #tpu.memory_space<hbm>>
        %dma_wait3A_307 = tpu.memref_slice %arg5[%mul3A_303] : memref<10240xf32, #tpu.memory_space<vmem_shared>> -> memref<640xf32, #tpu.memory_space<vmem_shared>>
        tpu.wait_dma2 semaphore(%run_scoped3A : memref<!tpu.dma_semaphore, #tpu.memory_space<semaphore_mem>>) src(%dma_wait3A_307 : memref<640xf32, #tpu.memory_space<vmem_shared>>) dst(%dma_wait3A : memref<640xf32, #tpu.memory_space<hbm>>)
        tpu.yield
      }) : () -> ()
    } else {
    }
    return
  }
}

#map = affine_map<(d0, d1) -> (0, 0)>
#map1 = affine_map<(d0, d1) -> (0, 0, 0)>
module attributes {stable_mosaic.version = 14 : i64} {
  func.func @body(%arg0: i32, %arg1: i32, %arg2: memref<10000x128xf32, #tpu.memory_space<hbm>>, %arg3: memref<4096x2x80xi32, #tpu.memory_space<hbm>>, %arg4: memref<10240x128xf32, #tpu.memory_space<hbm>>, %arg5: memref<10240x128xf32, #tpu.memory_space<hbm>>, %arg6: memref<10240x128xf32, #tpu.memory_space<vmem_shared>>, %arg7: memref<4x2x80xi32, #tpu.memory_space<vmem>>, %arg8: memref<4x2x80xi32, #tpu.memory_space<vmem>>, %arg9: memref<4x80x128xf32, #tpu.memory_space<vmem>>, %arg10: memref<!tpu.dma_semaphore, #tpu.memory_space<semaphore_mem>>, %arg11: memref<!tpu.dma_semaphore, #tpu.memory_space<semaphore_mem>>, %arg12: memref<!tpu.dma_semaphore, #tpu.memory_space<semaphore_mem>>, %arg13: memref<!tpu.dma_semaphore, #tpu.memory_space<semaphore_mem>>, %arg14: memref<!tpu.dma_semaphore, #tpu.memory_space<semaphore_mem>>, %arg15: memref<!tpu.dma_semaphore, #tpu.memory_space<semaphore_mem>>, %arg16: memref<!tpu.dma_semaphore, #tpu.memory_space<semaphore_mem>>, %arg17: memref<!tpu.dma_semaphore, #tpu.memory_space<semaphore_mem>>, %arg18: memref<!tpu.dma_semaphore, #tpu.memory_space<semaphore_mem>>, %arg19: memref<!tpu.dma_semaphore, #tpu.memory_space<semaphore_mem>>) attributes {dimension_semantics = [#tpu.dimension_semantics<core_parallel>, #tpu.dimension_semantics<subcore_parallel>], iteration_bounds = array<i64: 2, 16>, scalar_prefetch = 0 : i64, scratch_operands = 14 : i64, tpu.core_type = #tpu.core_type<sc_vector_subcore>, window_params = [{transform_indices = #map}, {transform_indices = #map1}, {transform_indices = #map}, {transform_indices = #map}]} {
    %mul3A = arith.constant 16 : i32
    %mul3A_0 = arith.muli %arg0, %mul3A : i32
    %add3A = arith.addi %mul3A_0, %arg1 : i32
    %mul3A_1 = arith.constant 128 : i32
    %mul3A_2 = arith.muli %add3A, %mul3A_1 : i32
    %mul3A_3 = arith.constant 624 : i32
    %mul3A_4 = arith.muli %arg1, %mul3A_3 : i32
    "tpu.region"() ({
      %run_scoped3A = tpu.sem_alloc : memref<!tpu.dma_semaphore, #tpu.memory_space<semaphore_mem>>
      %dma_start3A_85 = arith.constant 0 : i32
      %dma_start3A_86 = tpu.memref_slice %arg6[%mul3A_4, %dma_start3A_85] : memref<10240x128xf32, #tpu.memory_space<vmem_shared>> -> memref<624x128xf32, #tpu.memory_space<vmem_shared>>
      %dma_start3A_87 = arith.constant 0 : i32
      %dma_start3A_88 = tpu.memref_slice %arg2[%mul3A_4, %dma_start3A_87] : memref<10000x128xf32, #tpu.memory_space<hbm>> -> memref<624x128xf32, #tpu.memory_space<hbm>>
      tpu.enqueue_dma source(%dma_start3A_88 : memref<624x128xf32, #tpu.memory_space<hbm>>) target(%dma_start3A_86 : memref<624x128xf32, #tpu.memory_space<vmem_shared>>) target_semaphore(%run_scoped3A : memref<!tpu.dma_semaphore, #tpu.memory_space<semaphore_mem>>)
      %dma_wait3A_89 = arith.constant 0 : i32
      %dma_wait3A_90 = tpu.memref_slice %arg6[%mul3A_4, %dma_wait3A_89] : memref<10240x128xf32, #tpu.memory_space<vmem_shared>> -> memref<624x128xf32, #tpu.memory_space<vmem_shared>>
      %dma_wait3A_91 = arith.constant 0 : i32
      %dma_wait3A_92 = tpu.memref_slice %arg2[%mul3A_4, %dma_wait3A_91] : memref<10000x128xf32, #tpu.memory_space<hbm>> -> memref<624x128xf32, #tpu.memory_space<hbm>>
      tpu.wait_dma2 semaphore(%run_scoped3A : memref<!tpu.dma_semaphore, #tpu.memory_space<semaphore_mem>>) src(%dma_wait3A_92 : memref<624x128xf32, #tpu.memory_space<hbm>>) dst(%dma_wait3A_90 : memref<624x128xf32, #tpu.memory_space<vmem_shared>>)
      tpu.yield
    }) : () -> ()
    %eq3A = arith.constant 0 : i32
    %eq3A_5 = arith.cmpi eq, %arg1, %eq3A : i32
    %convert_element_type3A = arith.extui %eq3A_5 : i1 to i32
    %cond3A = arith.constant 0 : i32
    %cond3A_6 = arith.cmpi ne, %convert_element_type3A, %cond3A : i32
    scf.if %cond3A_6 {
      "tpu.region"() ({
        %run_scoped3A = tpu.sem_alloc : memref<!tpu.dma_semaphore, #tpu.memory_space<semaphore_mem>>
        %dma_start3A_85 = arith.constant 9984 : i32
        %dma_start3A_86 = arith.constant 0 : i32
        %dma_start3A_87 = tpu.memref_slice %arg6[%dma_start3A_85, %dma_start3A_86] : memref<10240x128xf32, #tpu.memory_space<vmem_shared>> -> memref<16x128xf32, #tpu.memory_space<vmem_shared>>
        %dma_start3A_88 = arith.constant 9984 : i32
        %dma_start3A_89 = arith.constant 0 : i32
        %dma_start3A_90 = tpu.memref_slice %arg2[%dma_start3A_88, %dma_start3A_89] : memref<10000x128xf32, #tpu.memory_space<hbm>> -> memref<16x128xf32, #tpu.memory_space<hbm>>
        tpu.enqueue_dma source(%dma_start3A_90 : memref<16x128xf32, #tpu.memory_space<hbm>>) target(%dma_start3A_87 : memref<16x128xf32, #tpu.memory_space<vmem_shared>>) target_semaphore(%run_scoped3A : memref<!tpu.dma_semaphore, #tpu.memory_space<semaphore_mem>>)
        %dma_wait3A_91 = arith.constant 9984 : i32
        %dma_wait3A_92 = arith.constant 0 : i32
        %dma_wait3A_93 = tpu.memref_slice %arg6[%dma_wait3A_91, %dma_wait3A_92] : memref<10240x128xf32, #tpu.memory_space<vmem_shared>> -> memref<16x128xf32, #tpu.memory_space<vmem_shared>>
        %dma_wait3A_94 = arith.constant 9984 : i32
        %dma_wait3A_95 = arith.constant 0 : i32
        %dma_wait3A_96 = tpu.memref_slice %arg2[%dma_wait3A_94, %dma_wait3A_95] : memref<10000x128xf32, #tpu.memory_space<hbm>> -> memref<16x128xf32, #tpu.memory_space<hbm>>
        tpu.wait_dma2 semaphore(%run_scoped3A : memref<!tpu.dma_semaphore, #tpu.memory_space<semaphore_mem>>) src(%dma_wait3A_96 : memref<16x128xf32, #tpu.memory_space<hbm>>) dst(%dma_wait3A_93 : memref<16x128xf32, #tpu.memory_space<vmem_shared>>)
        tpu.yield
      }) : () -> ()
    } else {
    }
    %barrier3A = arith.constant 0 : index
    tpu.barrier barrier_id(%barrier3A)
    "tpu.region"() ({
      %run_scoped3A = tpu.sem_alloc : memref<!tpu.dma_semaphore, #tpu.memory_space<semaphore_mem>>
      %dma_start3A_85 = arith.constant 0 : i32
      %dma_start3A_86 = arith.constant 0 : i32
      %dma_start3A_87 = tpu.memref_slice %arg3[%mul3A_2, %dma_start3A_85, %dma_start3A_86] : memref<4096x2x80xi32, #tpu.memory_space<hbm>> -> memref<4x2x80xi32, #tpu.memory_space<hbm>>
      %dma_start3A_88 = arith.constant 0 : i32
      %dma_start3A_89 = arith.constant 0 : i32
      %dma_start3A_90 = tpu.memref_slice %arg3[%mul3A_2, %dma_start3A_88, %dma_start3A_89] : memref<4096x2x80xi32, #tpu.memory_space<hbm>> -> memref<4x2x80xi32, #tpu.memory_space<hbm>>
      tpu.enqueue_dma source(%dma_start3A_90 : memref<4x2x80xi32, #tpu.memory_space<hbm>>) target(%arg7 : memref<4x2x80xi32, #tpu.memory_space<vmem>>) target_semaphore(%run_scoped3A : memref<!tpu.dma_semaphore, #tpu.memory_space<semaphore_mem>>)
      %dma_wait3A_91 = arith.constant 0 : i32
      %dma_wait3A_92 = arith.constant 0 : i32
      %dma_wait3A_93 = tpu.memref_slice %arg3[%mul3A_2, %dma_wait3A_91, %dma_wait3A_92] : memref<4096x2x80xi32, #tpu.memory_space<hbm>> -> memref<4x2x80xi32, #tpu.memory_space<hbm>>
      %dma_wait3A_94 = arith.constant 0 : i32
      %dma_wait3A_95 = arith.constant 0 : i32
      %dma_wait3A_96 = tpu.memref_slice %arg3[%mul3A_2, %dma_wait3A_94, %dma_wait3A_95] : memref<4096x2x80xi32, #tpu.memory_space<hbm>> -> memref<4x2x80xi32, #tpu.memory_space<hbm>>
      tpu.wait_dma2 semaphore(%run_scoped3A : memref<!tpu.dma_semaphore, #tpu.memory_space<semaphore_mem>>) src(%dma_wait3A_96 : memref<4x2x80xi32, #tpu.memory_space<hbm>>) dst(%arg7 : memref<4x2x80xi32, #tpu.memory_space<vmem>>)
      tpu.yield
    }) : () -> ()
    %add3A_7 = arith.constant 4 : i32
    %add3A_8 = arith.addi %mul3A_2, %add3A_7 : i32
    %dma_start3A = arith.constant 0 : i32
    %dma_start3A_9 = arith.constant 0 : i32
    %dma_start3A_10 = tpu.memref_slice %arg3[%add3A_8, %dma_start3A, %dma_start3A_9] : memref<4096x2x80xi32, #tpu.memory_space<hbm>> -> memref<4x2x80xi32, #tpu.memory_space<hbm>>
    %dma_start3A_11 = arith.constant 0 : i32
    %dma_start3A_12 = arith.constant 0 : i32
    %dma_start3A_13 = tpu.memref_slice %arg3[%add3A_8, %dma_start3A_11, %dma_start3A_12] : memref<4096x2x80xi32, #tpu.memory_space<hbm>> -> memref<4x2x80xi32, #tpu.memory_space<hbm>>
    tpu.enqueue_dma source(%dma_start3A_13 : memref<4x2x80xi32, #tpu.memory_space<hbm>>) target(%arg8 : memref<4x2x80xi32, #tpu.memory_space<vmem>>) target_semaphore(%arg19 : memref<!tpu.dma_semaphore, #tpu.memory_space<semaphore_mem>>)
    %dma_start3A_14 = arith.constant 0 : i32
    %dma_start3A_15 = arith.constant 0 : i32
    %dma_start3A_16 = arith.constant 0 : i32
    %dma_start3A_17 = arith.constant 0 : i32
    %dma_start3A_18 = arith.constant 0 : i32
    %dma_start3A_19 = tpu.memref_slice %arg9[%dma_start3A_16, %dma_start3A_17, %dma_start3A_18] : memref<4x80x128xf32, #tpu.memory_space<vmem>> -> memref<1x80x128xf32, #tpu.memory_space<vmem>>
    %dma_start3A_20 = tpu.memref_squeeze %dma_start3A_19 : memref<1x80x128xf32, #tpu.memory_space<vmem>> -> memref<80x128xf32, #tpu.memory_space<vmem>>
    %dma_start3A_21 = arith.constant 0 : i32
    %dma_start3A_22 = tpu.memref_slice %arg7[%dma_start3A_14, %dma_start3A_15, %dma_start3A_21] : memref<4x2x80xi32, #tpu.memory_space<vmem>> -> memref<1x1x80xi32, #tpu.memory_space<vmem>>
    %dma_start3A_23 = tpu.memref_squeeze %dma_start3A_22 : memref<1x1x80xi32, #tpu.memory_space<vmem>> -> memref<80xi32, #tpu.memory_space<vmem>>
    %dma_start3A_24 = arith.constant 0 : i32
    %dma_start3A_25 = arith.constant 0 : i32
    %dma_start3A_26 = tpu.memref_slice %arg2[%dma_start3A_24, %dma_start3A_25] : memref<10000x128xf32, #tpu.memory_space<hbm>> -> memref<10000x128xf32, #tpu.memory_space<hbm>>
    tpu.enqueue_indirect_dma source(%dma_start3A_26 : memref<10000x128xf32, #tpu.memory_space<hbm>>) target(%dma_start3A_20 : memref<80x128xf32, #tpu.memory_space<vmem>>) offsets(%dma_start3A_23 : memref<80xi32, #tpu.memory_space<vmem>>) semaphore(%arg10 : memref<!tpu.dma_semaphore, #tpu.memory_space<semaphore_mem>>)
    %dma_start3A_27 = arith.constant 1 : i32
    %dma_start3A_28 = arith.constant 0 : i32
    %dma_start3A_29 = arith.constant 1 : i32
    %dma_start3A_30 = arith.constant 0 : i32
    %dma_start3A_31 = arith.constant 0 : i32
    %dma_start3A_32 = tpu.memref_slice %arg9[%dma_start3A_29, %dma_start3A_30, %dma_start3A_31] : memref<4x80x128xf32, #tpu.memory_space<vmem>> -> memref<1x80x128xf32, #tpu.memory_space<vmem>>
    %dma_start3A_33 = tpu.memref_squeeze %dma_start3A_32 : memref<1x80x128xf32, #tpu.memory_space<vmem>> -> memref<80x128xf32, #tpu.memory_space<vmem>>
    %dma_start3A_34 = arith.constant 0 : i32
    %dma_start3A_35 = tpu.memref_slice %arg7[%dma_start3A_27, %dma_start3A_28, %dma_start3A_34] : memref<4x2x80xi32, #tpu.memory_space<vmem>> -> memref<1x1x80xi32, #tpu.memory_space<vmem>>
    %dma_start3A_36 = tpu.memref_squeeze %dma_start3A_35 : memref<1x1x80xi32, #tpu.memory_space<vmem>> -> memref<80xi32, #tpu.memory_space<vmem>>
    %dma_start3A_37 = arith.constant 0 : i32
    %dma_start3A_38 = arith.constant 0 : i32
    %dma_start3A_39 = tpu.memref_slice %arg2[%dma_start3A_37, %dma_start3A_38] : memref<10000x128xf32, #tpu.memory_space<hbm>> -> memref<10000x128xf32, #tpu.memory_space<hbm>>
    tpu.enqueue_indirect_dma source(%dma_start3A_39 : memref<10000x128xf32, #tpu.memory_space<hbm>>) target(%dma_start3A_33 : memref<80x128xf32, #tpu.memory_space<vmem>>) offsets(%dma_start3A_36 : memref<80xi32, #tpu.memory_space<vmem>>) semaphore(%arg11 : memref<!tpu.dma_semaphore, #tpu.memory_space<semaphore_mem>>)
    %scan3A = arith.constant 0 : i32
    %scan3A_40 = arith.constant 0 : i32
    %scan3A_41 = arith.constant 16 : i32
    %scan3A_42 = arith.addi %scan3A_40, %scan3A_41 : i32
    %scan3A_43 = arith.constant 1 : i32
    scf.for %scan3A_85 = %scan3A_40 to %scan3A_42 step %scan3A_43  : i32 {
      %dma_wait3A_86 = arith.constant 0 : i32
      %dma_wait3A_87 = arith.constant 0 : i32
      %dma_wait3A_88 = arith.constant 0 : i32
      %dma_wait3A_89 = tpu.memref_slice %arg9[%dma_wait3A_86, %dma_wait3A_87, %dma_wait3A_88] : memref<4x80x128xf32, #tpu.memory_space<vmem>> -> memref<1x80x128xf32, #tpu.memory_space<vmem>>
      %dma_wait3A_90 = tpu.memref_squeeze %dma_wait3A_89 : memref<1x80x128xf32, #tpu.memory_space<vmem>> -> memref<80x128xf32, #tpu.memory_space<vmem>>
      %dma_wait3A_91 = arith.constant 0 : i32
      %dma_wait3A_92 = arith.constant 0 : i32
      %dma_wait3A_93 = tpu.memref_slice %arg2[%dma_wait3A_91, %dma_wait3A_92] : memref<10000x128xf32, #tpu.memory_space<hbm>> -> memref<80x128xf32, #tpu.memory_space<hbm>>
      %dma_wait3A_94 = arith.constant 0 : i32
      %dma_wait3A_95 = arith.constant 0 : i32
      %dma_wait3A_96 = tpu.memref_slice %arg9[%dma_wait3A_86, %dma_wait3A_94, %dma_wait3A_95] : memref<4x80x128xf32, #tpu.memory_space<vmem>> -> memref<1x80x128xf32, #tpu.memory_space<vmem>>
      %dma_wait3A_97 = tpu.memref_squeeze %dma_wait3A_96 : memref<1x80x128xf32, #tpu.memory_space<vmem>> -> memref<80x128xf32, #tpu.memory_space<vmem>>
      %dma_wait3A_98 = arith.constant 0 : i32
      %dma_wait3A_99 = arith.constant 0 : i32
      %dma_wait3A_100 = tpu.memref_slice %arg2[%dma_wait3A_98, %dma_wait3A_99] : memref<10000x128xf32, #tpu.memory_space<hbm>> -> memref<80x128xf32, #tpu.memory_space<hbm>>
      tpu.wait_dma2 semaphore(%arg10 : memref<!tpu.dma_semaphore, #tpu.memory_space<semaphore_mem>>) src(%dma_wait3A_100 : memref<80x128xf32, #tpu.memory_space<hbm>>) dst(%dma_wait3A_97 : memref<80x128xf32, #tpu.memory_space<vmem>>)
      %gt3A = arith.constant 0 : i32
      %gt3A_101 = arith.cmpi sgt, %scan3A_85, %gt3A : i32
      %convert_element_type3A_102 = arith.extui %gt3A_101 : i1 to i32
      %cond3A_103 = arith.constant 0 : i32
      %cond3A_104 = arith.cmpi ne, %convert_element_type3A_102, %cond3A_103 : i32
      scf.if %cond3A_104 {
        %dma_wait3A_514 = arith.constant 2 : i32
        %dma_wait3A_515 = arith.constant 0 : i32
        %dma_wait3A_516 = arith.constant 0 : i32
        %dma_wait3A_517 = tpu.memref_slice %arg9[%dma_wait3A_514, %dma_wait3A_515, %dma_wait3A_516] : memref<4x80x128xf32, #tpu.memory_space<vmem>> -> memref<1x80x128xf32, #tpu.memory_space<vmem>>
        %dma_wait3A_518 = tpu.memref_squeeze %dma_wait3A_517 : memref<1x80x128xf32, #tpu.memory_space<vmem>> -> memref<80x128xf32, #tpu.memory_space<vmem>>
        %dma_wait3A_519 = arith.constant 0 : i32
        %dma_wait3A_520 = arith.constant 0 : i32
        %dma_wait3A_521 = tpu.memref_slice %arg2[%dma_wait3A_519, %dma_wait3A_520] : memref<10000x128xf32, #tpu.memory_space<hbm>> -> memref<80x128xf32, #tpu.memory_space<hbm>>
        %dma_wait3A_522 = arith.constant 0 : i32
        %dma_wait3A_523 = arith.constant 0 : i32
        %dma_wait3A_524 = tpu.memref_slice %arg9[%dma_wait3A_514, %dma_wait3A_522, %dma_wait3A_523] : memref<4x80x128xf32, #tpu.memory_space<vmem>> -> memref<1x80x128xf32, #tpu.memory_space<vmem>>
        %dma_wait3A_525 = tpu.memref_squeeze %dma_wait3A_524 : memref<1x80x128xf32, #tpu.memory_space<vmem>> -> memref<80x128xf32, #tpu.memory_space<vmem>>
        %dma_wait3A_526 = arith.constant 0 : i32
        %dma_wait3A_527 = arith.constant 0 : i32
        %dma_wait3A_528 = tpu.memref_slice %arg2[%dma_wait3A_526, %dma_wait3A_527] : memref<10000x128xf32, #tpu.memory_space<hbm>> -> memref<80x128xf32, #tpu.memory_space<hbm>>
        tpu.wait_dma2 semaphore(%arg16 : memref<!tpu.dma_semaphore, #tpu.memory_space<semaphore_mem>>) src(%dma_wait3A_528 : memref<80x128xf32, #tpu.memory_space<hbm>>) dst(%dma_wait3A_525 : memref<80x128xf32, #tpu.memory_space<vmem>>)
      } else {
      }
      %dma_start3A_105 = arith.constant 2 : i32
      %dma_start3A_106 = arith.constant 0 : i32
      %dma_start3A_107 = arith.constant 2 : i32
      %dma_start3A_108 = arith.constant 0 : i32
      %dma_start3A_109 = arith.constant 0 : i32
      %dma_start3A_110 = tpu.memref_slice %arg9[%dma_start3A_107, %dma_start3A_108, %dma_start3A_109] : memref<4x80x128xf32, #tpu.memory_space<vmem>> -> memref<1x80x128xf32, #tpu.memory_space<vmem>>
      %dma_start3A_111 = tpu.memref_squeeze %dma_start3A_110 : memref<1x80x128xf32, #tpu.memory_space<vmem>> -> memref<80x128xf32, #tpu.memory_space<vmem>>
      %dma_start3A_112 = arith.constant 0 : i32
      %dma_start3A_113 = tpu.memref_slice %arg7[%dma_start3A_105, %dma_start3A_106, %dma_start3A_112] : memref<4x2x80xi32, #tpu.memory_space<vmem>> -> memref<1x1x80xi32, #tpu.memory_space<vmem>>
      %dma_start3A_114 = tpu.memref_squeeze %dma_start3A_113 : memref<1x1x80xi32, #tpu.memory_space<vmem>> -> memref<80xi32, #tpu.memory_space<vmem>>
      %dma_start3A_115 = arith.constant 0 : i32
      %dma_start3A_116 = arith.constant 0 : i32
      %dma_start3A_117 = tpu.memref_slice %arg2[%dma_start3A_115, %dma_start3A_116] : memref<10000x128xf32, #tpu.memory_space<hbm>> -> memref<10000x128xf32, #tpu.memory_space<hbm>>
      tpu.enqueue_indirect_dma source(%dma_start3A_117 : memref<10000x128xf32, #tpu.memory_space<hbm>>) target(%dma_start3A_111 : memref<80x128xf32, #tpu.memory_space<vmem>>) offsets(%dma_start3A_114 : memref<80xi32, #tpu.memory_space<vmem>>) semaphore(%arg12 : memref<!tpu.dma_semaphore, #tpu.memory_space<semaphore_mem>>)
      %dma_start3A_118 = arith.constant 0 : i32
      %dma_start3A_119 = arith.constant 0 : i32
      %dma_start3A_120 = arith.constant 1 : i32
      %dma_start3A_121 = arith.constant 0 : i32
      %dma_start3A_122 = arith.constant 0 : i32
      %dma_start3A_123 = tpu.memref_slice %arg9[%dma_start3A_118, %dma_start3A_121, %dma_start3A_122] : memref<4x80x128xf32, #tpu.memory_space<vmem>> -> memref<1x80x128xf32, #tpu.memory_space<vmem>>
      %dma_start3A_124 = tpu.memref_squeeze %dma_start3A_123 : memref<1x80x128xf32, #tpu.memory_space<vmem>> -> memref<80x128xf32, #tpu.memory_space<vmem>>
      %dma_start3A_125 = arith.constant 0 : i32
      %dma_start3A_126 = tpu.memref_slice %arg7[%dma_start3A_119, %dma_start3A_120, %dma_start3A_125] : memref<4x2x80xi32, #tpu.memory_space<vmem>> -> memref<1x1x80xi32, #tpu.memory_space<vmem>>
      %dma_start3A_127 = tpu.memref_squeeze %dma_start3A_126 : memref<1x1x80xi32, #tpu.memory_space<vmem>> -> memref<80xi32, #tpu.memory_space<vmem>>
      %dma_start3A_128 = arith.constant 0 : i32
      %dma_start3A_129 = arith.constant 0 : i32
      %dma_start3A_130 = tpu.memref_slice %arg6[%dma_start3A_128, %dma_start3A_129] : memref<10240x128xf32, #tpu.memory_space<vmem_shared>> -> memref<10240x128xf32, #tpu.memory_space<vmem_shared>>
      tpu.enqueue_indirect_dma source(%dma_start3A_124 : memref<80x128xf32, #tpu.memory_space<vmem>>) target(%dma_start3A_130 : memref<10240x128xf32, #tpu.memory_space<vmem_shared>>) offsets(%dma_start3A_127 : memref<80xi32, #tpu.memory_space<vmem>>) semaphore(%arg14 : memref<!tpu.dma_semaphore, #tpu.memory_space<semaphore_mem>>) {add = true}
      %dma_wait3A_131 = arith.constant 1 : i32
      %dma_wait3A_132 = arith.constant 0 : i32
      %dma_wait3A_133 = arith.constant 0 : i32
      %dma_wait3A_134 = tpu.memref_slice %arg9[%dma_wait3A_131, %dma_wait3A_132, %dma_wait3A_133] : memref<4x80x128xf32, #tpu.memory_space<vmem>> -> memref<1x80x128xf32, #tpu.memory_space<vmem>>
      %dma_wait3A_135 = tpu.memref_squeeze %dma_wait3A_134 : memref<1x80x128xf32, #tpu.memory_space<vmem>> -> memref<80x128xf32, #tpu.memory_space<vmem>>
      %dma_wait3A_136 = arith.constant 0 : i32
      %dma_wait3A_137 = arith.constant 0 : i32
      %dma_wait3A_138 = tpu.memref_slice %arg2[%dma_wait3A_136, %dma_wait3A_137] : memref<10000x128xf32, #tpu.memory_space<hbm>> -> memref<80x128xf32, #tpu.memory_space<hbm>>
      %dma_wait3A_139 = arith.constant 0 : i32
      %dma_wait3A_140 = arith.constant 0 : i32
      %dma_wait3A_141 = tpu.memref_slice %arg9[%dma_wait3A_131, %dma_wait3A_139, %dma_wait3A_140] : memref<4x80x128xf32, #tpu.memory_space<vmem>> -> memref<1x80x128xf32, #tpu.memory_space<vmem>>
      %dma_wait3A_142 = tpu.memref_squeeze %dma_wait3A_141 : memref<1x80x128xf32, #tpu.memory_space<vmem>> -> memref<80x128xf32, #tpu.memory_space<vmem>>
      %dma_wait3A_143 = arith.constant 0 : i32
      %dma_wait3A_144 = arith.constant 0 : i32
      %dma_wait3A_145 = tpu.memref_slice %arg2[%dma_wait3A_143, %dma_wait3A_144] : memref<10000x128xf32, #tpu.memory_space<hbm>> -> memref<80x128xf32, #tpu.memory_space<hbm>>
      tpu.wait_dma2 semaphore(%arg11 : memref<!tpu.dma_semaphore, #tpu.memory_space<semaphore_mem>>) src(%dma_wait3A_145 : memref<80x128xf32, #tpu.memory_space<hbm>>) dst(%dma_wait3A_142 : memref<80x128xf32, #tpu.memory_space<vmem>>)
      %gt3A_146 = arith.constant 0 : i32
      %gt3A_147 = arith.cmpi sgt, %scan3A_85, %gt3A_146 : i32
      %convert_element_type3A_148 = arith.extui %gt3A_147 : i1 to i32
      %cond3A_149 = arith.constant 0 : i32
      %cond3A_150 = arith.cmpi ne, %convert_element_type3A_148, %cond3A_149 : i32
      scf.if %cond3A_150 {
        %dma_wait3A_514 = arith.constant 3 : i32
        %dma_wait3A_515 = arith.constant 0 : i32
        %dma_wait3A_516 = arith.constant 0 : i32
        %dma_wait3A_517 = tpu.memref_slice %arg9[%dma_wait3A_514, %dma_wait3A_515, %dma_wait3A_516] : memref<4x80x128xf32, #tpu.memory_space<vmem>> -> memref<1x80x128xf32, #tpu.memory_space<vmem>>
        %dma_wait3A_518 = tpu.memref_squeeze %dma_wait3A_517 : memref<1x80x128xf32, #tpu.memory_space<vmem>> -> memref<80x128xf32, #tpu.memory_space<vmem>>
        %dma_wait3A_519 = arith.constant 0 : i32
        %dma_wait3A_520 = arith.constant 0 : i32
        %dma_wait3A_521 = tpu.memref_slice %arg2[%dma_wait3A_519, %dma_wait3A_520] : memref<10000x128xf32, #tpu.memory_space<hbm>> -> memref<80x128xf32, #tpu.memory_space<hbm>>
        %dma_wait3A_522 = arith.constant 0 : i32
        %dma_wait3A_523 = arith.constant 0 : i32
        %dma_wait3A_524 = tpu.memref_slice %arg9[%dma_wait3A_514, %dma_wait3A_522, %dma_wait3A_523] : memref<4x80x128xf32, #tpu.memory_space<vmem>> -> memref<1x80x128xf32, #tpu.memory_space<vmem>>
        %dma_wait3A_525 = tpu.memref_squeeze %dma_wait3A_524 : memref<1x80x128xf32, #tpu.memory_space<vmem>> -> memref<80x128xf32, #tpu.memory_space<vmem>>
        %dma_wait3A_526 = arith.constant 0 : i32
        %dma_wait3A_527 = arith.constant 0 : i32
        %dma_wait3A_528 = tpu.memref_slice %arg2[%dma_wait3A_526, %dma_wait3A_527] : memref<10000x128xf32, #tpu.memory_space<hbm>> -> memref<80x128xf32, #tpu.memory_space<hbm>>
        tpu.wait_dma2 semaphore(%arg17 : memref<!tpu.dma_semaphore, #tpu.memory_space<semaphore_mem>>) src(%dma_wait3A_528 : memref<80x128xf32, #tpu.memory_space<hbm>>) dst(%dma_wait3A_525 : memref<80x128xf32, #tpu.memory_space<vmem>>)
      } else {
      }
      %gt3A_151 = arith.constant 0 : i32
      %gt3A_152 = arith.cmpi sgt, %scan3A_85, %gt3A_151 : i32
      %convert_element_type3A_153 = arith.extui %gt3A_152 : i1 to i32
      %cond3A_154 = arith.constant 0 : i32
      %cond3A_155 = arith.cmpi ne, %convert_element_type3A_153, %cond3A_154 : i32
      scf.if %cond3A_155 {
        %mul3A_514 = arith.constant 8 : i32
        %mul3A_515 = arith.muli %mul3A_514, %scan3A_85 : i32
        %add3A_516 = arith.addi %mul3A_2, %mul3A_515 : i32
        %add3A_517 = arith.constant 4 : i32
        %add3A_518 = arith.addi %add3A_516, %add3A_517 : i32
        %dma_start3A_519 = arith.constant 0 : i32
        %dma_start3A_520 = arith.constant 0 : i32
        %dma_start3A_521 = tpu.memref_slice %arg3[%add3A_518, %dma_start3A_519, %dma_start3A_520] : memref<4096x2x80xi32, #tpu.memory_space<hbm>> -> memref<4x2x80xi32, #tpu.memory_space<hbm>>
        %dma_start3A_522 = arith.constant 0 : i32
        %dma_start3A_523 = arith.constant 0 : i32
        %dma_start3A_524 = tpu.memref_slice %arg3[%add3A_518, %dma_start3A_522, %dma_start3A_523] : memref<4096x2x80xi32, #tpu.memory_space<hbm>> -> memref<4x2x80xi32, #tpu.memory_space<hbm>>
        tpu.enqueue_dma source(%dma_start3A_524 : memref<4x2x80xi32, #tpu.memory_space<hbm>>) target(%arg8 : memref<4x2x80xi32, #tpu.memory_space<vmem>>) target_semaphore(%arg19 : memref<!tpu.dma_semaphore, #tpu.memory_space<semaphore_mem>>)
      } else {
      }
      %dma_start3A_156 = arith.constant 3 : i32
      %dma_start3A_157 = arith.constant 0 : i32
      %dma_start3A_158 = arith.constant 3 : i32
      %dma_start3A_159 = arith.constant 0 : i32
      %dma_start3A_160 = arith.constant 0 : i32
      %dma_start3A_161 = tpu.memref_slice %arg9[%dma_start3A_158, %dma_start3A_159, %dma_start3A_160] : memref<4x80x128xf32, #tpu.memory_space<vmem>> -> memref<1x80x128xf32, #tpu.memory_space<vmem>>
      %dma_start3A_162 = tpu.memref_squeeze %dma_start3A_161 : memref<1x80x128xf32, #tpu.memory_space<vmem>> -> memref<80x128xf32, #tpu.memory_space<vmem>>
      %dma_start3A_163 = arith.constant 0 : i32
      %dma_start3A_164 = tpu.memref_slice %arg7[%dma_start3A_156, %dma_start3A_157, %dma_start3A_163] : memref<4x2x80xi32, #tpu.memory_space<vmem>> -> memref<1x1x80xi32, #tpu.memory_space<vmem>>
      %dma_start3A_165 = tpu.memref_squeeze %dma_start3A_164 : memref<1x1x80xi32, #tpu.memory_space<vmem>> -> memref<80xi32, #tpu.memory_space<vmem>>
      %dma_start3A_166 = arith.constant 0 : i32
      %dma_start3A_167 = arith.constant 0 : i32
      %dma_start3A_168 = tpu.memref_slice %arg2[%dma_start3A_166, %dma_start3A_167] : memref<10000x128xf32, #tpu.memory_space<hbm>> -> memref<10000x128xf32, #tpu.memory_space<hbm>>
      tpu.enqueue_indirect_dma source(%dma_start3A_168 : memref<10000x128xf32, #tpu.memory_space<hbm>>) target(%dma_start3A_162 : memref<80x128xf32, #tpu.memory_space<vmem>>) offsets(%dma_start3A_165 : memref<80xi32, #tpu.memory_space<vmem>>) semaphore(%arg13 : memref<!tpu.dma_semaphore, #tpu.memory_space<semaphore_mem>>)
      %dma_start3A_169 = arith.constant 1 : i32
      %dma_start3A_170 = arith.constant 1 : i32
      %dma_start3A_171 = arith.constant 1 : i32
      %dma_start3A_172 = arith.constant 0 : i32
      %dma_start3A_173 = arith.constant 0 : i32
      %dma_start3A_174 = tpu.memref_slice %arg9[%dma_start3A_169, %dma_start3A_172, %dma_start3A_173] : memref<4x80x128xf32, #tpu.memory_space<vmem>> -> memref<1x80x128xf32, #tpu.memory_space<vmem>>
      %dma_start3A_175 = tpu.memref_squeeze %dma_start3A_174 : memref<1x80x128xf32, #tpu.memory_space<vmem>> -> memref<80x128xf32, #tpu.memory_space<vmem>>
      %dma_start3A_176 = arith.constant 0 : i32
      %dma_start3A_177 = tpu.memref_slice %arg7[%dma_start3A_170, %dma_start3A_171, %dma_start3A_176] : memref<4x2x80xi32, #tpu.memory_space<vmem>> -> memref<1x1x80xi32, #tpu.memory_space<vmem>>
      %dma_start3A_178 = tpu.memref_squeeze %dma_start3A_177 : memref<1x1x80xi32, #tpu.memory_space<vmem>> -> memref<80xi32, #tpu.memory_space<vmem>>
      %dma_start3A_179 = arith.constant 0 : i32
      %dma_start3A_180 = arith.constant 0 : i32
      %dma_start3A_181 = tpu.memref_slice %arg6[%dma_start3A_179, %dma_start3A_180] : memref<10240x128xf32, #tpu.memory_space<vmem_shared>> -> memref<10240x128xf32, #tpu.memory_space<vmem_shared>>
      tpu.enqueue_indirect_dma source(%dma_start3A_175 : memref<80x128xf32, #tpu.memory_space<vmem>>) target(%dma_start3A_181 : memref<10240x128xf32, #tpu.memory_space<vmem_shared>>) offsets(%dma_start3A_178 : memref<80xi32, #tpu.memory_space<vmem>>) semaphore(%arg15 : memref<!tpu.dma_semaphore, #tpu.memory_space<semaphore_mem>>) {add = true}
      %dma_wait3A_182 = arith.constant 2 : i32
      %dma_wait3A_183 = arith.constant 0 : i32
      %dma_wait3A_184 = arith.constant 0 : i32
      %dma_wait3A_185 = tpu.memref_slice %arg9[%dma_wait3A_182, %dma_wait3A_183, %dma_wait3A_184] : memref<4x80x128xf32, #tpu.memory_space<vmem>> -> memref<1x80x128xf32, #tpu.memory_space<vmem>>
      %dma_wait3A_186 = tpu.memref_squeeze %dma_wait3A_185 : memref<1x80x128xf32, #tpu.memory_space<vmem>> -> memref<80x128xf32, #tpu.memory_space<vmem>>
      %dma_wait3A_187 = arith.constant 0 : i32
      %dma_wait3A_188 = arith.constant 0 : i32
      %dma_wait3A_189 = tpu.memref_slice %arg2[%dma_wait3A_187, %dma_wait3A_188] : memref<10000x128xf32, #tpu.memory_space<hbm>> -> memref<80x128xf32, #tpu.memory_space<hbm>>
      %dma_wait3A_190 = arith.constant 0 : i32
      %dma_wait3A_191 = arith.constant 0 : i32
      %dma_wait3A_192 = tpu.memref_slice %arg9[%dma_wait3A_182, %dma_wait3A_190, %dma_wait3A_191] : memref<4x80x128xf32, #tpu.memory_space<vmem>> -> memref<1x80x128xf32, #tpu.memory_space<vmem>>
      %dma_wait3A_193 = tpu.memref_squeeze %dma_wait3A_192 : memref<1x80x128xf32, #tpu.memory_space<vmem>> -> memref<80x128xf32, #tpu.memory_space<vmem>>
      %dma_wait3A_194 = arith.constant 0 : i32
      %dma_wait3A_195 = arith.constant 0 : i32
      %dma_wait3A_196 = tpu.memref_slice %arg2[%dma_wait3A_194, %dma_wait3A_195] : memref<10000x128xf32, #tpu.memory_space<hbm>> -> memref<80x128xf32, #tpu.memory_space<hbm>>
      tpu.wait_dma2 semaphore(%arg12 : memref<!tpu.dma_semaphore, #tpu.memory_space<semaphore_mem>>) src(%dma_wait3A_196 : memref<80x128xf32, #tpu.memory_space<hbm>>) dst(%dma_wait3A_193 : memref<80x128xf32, #tpu.memory_space<vmem>>)
      %dma_wait3A_197 = arith.constant 0 : i32
      %dma_wait3A_198 = arith.constant 0 : i32
      %dma_wait3A_199 = arith.constant 0 : i32
      %dma_wait3A_200 = tpu.memref_slice %arg3[%dma_wait3A_197, %dma_wait3A_198, %dma_wait3A_199] : memref<4096x2x80xi32, #tpu.memory_space<hbm>> -> memref<4x2x80xi32, #tpu.memory_space<hbm>>
      %dma_wait3A_201 = arith.constant 0 : i32
      %dma_wait3A_202 = arith.constant 0 : i32
      %dma_wait3A_203 = arith.constant 0 : i32
      %dma_wait3A_204 = tpu.memref_slice %arg3[%dma_wait3A_201, %dma_wait3A_202, %dma_wait3A_203] : memref<4096x2x80xi32, #tpu.memory_space<hbm>> -> memref<4x2x80xi32, #tpu.memory_space<hbm>>
      tpu.wait_dma2 semaphore(%arg19 : memref<!tpu.dma_semaphore, #tpu.memory_space<semaphore_mem>>) src(%dma_wait3A_204 : memref<4x2x80xi32, #tpu.memory_space<hbm>>) dst(%arg8 : memref<4x2x80xi32, #tpu.memory_space<vmem>>)
      %dma_wait3A_205 = arith.constant 0 : i32
      %dma_wait3A_206 = arith.constant 0 : i32
      %dma_wait3A_207 = arith.constant 0 : i32
      %dma_wait3A_208 = tpu.memref_slice %arg9[%dma_wait3A_205, %dma_wait3A_206, %dma_wait3A_207] : memref<4x80x128xf32, #tpu.memory_space<vmem>> -> memref<1x80x128xf32, #tpu.memory_space<vmem>>
      %dma_wait3A_209 = tpu.memref_squeeze %dma_wait3A_208 : memref<1x80x128xf32, #tpu.memory_space<vmem>> -> memref<80x128xf32, #tpu.memory_space<vmem>>
      %dma_wait3A_210 = arith.constant 0 : i32
      %dma_wait3A_211 = arith.constant 0 : i32
      %dma_wait3A_212 = tpu.memref_slice %arg2[%dma_wait3A_210, %dma_wait3A_211] : memref<10000x128xf32, #tpu.memory_space<hbm>> -> memref<80x128xf32, #tpu.memory_space<hbm>>
      %dma_wait3A_213 = arith.constant 0 : i32
      %dma_wait3A_214 = arith.constant 0 : i32
      %dma_wait3A_215 = tpu.memref_slice %arg9[%dma_wait3A_205, %dma_wait3A_213, %dma_wait3A_214] : memref<4x80x128xf32, #tpu.memory_space<vmem>> -> memref<1x80x128xf32, #tpu.memory_space<vmem>>
      %dma_wait3A_216 = tpu.memref_squeeze %dma_wait3A_215 : memref<1x80x128xf32, #tpu.memory_space<vmem>> -> memref<80x128xf32, #tpu.memory_space<vmem>>
      %dma_wait3A_217 = arith.constant 0 : i32
      %dma_wait3A_218 = arith.constant 0 : i32
      %dma_wait3A_219 = tpu.memref_slice %arg2[%dma_wait3A_217, %dma_wait3A_218] : memref<10000x128xf32, #tpu.memory_space<hbm>> -> memref<80x128xf32, #tpu.memory_space<hbm>>
      tpu.wait_dma2 semaphore(%arg14 : memref<!tpu.dma_semaphore, #tpu.memory_space<semaphore_mem>>) src(%dma_wait3A_219 : memref<80x128xf32, #tpu.memory_space<hbm>>) dst(%dma_wait3A_216 : memref<80x128xf32, #tpu.memory_space<vmem>>)
      %dma_start3A_220 = arith.constant 0 : i32
      %dma_start3A_221 = arith.constant 0 : i32
      %dma_start3A_222 = arith.constant 0 : i32
      %dma_start3A_223 = arith.constant 0 : i32
      %dma_start3A_224 = arith.constant 0 : i32
      %dma_start3A_225 = tpu.memref_slice %arg9[%dma_start3A_222, %dma_start3A_223, %dma_start3A_224] : memref<4x80x128xf32, #tpu.memory_space<vmem>> -> memref<1x80x128xf32, #tpu.memory_space<vmem>>
      %dma_start3A_226 = tpu.memref_squeeze %dma_start3A_225 : memref<1x80x128xf32, #tpu.memory_space<vmem>> -> memref<80x128xf32, #tpu.memory_space<vmem>>
      %dma_start3A_227 = arith.constant 0 : i32
      %dma_start3A_228 = tpu.memref_slice %arg8[%dma_start3A_220, %dma_start3A_221, %dma_start3A_227] : memref<4x2x80xi32, #tpu.memory_space<vmem>> -> memref<1x1x80xi32, #tpu.memory_space<vmem>>
      %dma_start3A_229 = tpu.memref_squeeze %dma_start3A_228 : memref<1x1x80xi32, #tpu.memory_space<vmem>> -> memref<80xi32, #tpu.memory_space<vmem>>
      %dma_start3A_230 = arith.constant 0 : i32
      %dma_start3A_231 = arith.constant 0 : i32
      %dma_start3A_232 = tpu.memref_slice %arg2[%dma_start3A_230, %dma_start3A_231] : memref<10000x128xf32, #tpu.memory_space<hbm>> -> memref<10000x128xf32, #tpu.memory_space<hbm>>
      tpu.enqueue_indirect_dma source(%dma_start3A_232 : memref<10000x128xf32, #tpu.memory_space<hbm>>) target(%dma_start3A_226 : memref<80x128xf32, #tpu.memory_space<vmem>>) offsets(%dma_start3A_229 : memref<80xi32, #tpu.memory_space<vmem>>) semaphore(%arg10 : memref<!tpu.dma_semaphore, #tpu.memory_space<semaphore_mem>>)
      %dma_start3A_233 = arith.constant 2 : i32
      %dma_start3A_234 = arith.constant 2 : i32
      %dma_start3A_235 = arith.constant 1 : i32
      %dma_start3A_236 = arith.constant 0 : i32
      %dma_start3A_237 = arith.constant 0 : i32
      %dma_start3A_238 = tpu.memref_slice %arg9[%dma_start3A_233, %dma_start3A_236, %dma_start3A_237] : memref<4x80x128xf32, #tpu.memory_space<vmem>> -> memref<1x80x128xf32, #tpu.memory_space<vmem>>
      %dma_start3A_239 = tpu.memref_squeeze %dma_start3A_238 : memref<1x80x128xf32, #tpu.memory_space<vmem>> -> memref<80x128xf32, #tpu.memory_space<vmem>>
      %dma_start3A_240 = arith.constant 0 : i32
      %dma_start3A_241 = tpu.memref_slice %arg7[%dma_start3A_234, %dma_start3A_235, %dma_start3A_240] : memref<4x2x80xi32, #tpu.memory_space<vmem>> -> memref<1x1x80xi32, #tpu.memory_space<vmem>>
      %dma_start3A_242 = tpu.memref_squeeze %dma_start3A_241 : memref<1x1x80xi32, #tpu.memory_space<vmem>> -> memref<80xi32, #tpu.memory_space<vmem>>
      %dma_start3A_243 = arith.constant 0 : i32
      %dma_start3A_244 = arith.constant 0 : i32
      %dma_start3A_245 = tpu.memref_slice %arg6[%dma_start3A_243, %dma_start3A_244] : memref<10240x128xf32, #tpu.memory_space<vmem_shared>> -> memref<10240x128xf32, #tpu.memory_space<vmem_shared>>
      tpu.enqueue_indirect_dma source(%dma_start3A_239 : memref<80x128xf32, #tpu.memory_space<vmem>>) target(%dma_start3A_245 : memref<10240x128xf32, #tpu.memory_space<vmem_shared>>) offsets(%dma_start3A_242 : memref<80xi32, #tpu.memory_space<vmem>>) semaphore(%arg16 : memref<!tpu.dma_semaphore, #tpu.memory_space<semaphore_mem>>) {add = true}
      %dma_wait3A_246 = arith.constant 3 : i32
      %dma_wait3A_247 = arith.constant 0 : i32
      %dma_wait3A_248 = arith.constant 0 : i32
      %dma_wait3A_249 = tpu.memref_slice %arg9[%dma_wait3A_246, %dma_wait3A_247, %dma_wait3A_248] : memref<4x80x128xf32, #tpu.memory_space<vmem>> -> memref<1x80x128xf32, #tpu.memory_space<vmem>>
      %dma_wait3A_250 = tpu.memref_squeeze %dma_wait3A_249 : memref<1x80x128xf32, #tpu.memory_space<vmem>> -> memref<80x128xf32, #tpu.memory_space<vmem>>
      %dma_wait3A_251 = arith.constant 0 : i32
      %dma_wait3A_252 = arith.constant 0 : i32
      %dma_wait3A_253 = tpu.memref_slice %arg2[%dma_wait3A_251, %dma_wait3A_252] : memref<10000x128xf32, #tpu.memory_space<hbm>> -> memref<80x128xf32, #tpu.memory_space<hbm>>
      %dma_wait3A_254 = arith.constant 0 : i32
      %dma_wait3A_255 = arith.constant 0 : i32
      %dma_wait3A_256 = tpu.memref_slice %arg9[%dma_wait3A_246, %dma_wait3A_254, %dma_wait3A_255] : memref<4x80x128xf32, #tpu.memory_space<vmem>> -> memref<1x80x128xf32, #tpu.memory_space<vmem>>
      %dma_wait3A_257 = tpu.memref_squeeze %dma_wait3A_256 : memref<1x80x128xf32, #tpu.memory_space<vmem>> -> memref<80x128xf32, #tpu.memory_space<vmem>>
      %dma_wait3A_258 = arith.constant 0 : i32
      %dma_wait3A_259 = arith.constant 0 : i32
      %dma_wait3A_260 = tpu.memref_slice %arg2[%dma_wait3A_258, %dma_wait3A_259] : memref<10000x128xf32, #tpu.memory_space<hbm>> -> memref<80x128xf32, #tpu.memory_space<hbm>>
      tpu.wait_dma2 semaphore(%arg13 : memref<!tpu.dma_semaphore, #tpu.memory_space<semaphore_mem>>) src(%dma_wait3A_260 : memref<80x128xf32, #tpu.memory_space<hbm>>) dst(%dma_wait3A_257 : memref<80x128xf32, #tpu.memory_space<vmem>>)
      %dma_wait3A_261 = arith.constant 1 : i32
      %dma_wait3A_262 = arith.constant 0 : i32
      %dma_wait3A_263 = arith.constant 0 : i32
      %dma_wait3A_264 = tpu.memref_slice %arg9[%dma_wait3A_261, %dma_wait3A_262, %dma_wait3A_263] : memref<4x80x128xf32, #tpu.memory_space<vmem>> -> memref<1x80x128xf32, #tpu.memory_space<vmem>>
      %dma_wait3A_265 = tpu.memref_squeeze %dma_wait3A_264 : memref<1x80x128xf32, #tpu.memory_space<vmem>> -> memref<80x128xf32, #tpu.memory_space<vmem>>
      %dma_wait3A_266 = arith.constant 0 : i32
      %dma_wait3A_267 = arith.constant 0 : i32
      %dma_wait3A_268 = tpu.memref_slice %arg2[%dma_wait3A_266, %dma_wait3A_267] : memref<10000x128xf32, #tpu.memory_space<hbm>> -> memref<80x128xf32, #tpu.memory_space<hbm>>
      %dma_wait3A_269 = arith.constant 0 : i32
      %dma_wait3A_270 = arith.constant 0 : i32
      %dma_wait3A_271 = tpu.memref_slice %arg9[%dma_wait3A_261, %dma_wait3A_269, %dma_wait3A_270] : memref<4x80x128xf32, #tpu.memory_space<vmem>> -> memref<1x80x128xf32, #tpu.memory_space<vmem>>
      %dma_wait3A_272 = tpu.memref_squeeze %dma_wait3A_271 : memref<1x80x128xf32, #tpu.memory_space<vmem>> -> memref<80x128xf32, #tpu.memory_space<vmem>>
      %dma_wait3A_273 = arith.constant 0 : i32
      %dma_wait3A_274 = arith.constant 0 : i32
      %dma_wait3A_275 = tpu.memref_slice %arg2[%dma_wait3A_273, %dma_wait3A_274] : memref<10000x128xf32, #tpu.memory_space<hbm>> -> memref<80x128xf32, #tpu.memory_space<hbm>>
      tpu.wait_dma2 semaphore(%arg15 : memref<!tpu.dma_semaphore, #tpu.memory_space<semaphore_mem>>) src(%dma_wait3A_275 : memref<80x128xf32, #tpu.memory_space<hbm>>) dst(%dma_wait3A_272 : memref<80x128xf32, #tpu.memory_space<vmem>>)
      %dma_start3A_276 = arith.constant 1 : i32
      %dma_start3A_277 = arith.constant 0 : i32
      %dma_start3A_278 = arith.constant 1 : i32
      %dma_start3A_279 = arith.constant 0 : i32
      %dma_start3A_280 = arith.constant 0 : i32
      %dma_start3A_281 = tpu.memref_slice %arg9[%dma_start3A_278, %dma_start3A_279, %dma_start3A_280] : memref<4x80x128xf32, #tpu.memory_space<vmem>> -> memref<1x80x128xf32, #tpu.memory_space<vmem>>
      %dma_start3A_282 = tpu.memref_squeeze %dma_start3A_281 : memref<1x80x128xf32, #tpu.memory_space<vmem>> -> memref<80x128xf32, #tpu.memory_space<vmem>>
      %dma_start3A_283 = arith.constant 0 : i32
      %dma_start3A_284 = tpu.memref_slice %arg8[%dma_start3A_276, %dma_start3A_277, %dma_start3A_283] : memref<4x2x80xi32, #tpu.memory_space<vmem>> -> memref<1x1x80xi32, #tpu.memory_space<vmem>>
      %dma_start3A_285 = tpu.memref_squeeze %dma_start3A_284 : memref<1x1x80xi32, #tpu.memory_space<vmem>> -> memref<80xi32, #tpu.memory_space<vmem>>
      %dma_start3A_286 = arith.constant 0 : i32
      %dma_start3A_287 = arith.constant 0 : i32
      %dma_start3A_288 = tpu.memref_slice %arg2[%dma_start3A_286, %dma_start3A_287] : memref<10000x128xf32, #tpu.memory_space<hbm>> -> memref<10000x128xf32, #tpu.memory_space<hbm>>
      tpu.enqueue_indirect_dma source(%dma_start3A_288 : memref<10000x128xf32, #tpu.memory_space<hbm>>) target(%dma_start3A_282 : memref<80x128xf32, #tpu.memory_space<vmem>>) offsets(%dma_start3A_285 : memref<80xi32, #tpu.memory_space<vmem>>) semaphore(%arg11 : memref<!tpu.dma_semaphore, #tpu.memory_space<semaphore_mem>>)
      %dma_start3A_289 = arith.constant 3 : i32
      %dma_start3A_290 = arith.constant 3 : i32
      %dma_start3A_291 = arith.constant 1 : i32
      %dma_start3A_292 = arith.constant 0 : i32
      %dma_start3A_293 = arith.constant 0 : i32
      %dma_start3A_294 = tpu.memref_slice %arg9[%dma_start3A_289, %dma_start3A_292, %dma_start3A_293] : memref<4x80x128xf32, #tpu.memory_space<vmem>> -> memref<1x80x128xf32, #tpu.memory_space<vmem>>
      %dma_start3A_295 = tpu.memref_squeeze %dma_start3A_294 : memref<1x80x128xf32, #tpu.memory_space<vmem>> -> memref<80x128xf32, #tpu.memory_space<vmem>>
      %dma_start3A_296 = arith.constant 0 : i32
      %dma_start3A_297 = tpu.memref_slice %arg7[%dma_start3A_290, %dma_start3A_291, %dma_start3A_296] : memref<4x2x80xi32, #tpu.memory_space<vmem>> -> memref<1x1x80xi32, #tpu.memory_space<vmem>>
      %dma_start3A_298 = tpu.memref_squeeze %dma_start3A_297 : memref<1x1x80xi32, #tpu.memory_space<vmem>> -> memref<80xi32, #tpu.memory_space<vmem>>
      %dma_start3A_299 = arith.constant 0 : i32
      %dma_start3A_300 = arith.constant 0 : i32
      %dma_start3A_301 = tpu.memref_slice %arg6[%dma_start3A_299, %dma_start3A_300] : memref<10240x128xf32, #tpu.memory_space<vmem_shared>> -> memref<10240x128xf32, #tpu.memory_space<vmem_shared>>
      tpu.enqueue_indirect_dma source(%dma_start3A_295 : memref<80x128xf32, #tpu.memory_space<vmem>>) target(%dma_start3A_301 : memref<10240x128xf32, #tpu.memory_space<vmem_shared>>) offsets(%dma_start3A_298 : memref<80xi32, #tpu.memory_space<vmem>>) semaphore(%arg17 : memref<!tpu.dma_semaphore, #tpu.memory_space<semaphore_mem>>) {add = true}
      %dma_wait3A_302 = arith.constant 0 : i32
      %dma_wait3A_303 = arith.constant 0 : i32
      %dma_wait3A_304 = arith.constant 0 : i32
      %dma_wait3A_305 = tpu.memref_slice %arg9[%dma_wait3A_302, %dma_wait3A_303, %dma_wait3A_304] : memref<4x80x128xf32, #tpu.memory_space<vmem>> -> memref<1x80x128xf32, #tpu.memory_space<vmem>>
      %dma_wait3A_306 = tpu.memref_squeeze %dma_wait3A_305 : memref<1x80x128xf32, #tpu.memory_space<vmem>> -> memref<80x128xf32, #tpu.memory_space<vmem>>
      %dma_wait3A_307 = arith.constant 0 : i32
      %dma_wait3A_308 = arith.constant 0 : i32
      %dma_wait3A_309 = tpu.memref_slice %arg2[%dma_wait3A_307, %dma_wait3A_308] : memref<10000x128xf32, #tpu.memory_space<hbm>> -> memref<80x128xf32, #tpu.memory_space<hbm>>
      %dma_wait3A_310 = arith.constant 0 : i32
      %dma_wait3A_311 = arith.constant 0 : i32
      %dma_wait3A_312 = tpu.memref_slice %arg9[%dma_wait3A_302, %dma_wait3A_310, %dma_wait3A_311] : memref<4x80x128xf32, #tpu.memory_space<vmem>> -> memref<1x80x128xf32, #tpu.memory_space<vmem>>
      %dma_wait3A_313 = tpu.memref_squeeze %dma_wait3A_312 : memref<1x80x128xf32, #tpu.memory_space<vmem>> -> memref<80x128xf32, #tpu.memory_space<vmem>>
      %dma_wait3A_314 = arith.constant 0 : i32
      %dma_wait3A_315 = arith.constant 0 : i32
      %dma_wait3A_316 = tpu.memref_slice %arg2[%dma_wait3A_314, %dma_wait3A_315] : memref<10000x128xf32, #tpu.memory_space<hbm>> -> memref<80x128xf32, #tpu.memory_space<hbm>>
      tpu.wait_dma2 semaphore(%arg10 : memref<!tpu.dma_semaphore, #tpu.memory_space<semaphore_mem>>) src(%dma_wait3A_316 : memref<80x128xf32, #tpu.memory_space<hbm>>) dst(%dma_wait3A_313 : memref<80x128xf32, #tpu.memory_space<vmem>>)
      %dma_wait3A_317 = arith.constant 2 : i32
      %dma_wait3A_318 = arith.constant 0 : i32
      %dma_wait3A_319 = arith.constant 0 : i32
      %dma_wait3A_320 = tpu.memref_slice %arg9[%dma_wait3A_317, %dma_wait3A_318, %dma_wait3A_319] : memref<4x80x128xf32, #tpu.memory_space<vmem>> -> memref<1x80x128xf32, #tpu.memory_space<vmem>>
      %dma_wait3A_321 = tpu.memref_squeeze %dma_wait3A_320 : memref<1x80x128xf32, #tpu.memory_space<vmem>> -> memref<80x128xf32, #tpu.memory_space<vmem>>
      %dma_wait3A_322 = arith.constant 0 : i32
      %dma_wait3A_323 = arith.constant 0 : i32
      %dma_wait3A_324 = tpu.memref_slice %arg2[%dma_wait3A_322, %dma_wait3A_323] : memref<10000x128xf32, #tpu.memory_space<hbm>> -> memref<80x128xf32, #tpu.memory_space<hbm>>
      %dma_wait3A_325 = arith.constant 0 : i32
      %dma_wait3A_326 = arith.constant 0 : i32
      %dma_wait3A_327 = tpu.memref_slice %arg9[%dma_wait3A_317, %dma_wait3A_325, %dma_wait3A_326] : memref<4x80x128xf32, #tpu.memory_space<vmem>> -> memref<1x80x128xf32, #tpu.memory_space<vmem>>
      %dma_wait3A_328 = tpu.memref_squeeze %dma_wait3A_327 : memref<1x80x128xf32, #tpu.memory_space<vmem>> -> memref<80x128xf32, #tpu.memory_space<vmem>>
      %dma_wait3A_329 = arith.constant 0 : i32
      %dma_wait3A_330 = arith.constant 0 : i32
      %dma_wait3A_331 = tpu.memref_slice %arg2[%dma_wait3A_329, %dma_wait3A_330] : memref<10000x128xf32, #tpu.memory_space<hbm>> -> memref<80x128xf32, #tpu.memory_space<hbm>>
      tpu.wait_dma2 semaphore(%arg16 : memref<!tpu.dma_semaphore, #tpu.memory_space<semaphore_mem>>) src(%dma_wait3A_331 : memref<80x128xf32, #tpu.memory_space<hbm>>) dst(%dma_wait3A_328 : memref<80x128xf32, #tpu.memory_space<vmem>>)
      %dma_start3A_332 = arith.constant 2 : i32
      %dma_start3A_333 = arith.constant 0 : i32
      %dma_start3A_334 = arith.constant 2 : i32
      %dma_start3A_335 = arith.constant 0 : i32
      %dma_start3A_336 = arith.constant 0 : i32
      %dma_start3A_337 = tpu.memref_slice %arg9[%dma_start3A_334, %dma_start3A_335, %dma_start3A_336] : memref<4x80x128xf32, #tpu.memory_space<vmem>> -> memref<1x80x128xf32, #tpu.memory_space<vmem>>
      %dma_start3A_338 = tpu.memref_squeeze %dma_start3A_337 : memref<1x80x128xf32, #tpu.memory_space<vmem>> -> memref<80x128xf32, #tpu.memory_space<vmem>>
      %dma_start3A_339 = arith.constant 0 : i32
      %dma_start3A_340 = tpu.memref_slice %arg8[%dma_start3A_332, %dma_start3A_333, %dma_start3A_339] : memref<4x2x80xi32, #tpu.memory_space<vmem>> -> memref<1x1x80xi32, #tpu.memory_space<vmem>>
      %dma_start3A_341 = tpu.memref_squeeze %dma_start3A_340 : memref<1x1x80xi32, #tpu.memory_space<vmem>> -> memref<80xi32, #tpu.memory_space<vmem>>
      %dma_start3A_342 = arith.constant 0 : i32
      %dma_start3A_343 = arith.constant 0 : i32
      %dma_start3A_344 = tpu.memref_slice %arg2[%dma_start3A_342, %dma_start3A_343] : memref<10000x128xf32, #tpu.memory_space<hbm>> -> memref<10000x128xf32, #tpu.memory_space<hbm>>
      tpu.enqueue_indirect_dma source(%dma_start3A_344 : memref<10000x128xf32, #tpu.memory_space<hbm>>) target(%dma_start3A_338 : memref<80x128xf32, #tpu.memory_space<vmem>>) offsets(%dma_start3A_341 : memref<80xi32, #tpu.memory_space<vmem>>) semaphore(%arg12 : memref<!tpu.dma_semaphore, #tpu.memory_space<semaphore_mem>>)
      %dma_start3A_345 = arith.constant 0 : i32
      %dma_start3A_346 = arith.constant 0 : i32
      %dma_start3A_347 = arith.constant 1 : i32
      %dma_start3A_348 = arith.constant 0 : i32
      %dma_start3A_349 = arith.constant 0 : i32
      %dma_start3A_350 = tpu.memref_slice %arg9[%dma_start3A_345, %dma_start3A_348, %dma_start3A_349] : memref<4x80x128xf32, #tpu.memory_space<vmem>> -> memref<1x80x128xf32, #tpu.memory_space<vmem>>
      %dma_start3A_351 = tpu.memref_squeeze %dma_start3A_350 : memref<1x80x128xf32, #tpu.memory_space<vmem>> -> memref<80x128xf32, #tpu.memory_space<vmem>>
      %dma_start3A_352 = arith.constant 0 : i32
      %dma_start3A_353 = tpu.memref_slice %arg8[%dma_start3A_346, %dma_start3A_347, %dma_start3A_352] : memref<4x2x80xi32, #tpu.memory_space<vmem>> -> memref<1x1x80xi32, #tpu.memory_space<vmem>>
      %dma_start3A_354 = tpu.memref_squeeze %dma_start3A_353 : memref<1x1x80xi32, #tpu.memory_space<vmem>> -> memref<80xi32, #tpu.memory_space<vmem>>
      %dma_start3A_355 = arith.constant 0 : i32
      %dma_start3A_356 = arith.constant 0 : i32
      %dma_start3A_357 = tpu.memref_slice %arg6[%dma_start3A_355, %dma_start3A_356] : memref<10240x128xf32, #tpu.memory_space<vmem_shared>> -> memref<10240x128xf32, #tpu.memory_space<vmem_shared>>
      tpu.enqueue_indirect_dma source(%dma_start3A_351 : memref<80x128xf32, #tpu.memory_space<vmem>>) target(%dma_start3A_357 : memref<10240x128xf32, #tpu.memory_space<vmem_shared>>) offsets(%dma_start3A_354 : memref<80xi32, #tpu.memory_space<vmem>>) semaphore(%arg14 : memref<!tpu.dma_semaphore, #tpu.memory_space<semaphore_mem>>) {add = true}
      %dma_wait3A_358 = arith.constant 1 : i32
      %dma_wait3A_359 = arith.constant 0 : i32
      %dma_wait3A_360 = arith.constant 0 : i32
      %dma_wait3A_361 = tpu.memref_slice %arg9[%dma_wait3A_358, %dma_wait3A_359, %dma_wait3A_360] : memref<4x80x128xf32, #tpu.memory_space<vmem>> -> memref<1x80x128xf32, #tpu.memory_space<vmem>>
      %dma_wait3A_362 = tpu.memref_squeeze %dma_wait3A_361 : memref<1x80x128xf32, #tpu.memory_space<vmem>> -> memref<80x128xf32, #tpu.memory_space<vmem>>
      %dma_wait3A_363 = arith.constant 0 : i32
      %dma_wait3A_364 = arith.constant 0 : i32
      %dma_wait3A_365 = tpu.memref_slice %arg2[%dma_wait3A_363, %dma_wait3A_364] : memref<10000x128xf32, #tpu.memory_space<hbm>> -> memref<80x128xf32, #tpu.memory_space<hbm>>
      %dma_wait3A_366 = arith.constant 0 : i32
      %dma_wait3A_367 = arith.constant 0 : i32
      %dma_wait3A_368 = tpu.memref_slice %arg9[%dma_wait3A_358, %dma_wait3A_366, %dma_wait3A_367] : memref<4x80x128xf32, #tpu.memory_space<vmem>> -> memref<1x80x128xf32, #tpu.memory_space<vmem>>
      %dma_wait3A_369 = tpu.memref_squeeze %dma_wait3A_368 : memref<1x80x128xf32, #tpu.memory_space<vmem>> -> memref<80x128xf32, #tpu.memory_space<vmem>>
      %dma_wait3A_370 = arith.constant 0 : i32
      %dma_wait3A_371 = arith.constant 0 : i32
      %dma_wait3A_372 = tpu.memref_slice %arg2[%dma_wait3A_370, %dma_wait3A_371] : memref<10000x128xf32, #tpu.memory_space<hbm>> -> memref<80x128xf32, #tpu.memory_space<hbm>>
      tpu.wait_dma2 semaphore(%arg11 : memref<!tpu.dma_semaphore, #tpu.memory_space<semaphore_mem>>) src(%dma_wait3A_372 : memref<80x128xf32, #tpu.memory_space<hbm>>) dst(%dma_wait3A_369 : memref<80x128xf32, #tpu.memory_space<vmem>>)
      %dma_wait3A_373 = arith.constant 3 : i32
      %dma_wait3A_374 = arith.constant 0 : i32
      %dma_wait3A_375 = arith.constant 0 : i32
      %dma_wait3A_376 = tpu.memref_slice %arg9[%dma_wait3A_373, %dma_wait3A_374, %dma_wait3A_375] : memref<4x80x128xf32, #tpu.memory_space<vmem>> -> memref<1x80x128xf32, #tpu.memory_space<vmem>>
      %dma_wait3A_377 = tpu.memref_squeeze %dma_wait3A_376 : memref<1x80x128xf32, #tpu.memory_space<vmem>> -> memref<80x128xf32, #tpu.memory_space<vmem>>
      %dma_wait3A_378 = arith.constant 0 : i32
      %dma_wait3A_379 = arith.constant 0 : i32
      %dma_wait3A_380 = tpu.memref_slice %arg2[%dma_wait3A_378, %dma_wait3A_379] : memref<10000x128xf32, #tpu.memory_space<hbm>> -> memref<80x128xf32, #tpu.memory_space<hbm>>
      %dma_wait3A_381 = arith.constant 0 : i32
      %dma_wait3A_382 = arith.constant 0 : i32
      %dma_wait3A_383 = tpu.memref_slice %arg9[%dma_wait3A_373, %dma_wait3A_381, %dma_wait3A_382] : memref<4x80x128xf32, #tpu.memory_space<vmem>> -> memref<1x80x128xf32, #tpu.memory_space<vmem>>
      %dma_wait3A_384 = tpu.memref_squeeze %dma_wait3A_383 : memref<1x80x128xf32, #tpu.memory_space<vmem>> -> memref<80x128xf32, #tpu.memory_space<vmem>>
      %dma_wait3A_385 = arith.constant 0 : i32
      %dma_wait3A_386 = arith.constant 0 : i32
      %dma_wait3A_387 = tpu.memref_slice %arg2[%dma_wait3A_385, %dma_wait3A_386] : memref<10000x128xf32, #tpu.memory_space<hbm>> -> memref<80x128xf32, #tpu.memory_space<hbm>>
      tpu.wait_dma2 semaphore(%arg17 : memref<!tpu.dma_semaphore, #tpu.memory_space<semaphore_mem>>) src(%dma_wait3A_387 : memref<80x128xf32, #tpu.memory_space<hbm>>) dst(%dma_wait3A_384 : memref<80x128xf32, #tpu.memory_space<vmem>>)
      %lt3A = arith.constant 15 : i32
      %lt3A_388 = arith.cmpi slt, %scan3A_85, %lt3A : i32
      %convert_element_type3A_389 = arith.extui %lt3A_388 : i1 to i32
      %cond3A_390 = arith.constant 0 : i32
      %cond3A_391 = arith.cmpi ne, %convert_element_type3A_389, %cond3A_390 : i32
      scf.if %cond3A_391 {
        %mul3A_514 = arith.constant 8 : i32
        %mul3A_515 = arith.muli %mul3A_514, %scan3A_85 : i32
        %add3A_516 = arith.addi %mul3A_2, %mul3A_515 : i32
        %add3A_517 = arith.constant 8 : i32
        %add3A_518 = arith.addi %add3A_516, %add3A_517 : i32
        %dma_start3A_519 = arith.constant 0 : i32
        %dma_start3A_520 = arith.constant 0 : i32
        %dma_start3A_521 = tpu.memref_slice %arg3[%add3A_518, %dma_start3A_519, %dma_start3A_520] : memref<4096x2x80xi32, #tpu.memory_space<hbm>> -> memref<4x2x80xi32, #tpu.memory_space<hbm>>
        %dma_start3A_522 = arith.constant 0 : i32
        %dma_start3A_523 = arith.constant 0 : i32
        %dma_start3A_524 = tpu.memref_slice %arg3[%add3A_518, %dma_start3A_522, %dma_start3A_523] : memref<4096x2x80xi32, #tpu.memory_space<hbm>> -> memref<4x2x80xi32, #tpu.memory_space<hbm>>
        tpu.enqueue_dma source(%dma_start3A_524 : memref<4x2x80xi32, #tpu.memory_space<hbm>>) target(%arg7 : memref<4x2x80xi32, #tpu.memory_space<vmem>>) target_semaphore(%arg18 : memref<!tpu.dma_semaphore, #tpu.memory_space<semaphore_mem>>)
      } else {
      }
      %dma_start3A_392 = arith.constant 3 : i32
      %dma_start3A_393 = arith.constant 0 : i32
      %dma_start3A_394 = arith.constant 3 : i32
      %dma_start3A_395 = arith.constant 0 : i32
      %dma_start3A_396 = arith.constant 0 : i32
      %dma_start3A_397 = tpu.memref_slice %arg9[%dma_start3A_394, %dma_start3A_395, %dma_start3A_396] : memref<4x80x128xf32, #tpu.memory_space<vmem>> -> memref<1x80x128xf32, #tpu.memory_space<vmem>>
      %dma_start3A_398 = tpu.memref_squeeze %dma_start3A_397 : memref<1x80x128xf32, #tpu.memory_space<vmem>> -> memref<80x128xf32, #tpu.memory_space<vmem>>
      %dma_start3A_399 = arith.constant 0 : i32
      %dma_start3A_400 = tpu.memref_slice %arg8[%dma_start3A_392, %dma_start3A_393, %dma_start3A_399] : memref<4x2x80xi32, #tpu.memory_space<vmem>> -> memref<1x1x80xi32, #tpu.memory_space<vmem>>
      %dma_start3A_401 = tpu.memref_squeeze %dma_start3A_400 : memref<1x1x80xi32, #tpu.memory_space<vmem>> -> memref<80xi32, #tpu.memory_space<vmem>>
      %dma_start3A_402 = arith.constant 0 : i32
      %dma_start3A_403 = arith.constant 0 : i32
      %dma_start3A_404 = tpu.memref_slice %arg2[%dma_start3A_402, %dma_start3A_403] : memref<10000x128xf32, #tpu.memory_space<hbm>> -> memref<10000x128xf32, #tpu.memory_space<hbm>>
      tpu.enqueue_indirect_dma source(%dma_start3A_404 : memref<10000x128xf32, #tpu.memory_space<hbm>>) target(%dma_start3A_398 : memref<80x128xf32, #tpu.memory_space<vmem>>) offsets(%dma_start3A_401 : memref<80xi32, #tpu.memory_space<vmem>>) semaphore(%arg13 : memref<!tpu.dma_semaphore, #tpu.memory_space<semaphore_mem>>)
      %dma_start3A_405 = arith.constant 1 : i32
      %dma_start3A_406 = arith.constant 1 : i32
      %dma_start3A_407 = arith.constant 1 : i32
      %dma_start3A_408 = arith.constant 0 : i32
      %dma_start3A_409 = arith.constant 0 : i32
      %dma_start3A_410 = tpu.memref_slice %arg9[%dma_start3A_405, %dma_start3A_408, %dma_start3A_409] : memref<4x80x128xf32, #tpu.memory_space<vmem>> -> memref<1x80x128xf32, #tpu.memory_space<vmem>>
      %dma_start3A_411 = tpu.memref_squeeze %dma_start3A_410 : memref<1x80x128xf32, #tpu.memory_space<vmem>> -> memref<80x128xf32, #tpu.memory_space<vmem>>
      %dma_start3A_412 = arith.constant 0 : i32
      %dma_start3A_413 = tpu.memref_slice %arg8[%dma_start3A_406, %dma_start3A_407, %dma_start3A_412] : memref<4x2x80xi32, #tpu.memory_space<vmem>> -> memref<1x1x80xi32, #tpu.memory_space<vmem>>
      %dma_start3A_414 = tpu.memref_squeeze %dma_start3A_413 : memref<1x1x80xi32, #tpu.memory_space<vmem>> -> memref<80xi32, #tpu.memory_space<vmem>>
      %dma_start3A_415 = arith.constant 0 : i32
      %dma_start3A_416 = arith.constant 0 : i32
      %dma_start3A_417 = tpu.memref_slice %arg6[%dma_start3A_415, %dma_start3A_416] : memref<10240x128xf32, #tpu.memory_space<vmem_shared>> -> memref<10240x128xf32, #tpu.memory_space<vmem_shared>>
      tpu.enqueue_indirect_dma source(%dma_start3A_411 : memref<80x128xf32, #tpu.memory_space<vmem>>) target(%dma_start3A_417 : memref<10240x128xf32, #tpu.memory_space<vmem_shared>>) offsets(%dma_start3A_414 : memref<80xi32, #tpu.memory_space<vmem>>) semaphore(%arg15 : memref<!tpu.dma_semaphore, #tpu.memory_space<semaphore_mem>>) {add = true}
      %dma_wait3A_418 = arith.constant 2 : i32
      %dma_wait3A_419 = arith.constant 0 : i32
      %dma_wait3A_420 = arith.constant 0 : i32
      %dma_wait3A_421 = tpu.memref_slice %arg9[%dma_wait3A_418, %dma_wait3A_419, %dma_wait3A_420] : memref<4x80x128xf32, #tpu.memory_space<vmem>> -> memref<1x80x128xf32, #tpu.memory_space<vmem>>
      %dma_wait3A_422 = tpu.memref_squeeze %dma_wait3A_421 : memref<1x80x128xf32, #tpu.memory_space<vmem>> -> memref<80x128xf32, #tpu.memory_space<vmem>>
      %dma_wait3A_423 = arith.constant 0 : i32
      %dma_wait3A_424 = arith.constant 0 : i32
      %dma_wait3A_425 = tpu.memref_slice %arg2[%dma_wait3A_423, %dma_wait3A_424] : memref<10000x128xf32, #tpu.memory_space<hbm>> -> memref<80x128xf32, #tpu.memory_space<hbm>>
      %dma_wait3A_426 = arith.constant 0 : i32
      %dma_wait3A_427 = arith.constant 0 : i32
      %dma_wait3A_428 = tpu.memref_slice %arg9[%dma_wait3A_418, %dma_wait3A_426, %dma_wait3A_427] : memref<4x80x128xf32, #tpu.memory_space<vmem>> -> memref<1x80x128xf32, #tpu.memory_space<vmem>>
      %dma_wait3A_429 = tpu.memref_squeeze %dma_wait3A_428 : memref<1x80x128xf32, #tpu.memory_space<vmem>> -> memref<80x128xf32, #tpu.memory_space<vmem>>
      %dma_wait3A_430 = arith.constant 0 : i32
      %dma_wait3A_431 = arith.constant 0 : i32
      %dma_wait3A_432 = tpu.memref_slice %arg2[%dma_wait3A_430, %dma_wait3A_431] : memref<10000x128xf32, #tpu.memory_space<hbm>> -> memref<80x128xf32, #tpu.memory_space<hbm>>
      tpu.wait_dma2 semaphore(%arg12 : memref<!tpu.dma_semaphore, #tpu.memory_space<semaphore_mem>>) src(%dma_wait3A_432 : memref<80x128xf32, #tpu.memory_space<hbm>>) dst(%dma_wait3A_429 : memref<80x128xf32, #tpu.memory_space<vmem>>)
      %dma_wait3A_433 = arith.constant 0 : i32
      %dma_wait3A_434 = arith.constant 0 : i32
      %dma_wait3A_435 = arith.constant 0 : i32
      %dma_wait3A_436 = tpu.memref_slice %arg9[%dma_wait3A_433, %dma_wait3A_434, %dma_wait3A_435] : memref<4x80x128xf32, #tpu.memory_space<vmem>> -> memref<1x80x128xf32, #tpu.memory_space<vmem>>
      %dma_wait3A_437 = tpu.memref_squeeze %dma_wait3A_436 : memref<1x80x128xf32, #tpu.memory_space<vmem>> -> memref<80x128xf32, #tpu.memory_space<vmem>>
      %dma_wait3A_438 = arith.constant 0 : i32
      %dma_wait3A_439 = arith.constant 0 : i32
      %dma_wait3A_440 = tpu.memref_slice %arg2[%dma_wait3A_438, %dma_wait3A_439] : memref<10000x128xf32, #tpu.memory_space<hbm>> -> memref<80x128xf32, #tpu.memory_space<hbm>>
      %dma_wait3A_441 = arith.constant 0 : i32
      %dma_wait3A_442 = arith.constant 0 : i32
      %dma_wait3A_443 = tpu.memref_slice %arg9[%dma_wait3A_433, %dma_wait3A_441, %dma_wait3A_442] : memref<4x80x128xf32, #tpu.memory_space<vmem>> -> memref<1x80x128xf32, #tpu.memory_space<vmem>>
      %dma_wait3A_444 = tpu.memref_squeeze %dma_wait3A_443 : memref<1x80x128xf32, #tpu.memory_space<vmem>> -> memref<80x128xf32, #tpu.memory_space<vmem>>
      %dma_wait3A_445 = arith.constant 0 : i32
      %dma_wait3A_446 = arith.constant 0 : i32
      %dma_wait3A_447 = tpu.memref_slice %arg2[%dma_wait3A_445, %dma_wait3A_446] : memref<10000x128xf32, #tpu.memory_space<hbm>> -> memref<80x128xf32, #tpu.memory_space<hbm>>
      tpu.wait_dma2 semaphore(%arg14 : memref<!tpu.dma_semaphore, #tpu.memory_space<semaphore_mem>>) src(%dma_wait3A_447 : memref<80x128xf32, #tpu.memory_space<hbm>>) dst(%dma_wait3A_444 : memref<80x128xf32, #tpu.memory_space<vmem>>)
      %lt3A_448 = arith.constant 15 : i32
      %lt3A_449 = arith.cmpi slt, %scan3A_85, %lt3A_448 : i32
      %convert_element_type3A_450 = arith.extui %lt3A_449 : i1 to i32
      %cond3A_451 = arith.constant 0 : i32
      %cond3A_452 = arith.cmpi ne, %convert_element_type3A_450, %cond3A_451 : i32
      scf.if %cond3A_452 {
        %dma_wait3A_514 = arith.constant 0 : i32
        %dma_wait3A_515 = arith.constant 0 : i32
        %dma_wait3A_516 = arith.constant 0 : i32
        %dma_wait3A_517 = tpu.memref_slice %arg3[%dma_wait3A_514, %dma_wait3A_515, %dma_wait3A_516] : memref<4096x2x80xi32, #tpu.memory_space<hbm>> -> memref<4x2x80xi32, #tpu.memory_space<hbm>>
        %dma_wait3A_518 = arith.constant 0 : i32
        %dma_wait3A_519 = arith.constant 0 : i32
        %dma_wait3A_520 = arith.constant 0 : i32
        %dma_wait3A_521 = tpu.memref_slice %arg3[%dma_wait3A_518, %dma_wait3A_519, %dma_wait3A_520] : memref<4096x2x80xi32, #tpu.memory_space<hbm>> -> memref<4x2x80xi32, #tpu.memory_space<hbm>>
        tpu.wait_dma2 semaphore(%arg18 : memref<!tpu.dma_semaphore, #tpu.memory_space<semaphore_mem>>) src(%dma_wait3A_521 : memref<4x2x80xi32, #tpu.memory_space<hbm>>) dst(%arg7 : memref<4x2x80xi32, #tpu.memory_space<vmem>>)
        %dma_start3A_522 = arith.constant 0 : i32
        %dma_start3A_523 = arith.constant 0 : i32
        %dma_start3A_524 = arith.constant 0 : i32
        %dma_start3A_525 = arith.constant 0 : i32
        %dma_start3A_526 = arith.constant 0 : i32
        %dma_start3A_527 = tpu.memref_slice %arg9[%dma_start3A_524, %dma_start3A_525, %dma_start3A_526] : memref<4x80x128xf32, #tpu.memory_space<vmem>> -> memref<1x80x128xf32, #tpu.memory_space<vmem>>
        %dma_start3A_528 = tpu.memref_squeeze %dma_start3A_527 : memref<1x80x128xf32, #tpu.memory_space<vmem>> -> memref<80x128xf32, #tpu.memory_space<vmem>>
        %dma_start3A_529 = arith.constant 0 : i32
        %dma_start3A_530 = tpu.memref_slice %arg7[%dma_start3A_522, %dma_start3A_523, %dma_start3A_529] : memref<4x2x80xi32, #tpu.memory_space<vmem>> -> memref<1x1x80xi32, #tpu.memory_space<vmem>>
        %dma_start3A_531 = tpu.memref_squeeze %dma_start3A_530 : memref<1x1x80xi32, #tpu.memory_space<vmem>> -> memref<80xi32, #tpu.memory_space<vmem>>
        %dma_start3A_532 = arith.constant 0 : i32
        %dma_start3A_533 = arith.constant 0 : i32
        %dma_start3A_534 = tpu.memref_slice %arg2[%dma_start3A_532, %dma_start3A_533] : memref<10000x128xf32, #tpu.memory_space<hbm>> -> memref<10000x128xf32, #tpu.memory_space<hbm>>
        tpu.enqueue_indirect_dma source(%dma_start3A_534 : memref<10000x128xf32, #tpu.memory_space<hbm>>) target(%dma_start3A_528 : memref<80x128xf32, #tpu.memory_space<vmem>>) offsets(%dma_start3A_531 : memref<80xi32, #tpu.memory_space<vmem>>) semaphore(%arg10 : memref<!tpu.dma_semaphore, #tpu.memory_space<semaphore_mem>>)
      } else {
      }
      %dma_start3A_453 = arith.constant 2 : i32
      %dma_start3A_454 = arith.constant 2 : i32
      %dma_start3A_455 = arith.constant 1 : i32
      %dma_start3A_456 = arith.constant 0 : i32
      %dma_start3A_457 = arith.constant 0 : i32
      %dma_start3A_458 = tpu.memref_slice %arg9[%dma_start3A_453, %dma_start3A_456, %dma_start3A_457] : memref<4x80x128xf32, #tpu.memory_space<vmem>> -> memref<1x80x128xf32, #tpu.memory_space<vmem>>
      %dma_start3A_459 = tpu.memref_squeeze %dma_start3A_458 : memref<1x80x128xf32, #tpu.memory_space<vmem>> -> memref<80x128xf32, #tpu.memory_space<vmem>>
      %dma_start3A_460 = arith.constant 0 : i32
      %dma_start3A_461 = tpu.memref_slice %arg8[%dma_start3A_454, %dma_start3A_455, %dma_start3A_460] : memref<4x2x80xi32, #tpu.memory_space<vmem>> -> memref<1x1x80xi32, #tpu.memory_space<vmem>>
      %dma_start3A_462 = tpu.memref_squeeze %dma_start3A_461 : memref<1x1x80xi32, #tpu.memory_space<vmem>> -> memref<80xi32, #tpu.memory_space<vmem>>
      %dma_start3A_463 = arith.constant 0 : i32
      %dma_start3A_464 = arith.constant 0 : i32
      %dma_start3A_465 = tpu.memref_slice %arg6[%dma_start3A_463, %dma_start3A_464] : memref<10240x128xf32, #tpu.memory_space<vmem_shared>> -> memref<10240x128xf32, #tpu.memory_space<vmem_shared>>
      tpu.enqueue_indirect_dma source(%dma_start3A_459 : memref<80x128xf32, #tpu.memory_space<vmem>>) target(%dma_start3A_465 : memref<10240x128xf32, #tpu.memory_space<vmem_shared>>) offsets(%dma_start3A_462 : memref<80xi32, #tpu.memory_space<vmem>>) semaphore(%arg16 : memref<!tpu.dma_semaphore, #tpu.memory_space<semaphore_mem>>) {add = true}
      %dma_wait3A_466 = arith.constant 3 : i32
      %dma_wait3A_467 = arith.constant 0 : i32
      %dma_wait3A_468 = arith.constant 0 : i32
      %dma_wait3A_469 = tpu.memref_slice %arg9[%dma_wait3A_466, %dma_wait3A_467, %dma_wait3A_468] : memref<4x80x128xf32, #tpu.memory_space<vmem>> -> memref<1x80x128xf32, #tpu.memory_space<vmem>>
      %dma_wait3A_470 = tpu.memref_squeeze %dma_wait3A_469 : memref<1x80x128xf32, #tpu.memory_space<vmem>> -> memref<80x128xf32, #tpu.memory_space<vmem>>
      %dma_wait3A_471 = arith.constant 0 : i32
      %dma_wait3A_472 = arith.constant 0 : i32
      %dma_wait3A_473 = tpu.memref_slice %arg2[%dma_wait3A_471, %dma_wait3A_472] : memref<10000x128xf32, #tpu.memory_space<hbm>> -> memref<80x128xf32, #tpu.memory_space<hbm>>
      %dma_wait3A_474 = arith.constant 0 : i32
      %dma_wait3A_475 = arith.constant 0 : i32
      %dma_wait3A_476 = tpu.memref_slice %arg9[%dma_wait3A_466, %dma_wait3A_474, %dma_wait3A_475] : memref<4x80x128xf32, #tpu.memory_space<vmem>> -> memref<1x80x128xf32, #tpu.memory_space<vmem>>
      %dma_wait3A_477 = tpu.memref_squeeze %dma_wait3A_476 : memref<1x80x128xf32, #tpu.memory_space<vmem>> -> memref<80x128xf32, #tpu.memory_space<vmem>>
      %dma_wait3A_478 = arith.constant 0 : i32
      %dma_wait3A_479 = arith.constant 0 : i32
      %dma_wait3A_480 = tpu.memref_slice %arg2[%dma_wait3A_478, %dma_wait3A_479] : memref<10000x128xf32, #tpu.memory_space<hbm>> -> memref<80x128xf32, #tpu.memory_space<hbm>>
      tpu.wait_dma2 semaphore(%arg13 : memref<!tpu.dma_semaphore, #tpu.memory_space<semaphore_mem>>) src(%dma_wait3A_480 : memref<80x128xf32, #tpu.memory_space<hbm>>) dst(%dma_wait3A_477 : memref<80x128xf32, #tpu.memory_space<vmem>>)
      %dma_wait3A_481 = arith.constant 1 : i32
      %dma_wait3A_482 = arith.constant 0 : i32
      %dma_wait3A_483 = arith.constant 0 : i32
      %dma_wait3A_484 = tpu.memref_slice %arg9[%dma_wait3A_481, %dma_wait3A_482, %dma_wait3A_483] : memref<4x80x128xf32, #tpu.memory_space<vmem>> -> memref<1x80x128xf32, #tpu.memory_space<vmem>>
      %dma_wait3A_485 = tpu.memref_squeeze %dma_wait3A_484 : memref<1x80x128xf32, #tpu.memory_space<vmem>> -> memref<80x128xf32, #tpu.memory_space<vmem>>
      %dma_wait3A_486 = arith.constant 0 : i32
      %dma_wait3A_487 = arith.constant 0 : i32
      %dma_wait3A_488 = tpu.memref_slice %arg2[%dma_wait3A_486, %dma_wait3A_487] : memref<10000x128xf32, #tpu.memory_space<hbm>> -> memref<80x128xf32, #tpu.memory_space<hbm>>
      %dma_wait3A_489 = arith.constant 0 : i32
      %dma_wait3A_490 = arith.constant 0 : i32
      %dma_wait3A_491 = tpu.memref_slice %arg9[%dma_wait3A_481, %dma_wait3A_489, %dma_wait3A_490] : memref<4x80x128xf32, #tpu.memory_space<vmem>> -> memref<1x80x128xf32, #tpu.memory_space<vmem>>
      %dma_wait3A_492 = tpu.memref_squeeze %dma_wait3A_491 : memref<1x80x128xf32, #tpu.memory_space<vmem>> -> memref<80x128xf32, #tpu.memory_space<vmem>>
      %dma_wait3A_493 = arith.constant 0 : i32
      %dma_wait3A_494 = arith.constant 0 : i32
      %dma_wait3A_495 = tpu.memref_slice %arg2[%dma_wait3A_493, %dma_wait3A_494] : memref<10000x128xf32, #tpu.memory_space<hbm>> -> memref<80x128xf32, #tpu.memory_space<hbm>>
      tpu.wait_dma2 semaphore(%arg15 : memref<!tpu.dma_semaphore, #tpu.memory_space<semaphore_mem>>) src(%dma_wait3A_495 : memref<80x128xf32, #tpu.memory_space<hbm>>) dst(%dma_wait3A_492 : memref<80x128xf32, #tpu.memory_space<vmem>>)
      %lt3A_496 = arith.constant 15 : i32
      %lt3A_497 = arith.cmpi slt, %scan3A_85, %lt3A_496 : i32
      %convert_element_type3A_498 = arith.extui %lt3A_497 : i1 to i32
      %cond3A_499 = arith.constant 0 : i32
      %cond3A_500 = arith.cmpi ne, %convert_element_type3A_498, %cond3A_499 : i32
      scf.if %cond3A_500 {
        %dma_start3A_514 = arith.constant 1 : i32
        %dma_start3A_515 = arith.constant 0 : i32
        %dma_start3A_516 = arith.constant 1 : i32
        %dma_start3A_517 = arith.constant 0 : i32
        %dma_start3A_518 = arith.constant 0 : i32
        %dma_start3A_519 = tpu.memref_slice %arg9[%dma_start3A_516, %dma_start3A_517, %dma_start3A_518] : memref<4x80x128xf32, #tpu.memory_space<vmem>> -> memref<1x80x128xf32, #tpu.memory_space<vmem>>
        %dma_start3A_520 = tpu.memref_squeeze %dma_start3A_519 : memref<1x80x128xf32, #tpu.memory_space<vmem>> -> memref<80x128xf32, #tpu.memory_space<vmem>>
        %dma_start3A_521 = arith.constant 0 : i32
        %dma_start3A_522 = tpu.memref_slice %arg7[%dma_start3A_514, %dma_start3A_515, %dma_start3A_521] : memref<4x2x80xi32, #tpu.memory_space<vmem>> -> memref<1x1x80xi32, #tpu.memory_space<vmem>>
        %dma_start3A_523 = tpu.memref_squeeze %dma_start3A_522 : memref<1x1x80xi32, #tpu.memory_space<vmem>> -> memref<80xi32, #tpu.memory_space<vmem>>
        %dma_start3A_524 = arith.constant 0 : i32
        %dma_start3A_525 = arith.constant 0 : i32
        %dma_start3A_526 = tpu.memref_slice %arg2[%dma_start3A_524, %dma_start3A_525] : memref<10000x128xf32, #tpu.memory_space<hbm>> -> memref<10000x128xf32, #tpu.memory_space<hbm>>
        tpu.enqueue_indirect_dma source(%dma_start3A_526 : memref<10000x128xf32, #tpu.memory_space<hbm>>) target(%dma_start3A_520 : memref<80x128xf32, #tpu.memory_space<vmem>>) offsets(%dma_start3A_523 : memref<80xi32, #tpu.memory_space<vmem>>) semaphore(%arg11 : memref<!tpu.dma_semaphore, #tpu.memory_space<semaphore_mem>>)
      } else {
      }
      %dma_start3A_501 = arith.constant 3 : i32
      %dma_start3A_502 = arith.constant 3 : i32
      %dma_start3A_503 = arith.constant 1 : i32
      %dma_start3A_504 = arith.constant 0 : i32
      %dma_start3A_505 = arith.constant 0 : i32
      %dma_start3A_506 = tpu.memref_slice %arg9[%dma_start3A_501, %dma_start3A_504, %dma_start3A_505] : memref<4x80x128xf32, #tpu.memory_space<vmem>> -> memref<1x80x128xf32, #tpu.memory_space<vmem>>
      %dma_start3A_507 = tpu.memref_squeeze %dma_start3A_506 : memref<1x80x128xf32, #tpu.memory_space<vmem>> -> memref<80x128xf32, #tpu.memory_space<vmem>>
      %dma_start3A_508 = arith.constant 0 : i32
      %dma_start3A_509 = tpu.memref_slice %arg8[%dma_start3A_502, %dma_start3A_503, %dma_start3A_508] : memref<4x2x80xi32, #tpu.memory_space<vmem>> -> memref<1x1x80xi32, #tpu.memory_space<vmem>>
      %dma_start3A_510 = tpu.memref_squeeze %dma_start3A_509 : memref<1x1x80xi32, #tpu.memory_space<vmem>> -> memref<80xi32, #tpu.memory_space<vmem>>
      %dma_start3A_511 = arith.constant 0 : i32
      %dma_start3A_512 = arith.constant 0 : i32
      %dma_start3A_513 = tpu.memref_slice %arg6[%dma_start3A_511, %dma_start3A_512] : memref<10240x128xf32, #tpu.memory_space<vmem_shared>> -> memref<10240x128xf32, #tpu.memory_space<vmem_shared>>
      tpu.enqueue_indirect_dma source(%dma_start3A_507 : memref<80x128xf32, #tpu.memory_space<vmem>>) target(%dma_start3A_513 : memref<10240x128xf32, #tpu.memory_space<vmem_shared>>) offsets(%dma_start3A_510 : memref<80xi32, #tpu.memory_space<vmem>>) semaphore(%arg17 : memref<!tpu.dma_semaphore, #tpu.memory_space<semaphore_mem>>) {add = true}
    }
    %scan3A_44 = arith.constant 16 : i32
    %dma_wait3A = arith.constant 2 : i32
    %dma_wait3A_45 = arith.constant 0 : i32
    %dma_wait3A_46 = arith.constant 0 : i32
    %dma_wait3A_47 = tpu.memref_slice %arg9[%dma_wait3A, %dma_wait3A_45, %dma_wait3A_46] : memref<4x80x128xf32, #tpu.memory_space<vmem>> -> memref<1x80x128xf32, #tpu.memory_space<vmem>>
    %dma_wait3A_48 = tpu.memref_squeeze %dma_wait3A_47 : memref<1x80x128xf32, #tpu.memory_space<vmem>> -> memref<80x128xf32, #tpu.memory_space<vmem>>
    %dma_wait3A_49 = arith.constant 0 : i32
    %dma_wait3A_50 = arith.constant 0 : i32
    %dma_wait3A_51 = tpu.memref_slice %arg2[%dma_wait3A_49, %dma_wait3A_50] : memref<10000x128xf32, #tpu.memory_space<hbm>> -> memref<80x128xf32, #tpu.memory_space<hbm>>
    %dma_wait3A_52 = arith.constant 0 : i32
    %dma_wait3A_53 = arith.constant 0 : i32
    %dma_wait3A_54 = tpu.memref_slice %arg9[%dma_wait3A, %dma_wait3A_52, %dma_wait3A_53] : memref<4x80x128xf32, #tpu.memory_space<vmem>> -> memref<1x80x128xf32, #tpu.memory_space<vmem>>
    %dma_wait3A_55 = tpu.memref_squeeze %dma_wait3A_54 : memref<1x80x128xf32, #tpu.memory_space<vmem>> -> memref<80x128xf32, #tpu.memory_space<vmem>>
    %dma_wait3A_56 = arith.constant 0 : i32
    %dma_wait3A_57 = arith.constant 0 : i32
    %dma_wait3A_58 = tpu.memref_slice %arg2[%dma_wait3A_56, %dma_wait3A_57] : memref<10000x128xf32, #tpu.memory_space<hbm>> -> memref<80x128xf32, #tpu.memory_space<hbm>>
    tpu.wait_dma2 semaphore(%arg16 : memref<!tpu.dma_semaphore, #tpu.memory_space<semaphore_mem>>) src(%dma_wait3A_58 : memref<80x128xf32, #tpu.memory_space<hbm>>) dst(%dma_wait3A_55 : memref<80x128xf32, #tpu.memory_space<vmem>>)
    %dma_wait3A_59 = arith.constant 3 : i32
    %dma_wait3A_60 = arith.constant 0 : i32
    %dma_wait3A_61 = arith.constant 0 : i32
    %dma_wait3A_62 = tpu.memref_slice %arg9[%dma_wait3A_59, %dma_wait3A_60, %dma_wait3A_61] : memref<4x80x128xf32, #tpu.memory_space<vmem>> -> memref<1x80x128xf32, #tpu.memory_space<vmem>>
    %dma_wait3A_63 = tpu.memref_squeeze %dma_wait3A_62 : memref<1x80x128xf32, #tpu.memory_space<vmem>> -> memref<80x128xf32, #tpu.memory_space<vmem>>
    %dma_wait3A_64 = arith.constant 0 : i32
    %dma_wait3A_65 = arith.constant 0 : i32
    %dma_wait3A_66 = tpu.memref_slice %arg2[%dma_wait3A_64, %dma_wait3A_65] : memref<10000x128xf32, #tpu.memory_space<hbm>> -> memref<80x128xf32, #tpu.memory_space<hbm>>
    %dma_wait3A_67 = arith.constant 0 : i32
    %dma_wait3A_68 = arith.constant 0 : i32
    %dma_wait3A_69 = tpu.memref_slice %arg9[%dma_wait3A_59, %dma_wait3A_67, %dma_wait3A_68] : memref<4x80x128xf32, #tpu.memory_space<vmem>> -> memref<1x80x128xf32, #tpu.memory_space<vmem>>
    %dma_wait3A_70 = tpu.memref_squeeze %dma_wait3A_69 : memref<1x80x128xf32, #tpu.memory_space<vmem>> -> memref<80x128xf32, #tpu.memory_space<vmem>>
    %dma_wait3A_71 = arith.constant 0 : i32
    %dma_wait3A_72 = arith.constant 0 : i32
    %dma_wait3A_73 = tpu.memref_slice %arg2[%dma_wait3A_71, %dma_wait3A_72] : memref<10000x128xf32, #tpu.memory_space<hbm>> -> memref<80x128xf32, #tpu.memory_space<hbm>>
    tpu.wait_dma2 semaphore(%arg17 : memref<!tpu.dma_semaphore, #tpu.memory_space<semaphore_mem>>) src(%dma_wait3A_73 : memref<80x128xf32, #tpu.memory_space<hbm>>) dst(%dma_wait3A_70 : memref<80x128xf32, #tpu.memory_space<vmem>>)
    %barrier3A_74 = arith.constant 0 : index
    tpu.barrier barrier_id(%barrier3A_74)
    %eq3A_75 = arith.constant 0 : i32
    %eq3A_76 = arith.cmpi eq, %arg0, %eq3A_75 : i32
    %convert_element_type3A_77 = arith.extui %eq3A_76 : i1 to i32
    %cond3A_78 = arith.constant 0 : i32
    %cond3A_79 = arith.cmpi ne, %convert_element_type3A_77, %cond3A_78 : i32
    scf.if %cond3A_79 {
      %mul3A_85 = arith.constant 640 : i32
      %mul3A_86 = arith.muli %arg1, %mul3A_85 : i32
      %mul3A_87 = arith.constant 640 : i32
      %mul3A_88 = arith.muli %arg1, %mul3A_87 : i32
      "tpu.region"() ({
        %run_scoped3A = tpu.sem_alloc : memref<!tpu.dma_semaphore, #tpu.memory_space<semaphore_mem>>
        %dma_start3A_89 = arith.constant 0 : i32
        %dma_start3A_90 = tpu.memref_slice %arg4[%mul3A_88, %dma_start3A_89] : memref<10240x128xf32, #tpu.memory_space<hbm>> -> memref<640x128xf32, #tpu.memory_space<hbm>>
        %dma_start3A_91 = arith.constant 0 : i32
        %dma_start3A_92 = tpu.memref_slice %arg6[%mul3A_86, %dma_start3A_91] : memref<10240x128xf32, #tpu.memory_space<vmem_shared>> -> memref<640x128xf32, #tpu.memory_space<vmem_shared>>
        tpu.enqueue_dma source(%dma_start3A_92 : memref<640x128xf32, #tpu.memory_space<vmem_shared>>) target(%dma_start3A_90 : memref<640x128xf32, #tpu.memory_space<hbm>>) target_semaphore(%run_scoped3A : memref<!tpu.dma_semaphore, #tpu.memory_space<semaphore_mem>>)
        %dma_wait3A_93 = arith.constant 0 : i32
        %dma_wait3A_94 = tpu.memref_slice %arg4[%mul3A_88, %dma_wait3A_93] : memref<10240x128xf32, #tpu.memory_space<hbm>> -> memref<640x128xf32, #tpu.memory_space<hbm>>
        %dma_wait3A_95 = arith.constant 0 : i32
        %dma_wait3A_96 = tpu.memref_slice %arg6[%mul3A_86, %dma_wait3A_95] : memref<10240x128xf32, #tpu.memory_space<vmem_shared>> -> memref<640x128xf32, #tpu.memory_space<vmem_shared>>
        tpu.wait_dma2 semaphore(%run_scoped3A : memref<!tpu.dma_semaphore, #tpu.memory_space<semaphore_mem>>) src(%dma_wait3A_96 : memref<640x128xf32, #tpu.memory_space<vmem_shared>>) dst(%dma_wait3A_94 : memref<640x128xf32, #tpu.memory_space<hbm>>)
        tpu.yield
      }) : () -> ()
    } else {
    }
    %eq3A_80 = arith.constant 1 : i32
    %eq3A_81 = arith.cmpi eq, %arg0, %eq3A_80 : i32
    %convert_element_type3A_82 = arith.extui %eq3A_81 : i1 to i32
    %cond3A_83 = arith.constant 0 : i32
    %cond3A_84 = arith.cmpi ne, %convert_element_type3A_82, %cond3A_83 : i32
    scf.if %cond3A_84 {
      %mul3A_85 = arith.constant 640 : i32
      %mul3A_86 = arith.muli %arg1, %mul3A_85 : i32
      %mul3A_87 = arith.constant 640 : i32
      %mul3A_88 = arith.muli %arg1, %mul3A_87 : i32
      "tpu.region"() ({
        %run_scoped3A = tpu.sem_alloc : memref<!tpu.dma_semaphore, #tpu.memory_space<semaphore_mem>>
        %dma_start3A_89 = arith.constant 0 : i32
        %dma_start3A_90 = tpu.memref_slice %arg5[%mul3A_88, %dma_start3A_89] : memref<10240x128xf32, #tpu.memory_space<hbm>> -> memref<640x128xf32, #tpu.memory_space<hbm>>
        %dma_start3A_91 = arith.constant 0 : i32
        %dma_start3A_92 = tpu.memref_slice %arg6[%mul3A_86, %dma_start3A_91] : memref<10240x128xf32, #tpu.memory_space<vmem_shared>> -> memref<640x128xf32, #tpu.memory_space<vmem_shared>>
        tpu.enqueue_dma source(%dma_start3A_92 : memref<640x128xf32, #tpu.memory_space<vmem_shared>>) target(%dma_start3A_90 : memref<640x128xf32, #tpu.memory_space<hbm>>) target_semaphore(%run_scoped3A : memref<!tpu.dma_semaphore, #tpu.memory_space<semaphore_mem>>)
        %dma_wait3A_93 = arith.constant 0 : i32
        %dma_wait3A_94 = tpu.memref_slice %arg5[%mul3A_88, %dma_wait3A_93] : memref<10240x128xf32, #tpu.memory_space<hbm>> -> memref<640x128xf32, #tpu.memory_space<hbm>>
        %dma_wait3A_95 = arith.constant 0 : i32
        %dma_wait3A_96 = tpu.memref_slice %arg6[%mul3A_86, %dma_wait3A_95] : memref<10240x128xf32, #tpu.memory_space<vmem_shared>> -> memref<640x128xf32, #tpu.memory_space<vmem_shared>>
        tpu.wait_dma2 semaphore(%run_scoped3A : memref<!tpu.dma_semaphore, #tpu.memory_space<semaphore_mem>>) src(%dma_wait3A_96 : memref<640x128xf32, #tpu.memory_space<vmem_shared>>) dst(%dma_wait3A_94 : memref<640x128xf32, #tpu.memory_space<hbm>>)
        tpu.yield
      }) : () -> ()
    } else {
    }
    return
  }
}

#map = affine_map<(d0, d1) -> (0, 0)>
#map1 = affine_map<(d0, d1) -> (0, 0, 0)>
module attributes {stable_mosaic.version = 14 : i64} {
  func.func @body(%arg0: i32, %arg1: i32, %arg2: memref<10000x128xf32, #tpu.memory_space<hbm>>, %arg3: memref<4096x2x80xi32, #tpu.memory_space<hbm>>, %arg4: memref<10240x128xf32, #tpu.memory_space<hbm>>, %arg5: memref<10240x128xf32, #tpu.memory_space<hbm>>, %arg6: memref<10240x128xf32, #tpu.memory_space<vmem_shared>>, %arg7: memref<4x2x80xi32, #tpu.memory_space<vmem>>, %arg8: memref<4x2x80xi32, #tpu.memory_space<vmem>>, %arg9: memref<4x80x128xf32, #tpu.memory_space<vmem>>, %arg10: memref<!tpu.dma_semaphore, #tpu.memory_space<semaphore_mem>>, %arg11: memref<!tpu.dma_semaphore, #tpu.memory_space<semaphore_mem>>, %arg12: memref<!tpu.dma_semaphore, #tpu.memory_space<semaphore_mem>>, %arg13: memref<!tpu.dma_semaphore, #tpu.memory_space<semaphore_mem>>, %arg14: memref<!tpu.dma_semaphore, #tpu.memory_space<semaphore_mem>>, %arg15: memref<!tpu.dma_semaphore, #tpu.memory_space<semaphore_mem>>, %arg16: memref<!tpu.dma_semaphore, #tpu.memory_space<semaphore_mem>>, %arg17: memref<!tpu.dma_semaphore, #tpu.memory_space<semaphore_mem>>, %arg18: memref<!tpu.dma_semaphore, #tpu.memory_space<semaphore_mem>>, %arg19: memref<!tpu.dma_semaphore, #tpu.memory_space<semaphore_mem>>) attributes {dimension_semantics = [#tpu.dimension_semantics<core_parallel>, #tpu.dimension_semantics<subcore_parallel>], iteration_bounds = array<i64: 2, 16>, scalar_prefetch = 0 : i64, scratch_operands = 14 : i64, tpu.core_type = #tpu.core_type<sc_vector_subcore>, window_params = [{transform_indices = #map}, {transform_indices = #map1}, {transform_indices = #map}, {transform_indices = #map}]} {
    %mul3A = arith.constant 16 : i32
    %mul3A_0 = arith.muli %arg0, %mul3A : i32
    %add3A = arith.addi %mul3A_0, %arg1 : i32
    %mul3A_1 = arith.constant 128 : i32
    %mul3A_2 = arith.muli %add3A, %mul3A_1 : i32
    %mul3A_3 = arith.constant 624 : i32
    %mul3A_4 = arith.muli %arg1, %mul3A_3 : i32
    "tpu.region"() ({
      %run_scoped3A = tpu.sem_alloc : memref<!tpu.dma_semaphore, #tpu.memory_space<semaphore_mem>>
      %dma_start3A_85 = arith.constant 0 : i32
      %dma_start3A_86 = tpu.memref_slice %arg6[%mul3A_4, %dma_start3A_85] : memref<10240x128xf32, #tpu.memory_space<vmem_shared>> -> memref<624x128xf32, #tpu.memory_space<vmem_shared>>
      %dma_start3A_87 = arith.constant 0 : i32
      %dma_start3A_88 = tpu.memref_slice %arg2[%mul3A_4, %dma_start3A_87] : memref<10000x128xf32, #tpu.memory_space<hbm>> -> memref<624x128xf32, #tpu.memory_space<hbm>>
      tpu.enqueue_dma source(%dma_start3A_88 : memref<624x128xf32, #tpu.memory_space<hbm>>) target(%dma_start3A_86 : memref<624x128xf32, #tpu.memory_space<vmem_shared>>) target_semaphore(%run_scoped3A : memref<!tpu.dma_semaphore, #tpu.memory_space<semaphore_mem>>)
      %dma_wait3A_89 = arith.constant 0 : i32
      %dma_wait3A_90 = tpu.memref_slice %arg6[%mul3A_4, %dma_wait3A_89] : memref<10240x128xf32, #tpu.memory_space<vmem_shared>> -> memref<624x128xf32, #tpu.memory_space<vmem_shared>>
      %dma_wait3A_91 = arith.constant 0 : i32
      %dma_wait3A_92 = tpu.memref_slice %arg2[%mul3A_4, %dma_wait3A_91] : memref<10000x128xf32, #tpu.memory_space<hbm>> -> memref<624x128xf32, #tpu.memory_space<hbm>>
      tpu.wait_dma2 semaphore(%run_scoped3A : memref<!tpu.dma_semaphore, #tpu.memory_space<semaphore_mem>>) src(%dma_wait3A_92 : memref<624x128xf32, #tpu.memory_space<hbm>>) dst(%dma_wait3A_90 : memref<624x128xf32, #tpu.memory_space<vmem_shared>>)
      tpu.yield
    }) : () -> ()
    %eq3A = arith.constant 0 : i32
    %eq3A_5 = arith.cmpi eq, %arg1, %eq3A : i32
    %convert_element_type3A = arith.extui %eq3A_5 : i1 to i32
    %cond3A = arith.constant 0 : i32
    %cond3A_6 = arith.cmpi ne, %convert_element_type3A, %cond3A : i32
    scf.if %cond3A_6 {
      "tpu.region"() ({
        %run_scoped3A = tpu.sem_alloc : memref<!tpu.dma_semaphore, #tpu.memory_space<semaphore_mem>>
        %dma_start3A_85 = arith.constant 9984 : i32
        %dma_start3A_86 = arith.constant 0 : i32
        %dma_start3A_87 = tpu.memref_slice %arg6[%dma_start3A_85, %dma_start3A_86] : memref<10240x128xf32, #tpu.memory_space<vmem_shared>> -> memref<16x128xf32, #tpu.memory_space<vmem_shared>>
        %dma_start3A_88 = arith.constant 9984 : i32
        %dma_start3A_89 = arith.constant 0 : i32
        %dma_start3A_90 = tpu.memref_slice %arg2[%dma_start3A_88, %dma_start3A_89] : memref<10000x128xf32, #tpu.memory_space<hbm>> -> memref<16x128xf32, #tpu.memory_space<hbm>>
        tpu.enqueue_dma source(%dma_start3A_90 : memref<16x128xf32, #tpu.memory_space<hbm>>) target(%dma_start3A_87 : memref<16x128xf32, #tpu.memory_space<vmem_shared>>) target_semaphore(%run_scoped3A : memref<!tpu.dma_semaphore, #tpu.memory_space<semaphore_mem>>)
        %dma_wait3A_91 = arith.constant 9984 : i32
        %dma_wait3A_92 = arith.constant 0 : i32
        %dma_wait3A_93 = tpu.memref_slice %arg6[%dma_wait3A_91, %dma_wait3A_92] : memref<10240x128xf32, #tpu.memory_space<vmem_shared>> -> memref<16x128xf32, #tpu.memory_space<vmem_shared>>
        %dma_wait3A_94 = arith.constant 9984 : i32
        %dma_wait3A_95 = arith.constant 0 : i32
        %dma_wait3A_96 = tpu.memref_slice %arg2[%dma_wait3A_94, %dma_wait3A_95] : memref<10000x128xf32, #tpu.memory_space<hbm>> -> memref<16x128xf32, #tpu.memory_space<hbm>>
        tpu.wait_dma2 semaphore(%run_scoped3A : memref<!tpu.dma_semaphore, #tpu.memory_space<semaphore_mem>>) src(%dma_wait3A_96 : memref<16x128xf32, #tpu.memory_space<hbm>>) dst(%dma_wait3A_93 : memref<16x128xf32, #tpu.memory_space<vmem_shared>>)
        tpu.yield
      }) : () -> ()
    } else {
    }
    %barrier3A = arith.constant 0 : index
    tpu.barrier barrier_id(%barrier3A)
    "tpu.region"() ({
      %run_scoped3A = tpu.sem_alloc : memref<!tpu.dma_semaphore, #tpu.memory_space<semaphore_mem>>
      %dma_start3A_85 = arith.constant 0 : i32
      %dma_start3A_86 = arith.constant 0 : i32
      %dma_start3A_87 = tpu.memref_slice %arg3[%mul3A_2, %dma_start3A_85, %dma_start3A_86] : memref<4096x2x80xi32, #tpu.memory_space<hbm>> -> memref<4x2x80xi32, #tpu.memory_space<hbm>>
      %dma_start3A_88 = arith.constant 0 : i32
      %dma_start3A_89 = arith.constant 0 : i32
      %dma_start3A_90 = tpu.memref_slice %arg3[%mul3A_2, %dma_start3A_88, %dma_start3A_89] : memref<4096x2x80xi32, #tpu.memory_space<hbm>> -> memref<4x2x80xi32, #tpu.memory_space<hbm>>
      tpu.enqueue_dma source(%dma_start3A_90 : memref<4x2x80xi32, #tpu.memory_space<hbm>>) target(%arg7 : memref<4x2x80xi32, #tpu.memory_space<vmem>>) target_semaphore(%run_scoped3A : memref<!tpu.dma_semaphore, #tpu.memory_space<semaphore_mem>>)
      %dma_wait3A_91 = arith.constant 0 : i32
      %dma_wait3A_92 = arith.constant 0 : i32
      %dma_wait3A_93 = tpu.memref_slice %arg3[%mul3A_2, %dma_wait3A_91, %dma_wait3A_92] : memref<4096x2x80xi32, #tpu.memory_space<hbm>> -> memref<4x2x80xi32, #tpu.memory_space<hbm>>
      %dma_wait3A_94 = arith.constant 0 : i32
      %dma_wait3A_95 = arith.constant 0 : i32
      %dma_wait3A_96 = tpu.memref_slice %arg3[%mul3A_2, %dma_wait3A_94, %dma_wait3A_95] : memref<4096x2x80xi32, #tpu.memory_space<hbm>> -> memref<4x2x80xi32, #tpu.memory_space<hbm>>
      tpu.wait_dma2 semaphore(%run_scoped3A : memref<!tpu.dma_semaphore, #tpu.memory_space<semaphore_mem>>) src(%dma_wait3A_96 : memref<4x2x80xi32, #tpu.memory_space<hbm>>) dst(%arg7 : memref<4x2x80xi32, #tpu.memory_space<vmem>>)
      tpu.yield
    }) : () -> ()
    %add3A_7 = arith.constant 4 : i32
    %add3A_8 = arith.addi %mul3A_2, %add3A_7 : i32
    %dma_start3A = arith.constant 0 : i32
    %dma_start3A_9 = arith.constant 0 : i32
    %dma_start3A_10 = tpu.memref_slice %arg3[%add3A_8, %dma_start3A, %dma_start3A_9] : memref<4096x2x80xi32, #tpu.memory_space<hbm>> -> memref<4x2x80xi32, #tpu.memory_space<hbm>>
    %dma_start3A_11 = arith.constant 0 : i32
    %dma_start3A_12 = arith.constant 0 : i32
    %dma_start3A_13 = tpu.memref_slice %arg3[%add3A_8, %dma_start3A_11, %dma_start3A_12] : memref<4096x2x80xi32, #tpu.memory_space<hbm>> -> memref<4x2x80xi32, #tpu.memory_space<hbm>>
    tpu.enqueue_dma source(%dma_start3A_13 : memref<4x2x80xi32, #tpu.memory_space<hbm>>) target(%arg8 : memref<4x2x80xi32, #tpu.memory_space<vmem>>) target_semaphore(%arg19 : memref<!tpu.dma_semaphore, #tpu.memory_space<semaphore_mem>>)
    %dma_start3A_14 = arith.constant 0 : i32
    %dma_start3A_15 = arith.constant 0 : i32
    %dma_start3A_16 = arith.constant 0 : i32
    %dma_start3A_17 = arith.constant 0 : i32
    %dma_start3A_18 = arith.constant 0 : i32
    %dma_start3A_19 = tpu.memref_slice %arg9[%dma_start3A_16, %dma_start3A_17, %dma_start3A_18] : memref<4x80x128xf32, #tpu.memory_space<vmem>> -> memref<1x80x128xf32, #tpu.memory_space<vmem>>
    %dma_start3A_20 = tpu.memref_squeeze %dma_start3A_19 : memref<1x80x128xf32, #tpu.memory_space<vmem>> -> memref<80x128xf32, #tpu.memory_space<vmem>>
    %dma_start3A_21 = arith.constant 0 : i32
    %dma_start3A_22 = tpu.memref_slice %arg7[%dma_start3A_14, %dma_start3A_15, %dma_start3A_21] : memref<4x2x80xi32, #tpu.memory_space<vmem>> -> memref<1x1x80xi32, #tpu.memory_space<vmem>>
    %dma_start3A_23 = tpu.memref_squeeze %dma_start3A_22 : memref<1x1x80xi32, #tpu.memory_space<vmem>> -> memref<80xi32, #tpu.memory_space<vmem>>
    %dma_start3A_24 = arith.constant 0 : i32
    %dma_start3A_25 = arith.constant 0 : i32
    %dma_start3A_26 = tpu.memref_slice %arg2[%dma_start3A_24, %dma_start3A_25] : memref<10000x128xf32, #tpu.memory_space<hbm>> -> memref<10000x128xf32, #tpu.memory_space<hbm>>
    tpu.enqueue_indirect_dma source(%dma_start3A_26 : memref<10000x128xf32, #tpu.memory_space<hbm>>) target(%dma_start3A_20 : memref<80x128xf32, #tpu.memory_space<vmem>>) offsets(%dma_start3A_23 : memref<80xi32, #tpu.memory_space<vmem>>) semaphore(%arg10 : memref<!tpu.dma_semaphore, #tpu.memory_space<semaphore_mem>>)
    %dma_start3A_27 = arith.constant 1 : i32
    %dma_start3A_28 = arith.constant 0 : i32
    %dma_start3A_29 = arith.constant 1 : i32
    %dma_start3A_30 = arith.constant 0 : i32
    %dma_start3A_31 = arith.constant 0 : i32
    %dma_start3A_32 = tpu.memref_slice %arg9[%dma_start3A_29, %dma_start3A_30, %dma_start3A_31] : memref<4x80x128xf32, #tpu.memory_space<vmem>> -> memref<1x80x128xf32, #tpu.memory_space<vmem>>
    %dma_start3A_33 = tpu.memref_squeeze %dma_start3A_32 : memref<1x80x128xf32, #tpu.memory_space<vmem>> -> memref<80x128xf32, #tpu.memory_space<vmem>>
    %dma_start3A_34 = arith.constant 0 : i32
    %dma_start3A_35 = tpu.memref_slice %arg7[%dma_start3A_27, %dma_start3A_28, %dma_start3A_34] : memref<4x2x80xi32, #tpu.memory_space<vmem>> -> memref<1x1x80xi32, #tpu.memory_space<vmem>>
    %dma_start3A_36 = tpu.memref_squeeze %dma_start3A_35 : memref<1x1x80xi32, #tpu.memory_space<vmem>> -> memref<80xi32, #tpu.memory_space<vmem>>
    %dma_start3A_37 = arith.constant 0 : i32
    %dma_start3A_38 = arith.constant 0 : i32
    %dma_start3A_39 = tpu.memref_slice %arg2[%dma_start3A_37, %dma_start3A_38] : memref<10000x128xf32, #tpu.memory_space<hbm>> -> memref<10000x128xf32, #tpu.memory_space<hbm>>
    tpu.enqueue_indirect_dma source(%dma_start3A_39 : memref<10000x128xf32, #tpu.memory_space<hbm>>) target(%dma_start3A_33 : memref<80x128xf32, #tpu.memory_space<vmem>>) offsets(%dma_start3A_36 : memref<80xi32, #tpu.memory_space<vmem>>) semaphore(%arg11 : memref<!tpu.dma_semaphore, #tpu.memory_space<semaphore_mem>>)
    %scan3A = arith.constant 0 : i32
    %scan3A_40 = arith.constant 0 : i32
    %scan3A_41 = arith.constant 16 : i32
    %scan3A_42 = arith.addi %scan3A_40, %scan3A_41 : i32
    %scan3A_43 = arith.constant 1 : i32
    scf.for %scan3A_85 = %scan3A_40 to %scan3A_42 step %scan3A_43  : i32 {
      %dma_wait3A_86 = arith.constant 0 : i32
      %dma_wait3A_87 = arith.constant 0 : i32
      %dma_wait3A_88 = arith.constant 0 : i32
      %dma_wait3A_89 = tpu.memref_slice %arg9[%dma_wait3A_86, %dma_wait3A_87, %dma_wait3A_88] : memref<4x80x128xf32, #tpu.memory_space<vmem>> -> memref<1x80x128xf32, #tpu.memory_space<vmem>>
      %dma_wait3A_90 = tpu.memref_squeeze %dma_wait3A_89 : memref<1x80x128xf32, #tpu.memory_space<vmem>> -> memref<80x128xf32, #tpu.memory_space<vmem>>
      %dma_wait3A_91 = arith.constant 0 : i32
      %dma_wait3A_92 = arith.constant 0 : i32
      %dma_wait3A_93 = tpu.memref_slice %arg2[%dma_wait3A_91, %dma_wait3A_92] : memref<10000x128xf32, #tpu.memory_space<hbm>> -> memref<80x128xf32, #tpu.memory_space<hbm>>
      %dma_wait3A_94 = arith.constant 0 : i32
      %dma_wait3A_95 = arith.constant 0 : i32
      %dma_wait3A_96 = tpu.memref_slice %arg9[%dma_wait3A_86, %dma_wait3A_94, %dma_wait3A_95] : memref<4x80x128xf32, #tpu.memory_space<vmem>> -> memref<1x80x128xf32, #tpu.memory_space<vmem>>
      %dma_wait3A_97 = tpu.memref_squeeze %dma_wait3A_96 : memref<1x80x128xf32, #tpu.memory_space<vmem>> -> memref<80x128xf32, #tpu.memory_space<vmem>>
      %dma_wait3A_98 = arith.constant 0 : i32
      %dma_wait3A_99 = arith.constant 0 : i32
      %dma_wait3A_100 = tpu.memref_slice %arg2[%dma_wait3A_98, %dma_wait3A_99] : memref<10000x128xf32, #tpu.memory_space<hbm>> -> memref<80x128xf32, #tpu.memory_space<hbm>>
      tpu.wait_dma2 semaphore(%arg10 : memref<!tpu.dma_semaphore, #tpu.memory_space<semaphore_mem>>) src(%dma_wait3A_100 : memref<80x128xf32, #tpu.memory_space<hbm>>) dst(%dma_wait3A_97 : memref<80x128xf32, #tpu.memory_space<vmem>>)
      %gt3A = arith.constant 0 : i32
      %gt3A_101 = arith.cmpi sgt, %scan3A_85, %gt3A : i32
      %convert_element_type3A_102 = arith.extui %gt3A_101 : i1 to i32
      %cond3A_103 = arith.constant 0 : i32
      %cond3A_104 = arith.cmpi ne, %convert_element_type3A_102, %cond3A_103 : i32
      scf.if %cond3A_104 {
        %dma_wait3A_514 = arith.constant 2 : i32
        %dma_wait3A_515 = arith.constant 0 : i32
        %dma_wait3A_516 = arith.constant 0 : i32
        %dma_wait3A_517 = tpu.memref_slice %arg9[%dma_wait3A_514, %dma_wait3A_515, %dma_wait3A_516] : memref<4x80x128xf32, #tpu.memory_space<vmem>> -> memref<1x80x128xf32, #tpu.memory_space<vmem>>
        %dma_wait3A_518 = tpu.memref_squeeze %dma_wait3A_517 : memref<1x80x128xf32, #tpu.memory_space<vmem>> -> memref<80x128xf32, #tpu.memory_space<vmem>>
        %dma_wait3A_519 = arith.constant 0 : i32
        %dma_wait3A_520 = arith.constant 0 : i32
        %dma_wait3A_521 = tpu.memref_slice %arg2[%dma_wait3A_519, %dma_wait3A_520] : memref<10000x128xf32, #tpu.memory_space<hbm>> -> memref<80x128xf32, #tpu.memory_space<hbm>>
        %dma_wait3A_522 = arith.constant 0 : i32
        %dma_wait3A_523 = arith.constant 0 : i32
        %dma_wait3A_524 = tpu.memref_slice %arg9[%dma_wait3A_514, %dma_wait3A_522, %dma_wait3A_523] : memref<4x80x128xf32, #tpu.memory_space<vmem>> -> memref<1x80x128xf32, #tpu.memory_space<vmem>>
        %dma_wait3A_525 = tpu.memref_squeeze %dma_wait3A_524 : memref<1x80x128xf32, #tpu.memory_space<vmem>> -> memref<80x128xf32, #tpu.memory_space<vmem>>
        %dma_wait3A_526 = arith.constant 0 : i32
        %dma_wait3A_527 = arith.constant 0 : i32
        %dma_wait3A_528 = tpu.memref_slice %arg2[%dma_wait3A_526, %dma_wait3A_527] : memref<10000x128xf32, #tpu.memory_space<hbm>> -> memref<80x128xf32, #tpu.memory_space<hbm>>
        tpu.wait_dma2 semaphore(%arg16 : memref<!tpu.dma_semaphore, #tpu.memory_space<semaphore_mem>>) src(%dma_wait3A_528 : memref<80x128xf32, #tpu.memory_space<hbm>>) dst(%dma_wait3A_525 : memref<80x128xf32, #tpu.memory_space<vmem>>)
      } else {
      }
      %dma_start3A_105 = arith.constant 2 : i32
      %dma_start3A_106 = arith.constant 0 : i32
      %dma_start3A_107 = arith.constant 2 : i32
      %dma_start3A_108 = arith.constant 0 : i32
      %dma_start3A_109 = arith.constant 0 : i32
      %dma_start3A_110 = tpu.memref_slice %arg9[%dma_start3A_107, %dma_start3A_108, %dma_start3A_109] : memref<4x80x128xf32, #tpu.memory_space<vmem>> -> memref<1x80x128xf32, #tpu.memory_space<vmem>>
      %dma_start3A_111 = tpu.memref_squeeze %dma_start3A_110 : memref<1x80x128xf32, #tpu.memory_space<vmem>> -> memref<80x128xf32, #tpu.memory_space<vmem>>
      %dma_start3A_112 = arith.constant 0 : i32
      %dma_start3A_113 = tpu.memref_slice %arg7[%dma_start3A_105, %dma_start3A_106, %dma_start3A_112] : memref<4x2x80xi32, #tpu.memory_space<vmem>> -> memref<1x1x80xi32, #tpu.memory_space<vmem>>
      %dma_start3A_114 = tpu.memref_squeeze %dma_start3A_113 : memref<1x1x80xi32, #tpu.memory_space<vmem>> -> memref<80xi32, #tpu.memory_space<vmem>>
      %dma_start3A_115 = arith.constant 0 : i32
      %dma_start3A_116 = arith.constant 0 : i32
      %dma_start3A_117 = tpu.memref_slice %arg2[%dma_start3A_115, %dma_start3A_116] : memref<10000x128xf32, #tpu.memory_space<hbm>> -> memref<10000x128xf32, #tpu.memory_space<hbm>>
      tpu.enqueue_indirect_dma source(%dma_start3A_117 : memref<10000x128xf32, #tpu.memory_space<hbm>>) target(%dma_start3A_111 : memref<80x128xf32, #tpu.memory_space<vmem>>) offsets(%dma_start3A_114 : memref<80xi32, #tpu.memory_space<vmem>>) semaphore(%arg12 : memref<!tpu.dma_semaphore, #tpu.memory_space<semaphore_mem>>)
      %dma_start3A_118 = arith.constant 0 : i32
      %dma_start3A_119 = arith.constant 0 : i32
      %dma_start3A_120 = arith.constant 1 : i32
      %dma_start3A_121 = arith.constant 0 : i32
      %dma_start3A_122 = arith.constant 0 : i32
      %dma_start3A_123 = tpu.memref_slice %arg9[%dma_start3A_118, %dma_start3A_121, %dma_start3A_122] : memref<4x80x128xf32, #tpu.memory_space<vmem>> -> memref<1x80x128xf32, #tpu.memory_space<vmem>>
      %dma_start3A_124 = tpu.memref_squeeze %dma_start3A_123 : memref<1x80x128xf32, #tpu.memory_space<vmem>> -> memref<80x128xf32, #tpu.memory_space<vmem>>
      %dma_start3A_125 = arith.constant 0 : i32
      %dma_start3A_126 = tpu.memref_slice %arg7[%dma_start3A_119, %dma_start3A_120, %dma_start3A_125] : memref<4x2x80xi32, #tpu.memory_space<vmem>> -> memref<1x1x80xi32, #tpu.memory_space<vmem>>
      %dma_start3A_127 = tpu.memref_squeeze %dma_start3A_126 : memref<1x1x80xi32, #tpu.memory_space<vmem>> -> memref<80xi32, #tpu.memory_space<vmem>>
      %dma_start3A_128 = arith.constant 0 : i32
      %dma_start3A_129 = arith.constant 0 : i32
      %dma_start3A_130 = tpu.memref_slice %arg6[%dma_start3A_128, %dma_start3A_129] : memref<10240x128xf32, #tpu.memory_space<vmem_shared>> -> memref<10240x128xf32, #tpu.memory_space<vmem_shared>>
      tpu.enqueue_indirect_dma source(%dma_start3A_124 : memref<80x128xf32, #tpu.memory_space<vmem>>) target(%dma_start3A_130 : memref<10240x128xf32, #tpu.memory_space<vmem_shared>>) offsets(%dma_start3A_127 : memref<80xi32, #tpu.memory_space<vmem>>) semaphore(%arg14 : memref<!tpu.dma_semaphore, #tpu.memory_space<semaphore_mem>>) {add = true}
      %dma_wait3A_131 = arith.constant 1 : i32
      %dma_wait3A_132 = arith.constant 0 : i32
      %dma_wait3A_133 = arith.constant 0 : i32
      %dma_wait3A_134 = tpu.memref_slice %arg9[%dma_wait3A_131, %dma_wait3A_132, %dma_wait3A_133] : memref<4x80x128xf32, #tpu.memory_space<vmem>> -> memref<1x80x128xf32, #tpu.memory_space<vmem>>
      %dma_wait3A_135 = tpu.memref_squeeze %dma_wait3A_134 : memref<1x80x128xf32, #tpu.memory_space<vmem>> -> memref<80x128xf32, #tpu.memory_space<vmem>>
      %dma_wait3A_136 = arith.constant 0 : i32
      %dma_wait3A_137 = arith.constant 0 : i32
      %dma_wait3A_138 = tpu.memref_slice %arg2[%dma_wait3A_136, %dma_wait3A_137] : memref<10000x128xf32, #tpu.memory_space<hbm>> -> memref<80x128xf32, #tpu.memory_space<hbm>>
      %dma_wait3A_139 = arith.constant 0 : i32
      %dma_wait3A_140 = arith.constant 0 : i32
      %dma_wait3A_141 = tpu.memref_slice %arg9[%dma_wait3A_131, %dma_wait3A_139, %dma_wait3A_140] : memref<4x80x128xf32, #tpu.memory_space<vmem>> -> memref<1x80x128xf32, #tpu.memory_space<vmem>>
      %dma_wait3A_142 = tpu.memref_squeeze %dma_wait3A_141 : memref<1x80x128xf32, #tpu.memory_space<vmem>> -> memref<80x128xf32, #tpu.memory_space<vmem>>
      %dma_wait3A_143 = arith.constant 0 : i32
      %dma_wait3A_144 = arith.constant 0 : i32
      %dma_wait3A_145 = tpu.memref_slice %arg2[%dma_wait3A_143, %dma_wait3A_144] : memref<10000x128xf32, #tpu.memory_space<hbm>> -> memref<80x128xf32, #tpu.memory_space<hbm>>
      tpu.wait_dma2 semaphore(%arg11 : memref<!tpu.dma_semaphore, #tpu.memory_space<semaphore_mem>>) src(%dma_wait3A_145 : memref<80x128xf32, #tpu.memory_space<hbm>>) dst(%dma_wait3A_142 : memref<80x128xf32, #tpu.memory_space<vmem>>)
      %gt3A_146 = arith.constant 0 : i32
      %gt3A_147 = arith.cmpi sgt, %scan3A_85, %gt3A_146 : i32
      %convert_element_type3A_148 = arith.extui %gt3A_147 : i1 to i32
      %cond3A_149 = arith.constant 0 : i32
      %cond3A_150 = arith.cmpi ne, %convert_element_type3A_148, %cond3A_149 : i32
      scf.if %cond3A_150 {
        %dma_wait3A_514 = arith.constant 3 : i32
        %dma_wait3A_515 = arith.constant 0 : i32
        %dma_wait3A_516 = arith.constant 0 : i32
        %dma_wait3A_517 = tpu.memref_slice %arg9[%dma_wait3A_514, %dma_wait3A_515, %dma_wait3A_516] : memref<4x80x128xf32, #tpu.memory_space<vmem>> -> memref<1x80x128xf32, #tpu.memory_space<vmem>>
        %dma_wait3A_518 = tpu.memref_squeeze %dma_wait3A_517 : memref<1x80x128xf32, #tpu.memory_space<vmem>> -> memref<80x128xf32, #tpu.memory_space<vmem>>
        %dma_wait3A_519 = arith.constant 0 : i32
        %dma_wait3A_520 = arith.constant 0 : i32
        %dma_wait3A_521 = tpu.memref_slice %arg2[%dma_wait3A_519, %dma_wait3A_520] : memref<10000x128xf32, #tpu.memory_space<hbm>> -> memref<80x128xf32, #tpu.memory_space<hbm>>
        %dma_wait3A_522 = arith.constant 0 : i32
        %dma_wait3A_523 = arith.constant 0 : i32
        %dma_wait3A_524 = tpu.memref_slice %arg9[%dma_wait3A_514, %dma_wait3A_522, %dma_wait3A_523] : memref<4x80x128xf32, #tpu.memory_space<vmem>> -> memref<1x80x128xf32, #tpu.memory_space<vmem>>
        %dma_wait3A_525 = tpu.memref_squeeze %dma_wait3A_524 : memref<1x80x128xf32, #tpu.memory_space<vmem>> -> memref<80x128xf32, #tpu.memory_space<vmem>>
        %dma_wait3A_526 = arith.constant 0 : i32
        %dma_wait3A_527 = arith.constant 0 : i32
        %dma_wait3A_528 = tpu.memref_slice %arg2[%dma_wait3A_526, %dma_wait3A_527] : memref<10000x128xf32, #tpu.memory_space<hbm>> -> memref<80x128xf32, #tpu.memory_space<hbm>>
        tpu.wait_dma2 semaphore(%arg17 : memref<!tpu.dma_semaphore, #tpu.memory_space<semaphore_mem>>) src(%dma_wait3A_528 : memref<80x128xf32, #tpu.memory_space<hbm>>) dst(%dma_wait3A_525 : memref<80x128xf32, #tpu.memory_space<vmem>>)
      } else {
      }
      %gt3A_151 = arith.constant 0 : i32
      %gt3A_152 = arith.cmpi sgt, %scan3A_85, %gt3A_151 : i32
      %convert_element_type3A_153 = arith.extui %gt3A_152 : i1 to i32
      %cond3A_154 = arith.constant 0 : i32
      %cond3A_155 = arith.cmpi ne, %convert_element_type3A_153, %cond3A_154 : i32
      scf.if %cond3A_155 {
        %mul3A_514 = arith.constant 8 : i32
        %mul3A_515 = arith.muli %mul3A_514, %scan3A_85 : i32
        %add3A_516 = arith.addi %mul3A_2, %mul3A_515 : i32
        %add3A_517 = arith.constant 4 : i32
        %add3A_518 = arith.addi %add3A_516, %add3A_517 : i32
        %dma_start3A_519 = arith.constant 0 : i32
        %dma_start3A_520 = arith.constant 0 : i32
        %dma_start3A_521 = tpu.memref_slice %arg3[%add3A_518, %dma_start3A_519, %dma_start3A_520] : memref<4096x2x80xi32, #tpu.memory_space<hbm>> -> memref<4x2x80xi32, #tpu.memory_space<hbm>>
        %dma_start3A_522 = arith.constant 0 : i32
        %dma_start3A_523 = arith.constant 0 : i32
        %dma_start3A_524 = tpu.memref_slice %arg3[%add3A_518, %dma_start3A_522, %dma_start3A_523] : memref<4096x2x80xi32, #tpu.memory_space<hbm>> -> memref<4x2x80xi32, #tpu.memory_space<hbm>>
        tpu.enqueue_dma source(%dma_start3A_524 : memref<4x2x80xi32, #tpu.memory_space<hbm>>) target(%arg8 : memref<4x2x80xi32, #tpu.memory_space<vmem>>) target_semaphore(%arg19 : memref<!tpu.dma_semaphore, #tpu.memory_space<semaphore_mem>>)
      } else {
      }
      %dma_start3A_156 = arith.constant 3 : i32
      %dma_start3A_157 = arith.constant 0 : i32
      %dma_start3A_158 = arith.constant 3 : i32
      %dma_start3A_159 = arith.constant 0 : i32
      %dma_start3A_160 = arith.constant 0 : i32
      %dma_start3A_161 = tpu.memref_slice %arg9[%dma_start3A_158, %dma_start3A_159, %dma_start3A_160] : memref<4x80x128xf32, #tpu.memory_space<vmem>> -> memref<1x80x128xf32, #tpu.memory_space<vmem>>
      %dma_start3A_162 = tpu.memref_squeeze %dma_start3A_161 : memref<1x80x128xf32, #tpu.memory_space<vmem>> -> memref<80x128xf32, #tpu.memory_space<vmem>>
      %dma_start3A_163 = arith.constant 0 : i32
      %dma_start3A_164 = tpu.memref_slice %arg7[%dma_start3A_156, %dma_start3A_157, %dma_start3A_163] : memref<4x2x80xi32, #tpu.memory_space<vmem>> -> memref<1x1x80xi32, #tpu.memory_space<vmem>>
      %dma_start3A_165 = tpu.memref_squeeze %dma_start3A_164 : memref<1x1x80xi32, #tpu.memory_space<vmem>> -> memref<80xi32, #tpu.memory_space<vmem>>
      %dma_start3A_166 = arith.constant 0 : i32
      %dma_start3A_167 = arith.constant 0 : i32
      %dma_start3A_168 = tpu.memref_slice %arg2[%dma_start3A_166, %dma_start3A_167] : memref<10000x128xf32, #tpu.memory_space<hbm>> -> memref<10000x128xf32, #tpu.memory_space<hbm>>
      tpu.enqueue_indirect_dma source(%dma_start3A_168 : memref<10000x128xf32, #tpu.memory_space<hbm>>) target(%dma_start3A_162 : memref<80x128xf32, #tpu.memory_space<vmem>>) offsets(%dma_start3A_165 : memref<80xi32, #tpu.memory_space<vmem>>) semaphore(%arg13 : memref<!tpu.dma_semaphore, #tpu.memory_space<semaphore_mem>>)
      %dma_start3A_169 = arith.constant 1 : i32
      %dma_start3A_170 = arith.constant 1 : i32
      %dma_start3A_171 = arith.constant 1 : i32
      %dma_start3A_172 = arith.constant 0 : i32
      %dma_start3A_173 = arith.constant 0 : i32
      %dma_start3A_174 = tpu.memref_slice %arg9[%dma_start3A_169, %dma_start3A_172, %dma_start3A_173] : memref<4x80x128xf32, #tpu.memory_space<vmem>> -> memref<1x80x128xf32, #tpu.memory_space<vmem>>
      %dma_start3A_175 = tpu.memref_squeeze %dma_start3A_174 : memref<1x80x128xf32, #tpu.memory_space<vmem>> -> memref<80x128xf32, #tpu.memory_space<vmem>>
      %dma_start3A_176 = arith.constant 0 : i32
      %dma_start3A_177 = tpu.memref_slice %arg7[%dma_start3A_170, %dma_start3A_171, %dma_start3A_176] : memref<4x2x80xi32, #tpu.memory_space<vmem>> -> memref<1x1x80xi32, #tpu.memory_space<vmem>>
      %dma_start3A_178 = tpu.memref_squeeze %dma_start3A_177 : memref<1x1x80xi32, #tpu.memory_space<vmem>> -> memref<80xi32, #tpu.memory_space<vmem>>
      %dma_start3A_179 = arith.constant 0 : i32
      %dma_start3A_180 = arith.constant 0 : i32
      %dma_start3A_181 = tpu.memref_slice %arg6[%dma_start3A_179, %dma_start3A_180] : memref<10240x128xf32, #tpu.memory_space<vmem_shared>> -> memref<10240x128xf32, #tpu.memory_space<vmem_shared>>
      tpu.enqueue_indirect_dma source(%dma_start3A_175 : memref<80x128xf32, #tpu.memory_space<vmem>>) target(%dma_start3A_181 : memref<10240x128xf32, #tpu.memory_space<vmem_shared>>) offsets(%dma_start3A_178 : memref<80xi32, #tpu.memory_space<vmem>>) semaphore(%arg15 : memref<!tpu.dma_semaphore, #tpu.memory_space<semaphore_mem>>) {add = true}
      %dma_wait3A_182 = arith.constant 2 : i32
      %dma_wait3A_183 = arith.constant 0 : i32
      %dma_wait3A_184 = arith.constant 0 : i32
      %dma_wait3A_185 = tpu.memref_slice %arg9[%dma_wait3A_182, %dma_wait3A_183, %dma_wait3A_184] : memref<4x80x128xf32, #tpu.memory_space<vmem>> -> memref<1x80x128xf32, #tpu.memory_space<vmem>>
      %dma_wait3A_186 = tpu.memref_squeeze %dma_wait3A_185 : memref<1x80x128xf32, #tpu.memory_space<vmem>> -> memref<80x128xf32, #tpu.memory_space<vmem>>
      %dma_wait3A_187 = arith.constant 0 : i32
      %dma_wait3A_188 = arith.constant 0 : i32
      %dma_wait3A_189 = tpu.memref_slice %arg2[%dma_wait3A_187, %dma_wait3A_188] : memref<10000x128xf32, #tpu.memory_space<hbm>> -> memref<80x128xf32, #tpu.memory_space<hbm>>
      %dma_wait3A_190 = arith.constant 0 : i32
      %dma_wait3A_191 = arith.constant 0 : i32
      %dma_wait3A_192 = tpu.memref_slice %arg9[%dma_wait3A_182, %dma_wait3A_190, %dma_wait3A_191] : memref<4x80x128xf32, #tpu.memory_space<vmem>> -> memref<1x80x128xf32, #tpu.memory_space<vmem>>
      %dma_wait3A_193 = tpu.memref_squeeze %dma_wait3A_192 : memref<1x80x128xf32, #tpu.memory_space<vmem>> -> memref<80x128xf32, #tpu.memory_space<vmem>>
      %dma_wait3A_194 = arith.constant 0 : i32
      %dma_wait3A_195 = arith.constant 0 : i32
      %dma_wait3A_196 = tpu.memref_slice %arg2[%dma_wait3A_194, %dma_wait3A_195] : memref<10000x128xf32, #tpu.memory_space<hbm>> -> memref<80x128xf32, #tpu.memory_space<hbm>>
      tpu.wait_dma2 semaphore(%arg12 : memref<!tpu.dma_semaphore, #tpu.memory_space<semaphore_mem>>) src(%dma_wait3A_196 : memref<80x128xf32, #tpu.memory_space<hbm>>) dst(%dma_wait3A_193 : memref<80x128xf32, #tpu.memory_space<vmem>>)
      %dma_wait3A_197 = arith.constant 0 : i32
      %dma_wait3A_198 = arith.constant 0 : i32
      %dma_wait3A_199 = arith.constant 0 : i32
      %dma_wait3A_200 = tpu.memref_slice %arg3[%dma_wait3A_197, %dma_wait3A_198, %dma_wait3A_199] : memref<4096x2x80xi32, #tpu.memory_space<hbm>> -> memref<4x2x80xi32, #tpu.memory_space<hbm>>
      %dma_wait3A_201 = arith.constant 0 : i32
      %dma_wait3A_202 = arith.constant 0 : i32
      %dma_wait3A_203 = arith.constant 0 : i32
      %dma_wait3A_204 = tpu.memref_slice %arg3[%dma_wait3A_201, %dma_wait3A_202, %dma_wait3A_203] : memref<4096x2x80xi32, #tpu.memory_space<hbm>> -> memref<4x2x80xi32, #tpu.memory_space<hbm>>
      tpu.wait_dma2 semaphore(%arg19 : memref<!tpu.dma_semaphore, #tpu.memory_space<semaphore_mem>>) src(%dma_wait3A_204 : memref<4x2x80xi32, #tpu.memory_space<hbm>>) dst(%arg8 : memref<4x2x80xi32, #tpu.memory_space<vmem>>)
      %dma_wait3A_205 = arith.constant 0 : i32
      %dma_wait3A_206 = arith.constant 0 : i32
      %dma_wait3A_207 = arith.constant 0 : i32
      %dma_wait3A_208 = tpu.memref_slice %arg9[%dma_wait3A_205, %dma_wait3A_206, %dma_wait3A_207] : memref<4x80x128xf32, #tpu.memory_space<vmem>> -> memref<1x80x128xf32, #tpu.memory_space<vmem>>
      %dma_wait3A_209 = tpu.memref_squeeze %dma_wait3A_208 : memref<1x80x128xf32, #tpu.memory_space<vmem>> -> memref<80x128xf32, #tpu.memory_space<vmem>>
      %dma_wait3A_210 = arith.constant 0 : i32
      %dma_wait3A_211 = arith.constant 0 : i32
      %dma_wait3A_212 = tpu.memref_slice %arg2[%dma_wait3A_210, %dma_wait3A_211] : memref<10000x128xf32, #tpu.memory_space<hbm>> -> memref<80x128xf32, #tpu.memory_space<hbm>>
      %dma_wait3A_213 = arith.constant 0 : i32
      %dma_wait3A_214 = arith.constant 0 : i32
      %dma_wait3A_215 = tpu.memref_slice %arg9[%dma_wait3A_205, %dma_wait3A_213, %dma_wait3A_214] : memref<4x80x128xf32, #tpu.memory_space<vmem>> -> memref<1x80x128xf32, #tpu.memory_space<vmem>>
      %dma_wait3A_216 = tpu.memref_squeeze %dma_wait3A_215 : memref<1x80x128xf32, #tpu.memory_space<vmem>> -> memref<80x128xf32, #tpu.memory_space<vmem>>
      %dma_wait3A_217 = arith.constant 0 : i32
      %dma_wait3A_218 = arith.constant 0 : i32
      %dma_wait3A_219 = tpu.memref_slice %arg2[%dma_wait3A_217, %dma_wait3A_218] : memref<10000x128xf32, #tpu.memory_space<hbm>> -> memref<80x128xf32, #tpu.memory_space<hbm>>
      tpu.wait_dma2 semaphore(%arg14 : memref<!tpu.dma_semaphore, #tpu.memory_space<semaphore_mem>>) src(%dma_wait3A_219 : memref<80x128xf32, #tpu.memory_space<hbm>>) dst(%dma_wait3A_216 : memref<80x128xf32, #tpu.memory_space<vmem>>)
      %dma_start3A_220 = arith.constant 0 : i32
      %dma_start3A_221 = arith.constant 0 : i32
      %dma_start3A_222 = arith.constant 0 : i32
      %dma_start3A_223 = arith.constant 0 : i32
      %dma_start3A_224 = arith.constant 0 : i32
      %dma_start3A_225 = tpu.memref_slice %arg9[%dma_start3A_222, %dma_start3A_223, %dma_start3A_224] : memref<4x80x128xf32, #tpu.memory_space<vmem>> -> memref<1x80x128xf32, #tpu.memory_space<vmem>>
      %dma_start3A_226 = tpu.memref_squeeze %dma_start3A_225 : memref<1x80x128xf32, #tpu.memory_space<vmem>> -> memref<80x128xf32, #tpu.memory_space<vmem>>
      %dma_start3A_227 = arith.constant 0 : i32
      %dma_start3A_228 = tpu.memref_slice %arg8[%dma_start3A_220, %dma_start3A_221, %dma_start3A_227] : memref<4x2x80xi32, #tpu.memory_space<vmem>> -> memref<1x1x80xi32, #tpu.memory_space<vmem>>
      %dma_start3A_229 = tpu.memref_squeeze %dma_start3A_228 : memref<1x1x80xi32, #tpu.memory_space<vmem>> -> memref<80xi32, #tpu.memory_space<vmem>>
      %dma_start3A_230 = arith.constant 0 : i32
      %dma_start3A_231 = arith.constant 0 : i32
      %dma_start3A_232 = tpu.memref_slice %arg2[%dma_start3A_230, %dma_start3A_231] : memref<10000x128xf32, #tpu.memory_space<hbm>> -> memref<10000x128xf32, #tpu.memory_space<hbm>>
      tpu.enqueue_indirect_dma source(%dma_start3A_232 : memref<10000x128xf32, #tpu.memory_space<hbm>>) target(%dma_start3A_226 : memref<80x128xf32, #tpu.memory_space<vmem>>) offsets(%dma_start3A_229 : memref<80xi32, #tpu.memory_space<vmem>>) semaphore(%arg10 : memref<!tpu.dma_semaphore, #tpu.memory_space<semaphore_mem>>)
      %dma_start3A_233 = arith.constant 2 : i32
      %dma_start3A_234 = arith.constant 2 : i32
      %dma_start3A_235 = arith.constant 1 : i32
      %dma_start3A_236 = arith.constant 0 : i32
      %dma_start3A_237 = arith.constant 0 : i32
      %dma_start3A_238 = tpu.memref_slice %arg9[%dma_start3A_233, %dma_start3A_236, %dma_start3A_237] : memref<4x80x128xf32, #tpu.memory_space<vmem>> -> memref<1x80x128xf32, #tpu.memory_space<vmem>>
      %dma_start3A_239 = tpu.memref_squeeze %dma_start3A_238 : memref<1x80x128xf32, #tpu.memory_space<vmem>> -> memref<80x128xf32, #tpu.memory_space<vmem>>
      %dma_start3A_240 = arith.constant 0 : i32
      %dma_start3A_241 = tpu.memref_slice %arg7[%dma_start3A_234, %dma_start3A_235, %dma_start3A_240] : memref<4x2x80xi32, #tpu.memory_space<vmem>> -> memref<1x1x80xi32, #tpu.memory_space<vmem>>
      %dma_start3A_242 = tpu.memref_squeeze %dma_start3A_241 : memref<1x1x80xi32, #tpu.memory_space<vmem>> -> memref<80xi32, #tpu.memory_space<vmem>>
      %dma_start3A_243 = arith.constant 0 : i32
      %dma_start3A_244 = arith.constant 0 : i32
      %dma_start3A_245 = tpu.memref_slice %arg6[%dma_start3A_243, %dma_start3A_244] : memref<10240x128xf32, #tpu.memory_space<vmem_shared>> -> memref<10240x128xf32, #tpu.memory_space<vmem_shared>>
      tpu.enqueue_indirect_dma source(%dma_start3A_239 : memref<80x128xf32, #tpu.memory_space<vmem>>) target(%dma_start3A_245 : memref<10240x128xf32, #tpu.memory_space<vmem_shared>>) offsets(%dma_start3A_242 : memref<80xi32, #tpu.memory_space<vmem>>) semaphore(%arg16 : memref<!tpu.dma_semaphore, #tpu.memory_space<semaphore_mem>>) {add = true}
      %dma_wait3A_246 = arith.constant 3 : i32
      %dma_wait3A_247 = arith.constant 0 : i32
      %dma_wait3A_248 = arith.constant 0 : i32
      %dma_wait3A_249 = tpu.memref_slice %arg9[%dma_wait3A_246, %dma_wait3A_247, %dma_wait3A_248] : memref<4x80x128xf32, #tpu.memory_space<vmem>> -> memref<1x80x128xf32, #tpu.memory_space<vmem>>
      %dma_wait3A_250 = tpu.memref_squeeze %dma_wait3A_249 : memref<1x80x128xf32, #tpu.memory_space<vmem>> -> memref<80x128xf32, #tpu.memory_space<vmem>>
      %dma_wait3A_251 = arith.constant 0 : i32
      %dma_wait3A_252 = arith.constant 0 : i32
      %dma_wait3A_253 = tpu.memref_slice %arg2[%dma_wait3A_251, %dma_wait3A_252] : memref<10000x128xf32, #tpu.memory_space<hbm>> -> memref<80x128xf32, #tpu.memory_space<hbm>>
      %dma_wait3A_254 = arith.constant 0 : i32
      %dma_wait3A_255 = arith.constant 0 : i32
      %dma_wait3A_256 = tpu.memref_slice %arg9[%dma_wait3A_246, %dma_wait3A_254, %dma_wait3A_255] : memref<4x80x128xf32, #tpu.memory_space<vmem>> -> memref<1x80x128xf32, #tpu.memory_space<vmem>>
      %dma_wait3A_257 = tpu.memref_squeeze %dma_wait3A_256 : memref<1x80x128xf32, #tpu.memory_space<vmem>> -> memref<80x128xf32, #tpu.memory_space<vmem>>
      %dma_wait3A_258 = arith.constant 0 : i32
      %dma_wait3A_259 = arith.constant 0 : i32
      %dma_wait3A_260 = tpu.memref_slice %arg2[%dma_wait3A_258, %dma_wait3A_259] : memref<10000x128xf32, #tpu.memory_space<hbm>> -> memref<80x128xf32, #tpu.memory_space<hbm>>
      tpu.wait_dma2 semaphore(%arg13 : memref<!tpu.dma_semaphore, #tpu.memory_space<semaphore_mem>>) src(%dma_wait3A_260 : memref<80x128xf32, #tpu.memory_space<hbm>>) dst(%dma_wait3A_257 : memref<80x128xf32, #tpu.memory_space<vmem>>)
      %dma_wait3A_261 = arith.constant 1 : i32
      %dma_wait3A_262 = arith.constant 0 : i32
      %dma_wait3A_263 = arith.constant 0 : i32
      %dma_wait3A_264 = tpu.memref_slice %arg9[%dma_wait3A_261, %dma_wait3A_262, %dma_wait3A_263] : memref<4x80x128xf32, #tpu.memory_space<vmem>> -> memref<1x80x128xf32, #tpu.memory_space<vmem>>
      %dma_wait3A_265 = tpu.memref_squeeze %dma_wait3A_264 : memref<1x80x128xf32, #tpu.memory_space<vmem>> -> memref<80x128xf32, #tpu.memory_space<vmem>>
      %dma_wait3A_266 = arith.constant 0 : i32
      %dma_wait3A_267 = arith.constant 0 : i32
      %dma_wait3A_268 = tpu.memref_slice %arg2[%dma_wait3A_266, %dma_wait3A_267] : memref<10000x128xf32, #tpu.memory_space<hbm>> -> memref<80x128xf32, #tpu.memory_space<hbm>>
      %dma_wait3A_269 = arith.constant 0 : i32
      %dma_wait3A_270 = arith.constant 0 : i32
      %dma_wait3A_271 = tpu.memref_slice %arg9[%dma_wait3A_261, %dma_wait3A_269, %dma_wait3A_270] : memref<4x80x128xf32, #tpu.memory_space<vmem>> -> memref<1x80x128xf32, #tpu.memory_space<vmem>>
      %dma_wait3A_272 = tpu.memref_squeeze %dma_wait3A_271 : memref<1x80x128xf32, #tpu.memory_space<vmem>> -> memref<80x128xf32, #tpu.memory_space<vmem>>
      %dma_wait3A_273 = arith.constant 0 : i32
      %dma_wait3A_274 = arith.constant 0 : i32
      %dma_wait3A_275 = tpu.memref_slice %arg2[%dma_wait3A_273, %dma_wait3A_274] : memref<10000x128xf32, #tpu.memory_space<hbm>> -> memref<80x128xf32, #tpu.memory_space<hbm>>
      tpu.wait_dma2 semaphore(%arg15 : memref<!tpu.dma_semaphore, #tpu.memory_space<semaphore_mem>>) src(%dma_wait3A_275 : memref<80x128xf32, #tpu.memory_space<hbm>>) dst(%dma_wait3A_272 : memref<80x128xf32, #tpu.memory_space<vmem>>)
      %dma_start3A_276 = arith.constant 1 : i32
      %dma_start3A_277 = arith.constant 0 : i32
      %dma_start3A_278 = arith.constant 1 : i32
      %dma_start3A_279 = arith.constant 0 : i32
      %dma_start3A_280 = arith.constant 0 : i32
      %dma_start3A_281 = tpu.memref_slice %arg9[%dma_start3A_278, %dma_start3A_279, %dma_start3A_280] : memref<4x80x128xf32, #tpu.memory_space<vmem>> -> memref<1x80x128xf32, #tpu.memory_space<vmem>>
      %dma_start3A_282 = tpu.memref_squeeze %dma_start3A_281 : memref<1x80x128xf32, #tpu.memory_space<vmem>> -> memref<80x128xf32, #tpu.memory_space<vmem>>
      %dma_start3A_283 = arith.constant 0 : i32
      %dma_start3A_284 = tpu.memref_slice %arg8[%dma_start3A_276, %dma_start3A_277, %dma_start3A_283] : memref<4x2x80xi32, #tpu.memory_space<vmem>> -> memref<1x1x80xi32, #tpu.memory_space<vmem>>
      %dma_start3A_285 = tpu.memref_squeeze %dma_start3A_284 : memref<1x1x80xi32, #tpu.memory_space<vmem>> -> memref<80xi32, #tpu.memory_space<vmem>>
      %dma_start3A_286 = arith.constant 0 : i32
      %dma_start3A_287 = arith.constant 0 : i32
      %dma_start3A_288 = tpu.memref_slice %arg2[%dma_start3A_286, %dma_start3A_287] : memref<10000x128xf32, #tpu.memory_space<hbm>> -> memref<10000x128xf32, #tpu.memory_space<hbm>>
      tpu.enqueue_indirect_dma source(%dma_start3A_288 : memref<10000x128xf32, #tpu.memory_space<hbm>>) target(%dma_start3A_282 : memref<80x128xf32, #tpu.memory_space<vmem>>) offsets(%dma_start3A_285 : memref<80xi32, #tpu.memory_space<vmem>>) semaphore(%arg11 : memref<!tpu.dma_semaphore, #tpu.memory_space<semaphore_mem>>)
      %dma_start3A_289 = arith.constant 3 : i32
      %dma_start3A_290 = arith.constant 3 : i32
      %dma_start3A_291 = arith.constant 1 : i32
      %dma_start3A_292 = arith.constant 0 : i32
      %dma_start3A_293 = arith.constant 0 : i32
      %dma_start3A_294 = tpu.memref_slice %arg9[%dma_start3A_289, %dma_start3A_292, %dma_start3A_293] : memref<4x80x128xf32, #tpu.memory_space<vmem>> -> memref<1x80x128xf32, #tpu.memory_space<vmem>>
      %dma_start3A_295 = tpu.memref_squeeze %dma_start3A_294 : memref<1x80x128xf32, #tpu.memory_space<vmem>> -> memref<80x128xf32, #tpu.memory_space<vmem>>
      %dma_start3A_296 = arith.constant 0 : i32
      %dma_start3A_297 = tpu.memref_slice %arg7[%dma_start3A_290, %dma_start3A_291, %dma_start3A_296] : memref<4x2x80xi32, #tpu.memory_space<vmem>> -> memref<1x1x80xi32, #tpu.memory_space<vmem>>
      %dma_start3A_298 = tpu.memref_squeeze %dma_start3A_297 : memref<1x1x80xi32, #tpu.memory_space<vmem>> -> memref<80xi32, #tpu.memory_space<vmem>>
      %dma_start3A_299 = arith.constant 0 : i32
      %dma_start3A_300 = arith.constant 0 : i32
      %dma_start3A_301 = tpu.memref_slice %arg6[%dma_start3A_299, %dma_start3A_300] : memref<10240x128xf32, #tpu.memory_space<vmem_shared>> -> memref<10240x128xf32, #tpu.memory_space<vmem_shared>>
      tpu.enqueue_indirect_dma source(%dma_start3A_295 : memref<80x128xf32, #tpu.memory_space<vmem>>) target(%dma_start3A_301 : memref<10240x128xf32, #tpu.memory_space<vmem_shared>>) offsets(%dma_start3A_298 : memref<80xi32, #tpu.memory_space<vmem>>) semaphore(%arg17 : memref<!tpu.dma_semaphore, #tpu.memory_space<semaphore_mem>>) {add = true}
      %dma_wait3A_302 = arith.constant 0 : i32
      %dma_wait3A_303 = arith.constant 0 : i32
      %dma_wait3A_304 = arith.constant 0 : i32
      %dma_wait3A_305 = tpu.memref_slice %arg9[%dma_wait3A_302, %dma_wait3A_303, %dma_wait3A_304] : memref<4x80x128xf32, #tpu.memory_space<vmem>> -> memref<1x80x128xf32, #tpu.memory_space<vmem>>
      %dma_wait3A_306 = tpu.memref_squeeze %dma_wait3A_305 : memref<1x80x128xf32, #tpu.memory_space<vmem>> -> memref<80x128xf32, #tpu.memory_space<vmem>>
      %dma_wait3A_307 = arith.constant 0 : i32
      %dma_wait3A_308 = arith.constant 0 : i32
      %dma_wait3A_309 = tpu.memref_slice %arg2[%dma_wait3A_307, %dma_wait3A_308] : memref<10000x128xf32, #tpu.memory_space<hbm>> -> memref<80x128xf32, #tpu.memory_space<hbm>>
      %dma_wait3A_310 = arith.constant 0 : i32
      %dma_wait3A_311 = arith.constant 0 : i32
      %dma_wait3A_312 = tpu.memref_slice %arg9[%dma_wait3A_302, %dma_wait3A_310, %dma_wait3A_311] : memref<4x80x128xf32, #tpu.memory_space<vmem>> -> memref<1x80x128xf32, #tpu.memory_space<vmem>>
      %dma_wait3A_313 = tpu.memref_squeeze %dma_wait3A_312 : memref<1x80x128xf32, #tpu.memory_space<vmem>> -> memref<80x128xf32, #tpu.memory_space<vmem>>
      %dma_wait3A_314 = arith.constant 0 : i32
      %dma_wait3A_315 = arith.constant 0 : i32
      %dma_wait3A_316 = tpu.memref_slice %arg2[%dma_wait3A_314, %dma_wait3A_315] : memref<10000x128xf32, #tpu.memory_space<hbm>> -> memref<80x128xf32, #tpu.memory_space<hbm>>
      tpu.wait_dma2 semaphore(%arg10 : memref<!tpu.dma_semaphore, #tpu.memory_space<semaphore_mem>>) src(%dma_wait3A_316 : memref<80x128xf32, #tpu.memory_space<hbm>>) dst(%dma_wait3A_313 : memref<80x128xf32, #tpu.memory_space<vmem>>)
      %dma_wait3A_317 = arith.constant 2 : i32
      %dma_wait3A_318 = arith.constant 0 : i32
      %dma_wait3A_319 = arith.constant 0 : i32
      %dma_wait3A_320 = tpu.memref_slice %arg9[%dma_wait3A_317, %dma_wait3A_318, %dma_wait3A_319] : memref<4x80x128xf32, #tpu.memory_space<vmem>> -> memref<1x80x128xf32, #tpu.memory_space<vmem>>
      %dma_wait3A_321 = tpu.memref_squeeze %dma_wait3A_320 : memref<1x80x128xf32, #tpu.memory_space<vmem>> -> memref<80x128xf32, #tpu.memory_space<vmem>>
      %dma_wait3A_322 = arith.constant 0 : i32
      %dma_wait3A_323 = arith.constant 0 : i32
      %dma_wait3A_324 = tpu.memref_slice %arg2[%dma_wait3A_322, %dma_wait3A_323] : memref<10000x128xf32, #tpu.memory_space<hbm>> -> memref<80x128xf32, #tpu.memory_space<hbm>>
      %dma_wait3A_325 = arith.constant 0 : i32
      %dma_wait3A_326 = arith.constant 0 : i32
      %dma_wait3A_327 = tpu.memref_slice %arg9[%dma_wait3A_317, %dma_wait3A_325, %dma_wait3A_326] : memref<4x80x128xf32, #tpu.memory_space<vmem>> -> memref<1x80x128xf32, #tpu.memory_space<vmem>>
      %dma_wait3A_328 = tpu.memref_squeeze %dma_wait3A_327 : memref<1x80x128xf32, #tpu.memory_space<vmem>> -> memref<80x128xf32, #tpu.memory_space<vmem>>
      %dma_wait3A_329 = arith.constant 0 : i32
      %dma_wait3A_330 = arith.constant 0 : i32
      %dma_wait3A_331 = tpu.memref_slice %arg2[%dma_wait3A_329, %dma_wait3A_330] : memref<10000x128xf32, #tpu.memory_space<hbm>> -> memref<80x128xf32, #tpu.memory_space<hbm>>
      tpu.wait_dma2 semaphore(%arg16 : memref<!tpu.dma_semaphore, #tpu.memory_space<semaphore_mem>>) src(%dma_wait3A_331 : memref<80x128xf32, #tpu.memory_space<hbm>>) dst(%dma_wait3A_328 : memref<80x128xf32, #tpu.memory_space<vmem>>)
      %dma_start3A_332 = arith.constant 2 : i32
      %dma_start3A_333 = arith.constant 0 : i32
      %dma_start3A_334 = arith.constant 2 : i32
      %dma_start3A_335 = arith.constant 0 : i32
      %dma_start3A_336 = arith.constant 0 : i32
      %dma_start3A_337 = tpu.memref_slice %arg9[%dma_start3A_334, %dma_start3A_335, %dma_start3A_336] : memref<4x80x128xf32, #tpu.memory_space<vmem>> -> memref<1x80x128xf32, #tpu.memory_space<vmem>>
      %dma_start3A_338 = tpu.memref_squeeze %dma_start3A_337 : memref<1x80x128xf32, #tpu.memory_space<vmem>> -> memref<80x128xf32, #tpu.memory_space<vmem>>
      %dma_start3A_339 = arith.constant 0 : i32
      %dma_start3A_340 = tpu.memref_slice %arg8[%dma_start3A_332, %dma_start3A_333, %dma_start3A_339] : memref<4x2x80xi32, #tpu.memory_space<vmem>> -> memref<1x1x80xi32, #tpu.memory_space<vmem>>
      %dma_start3A_341 = tpu.memref_squeeze %dma_start3A_340 : memref<1x1x80xi32, #tpu.memory_space<vmem>> -> memref<80xi32, #tpu.memory_space<vmem>>
      %dma_start3A_342 = arith.constant 0 : i32
      %dma_start3A_343 = arith.constant 0 : i32
      %dma_start3A_344 = tpu.memref_slice %arg2[%dma_start3A_342, %dma_start3A_343] : memref<10000x128xf32, #tpu.memory_space<hbm>> -> memref<10000x128xf32, #tpu.memory_space<hbm>>
      tpu.enqueue_indirect_dma source(%dma_start3A_344 : memref<10000x128xf32, #tpu.memory_space<hbm>>) target(%dma_start3A_338 : memref<80x128xf32, #tpu.memory_space<vmem>>) offsets(%dma_start3A_341 : memref<80xi32, #tpu.memory_space<vmem>>) semaphore(%arg12 : memref<!tpu.dma_semaphore, #tpu.memory_space<semaphore_mem>>)
      %dma_start3A_345 = arith.constant 0 : i32
      %dma_start3A_346 = arith.constant 0 : i32
      %dma_start3A_347 = arith.constant 1 : i32
      %dma_start3A_348 = arith.constant 0 : i32
      %dma_start3A_349 = arith.constant 0 : i32
      %dma_start3A_350 = tpu.memref_slice %arg9[%dma_start3A_345, %dma_start3A_348, %dma_start3A_349] : memref<4x80x128xf32, #tpu.memory_space<vmem>> -> memref<1x80x128xf32, #tpu.memory_space<vmem>>
      %dma_start3A_351 = tpu.memref_squeeze %dma_start3A_350 : memref<1x80x128xf32, #tpu.memory_space<vmem>> -> memref<80x128xf32, #tpu.memory_space<vmem>>
      %dma_start3A_352 = arith.constant 0 : i32
      %dma_start3A_353 = tpu.memref_slice %arg8[%dma_start3A_346, %dma_start3A_347, %dma_start3A_352] : memref<4x2x80xi32, #tpu.memory_space<vmem>> -> memref<1x1x80xi32, #tpu.memory_space<vmem>>
      %dma_start3A_354 = tpu.memref_squeeze %dma_start3A_353 : memref<1x1x80xi32, #tpu.memory_space<vmem>> -> memref<80xi32, #tpu.memory_space<vmem>>
      %dma_start3A_355 = arith.constant 0 : i32
      %dma_start3A_356 = arith.constant 0 : i32
      %dma_start3A_357 = tpu.memref_slice %arg6[%dma_start3A_355, %dma_start3A_356] : memref<10240x128xf32, #tpu.memory_space<vmem_shared>> -> memref<10240x128xf32, #tpu.memory_space<vmem_shared>>
      tpu.enqueue_indirect_dma source(%dma_start3A_351 : memref<80x128xf32, #tpu.memory_space<vmem>>) target(%dma_start3A_357 : memref<10240x128xf32, #tpu.memory_space<vmem_shared>>) offsets(%dma_start3A_354 : memref<80xi32, #tpu.memory_space<vmem>>) semaphore(%arg14 : memref<!tpu.dma_semaphore, #tpu.memory_space<semaphore_mem>>) {add = true}
      %dma_wait3A_358 = arith.constant 1 : i32
      %dma_wait3A_359 = arith.constant 0 : i32
      %dma_wait3A_360 = arith.constant 0 : i32
      %dma_wait3A_361 = tpu.memref_slice %arg9[%dma_wait3A_358, %dma_wait3A_359, %dma_wait3A_360] : memref<4x80x128xf32, #tpu.memory_space<vmem>> -> memref<1x80x128xf32, #tpu.memory_space<vmem>>
      %dma_wait3A_362 = tpu.memref_squeeze %dma_wait3A_361 : memref<1x80x128xf32, #tpu.memory_space<vmem>> -> memref<80x128xf32, #tpu.memory_space<vmem>>
      %dma_wait3A_363 = arith.constant 0 : i32
      %dma_wait3A_364 = arith.constant 0 : i32
      %dma_wait3A_365 = tpu.memref_slice %arg2[%dma_wait3A_363, %dma_wait3A_364] : memref<10000x128xf32, #tpu.memory_space<hbm>> -> memref<80x128xf32, #tpu.memory_space<hbm>>
      %dma_wait3A_366 = arith.constant 0 : i32
      %dma_wait3A_367 = arith.constant 0 : i32
      %dma_wait3A_368 = tpu.memref_slice %arg9[%dma_wait3A_358, %dma_wait3A_366, %dma_wait3A_367] : memref<4x80x128xf32, #tpu.memory_space<vmem>> -> memref<1x80x128xf32, #tpu.memory_space<vmem>>
      %dma_wait3A_369 = tpu.memref_squeeze %dma_wait3A_368 : memref<1x80x128xf32, #tpu.memory_space<vmem>> -> memref<80x128xf32, #tpu.memory_space<vmem>>
      %dma_wait3A_370 = arith.constant 0 : i32
      %dma_wait3A_371 = arith.constant 0 : i32
      %dma_wait3A_372 = tpu.memref_slice %arg2[%dma_wait3A_370, %dma_wait3A_371] : memref<10000x128xf32, #tpu.memory_space<hbm>> -> memref<80x128xf32, #tpu.memory_space<hbm>>
      tpu.wait_dma2 semaphore(%arg11 : memref<!tpu.dma_semaphore, #tpu.memory_space<semaphore_mem>>) src(%dma_wait3A_372 : memref<80x128xf32, #tpu.memory_space<hbm>>) dst(%dma_wait3A_369 : memref<80x128xf32, #tpu.memory_space<vmem>>)
      %dma_wait3A_373 = arith.constant 3 : i32
      %dma_wait3A_374 = arith.constant 0 : i32
      %dma_wait3A_375 = arith.constant 0 : i32
      %dma_wait3A_376 = tpu.memref_slice %arg9[%dma_wait3A_373, %dma_wait3A_374, %dma_wait3A_375] : memref<4x80x128xf32, #tpu.memory_space<vmem>> -> memref<1x80x128xf32, #tpu.memory_space<vmem>>
      %dma_wait3A_377 = tpu.memref_squeeze %dma_wait3A_376 : memref<1x80x128xf32, #tpu.memory_space<vmem>> -> memref<80x128xf32, #tpu.memory_space<vmem>>
      %dma_wait3A_378 = arith.constant 0 : i32
      %dma_wait3A_379 = arith.constant 0 : i32
      %dma_wait3A_380 = tpu.memref_slice %arg2[%dma_wait3A_378, %dma_wait3A_379] : memref<10000x128xf32, #tpu.memory_space<hbm>> -> memref<80x128xf32, #tpu.memory_space<hbm>>
      %dma_wait3A_381 = arith.constant 0 : i32
      %dma_wait3A_382 = arith.constant 0 : i32
      %dma_wait3A_383 = tpu.memref_slice %arg9[%dma_wait3A_373, %dma_wait3A_381, %dma_wait3A_382] : memref<4x80x128xf32, #tpu.memory_space<vmem>> -> memref<1x80x128xf32, #tpu.memory_space<vmem>>
      %dma_wait3A_384 = tpu.memref_squeeze %dma_wait3A_383 : memref<1x80x128xf32, #tpu.memory_space<vmem>> -> memref<80x128xf32, #tpu.memory_space<vmem>>
      %dma_wait3A_385 = arith.constant 0 : i32
      %dma_wait3A_386 = arith.constant 0 : i32
      %dma_wait3A_387 = tpu.memref_slice %arg2[%dma_wait3A_385, %dma_wait3A_386] : memref<10000x128xf32, #tpu.memory_space<hbm>> -> memref<80x128xf32, #tpu.memory_space<hbm>>
      tpu.wait_dma2 semaphore(%arg17 : memref<!tpu.dma_semaphore, #tpu.memory_space<semaphore_mem>>) src(%dma_wait3A_387 : memref<80x128xf32, #tpu.memory_space<hbm>>) dst(%dma_wait3A_384 : memref<80x128xf32, #tpu.memory_space<vmem>>)
      %lt3A = arith.constant 15 : i32
      %lt3A_388 = arith.cmpi slt, %scan3A_85, %lt3A : i32
      %convert_element_type3A_389 = arith.extui %lt3A_388 : i1 to i32
      %cond3A_390 = arith.constant 0 : i32
      %cond3A_391 = arith.cmpi ne, %convert_element_type3A_389, %cond3A_390 : i32
      scf.if %cond3A_391 {
        %mul3A_514 = arith.constant 8 : i32
        %mul3A_515 = arith.muli %mul3A_514, %scan3A_85 : i32
        %add3A_516 = arith.addi %mul3A_2, %mul3A_515 : i32
        %add3A_517 = arith.constant 8 : i32
        %add3A_518 = arith.addi %add3A_516, %add3A_517 : i32
        %dma_start3A_519 = arith.constant 0 : i32
        %dma_start3A_520 = arith.constant 0 : i32
        %dma_start3A_521 = tpu.memref_slice %arg3[%add3A_518, %dma_start3A_519, %dma_start3A_520] : memref<4096x2x80xi32, #tpu.memory_space<hbm>> -> memref<4x2x80xi32, #tpu.memory_space<hbm>>
        %dma_start3A_522 = arith.constant 0 : i32
        %dma_start3A_523 = arith.constant 0 : i32
        %dma_start3A_524 = tpu.memref_slice %arg3[%add3A_518, %dma_start3A_522, %dma_start3A_523] : memref<4096x2x80xi32, #tpu.memory_space<hbm>> -> memref<4x2x80xi32, #tpu.memory_space<hbm>>
        tpu.enqueue_dma source(%dma_start3A_524 : memref<4x2x80xi32, #tpu.memory_space<hbm>>) target(%arg7 : memref<4x2x80xi32, #tpu.memory_space<vmem>>) target_semaphore(%arg18 : memref<!tpu.dma_semaphore, #tpu.memory_space<semaphore_mem>>)
      } else {
      }
      %dma_start3A_392 = arith.constant 3 : i32
      %dma_start3A_393 = arith.constant 0 : i32
      %dma_start3A_394 = arith.constant 3 : i32
      %dma_start3A_395 = arith.constant 0 : i32
      %dma_start3A_396 = arith.constant 0 : i32
      %dma_start3A_397 = tpu.memref_slice %arg9[%dma_start3A_394, %dma_start3A_395, %dma_start3A_396] : memref<4x80x128xf32, #tpu.memory_space<vmem>> -> memref<1x80x128xf32, #tpu.memory_space<vmem>>
      %dma_start3A_398 = tpu.memref_squeeze %dma_start3A_397 : memref<1x80x128xf32, #tpu.memory_space<vmem>> -> memref<80x128xf32, #tpu.memory_space<vmem>>
      %dma_start3A_399 = arith.constant 0 : i32
      %dma_start3A_400 = tpu.memref_slice %arg8[%dma_start3A_392, %dma_start3A_393, %dma_start3A_399] : memref<4x2x80xi32, #tpu.memory_space<vmem>> -> memref<1x1x80xi32, #tpu.memory_space<vmem>>
      %dma_start3A_401 = tpu.memref_squeeze %dma_start3A_400 : memref<1x1x80xi32, #tpu.memory_space<vmem>> -> memref<80xi32, #tpu.memory_space<vmem>>
      %dma_start3A_402 = arith.constant 0 : i32
      %dma_start3A_403 = arith.constant 0 : i32
      %dma_start3A_404 = tpu.memref_slice %arg2[%dma_start3A_402, %dma_start3A_403] : memref<10000x128xf32, #tpu.memory_space<hbm>> -> memref<10000x128xf32, #tpu.memory_space<hbm>>
      tpu.enqueue_indirect_dma source(%dma_start3A_404 : memref<10000x128xf32, #tpu.memory_space<hbm>>) target(%dma_start3A_398 : memref<80x128xf32, #tpu.memory_space<vmem>>) offsets(%dma_start3A_401 : memref<80xi32, #tpu.memory_space<vmem>>) semaphore(%arg13 : memref<!tpu.dma_semaphore, #tpu.memory_space<semaphore_mem>>)
      %dma_start3A_405 = arith.constant 1 : i32
      %dma_start3A_406 = arith.constant 1 : i32
      %dma_start3A_407 = arith.constant 1 : i32
      %dma_start3A_408 = arith.constant 0 : i32
      %dma_start3A_409 = arith.constant 0 : i32
      %dma_start3A_410 = tpu.memref_slice %arg9[%dma_start3A_405, %dma_start3A_408, %dma_start3A_409] : memref<4x80x128xf32, #tpu.memory_space<vmem>> -> memref<1x80x128xf32, #tpu.memory_space<vmem>>
      %dma_start3A_411 = tpu.memref_squeeze %dma_start3A_410 : memref<1x80x128xf32, #tpu.memory_space<vmem>> -> memref<80x128xf32, #tpu.memory_space<vmem>>
      %dma_start3A_412 = arith.constant 0 : i32
      %dma_start3A_413 = tpu.memref_slice %arg8[%dma_start3A_406, %dma_start3A_407, %dma_start3A_412] : memref<4x2x80xi32, #tpu.memory_space<vmem>> -> memref<1x1x80xi32, #tpu.memory_space<vmem>>
      %dma_start3A_414 = tpu.memref_squeeze %dma_start3A_413 : memref<1x1x80xi32, #tpu.memory_space<vmem>> -> memref<80xi32, #tpu.memory_space<vmem>>
      %dma_start3A_415 = arith.constant 0 : i32
      %dma_start3A_416 = arith.constant 0 : i32
      %dma_start3A_417 = tpu.memref_slice %arg6[%dma_start3A_415, %dma_start3A_416] : memref<10240x128xf32, #tpu.memory_space<vmem_shared>> -> memref<10240x128xf32, #tpu.memory_space<vmem_shared>>
      tpu.enqueue_indirect_dma source(%dma_start3A_411 : memref<80x128xf32, #tpu.memory_space<vmem>>) target(%dma_start3A_417 : memref<10240x128xf32, #tpu.memory_space<vmem_shared>>) offsets(%dma_start3A_414 : memref<80xi32, #tpu.memory_space<vmem>>) semaphore(%arg15 : memref<!tpu.dma_semaphore, #tpu.memory_space<semaphore_mem>>) {add = true}
      %dma_wait3A_418 = arith.constant 2 : i32
      %dma_wait3A_419 = arith.constant 0 : i32
      %dma_wait3A_420 = arith.constant 0 : i32
      %dma_wait3A_421 = tpu.memref_slice %arg9[%dma_wait3A_418, %dma_wait3A_419, %dma_wait3A_420] : memref<4x80x128xf32, #tpu.memory_space<vmem>> -> memref<1x80x128xf32, #tpu.memory_space<vmem>>
      %dma_wait3A_422 = tpu.memref_squeeze %dma_wait3A_421 : memref<1x80x128xf32, #tpu.memory_space<vmem>> -> memref<80x128xf32, #tpu.memory_space<vmem>>
      %dma_wait3A_423 = arith.constant 0 : i32
      %dma_wait3A_424 = arith.constant 0 : i32
      %dma_wait3A_425 = tpu.memref_slice %arg2[%dma_wait3A_423, %dma_wait3A_424] : memref<10000x128xf32, #tpu.memory_space<hbm>> -> memref<80x128xf32, #tpu.memory_space<hbm>>
      %dma_wait3A_426 = arith.constant 0 : i32
      %dma_wait3A_427 = arith.constant 0 : i32
      %dma_wait3A_428 = tpu.memref_slice %arg9[%dma_wait3A_418, %dma_wait3A_426, %dma_wait3A_427] : memref<4x80x128xf32, #tpu.memory_space<vmem>> -> memref<1x80x128xf32, #tpu.memory_space<vmem>>
      %dma_wait3A_429 = tpu.memref_squeeze %dma_wait3A_428 : memref<1x80x128xf32, #tpu.memory_space<vmem>> -> memref<80x128xf32, #tpu.memory_space<vmem>>
      %dma_wait3A_430 = arith.constant 0 : i32
      %dma_wait3A_431 = arith.constant 0 : i32
      %dma_wait3A_432 = tpu.memref_slice %arg2[%dma_wait3A_430, %dma_wait3A_431] : memref<10000x128xf32, #tpu.memory_space<hbm>> -> memref<80x128xf32, #tpu.memory_space<hbm>>
      tpu.wait_dma2 semaphore(%arg12 : memref<!tpu.dma_semaphore, #tpu.memory_space<semaphore_mem>>) src(%dma_wait3A_432 : memref<80x128xf32, #tpu.memory_space<hbm>>) dst(%dma_wait3A_429 : memref<80x128xf32, #tpu.memory_space<vmem>>)
      %dma_wait3A_433 = arith.constant 0 : i32
      %dma_wait3A_434 = arith.constant 0 : i32
      %dma_wait3A_435 = arith.constant 0 : i32
      %dma_wait3A_436 = tpu.memref_slice %arg9[%dma_wait3A_433, %dma_wait3A_434, %dma_wait3A_435] : memref<4x80x128xf32, #tpu.memory_space<vmem>> -> memref<1x80x128xf32, #tpu.memory_space<vmem>>
      %dma_wait3A_437 = tpu.memref_squeeze %dma_wait3A_436 : memref<1x80x128xf32, #tpu.memory_space<vmem>> -> memref<80x128xf32, #tpu.memory_space<vmem>>
      %dma_wait3A_438 = arith.constant 0 : i32
      %dma_wait3A_439 = arith.constant 0 : i32
      %dma_wait3A_440 = tpu.memref_slice %arg2[%dma_wait3A_438, %dma_wait3A_439] : memref<10000x128xf32, #tpu.memory_space<hbm>> -> memref<80x128xf32, #tpu.memory_space<hbm>>
      %dma_wait3A_441 = arith.constant 0 : i32
      %dma_wait3A_442 = arith.constant 0 : i32
      %dma_wait3A_443 = tpu.memref_slice %arg9[%dma_wait3A_433, %dma_wait3A_441, %dma_wait3A_442] : memref<4x80x128xf32, #tpu.memory_space<vmem>> -> memref<1x80x128xf32, #tpu.memory_space<vmem>>
      %dma_wait3A_444 = tpu.memref_squeeze %dma_wait3A_443 : memref<1x80x128xf32, #tpu.memory_space<vmem>> -> memref<80x128xf32, #tpu.memory_space<vmem>>
      %dma_wait3A_445 = arith.constant 0 : i32
      %dma_wait3A_446 = arith.constant 0 : i32
      %dma_wait3A_447 = tpu.memref_slice %arg2[%dma_wait3A_445, %dma_wait3A_446] : memref<10000x128xf32, #tpu.memory_space<hbm>> -> memref<80x128xf32, #tpu.memory_space<hbm>>
      tpu.wait_dma2 semaphore(%arg14 : memref<!tpu.dma_semaphore, #tpu.memory_space<semaphore_mem>>) src(%dma_wait3A_447 : memref<80x128xf32, #tpu.memory_space<hbm>>) dst(%dma_wait3A_444 : memref<80x128xf32, #tpu.memory_space<vmem>>)
      %lt3A_448 = arith.constant 15 : i32
      %lt3A_449 = arith.cmpi slt, %scan3A_85, %lt3A_448 : i32
      %convert_element_type3A_450 = arith.extui %lt3A_449 : i1 to i32
      %cond3A_451 = arith.constant 0 : i32
      %cond3A_452 = arith.cmpi ne, %convert_element_type3A_450, %cond3A_451 : i32
      scf.if %cond3A_452 {
        %dma_wait3A_514 = arith.constant 0 : i32
        %dma_wait3A_515 = arith.constant 0 : i32
        %dma_wait3A_516 = arith.constant 0 : i32
        %dma_wait3A_517 = tpu.memref_slice %arg3[%dma_wait3A_514, %dma_wait3A_515, %dma_wait3A_516] : memref<4096x2x80xi32, #tpu.memory_space<hbm>> -> memref<4x2x80xi32, #tpu.memory_space<hbm>>
        %dma_wait3A_518 = arith.constant 0 : i32
        %dma_wait3A_519 = arith.constant 0 : i32
        %dma_wait3A_520 = arith.constant 0 : i32
        %dma_wait3A_521 = tpu.memref_slice %arg3[%dma_wait3A_518, %dma_wait3A_519, %dma_wait3A_520] : memref<4096x2x80xi32, #tpu.memory_space<hbm>> -> memref<4x2x80xi32, #tpu.memory_space<hbm>>
        tpu.wait_dma2 semaphore(%arg18 : memref<!tpu.dma_semaphore, #tpu.memory_space<semaphore_mem>>) src(%dma_wait3A_521 : memref<4x2x80xi32, #tpu.memory_space<hbm>>) dst(%arg7 : memref<4x2x80xi32, #tpu.memory_space<vmem>>)
        %dma_start3A_522 = arith.constant 0 : i32
        %dma_start3A_523 = arith.constant 0 : i32
        %dma_start3A_524 = arith.constant 0 : i32
        %dma_start3A_525 = arith.constant 0 : i32
        %dma_start3A_526 = arith.constant 0 : i32
        %dma_start3A_527 = tpu.memref_slice %arg9[%dma_start3A_524, %dma_start3A_525, %dma_start3A_526] : memref<4x80x128xf32, #tpu.memory_space<vmem>> -> memref<1x80x128xf32, #tpu.memory_space<vmem>>
        %dma_start3A_528 = tpu.memref_squeeze %dma_start3A_527 : memref<1x80x128xf32, #tpu.memory_space<vmem>> -> memref<80x128xf32, #tpu.memory_space<vmem>>
        %dma_start3A_529 = arith.constant 0 : i32
        %dma_start3A_530 = tpu.memref_slice %arg7[%dma_start3A_522, %dma_start3A_523, %dma_start3A_529] : memref<4x2x80xi32, #tpu.memory_space<vmem>> -> memref<1x1x80xi32, #tpu.memory_space<vmem>>
        %dma_start3A_531 = tpu.memref_squeeze %dma_start3A_530 : memref<1x1x80xi32, #tpu.memory_space<vmem>> -> memref<80xi32, #tpu.memory_space<vmem>>
        %dma_start3A_532 = arith.constant 0 : i32
        %dma_start3A_533 = arith.constant 0 : i32
        %dma_start3A_534 = tpu.memref_slice %arg2[%dma_start3A_532, %dma_start3A_533] : memref<10000x128xf32, #tpu.memory_space<hbm>> -> memref<10000x128xf32, #tpu.memory_space<hbm>>
        tpu.enqueue_indirect_dma source(%dma_start3A_534 : memref<10000x128xf32, #tpu.memory_space<hbm>>) target(%dma_start3A_528 : memref<80x128xf32, #tpu.memory_space<vmem>>) offsets(%dma_start3A_531 : memref<80xi32, #tpu.memory_space<vmem>>) semaphore(%arg10 : memref<!tpu.dma_semaphore, #tpu.memory_space<semaphore_mem>>)
      } else {
      }
      %dma_start3A_453 = arith.constant 2 : i32
      %dma_start3A_454 = arith.constant 2 : i32
      %dma_start3A_455 = arith.constant 1 : i32
      %dma_start3A_456 = arith.constant 0 : i32
      %dma_start3A_457 = arith.constant 0 : i32
      %dma_start3A_458 = tpu.memref_slice %arg9[%dma_start3A_453, %dma_start3A_456, %dma_start3A_457] : memref<4x80x128xf32, #tpu.memory_space<vmem>> -> memref<1x80x128xf32, #tpu.memory_space<vmem>>
      %dma_start3A_459 = tpu.memref_squeeze %dma_start3A_458 : memref<1x80x128xf32, #tpu.memory_space<vmem>> -> memref<80x128xf32, #tpu.memory_space<vmem>>
      %dma_start3A_460 = arith.constant 0 : i32
      %dma_start3A_461 = tpu.memref_slice %arg8[%dma_start3A_454, %dma_start3A_455, %dma_start3A_460] : memref<4x2x80xi32, #tpu.memory_space<vmem>> -> memref<1x1x80xi32, #tpu.memory_space<vmem>>
      %dma_start3A_462 = tpu.memref_squeeze %dma_start3A_461 : memref<1x1x80xi32, #tpu.memory_space<vmem>> -> memref<80xi32, #tpu.memory_space<vmem>>
      %dma_start3A_463 = arith.constant 0 : i32
      %dma_start3A_464 = arith.constant 0 : i32
      %dma_start3A_465 = tpu.memref_slice %arg6[%dma_start3A_463, %dma_start3A_464] : memref<10240x128xf32, #tpu.memory_space<vmem_shared>> -> memref<10240x128xf32, #tpu.memory_space<vmem_shared>>
      tpu.enqueue_indirect_dma source(%dma_start3A_459 : memref<80x128xf32, #tpu.memory_space<vmem>>) target(%dma_start3A_465 : memref<10240x128xf32, #tpu.memory_space<vmem_shared>>) offsets(%dma_start3A_462 : memref<80xi32, #tpu.memory_space<vmem>>) semaphore(%arg16 : memref<!tpu.dma_semaphore, #tpu.memory_space<semaphore_mem>>) {add = true}
      %dma_wait3A_466 = arith.constant 3 : i32
      %dma_wait3A_467 = arith.constant 0 : i32
      %dma_wait3A_468 = arith.constant 0 : i32
      %dma_wait3A_469 = tpu.memref_slice %arg9[%dma_wait3A_466, %dma_wait3A_467, %dma_wait3A_468] : memref<4x80x128xf32, #tpu.memory_space<vmem>> -> memref<1x80x128xf32, #tpu.memory_space<vmem>>
      %dma_wait3A_470 = tpu.memref_squeeze %dma_wait3A_469 : memref<1x80x128xf32, #tpu.memory_space<vmem>> -> memref<80x128xf32, #tpu.memory_space<vmem>>
      %dma_wait3A_471 = arith.constant 0 : i32
      %dma_wait3A_472 = arith.constant 0 : i32
      %dma_wait3A_473 = tpu.memref_slice %arg2[%dma_wait3A_471, %dma_wait3A_472] : memref<10000x128xf32, #tpu.memory_space<hbm>> -> memref<80x128xf32, #tpu.memory_space<hbm>>
      %dma_wait3A_474 = arith.constant 0 : i32
      %dma_wait3A_475 = arith.constant 0 : i32
      %dma_wait3A_476 = tpu.memref_slice %arg9[%dma_wait3A_466, %dma_wait3A_474, %dma_wait3A_475] : memref<4x80x128xf32, #tpu.memory_space<vmem>> -> memref<1x80x128xf32, #tpu.memory_space<vmem>>
      %dma_wait3A_477 = tpu.memref_squeeze %dma_wait3A_476 : memref<1x80x128xf32, #tpu.memory_space<vmem>> -> memref<80x128xf32, #tpu.memory_space<vmem>>
      %dma_wait3A_478 = arith.constant 0 : i32
      %dma_wait3A_479 = arith.constant 0 : i32
      %dma_wait3A_480 = tpu.memref_slice %arg2[%dma_wait3A_478, %dma_wait3A_479] : memref<10000x128xf32, #tpu.memory_space<hbm>> -> memref<80x128xf32, #tpu.memory_space<hbm>>
      tpu.wait_dma2 semaphore(%arg13 : memref<!tpu.dma_semaphore, #tpu.memory_space<semaphore_mem>>) src(%dma_wait3A_480 : memref<80x128xf32, #tpu.memory_space<hbm>>) dst(%dma_wait3A_477 : memref<80x128xf32, #tpu.memory_space<vmem>>)
      %dma_wait3A_481 = arith.constant 1 : i32
      %dma_wait3A_482 = arith.constant 0 : i32
      %dma_wait3A_483 = arith.constant 0 : i32
      %dma_wait3A_484 = tpu.memref_slice %arg9[%dma_wait3A_481, %dma_wait3A_482, %dma_wait3A_483] : memref<4x80x128xf32, #tpu.memory_space<vmem>> -> memref<1x80x128xf32, #tpu.memory_space<vmem>>
      %dma_wait3A_485 = tpu.memref_squeeze %dma_wait3A_484 : memref<1x80x128xf32, #tpu.memory_space<vmem>> -> memref<80x128xf32, #tpu.memory_space<vmem>>
      %dma_wait3A_486 = arith.constant 0 : i32
      %dma_wait3A_487 = arith.constant 0 : i32
      %dma_wait3A_488 = tpu.memref_slice %arg2[%dma_wait3A_486, %dma_wait3A_487] : memref<10000x128xf32, #tpu.memory_space<hbm>> -> memref<80x128xf32, #tpu.memory_space<hbm>>
      %dma_wait3A_489 = arith.constant 0 : i32
      %dma_wait3A_490 = arith.constant 0 : i32
      %dma_wait3A_491 = tpu.memref_slice %arg9[%dma_wait3A_481, %dma_wait3A_489, %dma_wait3A_490] : memref<4x80x128xf32, #tpu.memory_space<vmem>> -> memref<1x80x128xf32, #tpu.memory_space<vmem>>
      %dma_wait3A_492 = tpu.memref_squeeze %dma_wait3A_491 : memref<1x80x128xf32, #tpu.memory_space<vmem>> -> memref<80x128xf32, #tpu.memory_space<vmem>>
      %dma_wait3A_493 = arith.constant 0 : i32
      %dma_wait3A_494 = arith.constant 0 : i32
      %dma_wait3A_495 = tpu.memref_slice %arg2[%dma_wait3A_493, %dma_wait3A_494] : memref<10000x128xf32, #tpu.memory_space<hbm>> -> memref<80x128xf32, #tpu.memory_space<hbm>>
      tpu.wait_dma2 semaphore(%arg15 : memref<!tpu.dma_semaphore, #tpu.memory_space<semaphore_mem>>) src(%dma_wait3A_495 : memref<80x128xf32, #tpu.memory_space<hbm>>) dst(%dma_wait3A_492 : memref<80x128xf32, #tpu.memory_space<vmem>>)
      %lt3A_496 = arith.constant 15 : i32
      %lt3A_497 = arith.cmpi slt, %scan3A_85, %lt3A_496 : i32
      %convert_element_type3A_498 = arith.extui %lt3A_497 : i1 to i32
      %cond3A_499 = arith.constant 0 : i32
      %cond3A_500 = arith.cmpi ne, %convert_element_type3A_498, %cond3A_499 : i32
      scf.if %cond3A_500 {
        %dma_start3A_514 = arith.constant 1 : i32
        %dma_start3A_515 = arith.constant 0 : i32
        %dma_start3A_516 = arith.constant 1 : i32
        %dma_start3A_517 = arith.constant 0 : i32
        %dma_start3A_518 = arith.constant 0 : i32
        %dma_start3A_519 = tpu.memref_slice %arg9[%dma_start3A_516, %dma_start3A_517, %dma_start3A_518] : memref<4x80x128xf32, #tpu.memory_space<vmem>> -> memref<1x80x128xf32, #tpu.memory_space<vmem>>
        %dma_start3A_520 = tpu.memref_squeeze %dma_start3A_519 : memref<1x80x128xf32, #tpu.memory_space<vmem>> -> memref<80x128xf32, #tpu.memory_space<vmem>>
        %dma_start3A_521 = arith.constant 0 : i32
        %dma_start3A_522 = tpu.memref_slice %arg7[%dma_start3A_514, %dma_start3A_515, %dma_start3A_521] : memref<4x2x80xi32, #tpu.memory_space<vmem>> -> memref<1x1x80xi32, #tpu.memory_space<vmem>>
        %dma_start3A_523 = tpu.memref_squeeze %dma_start3A_522 : memref<1x1x80xi32, #tpu.memory_space<vmem>> -> memref<80xi32, #tpu.memory_space<vmem>>
        %dma_start3A_524 = arith.constant 0 : i32
        %dma_start3A_525 = arith.constant 0 : i32
        %dma_start3A_526 = tpu.memref_slice %arg2[%dma_start3A_524, %dma_start3A_525] : memref<10000x128xf32, #tpu.memory_space<hbm>> -> memref<10000x128xf32, #tpu.memory_space<hbm>>
        tpu.enqueue_indirect_dma source(%dma_start3A_526 : memref<10000x128xf32, #tpu.memory_space<hbm>>) target(%dma_start3A_520 : memref<80x128xf32, #tpu.memory_space<vmem>>) offsets(%dma_start3A_523 : memref<80xi32, #tpu.memory_space<vmem>>) semaphore(%arg11 : memref<!tpu.dma_semaphore, #tpu.memory_space<semaphore_mem>>)
      } else {
      }
      %dma_start3A_501 = arith.constant 3 : i32
      %dma_start3A_502 = arith.constant 3 : i32
      %dma_start3A_503 = arith.constant 1 : i32
      %dma_start3A_504 = arith.constant 0 : i32
      %dma_start3A_505 = arith.constant 0 : i32
      %dma_start3A_506 = tpu.memref_slice %arg9[%dma_start3A_501, %dma_start3A_504, %dma_start3A_505] : memref<4x80x128xf32, #tpu.memory_space<vmem>> -> memref<1x80x128xf32, #tpu.memory_space<vmem>>
      %dma_start3A_507 = tpu.memref_squeeze %dma_start3A_506 : memref<1x80x128xf32, #tpu.memory_space<vmem>> -> memref<80x128xf32, #tpu.memory_space<vmem>>
      %dma_start3A_508 = arith.constant 0 : i32
      %dma_start3A_509 = tpu.memref_slice %arg8[%dma_start3A_502, %dma_start3A_503, %dma_start3A_508] : memref<4x2x80xi32, #tpu.memory_space<vmem>> -> memref<1x1x80xi32, #tpu.memory_space<vmem>>
      %dma_start3A_510 = tpu.memref_squeeze %dma_start3A_509 : memref<1x1x80xi32, #tpu.memory_space<vmem>> -> memref<80xi32, #tpu.memory_space<vmem>>
      %dma_start3A_511 = arith.constant 0 : i32
      %dma_start3A_512 = arith.constant 0 : i32
      %dma_start3A_513 = tpu.memref_slice %arg6[%dma_start3A_511, %dma_start3A_512] : memref<10240x128xf32, #tpu.memory_space<vmem_shared>> -> memref<10240x128xf32, #tpu.memory_space<vmem_shared>>
      tpu.enqueue_indirect_dma source(%dma_start3A_507 : memref<80x128xf32, #tpu.memory_space<vmem>>) target(%dma_start3A_513 : memref<10240x128xf32, #tpu.memory_space<vmem_shared>>) offsets(%dma_start3A_510 : memref<80xi32, #tpu.memory_space<vmem>>) semaphore(%arg17 : memref<!tpu.dma_semaphore, #tpu.memory_space<semaphore_mem>>) {add = true}
    }
    %scan3A_44 = arith.constant 16 : i32
    %dma_wait3A = arith.constant 2 : i32
    %dma_wait3A_45 = arith.constant 0 : i32
    %dma_wait3A_46 = arith.constant 0 : i32
    %dma_wait3A_47 = tpu.memref_slice %arg9[%dma_wait3A, %dma_wait3A_45, %dma_wait3A_46] : memref<4x80x128xf32, #tpu.memory_space<vmem>> -> memref<1x80x128xf32, #tpu.memory_space<vmem>>
    %dma_wait3A_48 = tpu.memref_squeeze %dma_wait3A_47 : memref<1x80x128xf32, #tpu.memory_space<vmem>> -> memref<80x128xf32, #tpu.memory_space<vmem>>
    %dma_wait3A_49 = arith.constant 0 : i32
    %dma_wait3A_50 = arith.constant 0 : i32
    %dma_wait3A_51 = tpu.memref_slice %arg2[%dma_wait3A_49, %dma_wait3A_50] : memref<10000x128xf32, #tpu.memory_space<hbm>> -> memref<80x128xf32, #tpu.memory_space<hbm>>
    %dma_wait3A_52 = arith.constant 0 : i32
    %dma_wait3A_53 = arith.constant 0 : i32
    %dma_wait3A_54 = tpu.memref_slice %arg9[%dma_wait3A, %dma_wait3A_52, %dma_wait3A_53] : memref<4x80x128xf32, #tpu.memory_space<vmem>> -> memref<1x80x128xf32, #tpu.memory_space<vmem>>
    %dma_wait3A_55 = tpu.memref_squeeze %dma_wait3A_54 : memref<1x80x128xf32, #tpu.memory_space<vmem>> -> memref<80x128xf32, #tpu.memory_space<vmem>>
    %dma_wait3A_56 = arith.constant 0 : i32
    %dma_wait3A_57 = arith.constant 0 : i32
    %dma_wait3A_58 = tpu.memref_slice %arg2[%dma_wait3A_56, %dma_wait3A_57] : memref<10000x128xf32, #tpu.memory_space<hbm>> -> memref<80x128xf32, #tpu.memory_space<hbm>>
    tpu.wait_dma2 semaphore(%arg16 : memref<!tpu.dma_semaphore, #tpu.memory_space<semaphore_mem>>) src(%dma_wait3A_58 : memref<80x128xf32, #tpu.memory_space<hbm>>) dst(%dma_wait3A_55 : memref<80x128xf32, #tpu.memory_space<vmem>>)
    %dma_wait3A_59 = arith.constant 3 : i32
    %dma_wait3A_60 = arith.constant 0 : i32
    %dma_wait3A_61 = arith.constant 0 : i32
    %dma_wait3A_62 = tpu.memref_slice %arg9[%dma_wait3A_59, %dma_wait3A_60, %dma_wait3A_61] : memref<4x80x128xf32, #tpu.memory_space<vmem>> -> memref<1x80x128xf32, #tpu.memory_space<vmem>>
    %dma_wait3A_63 = tpu.memref_squeeze %dma_wait3A_62 : memref<1x80x128xf32, #tpu.memory_space<vmem>> -> memref<80x128xf32, #tpu.memory_space<vmem>>
    %dma_wait3A_64 = arith.constant 0 : i32
    %dma_wait3A_65 = arith.constant 0 : i32
    %dma_wait3A_66 = tpu.memref_slice %arg2[%dma_wait3A_64, %dma_wait3A_65] : memref<10000x128xf32, #tpu.memory_space<hbm>> -> memref<80x128xf32, #tpu.memory_space<hbm>>
    %dma_wait3A_67 = arith.constant 0 : i32
    %dma_wait3A_68 = arith.constant 0 : i32
    %dma_wait3A_69 = tpu.memref_slice %arg9[%dma_wait3A_59, %dma_wait3A_67, %dma_wait3A_68] : memref<4x80x128xf32, #tpu.memory_space<vmem>> -> memref<1x80x128xf32, #tpu.memory_space<vmem>>
    %dma_wait3A_70 = tpu.memref_squeeze %dma_wait3A_69 : memref<1x80x128xf32, #tpu.memory_space<vmem>> -> memref<80x128xf32, #tpu.memory_space<vmem>>
    %dma_wait3A_71 = arith.constant 0 : i32
    %dma_wait3A_72 = arith.constant 0 : i32
    %dma_wait3A_73 = tpu.memref_slice %arg2[%dma_wait3A_71, %dma_wait3A_72] : memref<10000x128xf32, #tpu.memory_space<hbm>> -> memref<80x128xf32, #tpu.memory_space<hbm>>
    tpu.wait_dma2 semaphore(%arg17 : memref<!tpu.dma_semaphore, #tpu.memory_space<semaphore_mem>>) src(%dma_wait3A_73 : memref<80x128xf32, #tpu.memory_space<hbm>>) dst(%dma_wait3A_70 : memref<80x128xf32, #tpu.memory_space<vmem>>)
    %barrier3A_74 = arith.constant 0 : index
    tpu.barrier barrier_id(%barrier3A_74)
    %eq3A_75 = arith.constant 0 : i32
    %eq3A_76 = arith.cmpi eq, %arg0, %eq3A_75 : i32
    %convert_element_type3A_77 = arith.extui %eq3A_76 : i1 to i32
    %cond3A_78 = arith.constant 0 : i32
    %cond3A_79 = arith.cmpi ne, %convert_element_type3A_77, %cond3A_78 : i32
    scf.if %cond3A_79 {
      %mul3A_85 = arith.constant 640 : i32
      %mul3A_86 = arith.muli %arg1, %mul3A_85 : i32
      %mul3A_87 = arith.constant 640 : i32
      %mul3A_88 = arith.muli %arg1, %mul3A_87 : i32
      "tpu.region"() ({
        %run_scoped3A = tpu.sem_alloc : memref<!tpu.dma_semaphore, #tpu.memory_space<semaphore_mem>>
        %dma_start3A_89 = arith.constant 0 : i32
        %dma_start3A_90 = tpu.memref_slice %arg4[%mul3A_88, %dma_start3A_89] : memref<10240x128xf32, #tpu.memory_space<hbm>> -> memref<640x128xf32, #tpu.memory_space<hbm>>
        %dma_start3A_91 = arith.constant 0 : i32
        %dma_start3A_92 = tpu.memref_slice %arg6[%mul3A_86, %dma_start3A_91] : memref<10240x128xf32, #tpu.memory_space<vmem_shared>> -> memref<640x128xf32, #tpu.memory_space<vmem_shared>>
        tpu.enqueue_dma source(%dma_start3A_92 : memref<640x128xf32, #tpu.memory_space<vmem_shared>>) target(%dma_start3A_90 : memref<640x128xf32, #tpu.memory_space<hbm>>) target_semaphore(%run_scoped3A : memref<!tpu.dma_semaphore, #tpu.memory_space<semaphore_mem>>)
        %dma_wait3A_93 = arith.constant 0 : i32
        %dma_wait3A_94 = tpu.memref_slice %arg4[%mul3A_88, %dma_wait3A_93] : memref<10240x128xf32, #tpu.memory_space<hbm>> -> memref<640x128xf32, #tpu.memory_space<hbm>>
        %dma_wait3A_95 = arith.constant 0 : i32
        %dma_wait3A_96 = tpu.memref_slice %arg6[%mul3A_86, %dma_wait3A_95] : memref<10240x128xf32, #tpu.memory_space<vmem_shared>> -> memref<640x128xf32, #tpu.memory_space<vmem_shared>>
        tpu.wait_dma2 semaphore(%run_scoped3A : memref<!tpu.dma_semaphore, #tpu.memory_space<semaphore_mem>>) src(%dma_wait3A_96 : memref<640x128xf32, #tpu.memory_space<vmem_shared>>) dst(%dma_wait3A_94 : memref<640x128xf32, #tpu.memory_space<hbm>>)
        tpu.yield
      }) : () -> ()
    } else {
    }
    %eq3A_80 = arith.constant 1 : i32
    %eq3A_81 = arith.cmpi eq, %arg0, %eq3A_80 : i32
    %convert_element_type3A_82 = arith.extui %eq3A_81 : i1 to i32
    %cond3A_83 = arith.constant 0 : i32
    %cond3A_84 = arith.cmpi ne, %convert_element_type3A_82, %cond3A_83 : i32
    scf.if %cond3A_84 {
      %mul3A_85 = arith.constant 640 : i32
      %mul3A_86 = arith.muli %arg1, %mul3A_85 : i32
      %mul3A_87 = arith.constant 640 : i32
      %mul3A_88 = arith.muli %arg1, %mul3A_87 : i32
      "tpu.region"() ({
        %run_scoped3A = tpu.sem_alloc : memref<!tpu.dma_semaphore, #tpu.memory_space<semaphore_mem>>
        %dma_start3A_89 = arith.constant 0 : i32
        %dma_start3A_90 = tpu.memref_slice %arg5[%mul3A_88, %dma_start3A_89] : memref<10240x128xf32, #tpu.memory_space<hbm>> -> memref<640x128xf32, #tpu.memory_space<hbm>>
        %dma_start3A_91 = arith.constant 0 : i32
        %dma_start3A_92 = tpu.memref_slice %arg6[%mul3A_86, %dma_start3A_91] : memref<10240x128xf32, #tpu.memory_space<vmem_shared>> -> memref<640x128xf32, #tpu.memory_space<vmem_shared>>
        tpu.enqueue_dma source(%dma_start3A_92 : memref<640x128xf32, #tpu.memory_space<vmem_shared>>) target(%dma_start3A_90 : memref<640x128xf32, #tpu.memory_space<hbm>>) target_semaphore(%run_scoped3A : memref<!tpu.dma_semaphore, #tpu.memory_space<semaphore_mem>>)
        %dma_wait3A_93 = arith.constant 0 : i32
        %dma_wait3A_94 = tpu.memref_slice %arg5[%mul3A_88, %dma_wait3A_93] : memref<10240x128xf32, #tpu.memory_space<hbm>> -> memref<640x128xf32, #tpu.memory_space<hbm>>
        %dma_wait3A_95 = arith.constant 0 : i32
        %dma_wait3A_96 = tpu.memref_slice %arg6[%mul3A_86, %dma_wait3A_95] : memref<10240x128xf32, #tpu.memory_space<vmem_shared>> -> memref<640x128xf32, #tpu.memory_space<vmem_shared>>
        tpu.wait_dma2 semaphore(%run_scoped3A : memref<!tpu.dma_semaphore, #tpu.memory_space<semaphore_mem>>) src(%dma_wait3A_96 : memref<640x128xf32, #tpu.memory_space<vmem_shared>>) dst(%dma_wait3A_94 : memref<640x128xf32, #tpu.memory_space<hbm>>)
        tpu.yield
      }) : () -> ()
    } else {
    }
    return
  }
}

module attributes {stable_mosaic.version = 14 : i64} {
  func.func @body(%arg0: i32, %arg1: memref<1000x128xf32, #tpu.memory_space<vmem>>, %arg2: memref<128x128xf32, #tpu.memory_space<vmem>>, %arg3: memref<1000x1xf32, #tpu.memory_space<vmem>>, %arg4: memref<1000x128xf32, #tpu.memory_space<vmem>>) attributes {dimension_semantics = [#tpu.dimension_semantics<arbitrary>], iteration_bounds = array<i64: 10>, scalar_prefetch = 0 : i64, scratch_operands = 0 : i64, tpu.core_type = #tpu.core_type<tc>, window_params = [{transform_indices = @transform_0, window_bounds = array<i64: 1000, 128>}, {pipeline_mode = #tpu.pipeline_mode<synchronous>, transform_indices = @transform_1, window_bounds = array<i64: 128, 128>}, {transform_indices = @transform_2, window_bounds = array<i64: 1000, 1>}, {transform_indices = @transform_3, window_bounds = array<i64: 1000, 128>}]} {
    %get3A = arith.constant 0 : index
    %get3A_0 = arith.constant 0 : index
    %get3A_1 = vector.load %arg1[%get3A, %get3A_0] : memref<1000x128xf32, #tpu.memory_space<vmem>>, vector<1000x128xf32>
    %get3A_2 = arith.constant 0 : index
    %get3A_3 = arith.constant 0 : index
    %get3A_4 = vector.load %arg2[%get3A_2, %get3A_3] : memref<128x128xf32, #tpu.memory_space<vmem>>, vector<128x128xf32>
    %dot_general3A = arith.constant dense<0.000000e+00> : vector<1000x128xf32>
    %dot_general3A_5 = tpu.matmul %get3A_1, %get3A_4, %dot_general3A {dimension_numbers = #tpu.dot_dimension_numbers<[1], [0], [0], [1], [0, 0, 1, 1], [], []>, transpose_lhs_hint = false} : vector<1000x128xf32>, vector<128x128xf32>, vector<1000x128xf32> -> vector<1000x128xf32>
    %get3A_6 = arith.constant 0 : index
    %get3A_7 = arith.constant 0 : index
    %get3A_8 = vector.load %arg3[%get3A_6, %get3A_7] : memref<1000x1xf32, #tpu.memory_space<vmem>>, vector<1000x1xf32>
    %mul3A = vector.broadcast %get3A_8 : vector<1000x1xf32> to vector<1000x128xf32>
    %mul3A_9 = arith.mulf %dot_general3A_5, %mul3A : vector<1000x128xf32>
    %swap3A = arith.constant 0 : index
    %swap3A_10 = arith.constant 0 : index
    %swap3A_11 = vector.load %arg4[%swap3A, %swap3A_10] : memref<1000x128xf32, #tpu.memory_space<vmem>>, vector<1000x128xf32>
    tpu.vector_store %arg4[%swap3A, %swap3A_10], %mul3A_9 {strides = array<i32>} : memref<1000x128xf32, #tpu.memory_space<vmem>>, vector<1000x128xf32>,
    return
  }
  func.func @transform_0(%arg0: i32) -> (i32, i32) {
    %c0_i32 = arith.constant 0 : i32
    %c0_i32_0 = arith.constant 0 : i32
    return %arg0, %c0_i32 : i32, i32
  }
  func.func @transform_1(%arg0: i32) -> (i32, i32) {
    %c0_i32 = arith.constant 0 : i32
    %c0_i32_0 = arith.constant 0 : i32
    %c0_i32_1 = arith.constant 0 : i32
    return %c0_i32, %c0_i32_0 : i32, i32
  }
  func.func @transform_2(%arg0: i32) -> (i32, i32) {
    %c0_i32 = arith.constant 0 : i32
    %c0_i32_0 = arith.constant 0 : i32
    return %arg0, %c0_i32 : i32, i32
  }
  func.func @transform_3(%arg0: i32) -> (i32, i32) {
    %c0_i32 = arith.constant 0 : i32
    %c0_i32_0 = arith.constant 0 : i32
    return %arg0, %c0_i32 : i32, i32
  }
}

module attributes {stable_mosaic.version = 14 : i64} {
  func.func @body(%arg0: i32, %arg1: memref<1000x128xf32, #tpu.memory_space<vmem>>, %arg2: memref<1000x128xf32, #tpu.memory_space<vmem>>, %arg3: memref<1000x128xf32, #tpu.memory_space<vmem>>, %arg4: memref<1000x1xf32, #tpu.memory_space<vmem>>, %arg5: memref<1x128xf32, #tpu.memory_space<vmem>>, %arg6: memref<128x128xf32, #tpu.memory_space<vmem>>, %arg7: memref<1000x128xf32, #tpu.memory_space<vmem>>) attributes {dimension_semantics = [#tpu.dimension_semantics<arbitrary>], iteration_bounds = array<i64: 10>, scalar_prefetch = 0 : i64, scratch_operands = 0 : i64, tpu.core_type = #tpu.core_type<tc>, window_params = [{transform_indices = @transform_0, window_bounds = array<i64: 1000, 128>}, {transform_indices = @transform_1, window_bounds = array<i64: 1000, 128>}, {transform_indices = @transform_2, window_bounds = array<i64: 1000, 128>}, {transform_indices = @transform_3, window_bounds = array<i64: 1000, 1>}, {pipeline_mode = #tpu.pipeline_mode<synchronous>, transform_indices = @transform_4, window_bounds = array<i64: 1, 128>}, {pipeline_mode = #tpu.pipeline_mode<synchronous>, transform_indices = @transform_5, window_bounds = array<i64: 128, 128>}, {transform_indices = @transform_6, window_bounds = array<i64: 1000, 128>}]} {
    %get3A = arith.constant 0 : index
    %get3A_0 = arith.constant 0 : index
    %get3A_1 = vector.load %arg1[%get3A, %get3A_0] : memref<1000x128xf32, #tpu.memory_space<vmem>>, vector<1000x128xf32>
    %get3A_2 = arith.constant 0 : index
    %get3A_3 = arith.constant 0 : index
    %get3A_4 = vector.load %arg2[%get3A_2, %get3A_3] : memref<1000x128xf32, #tpu.memory_space<vmem>>, vector<1000x128xf32>
    %add3A = arith.addf %get3A_1, %get3A_4 : vector<1000x128xf32>
    %get3A_5 = arith.constant 0 : index
    %get3A_6 = arith.constant 0 : index
    %get3A_7 = vector.load %arg3[%get3A_5, %get3A_6] : memref<1000x128xf32, #tpu.memory_space<vmem>>, vector<1000x128xf32>
    %sub3A = arith.subf %add3A, %get3A_7 : vector<1000x128xf32>
    %get3A_8 = arith.constant 0 : index
    %get3A_9 = arith.constant 0 : index
    %get3A_10 = vector.load %arg4[%get3A_8, %get3A_9] : memref<1000x1xf32, #tpu.memory_space<vmem>>, vector<1000x1xf32>
    %mul3A = vector.broadcast %get3A_10 : vector<1000x1xf32> to vector<1000x128xf32>
    %mul3A_11 = arith.mulf %sub3A, %mul3A : vector<1000x128xf32>
    %get3A_12 = arith.constant 0 : index
    %get3A_13 = arith.constant 0 : index
    %get3A_14 = vector.load %arg5[%get3A_12, %get3A_13] : memref<1x128xf32, #tpu.memory_space<vmem>>, vector<1x128xf32>
    %add3A_15 = vector.broadcast %get3A_14 : vector<1x128xf32> to vector<1000x128xf32>
    %add3A_16 = arith.addf %mul3A_11, %add3A_15 : vector<1000x128xf32>
    %max3A = arith.constant 0.000000e+00 : f32
    %max3A_17 = vector.broadcast %max3A : f32 to vector<1000x128xf32>
    %max3A_18 = arith.maximumf %add3A_16, %max3A_17 : vector<1000x128xf32>
    %get3A_19 = arith.constant 0 : index
    %get3A_20 = arith.constant 0 : index
    %get3A_21 = vector.load %arg6[%get3A_19, %get3A_20] : memref<128x128xf32, #tpu.memory_space<vmem>>, vector<128x128xf32>
    %dot_general3A = arith.constant dense<0.000000e+00> : vector<1000x128xf32>
    %dot_general3A_22 = tpu.matmul %max3A_18, %get3A_21, %dot_general3A {dimension_numbers = #tpu.dot_dimension_numbers<[1], [0], [0], [1], [0, 0, 1, 1], [], []>, transpose_lhs_hint = false} : vector<1000x128xf32>, vector<128x128xf32>, vector<1000x128xf32> -> vector<1000x128xf32>
    %get3A_23 = arith.constant 0 : index
    %get3A_24 = arith.constant 0 : index
    %get3A_25 = vector.load %arg4[%get3A_23, %get3A_24] : memref<1000x1xf32, #tpu.memory_space<vmem>>, vector<1000x1xf32>
    %mul3A_26 = vector.broadcast %get3A_25 : vector<1000x1xf32> to vector<1000x128xf32>
    %mul3A_27 = arith.mulf %dot_general3A_22, %mul3A_26 : vector<1000x128xf32>
    %swap3A = arith.constant 0 : index
    %swap3A_28 = arith.constant 0 : index
    %swap3A_29 = vector.load %arg7[%swap3A, %swap3A_28] : memref<1000x128xf32, #tpu.memory_space<vmem>>, vector<1000x128xf32>
    tpu.vector_store %arg7[%swap3A, %swap3A_28], %mul3A_27 {strides = array<i32>} : memref<1000x128xf32, #tpu.memory_space<vmem>>, vector<1000x128xf32>,
    return
  }
  func.func @transform_0(%arg0: i32) -> (i32, i32) {
    %c0_i32 = arith.constant 0 : i32
    %c0_i32_0 = arith.constant 0 : i32
    return %arg0, %c0_i32 : i32, i32
  }
  func.func @transform_1(%arg0: i32) -> (i32, i32) {
    %c0_i32 = arith.constant 0 : i32
    %c0_i32_0 = arith.constant 0 : i32
    return %arg0, %c0_i32 : i32, i32
  }
  func.func @transform_2(%arg0: i32) -> (i32, i32) {
    %c0_i32 = arith.constant 0 : i32
    %c0_i32_0 = arith.constant 0 : i32
    return %arg0, %c0_i32 : i32, i32
  }
  func.func @transform_3(%arg0: i32) -> (i32, i32) {
    %c0_i32 = arith.constant 0 : i32
    %c0_i32_0 = arith.constant 0 : i32
    return %arg0, %c0_i32 : i32, i32
  }
  func.func @transform_4(%arg0: i32) -> (i32, i32) {
    %c0_i32 = arith.constant 0 : i32
    %c0_i32_0 = arith.constant 0 : i32
    %c0_i32_1 = arith.constant 0 : i32
    return %c0_i32, %c0_i32_0 : i32, i32
  }
  func.func @transform_5(%arg0: i32) -> (i32, i32) {
    %c0_i32 = arith.constant 0 : i32
    %c0_i32_0 = arith.constant 0 : i32
    %c0_i32_1 = arith.constant 0 : i32
    return %c0_i32, %c0_i32_0 : i32, i32
  }
  func.func @transform_6(%arg0: i32) -> (i32, i32) {
    %c0_i32 = arith.constant 0 : i32
    %c0_i32_0 = arith.constant 0 : i32
    return %arg0, %c0_i32 : i32, i32
  }
}

module attributes {stable_mosaic.version = 14 : i64} {
  func.func @body(%arg0: i32, %arg1: memref<1000x128xf32, #tpu.memory_space<vmem>>, %arg2: memref<1000x128xf32, #tpu.memory_space<vmem>>, %arg3: memref<1000x128xf32, #tpu.memory_space<vmem>>, %arg4: memref<1000x1xf32, #tpu.memory_space<vmem>>, %arg5: memref<1x128xf32, #tpu.memory_space<vmem>>, %arg6: memref<1000x128xf32, #tpu.memory_space<vmem>>) attributes {dimension_semantics = [#tpu.dimension_semantics<arbitrary>], iteration_bounds = array<i64: 10>, scalar_prefetch = 0 : i64, scratch_operands = 0 : i64, tpu.core_type = #tpu.core_type<tc>, window_params = [{transform_indices = @transform_0, window_bounds = array<i64: 1000, 128>}, {transform_indices = @transform_1, window_bounds = array<i64: 1000, 128>}, {transform_indices = @transform_2, window_bounds = array<i64: 1000, 128>}, {transform_indices = @transform_3, window_bounds = array<i64: 1000, 1>}, {pipeline_mode = #tpu.pipeline_mode<synchronous>, transform_indices = @transform_4, window_bounds = array<i64: 1, 128>}, {transform_indices = @transform_5, window_bounds = array<i64: 1000, 128>}]} {
    %get3A = arith.constant 0 : index
    %get3A_0 = arith.constant 0 : index
    %get3A_1 = vector.load %arg1[%get3A, %get3A_0] : memref<1000x128xf32, #tpu.memory_space<vmem>>, vector<1000x128xf32>
    %get3A_2 = arith.constant 0 : index
    %get3A_3 = arith.constant 0 : index
    %get3A_4 = vector.load %arg2[%get3A_2, %get3A_3] : memref<1000x128xf32, #tpu.memory_space<vmem>>, vector<1000x128xf32>
    %add3A = arith.addf %get3A_1, %get3A_4 : vector<1000x128xf32>
    %get3A_5 = arith.constant 0 : index
    %get3A_6 = arith.constant 0 : index
    %get3A_7 = vector.load %arg3[%get3A_5, %get3A_6] : memref<1000x128xf32, #tpu.memory_space<vmem>>, vector<1000x128xf32>
    %sub3A = arith.subf %add3A, %get3A_7 : vector<1000x128xf32>
    %get3A_8 = arith.constant 0 : index
    %get3A_9 = arith.constant 0 : index
    %get3A_10 = vector.load %arg4[%get3A_8, %get3A_9] : memref<1000x1xf32, #tpu.memory_space<vmem>>, vector<1000x1xf32>
    %mul3A = vector.broadcast %get3A_10 : vector<1000x1xf32> to vector<1000x128xf32>
    %mul3A_11 = arith.mulf %sub3A, %mul3A : vector<1000x128xf32>
    %get3A_12 = arith.constant 0 : index
    %get3A_13 = arith.constant 0 : index
    %get3A_14 = vector.load %arg5[%get3A_12, %get3A_13] : memref<1x128xf32, #tpu.memory_space<vmem>>, vector<1x128xf32>
    %add3A_15 = vector.broadcast %get3A_14 : vector<1x128xf32> to vector<1000x128xf32>
    %add3A_16 = arith.addf %mul3A_11, %add3A_15 : vector<1000x128xf32>
    %swap3A = arith.constant 0 : index
    %swap3A_17 = arith.constant 0 : index
    %swap3A_18 = vector.load %arg6[%swap3A, %swap3A_17] : memref<1000x128xf32, #tpu.memory_space<vmem>>, vector<1000x128xf32>
    tpu.vector_store %arg6[%swap3A, %swap3A_17], %add3A_16 {strides = array<i32>} : memref<1000x128xf32, #tpu.memory_space<vmem>>, vector<1000x128xf32>,
    return
  }
  func.func @transform_0(%arg0: i32) -> (i32, i32) {
    %c0_i32 = arith.constant 0 : i32
    %c0_i32_0 = arith.constant 0 : i32
    return %arg0, %c0_i32 : i32, i32
  }
  func.func @transform_1(%arg0: i32) -> (i32, i32) {
    %c0_i32 = arith.constant 0 : i32
    %c0_i32_0 = arith.constant 0 : i32
    return %arg0, %c0_i32 : i32, i32
  }
  func.func @transform_2(%arg0: i32) -> (i32, i32) {
    %c0_i32 = arith.constant 0 : i32
    %c0_i32_0 = arith.constant 0 : i32
    return %arg0, %c0_i32 : i32, i32
  }
  func.func @transform_3(%arg0: i32) -> (i32, i32) {
    %c0_i32 = arith.constant 0 : i32
    %c0_i32_0 = arith.constant 0 : i32
    return %arg0, %c0_i32 : i32, i32
  }
  func.func @transform_4(%arg0: i32) -> (i32, i32) {
    %c0_i32 = arith.constant 0 : i32
    %c0_i32_0 = arith.constant 0 : i32
    %c0_i32_1 = arith.constant 0 : i32
    return %c0_i32, %c0_i32_0 : i32, i32
  }
  func.func @transform_5(%arg0: i32) -> (i32, i32) {
    %c0_i32 = arith.constant 0 : i32
    %c0_i32_0 = arith.constant 0 : i32
    return %arg0, %c0_i32 : i32, i32
  }
}

</mosaic_0001>

<sc_bundles>
// kernel: kernel.10.cloned.1.call-start
scs
__scs_entry_jumppad:
0x0: {  	(pc) =	sbr.rel $0x88, $3  }
0x1: {  	(tag) =	ssettag $0x0;
	lr =	simm.s32 $0x1  }
0x2: {  	[smem:$0x3F99] =	sst lr;
	_ =	strace $0xD0000000  }
0x3: {  	_ = 	snop  }
0x4: {  	_ = 	snop  }
0x5: {  	_ = 	snop  }
0x6: {  	_ = 	snop  }
0x7: {  	_ = 	snop  }
__scs_overlays_trampoline_lowered:
0x8: {  	[smem:$0x3FA8] =	sst s0  }
0x9: {  	[smem:$0x3FA9] =	sst s1  }
0xa: {  	[smem:$0x3FAA] =	sst s2  }
0xb: {  	[smem:$0x3FAB] =	sst s3  }
0xc: {  	[smem:$0x3FAC] =	sst s4  }
0xd: {  	[smem:$0x3FAD] =	sst s5  }
0xe: {  	[smem:$0x3FAE] =	sst s6  }
0xf: {  	[smem:$0x3FAF] =	sst s7  }
0x10: {  	[smem:$0x3FB0] =	sst s8  }
0x11: {  	[smem:$0x3FB1] =	sst s9;
	s0 =	simm.s32 @!p0 $0x0  }
0x12: {  	s1 =	sld [smem:$0x3F97];
	s0 =	simm.s32 @p0 $0x1  }
0x13: {  	[smem:$0x3FB2] =	sst s0;
	s0 =	simm.s32 @!p1 $0x0  }
0x14: {  	s2 =	sld [smem:$0x3F96];
	s0 =	simm.s32 @p1 $0x1  }
0x15: {  	[smem:$0x3FB3] =	sst s0;
	s0 =	simm.s32 @!p2 $0x0  }
0x16: {  	s3 =	sld [smem:$0x3FDB];
	s0 =	simm.s32 @p2 $0x1  }
0x17: {  	s4 =	simm.s32 $0x1BF5;
	[smem:$0x3FB5] =	sst s0  }
0x18: {  	s0 =	sld [smem:$0x3F98];
	_ =	swait.ge [sflag:s4], $0x0  }
0x19: {  	s7 =	sld [smem:$0x3F99]  }
0x1a: {  	s8 =	sadd.s32 $0xFFFFE003, lr  }
0x1b: {  	s9 =	sadd.s32 $0xFFFFFEF7, lr;
	s5 =	simm.s32 $0xFFFFFFFF;
	p2 =	slt.u32 s8, $0xFFFFF086  }
0x1c: {  	p1 =	slt.u32 s9, $0xF7A;
	s5 =	simm.s32 @!p2 $0x0  }
0x1d: {  	s5 =	simm.s32 @p1 $0x1;
	p0 =	seq.s32 s7, s2  }
0x1e: {  	s7 =	smul.u32 @!p0 $0xF7A, s2;
	p2 =	seq.s32 @!p0 s5, $0x0  }
0x1f: {  	s9 =	smul.u32 $0xF7A, s1;
	s8 =	simm.s32 @!p0 $0x1BF5;
	p2 =	por !p2, p0  }
0x20: {  	[sflag:s8] =	ssyncset.s32 @!p0 $0xFFFFF086;
	s6 =	sadd.s32 @!p0 s3, s7;
	s7 =	simm.s32 @!p0 $0x108  }
0x21: {  	s3 =	sadd.s32 s3, s9;
	s6 =	sadd.s32 @!p0 $0x88, s6;
	s7 =	simm.s32 @p2 $0x1082  }
0x22: {  	[simem:s7], [sflag:s8] =	dma.local @!p0 [hbm:s6], $0xF7A  }
0x23: {  	s9 =	sor.u32 $0xD0000000, s2;
	s6 =	simm.s32 $0x108;
	_ =	swait.ge @!p0 [sflag:s8], $0x0  }
0x24: {  	s3 =	sadd.s32 $0x88, s3;
	s6 =	simm.s32 @!p1 $0x1082;
	[sflag:s4] =	ssyncset.s32 $0xFFFFF086  }
0x25: {  	[simem:s6], [sflag:s4] =	dma.local [hbm:s3], $0xF7A  }
0x26: {  	[smem:$0x3F99] =	sst s1;
	(tag) =	ssettag s2;
	_ =	strace s9  }
0x27: {  	s1 =	sld [smem:$0x3FA9]  }
0x28: {  	s2 =	sld [smem:$0x3FAA]  }
0x29: {  	s4 =	sld [smem:$0x3FAC]  }
0x2a: {  	p0 =	seq.s32 s5, $0x0;
	s5 =	sld [smem:$0x3FAD]  }
0x2b: {  	s6 =	sld [smem:$0x3FAE]  }
0x2c: {  	s7 =	sld [smem:$0x3FAF]  }
0x2d: {  	s3 =	simm.s32 $0x108;
	s8 =	sld [smem:$0x3FB0]  }
0x2e: {  	s3 =	simm.s32 @!p0 $0x1082;
	s9 =	sld [smem:$0x3FB1]  }
0x2f: {  	lr =	sadd.s32 s0, s3;
	s0 =	sld [smem:$0x3FA8]  }
0x30: {  	s3 =	sld [smem:$0x3FAB]  }
0x31: {  	[smem:$0x3FB4] =	sst s10  }
0x32: {  	s10 =	sld [smem:$0x3FB2];
	_ =	sdelay $0x3  }
0x33: {  	p0 =	seq.s32 s10, $0x1;
	s10 =	sld [smem:$0x3FB4];
	_ =	sdelay $0x3  }
0x34: {  	[smem:$0x3FB4] =	sst s10  }
0x35: {  	s10 =	sld [smem:$0x3FB3];
	_ =	sdelay $0x3  }
0x36: {  	p1 =	seq.s32 s10, $0x1;
	s10 =	sld [smem:$0x3FB4];
	_ =	sdelay $0x3  }
0x37: {  	[smem:$0x3FB4] =	sst s10  }
0x38: {  	s10 =	sld [smem:$0x3FB5]  }
0x39: {  	_ = 	snop;
	(pc) =	sbr.ind lr, $3  }
0x3a: {  	_ = 	snop  }
0x3b: {  	_ = 	snop  }
0x3c: {  	p2 =	seq.s32 s10, $0x1;
	s10 =	sld [smem:$0x3FB4]  }
0x3d: {  	_ =	shalt  }
0x3e: {  	_ =	shalt  }
0x3f: {  	_ =	shalt  }
0x40: {  	_ =	shalt  }
0x41: {  	_ =	shalt  }
0x42: {  	_ =	shalt  }
0x43: {  	_ =	shalt  }
0x44: {  	_ =	shalt  }
0x45: {  	_ =	shalt  }
0x46: {  	_ =	shalt  }
0x47: {  	_ =	shalt  }
0x48: {  	_ =	shalt  }
0x49: {  	_ =	shalt  }
0x4a: {  	_ =	shalt  }
0x4b: {  	_ =	shalt  }
0x4c: {  	_ =	shalt  }
0x4d: {  	_ =	shalt  }
0x4e: {  	_ =	shalt  }
0x4f: {  	_ =	shalt  }
0x50: {  	_ =	shalt  }
0x51: {  	_ =	shalt  }
0x52: {  	_ =	shalt  }
0x53: {  	_ =	shalt  }
0x54: {  	_ =	shalt  }
0x55: {  	_ =	shalt  }
0x56: {  	_ =	shalt  }
0x57: {  	_ =	shalt  }
0x58: {  	_ =	shalt  }
0x59: {  	_ =	shalt  }
0x5a: {  	_ =	shalt  }
0x5b: {  	_ =	shalt  }
0x5c: {  	_ =	shalt  }
0x5d: {  	_ =	shalt  }
0x5e: {  	_ =	shalt  }
0x5f: {  	_ =	shalt  }
0x60: {  	_ =	shalt  }
0x61: {  	_ =	shalt  }
0x62: {  	_ =	shalt  }
0x63: {  	_ =	shalt  }
0x64: {  	_ =	shalt  }
0x65: {  	_ =	shalt  }
0x66: {  	_ =	shalt  }
0x67: {  	_ =	shalt  }
0x68: {  	_ =	shalt  }
0x69: {  	_ =	shalt  }
0x6a: {  	_ =	shalt  }
0x6b: {  	_ =	shalt  }
0x6c: {  	_ =	shalt  }
0x6d: {  	_ =	shalt  }
0x6e: {  	_ =	shalt  }
0x6f: {  	_ =	shalt  }
0x70: {  	_ =	shalt  }
0x71: {  	_ =	shalt  }
0x72: {  	_ =	shalt  }
0x73: {  	_ =	shalt  }
0x74: {  	_ =	shalt  }
0x75: {  	_ =	shalt  }
0x76: {  	_ =	shalt  }
0x77: {  	_ =	shalt  }
0x78: {  	_ =	shalt  }
0x79: {  	_ =	shalt  }
0x7a: {  	_ =	shalt  }
0x7b: {  	_ =	shalt  }
0x7c: {  	_ =	shalt  }
0x7d: {  	_ =	shalt  }
0x7e: {  	_ =	shalt  }
0x7f: {  	_ =	shalt  }
0x80: {  	_ =	shalt  }
0x81: {  	_ =	shalt  }
0x82: {  	_ =	shalt  }
0x83: {  	_ =	shalt  }
0x84: {  	_ =	shalt  }
0x85: {  	_ =	shalt  }
0x86: {  	_ =	shalt  }
0x87: {  	_ =	shalt  }
.Lfunc_end0:
.L_simem_size_0:
called_computation_lowered:
.L_overlay_start_0:
0x88: {  	s2 =	sld [smem:$0x3FD9]  }
0x89: {  	s3 =	sld [smem:$0x3FFE];
	_ =	sdelay $0x1  }
0x8a: {  	s1 =	srdreg.scid  }
0x8b: {  	s0 =	sand.u32 $0x1, s1  }
0x8c: {  	s17 =	sshll.u32 s0, $0xA;
	s2 =	sadd.s32 s3, s2  }
0x8d: {  	s2 =	sadd.s32 s2, s17  }
0x8e: {  	[smem:$0x3FC0] =	sst s2  }
0x8f: {  	_ = 	snop  }
0x90: {  	s2 =	sld [smem:$0x3FD0];
	(tm) =	ssettm $0x1  }
0x91: {  	s18 =	sld [smem:$0x3FFB];
	_ =	sdelay $0x3  }
0x92: {  	_ =	strace s18  }
0x93: {  	s3 =	sld [smem:$0x3FFC];
	_ =	sdelay $0x3  }
0x94: {  	_ =	strace s3  }
0x95: {  	s3 =	sld [smem:$0x3FFD];
	_ =	sdelay $0x3  }
0x96: {  	_ =	strace s3  }
0x97: {  	_ =	strace $0x8FFFFFFF  }
0x98: {  	s19 =	sld [smem:$0x3FDB];
	_ =	sdelay $0x1  }
0x99: {  	s4 =	simm.s32 $_scs_section_size  }
0x9a: {  	s5 =	simm.s32 $_size__tile_overlayer_lowered;
	s6 =	simm.s32 $_tile_overlayer_lowered  }
0x9b: {  	s22 =	simm.s32 $0x1BFF;
	s21 =	sshll.u32 s6, $0x1;
	s3 =	sadd.s32 s4, s19  }
0x9c: {  	s7 =	simm.s32 $0x0;
	s20 =	sshll.u32 s5, $0x1;
	s5 =	sadd.s32 s21, s3  }
0x9d: {  	[timem:s7], [sflag:s22] =	dma.local [hbm:s5], s20  }
0x9e: {  	_ =	swait.ge [sflag:s22], s20  }
0x9f: {  	s4 =	ssub.s32 $0x0, s20;
	[sflag:s22] =	ssyncset.done $0x0  }
0xa0: {  	[sflag:s22] =	ssyncadd.s32 s4;
	_ =	sdelay $0x1  }
0xa1: {  	s23 =	simm.s32 $0x1B8B  }
0xa2: {  	_ =	swait.ge [sflag:s23], $0x1  }
0xa3: {  	[sflag:s23] =	ssyncset.done $0x0  }
0xa4: {  	s25 =	simm.s32 $0x1B8E;
	s24 =	sld [smem:$0x3FFE];
	[sflag:s23] =	ssyncadd.s32 $0xFFFFFFFF  }
0xa5: {  	s26 =	simm.s32 $execute0_lowered;
	[smem:$0x3FD2] =	sst s25  }
0xa6: {  	s5 =	sshll.u32 s26, $0x1;
	_ =	strace $0x80000046;
	[dreg:$0x1] =	wrdreg $0xFFFFFFFF  }
0xa7: {  	s28 =	simm.s32 $_size_execute0_lowered;
	s3 =	sadd.s32 s3, s5;
	[dreg:$0x0] =	wrdreg $0x0  }
0xa8: {  	s5 =	sshll.u32 s28, $0x1;
	[dreg:$0x2] =	wrdreg s3  }
0xa9: {  	[dreg:$0x3] =	wrdreg s5  }
0xaa: {  	[dreg:$0x4] =	wrdreg $0xC0  }
0xab: {  	_ =	task [dreg:s7], $0x5FFFF  }
0xac: {  	[dreg:$0x1] =	wrdreg $0xFFFFFFFF  }
0xad: {  	[dreg:$0x0] =	wrdreg $0x60  }
0xae: {  	[dreg:$0x2] =	wrdreg s2  }
0xaf: {  	[dreg:$0x3] =	wrdreg s24  }
0xb0: {  	[dreg:$0x4] =	wrdreg $0x0  }
0xb1: {  	[dreg:$0x5] =	wrdreg $0x9  }
0xb2: {  	_ =	task.clear_ibuf [dreg:s7], $0x6FFFF;
	_ =	strace $0x90000046  }
0xb3: {  	s29 =	simm.s32 $0x9;
	_ =	strace $0x80000048  }
0xb4: {  	_ =	swait.ge [sflag:s29], $0x1  }
0xb5: {  	[sflag:s29] =	ssyncadd.s32 $0xFFFFFFFF  }
0xb6: {  	_ =	strace $0x90000048  }
0xb7: {  	_ =	sfence  }
0xb8: {  	s30 =	sld [smem:$0x0];
	_ =	sdelay $0x2  }
0xb9: {  	s31 =	sshll.u32 s1, $0xD;
	s1 =	sshrl.u32 s1, $0x2  }
0xba: {  	s3 =	sand.u32 $0x4000, s31;
	s1 =	sadd.s32 s1, s30  }
0xbb: {  	s0 =	sor.u32 s3, s0;
	s1 =	sshll.u32 s1, $0x11  }
0xbc: {  	s0 =	sor.u32 s1, s0  }
0xbd: {  	s0 =	sadd.s32 $0x8F2B, s0  }
0xbe: {  	[sflag:s0] =	ssyncadd.remote.s32 $0x1  }
0xbf: {  	_ =	sfence.sel $0xFFFF  }
0xc0: {  	[dreg:$0x0] =	wrdreg $0xFFFFFFFF;
	(pc) =	sbr.abs _section_cstart, $3  }
0xc1: {  	[dreg:$0x1] =	wrdreg $0xFFFFFFFF  }
0xc2: {  	_ =	task.clear_ibuf [dreg:s7], $0x2FFFF;
	_ =	strace $0x9FFFFFFF  }
0xc3: {  	(tm) =	ssettm $0x7FFFFFFF  }
tec
execute0_lowered:
.L_overlay_start_1:
0x0: {  	(tag) =	ssettag $0x1  }
0x1: {  	s7 =	rddreg [dreg:$0x0]  }
0x2: {  	s6 =	rddreg [dreg:$0x1]  }
0x3: {  	s2 =	rddreg [dreg:$0x2];
	s3 =	srdreg.scid  }
0x4: {  	s0 =	rddreg [dreg:$0x3];
	s1 =	stileid.u32;
	s12 =	simm.s32 $0x5C00  }
0x5: {  	s13 =	simm.s32 $0x300;
	s14 =	simm.s32 $0x380;
	s15 =	simm.s32 $0x400  }
0x6: {  	s16 =	simm.s32 $0x480;
	s17 =	simm.s32 $0x500;
	s18 =	simm.s32 $0x580  }
0x7: {  	s19 =	simm.s32 $0x600;
	s22 =	simm.s32 $0x0;
	s8 =	smul.u32 $0x280, s1  }
0x8: {  	s5 =	sand.u32 $0x1, s3;
	s3 =	simm.s32 $0x0;
	s11 =	smul.u32 $0x2800, s1  }
0x9: {  	s20 =	sshll.u32 s1, $0x6;
	s4 =	ssub.s32 $0x2, s5;
	[smem:$0x7FF] =	sst s3  }
0xa: {  	s10 =	smul.u32 $0x28000, s5;
	p0 =	seq.s32 s5, $0x1;
	s20 =	sor.u32 $0x1C01, s20  }
0xb: {  	s9 =	sshrl.u32 s4, $0x1;
	_ =	strace $0x80000047;
	s12 =	simm.s32 @!p0 $0x5600  }
0xc: {  	s9 =	ssub.s32 s4, s9;
	s4 =	sadd.s32 s8, s2;
	s8 =	sshrl.u32 s8, $0x3  }
0xd: {  	s10 =	sadd.s32 s11, s10;
	s6 =	sadd.s32 s12, s6;
	s11 =	simm.s32 $0x80  }
0xe: {  	s12 =	simm.s32 $0x680;
	s5 =	smax.u32 s9, $0x1;
	s31 =	sshrl.u32 s10, $0x3  }
0xf: {  	s6 =	sadd.s32 s6, s8;
	s8 =	simm.s32 $0x700;
	s9 =	simm.s32 $0x1  }
0x10: {  	v0 =	vimm.f32 $1.000000000e+00;
	v1 =	vimm.f32 $0.0e+00;
	s10 =	simm.s32 $0x280;
	s21 =	sshrl.u32 s4, $0x3;
	s7 =	sadd.s32 s31, s7  }
.LBB2_1:
0x11: {  	[tilespmem:$0x680] =	vst v0  }
0x12: {  	[tilespmem:$0x690] =	vst v0  }
0x13: {  	[tilespmem:$0x6A0] =	vst v0  }
0x14: {  	[tilespmem:$0x6B0] =	vst v0  }
0x15: {  	[tilespmem:$0x6C0] =	vst v0  }
0x16: {  	[tilespmem:$0x6D0] =	vst v0  }
0x17: {  	[tilespmem:$0x6E0] =	vst v0  }
0x18: {  	[tilespmem:$0x6F0] =	vst v0  }
0x19: {  	[tilespmem:$0x700] =	vst v1  }
0x1a: {  	[tilespmem:$0x710] =	vst v1  }
0x1b: {  	[tilespmem:$0x720] =	vst v1  }
0x1c: {  	[tilespmem:$0x730] =	vst v1  }
0x1d: {  	[tilespmem:$0x740] =	vst v1  }
0x1e: {  	[tilespmem:$0x750] =	vst v1  }
0x1f: {  	[tilespmem:$0x760] =	vst v1  }
0x20: {  	[tilespmem:$0x770] =	vst v1  }
0x21: {  	[tilespmem:$0x780] =	vst v1  }
0x22: {  	[tilespmem:$0x790] =	vst v1  }
0x23: {  	[tilespmem:$0x7A0] =	vst v1  }
0x24: {  	[tilespmem:$0x7B0] =	vst v1  }
0x25: {  	[tilespmem:$0x7C0] =	vst v1  }
0x26: {  	[tilespmem:$0x7D0] =	vst v1  }
0x27: {  	[tilespmem:$0x7E0] =	vst v1  }
0x28: {  	[tilespmem:$0x7F0] =	vst v1  }
0x29: {  	[tilespmem:$0x800] =	vst v1  }
0x2a: {  	[tilespmem:$0x810] =	vst v1  }
0x2b: {  	[tilespmem:$0x820] =	vst v1  }
0x2c: {  	[tilespmem:$0x830] =	vst v1  }
0x2d: {  	[tilespmem:$0x840] =	vst v1  }
0x2e: {  	[tilespmem:$0x850] =	vst v1  }
0x2f: {  	[tilespmem:$0x860] =	vst v1  }
0x30: {  	[tilespmem:$0x870] =	vst v1  }
0x31: {  	[tilespmem:$0x880] =	vst v1  }
0x32: {  	[tilespmem:$0x890] =	vst v1  }
0x33: {  	[tilespmem:$0x8A0] =	vst v1  }
0x34: {  	[tilespmem:$0x8B0] =	vst v1  }
0x35: {  	[tilespmem:$0x8C0] =	vst v1  }
0x36: {  	[tilespmem:$0x8D0] =	vst v1  }
0x37: {  	[tilespmem:$0x8E0] =	vst v1  }
0x38: {  	[tilespmem:$0x8F0] =	vst v1  }
0x39: {  	[tilespmem:$0x900] =	vst v1  }
0x3a: {  	[tilespmem:$0x910] =	vst v1  }
0x3b: {  	[tilespmem:$0x920] =	vst v1  }
0x3c: {  	[tilespmem:$0x930] =	vst v1  }
0x3d: {  	[tilespmem:$0x940] =	vst v1  }
0x3e: {  	[tilespmem:$0x950] =	vst v1  }
0x3f: {  	[tilespmem:$0x960] =	vst v1  }
0x40: {  	[tilespmem:$0x970] =	vst v1  }
0x41: {  	[spmem:s4] =	stream.linear.scatter [tilespmem:s8], [sflag:$0x1], $0x280, $0x38;
	[tilespmem:$0x980] =	vst v63  }
0x42: {  	_ =	swait.ge [sflag:s9], $0x280  }
0x43: {  	[sflag:s9] =	ssyncset.done $0x0  }
0x44: {  	[sflag:s9] =	ssyncadd.s32 $0xFFFFFD80  }
0x45: {  	s23 =	sadd.s32 $0x0, s7;
	[bflag:$0x0] =	sbarrier.arrive $0xFFFF  }
0x46: {  	[tilespmem:s10], [sflag:$0x1] =	stream.linear.gather [hbm4b:s23+s3], $0x400, $0x38;
	[tilespmem:$0x980] =	vst v63  }
0x47: {  	_ =	swait.ge [sflag:s9], $0x400  }
0x48: {  	[sflag:s9] =	ssyncset.done $0x0  }
0x49: {  	[sflag:s9] =	ssyncadd.s32 $0xFFFFFC00  }
0x4a: {  	[spmem:s2] =	stream.indirect.scatter.add.f32 [tilespmem:s12], [sflag:$0x1], $0x1, s10, s11, $0xb8;
	[tilespmem:$0x980] =	vst v63  }
0x4b: {  	_ =	swait.ge [sflag:s9], $0x80  }
0x4c: {  	[sflag:s9] =	ssyncset.done $0x0  }
0x4d: {  	[sflag:s9] =	ssyncadd.s32 $0xFFFFFF80  }
0x4e: {  	[spmem:s2] =	stream.indirect.scatter.add.f32 [tilespmem:s12], [sflag:$0x1], $0x1, s13, s11, $0xb8;
	[tilespmem:$0x980] =	vst v63  }
0x4f: {  	_ =	swait.ge [sflag:s9], $0x80  }
0x50: {  	[sflag:s9] =	ssyncset.done $0x0  }
0x51: {  	[sflag:s9] =	ssyncadd.s32 $0xFFFFFF80  }
0x52: {  	[spmem:s2] =	stream.indirect.scatter.add.f32 [tilespmem:s12], [sflag:$0x1], $0x1, s14, s11, $0xb8;
	[tilespmem:$0x980] =	vst v63  }
0x53: {  	_ =	swait.ge [sflag:s9], $0x80  }
0x54: {  	[sflag:s9] =	ssyncset.done $0x0  }
0x55: {  	[sflag:s9] =	ssyncadd.s32 $0xFFFFFF80  }
0x56: {  	[spmem:s2] =	stream.indirect.scatter.add.f32 [tilespmem:s12], [sflag:$0x1], $0x1, s15, s11, $0xb8;
	[tilespmem:$0x980] =	vst v63  }
0x57: {  	_ =	swait.ge [sflag:s9], $0x80  }
0x58: {  	[sflag:s9] =	ssyncset.done $0x0  }
0x59: {  	[sflag:s9] =	ssyncadd.s32 $0xFFFFFF80  }
0x5a: {  	[spmem:s2] =	stream.indirect.scatter.add.f32 [tilespmem:s12], [sflag:$0x1], $0x1, s16, s11, $0xb8;
	[tilespmem:$0x980] =	vst v63  }
0x5b: {  	_ =	swait.ge [sflag:s9], $0x80  }
0x5c: {  	[sflag:s9] =	ssyncset.done $0x0  }
0x5d: {  	[sflag:s9] =	ssyncadd.s32 $0xFFFFFF80  }
0x5e: {  	[spmem:s2] =	stream.indirect.scatter.add.f32 [tilespmem:s12], [sflag:$0x1], $0x1, s17, s11, $0xb8;
	[tilespmem:$0x980] =	vst v63  }
0x5f: {  	_ =	swait.ge [sflag:s9], $0x80  }
0x60: {  	[sflag:s9] =	ssyncset.done $0x0  }
0x61: {  	[sflag:s9] =	ssyncadd.s32 $0xFFFFFF80  }
0x62: {  	[spmem:s2] =	stream.indirect.scatter.add.f32 [tilespmem:s12], [sflag:$0x1], $0x1, s18, s11, $0xb8;
	[tilespmem:$0x980] =	vst v63  }
0x63: {  	_ =	swait.ge [sflag:s9], $0x80  }
0x64: {  	[sflag:s9] =	ssyncset.done $0x0  }
0x65: {  	[sflag:s9] =	ssyncadd.s32 $0xFFFFFF80  }
0x66: {  	[spmem:s2] =	stream.indirect.scatter.add.f32 [tilespmem:s12], [sflag:$0x1], $0x1, s19, s11, $0xb8;
	[tilespmem:$0x980] =	vst v63  }
0x67: {  	_ =	swait.ge [sflag:s9], $0x80  }
0x68: {  	s25 =	simm.s32 $0x100;
	s23 =	simm.s32 $0x80;
	[sflag:s9] =	ssyncset.done $0x0  }
.LBB2_2:
0x69: {  	s26 =	sadd.s32 s23, s7  }
0x6a: {  	[sflag:s9] =	ssyncadd.s32 $0xFFFFFF80;
	s23 =	smov.u32 s25;
	s24 =	sadd.s32 $0x80, s25  }
0x6b: {  	[tilespmem:s10], [sflag:$0x1] =	stream.linear.gather [hbm4b:s26+s3], $0x400, $0x38;
	[tilespmem:$0x980] =	vst v63  }
0x6c: {  	p0 =	sne.s32 s25, $0x480;
	_ =	swait.ge [sflag:s9], $0x400  }
0x6d: {  	[sflag:s9] =	ssyncset.done $0x0  }
0x6e: {  	[sflag:s9] =	ssyncadd.s32 $0xFFFFFC00  }
0x6f: {  	[spmem:s2] =	stream.indirect.scatter.add.f32 [tilespmem:s12], [sflag:$0x1], $0x1, s10, s11, $0xb8;
	[tilespmem:$0x980] =	vst v63  }
0x70: {  	_ =	swait.ge [sflag:s9], $0x80  }
0x71: {  	[sflag:s9] =	ssyncset.done $0x0  }
0x72: {  	[sflag:s9] =	ssyncadd.s32 $0xFFFFFF80  }
0x73: {  	[spmem:s2] =	stream.indirect.scatter.add.f32 [tilespmem:s12], [sflag:$0x1], $0x1, s13, s11, $0xb8;
	[tilespmem:$0x980] =	vst v63  }
0x74: {  	_ =	swait.ge [sflag:s9], $0x80  }
0x75: {  	[sflag:s9] =	ssyncset.done $0x0  }
0x76: {  	[sflag:s9] =	ssyncadd.s32 $0xFFFFFF80  }
0x77: {  	[spmem:s2] =	stream.indirect.scatter.add.f32 [tilespmem:s12], [sflag:$0x1], $0x1, s14, s11, $0xb8;
	[tilespmem:$0x980] =	vst v63  }
0x78: {  	_ =	swait.ge [sflag:s9], $0x80  }
0x79: {  	[sflag:s9] =	ssyncset.done $0x0  }
0x7a: {  	[sflag:s9] =	ssyncadd.s32 $0xFFFFFF80  }
0x7b: {  	[spmem:s2] =	stream.indirect.scatter.add.f32 [tilespmem:s12], [sflag:$0x1], $0x1, s15, s11, $0xb8;
	[tilespmem:$0x980] =	vst v63  }
0x7c: {  	_ =	swait.ge [sflag:s9], $0x80  }
0x7d: {  	[sflag:s9] =	ssyncset.done $0x0  }
0x7e: {  	[sflag:s9] =	ssyncadd.s32 $0xFFFFFF80  }
0x7f: {  	[spmem:s2] =	stream.indirect.scatter.add.f32 [tilespmem:s12], [sflag:$0x1], $0x1, s16, s11, $0xb8;
	[tilespmem:$0x980] =	vst v63  }
0x80: {  	_ =	swait.ge [sflag:s9], $0x80  }
0x81: {  	[sflag:s9] =	ssyncset.done $0x0  }
0x82: {  	[sflag:s9] =	ssyncadd.s32 $0xFFFFFF80  }
0x83: {  	[spmem:s2] =	stream.indirect.scatter.add.f32 [tilespmem:s12], [sflag:$0x1], $0x1, s17, s11, $0xb8;
	[tilespmem:$0x980] =	vst v63  }
0x84: {  	_ =	swait.ge [sflag:s9], $0x80  }
0x85: {  	[sflag:s9] =	ssyncset.done $0x0  }
0x86: {  	[sflag:s9] =	ssyncadd.s32 $0xFFFFFF80  }
0x87: {  	[spmem:s2] =	stream.indirect.scatter.add.f32 [tilespmem:s12], [sflag:$0x1], $0x1, s18, s11, $0xb8;
	[tilespmem:$0x980] =	vst v63  }
0x88: {  	_ =	swait.ge [sflag:s9], $0x80  }
.Ltmp0:
0x89: {  	[sflag:s9] =	ssyncset.done $0x0;
	(pc) =	sbr.rel @p0 .LBB2_2-.Ltmp0, $4  }
0x8a: {  	[sflag:s9] =	ssyncadd.s32 $0xFFFFFF80  }
0x8b: {  	[spmem:s2] =	stream.indirect.scatter.add.f32 [tilespmem:s12], [sflag:$0x1], $0x1, s19, s11, $0xb8;
	[tilespmem:$0x980] =	vst v63  }
0x8c: {  	_ =	swait.ge [sflag:s9], $0x80  }
0x8d: {  	s25 =	smov.u32 s24;
	[sflag:s9] =	ssyncset.done $0x0  }
0x8e: {  	s23 =	sadd.s32 s23, s7;
	[sflag:s9] =	ssyncadd.s32 $0xFFFFFF80  }
0x8f: {  	[tilespmem:s10], [sflag:$0x1] =	stream.linear.gather [hbm4b:s23+s3], $0x400, $0x38;
	[tilespmem:$0x980] =	vst v63  }
0x90: {  	_ =	swait.ge [sflag:s9], $0x400  }
0x91: {  	[sflag:s9] =	ssyncset.done $0x0  }
0x92: {  	[sflag:s9] =	ssyncadd.s32 $0xFFFFFC00  }
0x93: {  	[spmem:s2] =	stream.indirect.scatter.add.f32 [tilespmem:s12], [sflag:$0x1], $0x1, s10, s11, $0xb8;
	[tilespmem:$0x980] =	vst v63  }
0x94: {  	_ =	swait.ge [sflag:s9], $0x80  }
0x95: {  	[sflag:s9] =	ssyncset.done $0x0  }
0x96: {  	[sflag:s9] =	ssyncadd.s32 $0xFFFFFF80  }
0x97: {  	[spmem:s2] =	stream.indirect.scatter.add.f32 [tilespmem:s12], [sflag:$0x1], $0x1, s13, s11, $0xb8;
	[tilespmem:$0x980] =	vst v63  }
0x98: {  	_ =	swait.ge [sflag:s9], $0x80  }
0x99: {  	[sflag:s9] =	ssyncset.done $0x0  }
0x9a: {  	[sflag:s9] =	ssyncadd.s32 $0xFFFFFF80  }
0x9b: {  	[spmem:s2] =	stream.indirect.scatter.add.f32 [tilespmem:s12], [sflag:$0x1], $0x1, s14, s11, $0xb8;
	[tilespmem:$0x980] =	vst v63  }
0x9c: {  	_ =	swait.ge [sflag:s9], $0x80  }
0x9d: {  	[sflag:s9] =	ssyncset.done $0x0  }
0x9e: {  	[sflag:s9] =	ssyncadd.s32 $0xFFFFFF80  }
0x9f: {  	[spmem:s2] =	stream.indirect.scatter.add.f32 [tilespmem:s12], [sflag:$0x1], $0x1, s15, s11, $0xb8;
	[tilespmem:$0x980] =	vst v63  }
0xa0: {  	_ =	swait.ge [sflag:s9], $0x80  }
0xa1: {  	[sflag:s9] =	ssyncset.done $0x0  }
0xa2: {  	[sflag:s9] =	ssyncadd.s32 $0xFFFFFF80  }
0xa3: {  	[spmem:s2] =	stream.indirect.scatter.add.f32 [tilespmem:s12], [sflag:$0x1], $0x1, s16, s11, $0xb8;
	[tilespmem:$0x980] =	vst v63  }
0xa4: {  	_ =	swait.ge [sflag:s9], $0x80  }
0xa5: {  	[sflag:s9] =	ssyncset.done $0x0  }
0xa6: {  	[sflag:s9] =	ssyncadd.s32 $0xFFFFFF80  }
0xa7: {  	[spmem:s2] =	stream.indirect.scatter.add.f32 [tilespmem:s12], [sflag:$0x1], $0x1, s17, s11, $0xb8;
	[tilespmem:$0x980] =	vst v63  }
0xa8: {  	_ =	swait.ge [sflag:s9], $0x80  }
0xa9: {  	[sflag:s9] =	ssyncset.done $0x0  }
0xaa: {  	[sflag:s9] =	ssyncadd.s32 $0xFFFFFF80  }
0xab: {  	[spmem:s2] =	stream.indirect.scatter.add.f32 [tilespmem:s12], [sflag:$0x1], $0x1, s18, s11, $0xb8;
	[tilespmem:$0x980] =	vst v63  }
0xac: {  	_ =	swait.ge [sflag:s9], $0x80  }
0xad: {  	[sflag:s9] =	ssyncset.done $0x0  }
0xae: {  	[sflag:s9] =	ssyncadd.s32 $0xFFFFFF80  }
0xaf: {  	[spmem:s2] =	stream.indirect.scatter.add.f32 [tilespmem:s12], [sflag:$0x1], $0x1, s19, s11, $0xb8;
	[tilespmem:$0x980] =	vst v63  }
0xb0: {  	_ =	swait.ge [sflag:s9], $0x80  }
0xb1: {  	s22 =	sadd.s32 $0x1, s22;
	[sflag:s9] =	ssyncset.done $0x0  }
0xb2: {  	p0 =	sne.s32 s22, s5;
	[sflag:s9] =	ssyncadd.s32 $0xFFFFFF80  }
.Ltmp1:
0xb3: {  	[bflag:$0x0] =	sbarrier.arrive $0xFFFF;
	(pc) =	sbr.rel @p0 .LBB2_1-.Ltmp1, $4  }
0xb4: {  	[hbm:s6], [sflag:s20] =	dma.local [spmem:s21], $0x50  }
0xb5: {  	_ =	swait.ge [sflag:s9], $0x50  }
0xb6: {  	[sflag:s9] =	ssyncset.done $0x0  }
0xb7: {  	[sflag:s9] =	ssyncadd.s32 $0xFFFFFFB0  }
0xb8: {  	_ =	sfence.sel $0x180000  }
0xb9: {  	[bflag:$0x0] =	sbarrier.arrive $0xFFFF  }
0xba: {  	p0 =	sne.s32 s1, $0x0;
	_ =	strace $0x90000047  }
0xbb: {  	s0 =	sadd.s32 @!p0 $0x100000, s0;
	[bflag:$0x2] =	sbarrier.arrive $0xFFFF  }
0xbc: {  	[sflag:s0] =	ssyncadd.tile.s32 @!p0 $0x1;
	_ =	shalt  }
.Lfunc_end2:
_tile_overlayer_lowered:
.L_overlay_start_2:
0xbd: {  	(tag) =	ssettag $0x2  }
0xbe: {  	s0 =	rddreg [dreg:$0x0];
	s2 =	stileid.u32  }
0xbf: {  	s1 =	rddreg [dreg:$0x1];
	p0 =	sne.s32 s2, $0x0  }
0xc0: {  	s3 =	rddreg [dreg:$0x2];
	[bflag:$0x3] =	sbarrier.arrive $0xFFFF;
	s2 =	simm.s32 @!p0 $0x1C01  }
0xc1: {  	[timem:s3], [sflag:s2] =	dma.local @!p0 [hbm:s0], s1  }
0xc2: {  	s0 =	simm.s32 @!p0 $0x1  }
0xc3: {  	_ =	swait.ge @!p0 [sflag:s0], s1  }
0xc4: {  	s1 =	ssub.s32 @!p0 $0x0, s1;
	[sflag:s0] =	ssyncset.done @!p0 $0x0  }
0xc5: {  	[sflag:s0] =	ssyncadd.s32 @!p0 s1  }
0xc6: {  	[bflag:$0x3] =	sbarrier.arrive $0xFFFF  }
0xc7: {  	_ =	shalt  }

// kernel: kernel.13.cloned.1.call-start
scs
__scs_entry_jumppad:
0x0: {  	(pc) =	sbr.rel $0x88, $3  }
0x1: {  	(tag) =	ssettag $0x0;
	lr =	simm.s32 $0x1  }
0x2: {  	[smem:$0x3F99] =	sst lr;
	_ =	strace $0xD0000000  }
0x3: {  	_ = 	snop  }
0x4: {  	_ = 	snop  }
0x5: {  	_ = 	snop  }
0x6: {  	_ = 	snop  }
0x7: {  	_ = 	snop  }
__scs_overlays_trampoline_lowered:
0x8: {  	[smem:$0x3FA8] =	sst s0  }
0x9: {  	[smem:$0x3FA9] =	sst s1  }
0xa: {  	[smem:$0x3FAA] =	sst s2  }
0xb: {  	[smem:$0x3FAB] =	sst s3  }
0xc: {  	[smem:$0x3FAC] =	sst s4  }
0xd: {  	[smem:$0x3FAD] =	sst s5  }
0xe: {  	[smem:$0x3FAE] =	sst s6  }
0xf: {  	[smem:$0x3FAF] =	sst s7  }
0x10: {  	[smem:$0x3FB0] =	sst s8  }
0x11: {  	[smem:$0x3FB1] =	sst s9;
	s0 =	simm.s32 @!p0 $0x0  }
0x12: {  	s1 =	sld [smem:$0x3F97];
	s0 =	simm.s32 @p0 $0x1  }
0x13: {  	[smem:$0x3FB2] =	sst s0;
	s0 =	simm.s32 @!p1 $0x0  }
0x14: {  	s2 =	sld [smem:$0x3F96];
	s0 =	simm.s32 @p1 $0x1  }
0x15: {  	[smem:$0x3FB3] =	sst s0;
	s0 =	simm.s32 @!p2 $0x0  }
0x16: {  	s3 =	sld [smem:$0x3FDB];
	s0 =	simm.s32 @p2 $0x1  }
0x17: {  	s4 =	simm.s32 $0x1BF5;
	[smem:$0x3FB5] =	sst s0  }
0x18: {  	s0 =	sld [smem:$0x3F98];
	_ =	swait.ge [sflag:s4], $0x0  }
0x19: {  	s7 =	sld [smem:$0x3F99]  }
0x1a: {  	s8 =	sadd.s32 $0xFFFFE003, lr  }
0x1b: {  	s9 =	sadd.s32 $0xFFFFFEF7, lr;
	s5 =	simm.s32 $0xFFFFFFFF;
	p2 =	slt.u32 s8, $0xFFFFF086  }
0x1c: {  	p1 =	slt.u32 s9, $0xF7A;
	s5 =	simm.s32 @!p2 $0x0  }
0x1d: {  	s5 =	simm.s32 @p1 $0x1;
	p0 =	seq.s32 s7, s2  }
0x1e: {  	s7 =	smul.u32 @!p0 $0xF7A, s2;
	p2 =	seq.s32 @!p0 s5, $0x0  }
0x1f: {  	s9 =	smul.u32 $0xF7A, s1;
	s8 =	simm.s32 @!p0 $0x1BF5;
	p2 =	por !p2, p0  }
0x20: {  	[sflag:s8] =	ssyncset.s32 @!p0 $0xFFFFF086;
	s6 =	sadd.s32 @!p0 s3, s7;
	s7 =	simm.s32 @!p0 $0x108  }
0x21: {  	s3 =	sadd.s32 s3, s9;
	s6 =	sadd.s32 @!p0 $0x88, s6;
	s7 =	simm.s32 @p2 $0x1082  }
0x22: {  	[simem:s7], [sflag:s8] =	dma.local @!p0 [hbm:s6], $0xF7A  }
0x23: {  	s9 =	sor.u32 $0xD0000000, s2;
	s6 =	simm.s32 $0x108;
	_ =	swait.ge @!p0 [sflag:s8], $0x0  }
0x24: {  	s3 =	sadd.s32 $0x88, s3;
	s6 =	simm.s32 @!p1 $0x1082;
	[sflag:s4] =	ssyncset.s32 $0xFFFFF086  }
0x25: {  	[simem:s6], [sflag:s4] =	dma.local [hbm:s3], $0xF7A  }
0x26: {  	[smem:$0x3F99] =	sst s1;
	(tag) =	ssettag s2;
	_ =	strace s9  }
0x27: {  	s1 =	sld [smem:$0x3FA9]  }
0x28: {  	s2 =	sld [smem:$0x3FAA]  }
0x29: {  	s4 =	sld [smem:$0x3FAC]  }
0x2a: {  	p0 =	seq.s32 s5, $0x0;
	s5 =	sld [smem:$0x3FAD]  }
0x2b: {  	s6 =	sld [smem:$0x3FAE]  }
0x2c: {  	s7 =	sld [smem:$0x3FAF]  }
0x2d: {  	s3 =	simm.s32 $0x108;
	s8 =	sld [smem:$0x3FB0]  }
0x2e: {  	s3 =	simm.s32 @!p0 $0x1082;
	s9 =	sld [smem:$0x3FB1]  }
0x2f: {  	lr =	sadd.s32 s0, s3;
	s0 =	sld [smem:$0x3FA8]  }
0x30: {  	s3 =	sld [smem:$0x3FAB]  }
0x31: {  	[smem:$0x3FB4] =	sst s10  }
0x32: {  	s10 =	sld [smem:$0x3FB2];
	_ =	sdelay $0x3  }
0x33: {  	p0 =	seq.s32 s10, $0x1;
	s10 =	sld [smem:$0x3FB4];
	_ =	sdelay $0x3  }
0x34: {  	[smem:$0x3FB4] =	sst s10  }
0x35: {  	s10 =	sld [smem:$0x3FB3];
	_ =	sdelay $0x3  }
0x36: {  	p1 =	seq.s32 s10, $0x1;
	s10 =	sld [smem:$0x3FB4];
	_ =	sdelay $0x3  }
0x37: {  	[smem:$0x3FB4] =	sst s10  }
0x38: {  	s10 =	sld [smem:$0x3FB5]  }
0x39: {  	_ = 	snop;
	(pc) =	sbr.ind lr, $3  }
0x3a: {  	_ = 	snop  }
0x3b: {  	_ = 	snop  }
0x3c: {  	p2 =	seq.s32 s10, $0x1;
	s10 =	sld [smem:$0x3FB4]  }
0x3d: {  	_ =	shalt  }
0x3e: {  	_ =	shalt  }
0x3f: {  	_ =	shalt  }
0x40: {  	_ =	shalt  }
0x41: {  	_ =	shalt  }
0x42: {  	_ =	shalt  }
0x43: {  	_ =	shalt  }
0x44: {  	_ =	shalt  }
0x45: {  	_ =	shalt  }
0x46: {  	_ =	shalt  }
0x47: {  	_ =	shalt  }
0x48: {  	_ =	shalt  }
0x49: {  	_ =	shalt  }
0x4a: {  	_ =	shalt  }
0x4b: {  	_ =	shalt  }
0x4c: {  	_ =	shalt  }
0x4d: {  	_ =	shalt  }
0x4e: {  	_ =	shalt  }
0x4f: {  	_ =	shalt  }
0x50: {  	_ =	shalt  }
0x51: {  	_ =	shalt  }
0x52: {  	_ =	shalt  }
0x53: {  	_ =	shalt  }
0x54: {  	_ =	shalt  }
0x55: {  	_ =	shalt  }
0x56: {  	_ =	shalt  }
0x57: {  	_ =	shalt  }
0x58: {  	_ =	shalt  }
0x59: {  	_ =	shalt  }
0x5a: {  	_ =	shalt  }
0x5b: {  	_ =	shalt  }
0x5c: {  	_ =	shalt  }
0x5d: {  	_ =	shalt  }
0x5e: {  	_ =	shalt  }
0x5f: {  	_ =	shalt  }
0x60: {  	_ =	shalt  }
0x61: {  	_ =	shalt  }
0x62: {  	_ =	shalt  }
0x63: {  	_ =	shalt  }
0x64: {  	_ =	shalt  }
0x65: {  	_ =	shalt  }
0x66: {  	_ =	shalt  }
0x67: {  	_ =	shalt  }
0x68: {  	_ =	shalt  }
0x69: {  	_ =	shalt  }
0x6a: {  	_ =	shalt  }
0x6b: {  	_ =	shalt  }
0x6c: {  	_ =	shalt  }
0x6d: {  	_ =	shalt  }
0x6e: {  	_ =	shalt  }
0x6f: {  	_ =	shalt  }
0x70: {  	_ =	shalt  }
0x71: {  	_ =	shalt  }
0x72: {  	_ =	shalt  }
0x73: {  	_ =	shalt  }
0x74: {  	_ =	shalt  }
0x75: {  	_ =	shalt  }
0x76: {  	_ =	shalt  }
0x77: {  	_ =	shalt  }
0x78: {  	_ =	shalt  }
0x79: {  	_ =	shalt  }
0x7a: {  	_ =	shalt  }
0x7b: {  	_ =	shalt  }
0x7c: {  	_ =	shalt  }
0x7d: {  	_ =	shalt  }
0x7e: {  	_ =	shalt  }
0x7f: {  	_ =	shalt  }
0x80: {  	_ =	shalt  }
0x81: {  	_ =	shalt  }
0x82: {  	_ =	shalt  }
0x83: {  	_ =	shalt  }
0x84: {  	_ =	shalt  }
0x85: {  	_ =	shalt  }
0x86: {  	_ =	shalt  }
0x87: {  	_ =	shalt  }
.Lfunc_end0:
.L_simem_size_0:
called_computation.1_lowered:
.L_overlay_start_0:
0x88: {  	s2 =	sld [smem:$0x3FD9]  }
0x89: {  	s3 =	sld [smem:$0x3FFE];
	_ =	sdelay $0x1  }
0x8a: {  	s1 =	srdreg.scid  }
0x8b: {  	s0 =	sand.u32 $0x1, s1  }
0x8c: {  	s17 =	sshll.u32 s0, $0xA;
	s2 =	sadd.s32 s3, s2  }
0x8d: {  	s2 =	sadd.s32 s2, s17  }
0x8e: {  	[smem:$0x3FC0] =	sst s2  }
0x8f: {  	_ = 	snop  }
0x90: {  	s2 =	sld [smem:$0x3FD0];
	(tm) =	ssettm $0x1  }
0x91: {  	s18 =	sld [smem:$0x3FFB];
	_ =	sdelay $0x3  }
0x92: {  	_ =	strace s18  }
0x93: {  	s3 =	sld [smem:$0x3FFC];
	_ =	sdelay $0x3  }
0x94: {  	_ =	strace s3  }
0x95: {  	s3 =	sld [smem:$0x3FFD];
	_ =	sdelay $0x3  }
0x96: {  	_ =	strace s3  }
0x97: {  	_ =	strace $0x8FFFFFFF  }
0x98: {  	s19 =	sld [smem:$0x3FDB];
	_ =	sdelay $0x1  }
0x99: {  	s4 =	simm.s32 $_scs_section_size  }
0x9a: {  	s5 =	simm.s32 $_size__tile_overlayer_lowered;
	s6 =	simm.s32 $_tile_overlayer_lowered  }
0x9b: {  	s22 =	simm.s32 $0x1BFF;
	s21 =	sshll.u32 s6, $0x1;
	s3 =	sadd.s32 s4, s19  }
0x9c: {  	s7 =	simm.s32 $0x0;
	s20 =	sshll.u32 s5, $0x1;
	s5 =	sadd.s32 s21, s3  }
0x9d: {  	[timem:s7], [sflag:s22] =	dma.local [hbm:s5], s20  }
0x9e: {  	_ =	swait.ge [sflag:s22], s20  }
0x9f: {  	s4 =	ssub.s32 $0x0, s20;
	[sflag:s22] =	ssyncset.done $0x0  }
0xa0: {  	[sflag:s22] =	ssyncadd.s32 s4;
	_ =	sdelay $0x1  }
0xa1: {  	s23 =	simm.s32 $0x1B8B  }
0xa2: {  	_ =	swait.ge [sflag:s23], $0x1  }
0xa3: {  	[sflag:s23] =	ssyncset.done $0x0  }
0xa4: {  	s25 =	simm.s32 $0x1B8E;
	s24 =	sld [smem:$0x3FFE];
	[sflag:s23] =	ssyncadd.s32 $0xFFFFFFFF  }
0xa5: {  	s26 =	simm.s32 $execute0_lowered;
	[smem:$0x3FD2] =	sst s25  }
0xa6: {  	s5 =	sshll.u32 s26, $0x1;
	_ =	strace $0x80000049;
	[dreg:$0x1] =	wrdreg $0xFFFFFFFF  }
0xa7: {  	s28 =	simm.s32 $_size_execute0_lowered;
	s3 =	sadd.s32 s3, s5;
	[dreg:$0x0] =	wrdreg $0x0  }
0xa8: {  	s5 =	sshll.u32 s28, $0x1;
	[dreg:$0x2] =	wrdreg s3  }
0xa9: {  	[dreg:$0x3] =	wrdreg s5  }
0xaa: {  	[dreg:$0x4] =	wrdreg $0xC0  }
0xab: {  	_ =	task [dreg:s7], $0x5FFFF  }
0xac: {  	[dreg:$0x1] =	wrdreg $0xFFFFFFFF  }
0xad: {  	[dreg:$0x0] =	wrdreg $0x60  }
0xae: {  	[dreg:$0x2] =	wrdreg s2  }
0xaf: {  	[dreg:$0x3] =	wrdreg s24  }
0xb0: {  	[dreg:$0x4] =	wrdreg $0x0  }
0xb1: {  	[dreg:$0x5] =	wrdreg $0x9  }
0xb2: {  	_ =	task.clear_ibuf [dreg:s7], $0x6FFFF;
	_ =	strace $0x90000049  }
0xb3: {  	s29 =	simm.s32 $0x9;
	_ =	strace $0x8000004B  }
0xb4: {  	_ =	swait.ge [sflag:s29], $0x1  }
0xb5: {  	[sflag:s29] =	ssyncadd.s32 $0xFFFFFFFF  }
0xb6: {  	_ =	strace $0x9000004B  }
0xb7: {  	_ =	sfence  }
0xb8: {  	s30 =	sld [smem:$0x0];
	_ =	sdelay $0x2  }
0xb9: {  	s31 =	sshll.u32 s1, $0xD;
	s1 =	sshrl.u32 s1, $0x2  }
0xba: {  	s3 =	sand.u32 $0x4000, s31;
	s1 =	sadd.s32 s1, s30  }
0xbb: {  	s0 =	sor.u32 s3, s0;
	s1 =	sshll.u32 s1, $0x11  }
0xbc: {  	s0 =	sor.u32 s1, s0  }
0xbd: {  	s0 =	sadd.s32 $0x8F2B, s0  }
0xbe: {  	[sflag:s0] =	ssyncadd.remote.s32 $0x1  }
0xbf: {  	_ =	sfence.sel $0xFFFF  }
0xc0: {  	[dreg:$0x0] =	wrdreg $0xFFFFFFFF;
	(pc) =	sbr.abs _section_cstart, $3  }
0xc1: {  	[dreg:$0x1] =	wrdreg $0xFFFFFFFF  }
0xc2: {  	_ =	task.clear_ibuf [dreg:s7], $0x2FFFF;
	_ =	strace $0x9FFFFFFF  }
0xc3: {  	(tm) =	ssettm $0x7FFFFFFF  }
tec
execute0_lowered:
.L_overlay_start_1:
0x0: {  	(tag) =	ssettag $0x1  }
0x1: {  	s1 =	rddreg [dreg:$0x0]  }
0x2: {  	s0 =	rddreg [dreg:$0x1]  }
0x3: {  	s2 =	rddreg [dreg:$0x2]  }
0x4: {  	s3 =	srdreg.scid;
	s4 =	simm.s32 $0x0;
	s5 =	stileid.u32  }
0x5: {  	s28 =	simm.s32 $0x3;
	s29 =	simm.s32 $0xA;
	s30 =	simm.s32 $0x5  }
0x6: {  	s31 =	simm.s32 $0x14190;
	s13 =	simm.s32 $0x8;
	s3 =	sand.u32 $0x1, s3  }
0x7: {  	[smem:$0x7FF] =	sst s4;
	s8 =	sshll.u32 s5, $0x7;
	s9 =	smul.u32 $0x13800, s5  }
0x8: {  	s10 =	sadd.s32 $0x6200, s0;
	s18 =	sshll.u32 s5, $0x6;
	s19 =	smul.u32 $0x14000, s5  }
0x9: {  	s12 =	sadd.s32 $0x27000, s1;
	s21 =	smul.u32 $0x5000, s5;
	s14 =	ssub.s32 $0x2, s3  }
0xa: {  	_ =	strace $0x8000004A;
	s7 =	sshll.u32 s3, $0xB;
	s11 =	smul.u32 $0x50000, s3  }
0xb: {  	[dreg:$0x6] =	wrdreg s12;
	p0 =	seq.s32 s3, $0x1;
	s3 =	simm.s32 $0x4  }
0xc: {  	s6 =	sshrl.u32 s14, $0x1;
	s15 =	sor.u32 s8, s7;
	s16 =	sadd.s32 s9, s2  }
0xd: {  	s17 =	sshrl.u32 s9, $0x3;
	s22 =	sshrl.u32 s19, $0x3;
	s9 =	sadd.s32 s19, s2  }
0xe: {  	s19 =	simm.s32 $0x14500;
	s7 =	simm.s32 $0x7;
	s4 =	ssub.s32 s14, s6  }
0xf: {  	s6 =	smul.u32 $0x14, s15;
	s8 =	sadd.s32 s1, s17;
	s14 =	sor.u32 $0x1C0B, s18  }
0x10: {  	s25 =	sshrl.u32 s16, $0x3;
	s18 =	simm.s32 $0x50;
	s26 =	sshrl.u32 s9, $0x3  }
0x11: {  	s9 =	simm.s32 $0x143C0;
	s16 =	simm.s32 $0x2;
	[dreg:$0x4] =	wrdreg s8  }
0x12: {  	s15 =	simm.s32 $0x14410;
	s17 =	simm.s32 $0x0;
	[dreg:$0xb] =	wrdreg s25  }
0x13: {  	s8 =	sadd.s32 $0x138000, s2;
	s4 =	smax.u32 s4, $0x1;
	[dreg:$0xd] =	wrdreg s26  }
0x14: {  	s26 =	simm.s32 $0x140F0;
	s25 =	simm.s32 $0x144B0;
	[dreg:$0x5] =	wrdreg s14  }
0x15: {  	s20 =	sadd.s32 s10, s6;
	s6 =	sadd.s32 s21, s11;
	[dreg:$0x9] =	wrdreg s4  }
0x16: {  	s21 =	simm.s32 $0x16D00;
	[dreg:$0x7] =	wrdreg s20;
	s12 =	sadd.s32 $0x50, s20  }
0x17: {  	s23 =	sor.u32 $0x500, s6;
	s6 =	sor.u32 $0x280, s6;
	s20 =	simm.s32 $0xB  }
0x18: {  	[dreg:$0x8] =	wrdreg s12;
	s12 =	simm.s32 $0x42200;
	s4 =	sshrl.u32 s23, $0x3  }
0x19: {  	s24 =	sshrl.u32 s6, $0x3;
	s6 =	simm.s32 $0x14320;
	s12 =	simm.s32 @!p0 $0x1A200  }
.Ltmp0:
0x1a: {  	s11 =	sadd.s32 s4, s10;
	p0 =	sne.s32 s5, $0x0;
	(pc) =	sbr.rel .LBB2_1-.Ltmp0, $4  }
0x1b: {  	s4 =	simm.s32 $0x6;
	s0 =	sadd.s32 s12, s0;
	s12 =	sadd.s32 s24, s10  }
0x1c: {  	s24 =	simm.s32 $0x1BD00;
	s10 =	simm.s32 $0x142D0;
	s0 =	sadd.s32 s0, s22  }
0x1d: {  	s22 =	simm.s32 $0x1;
	[dreg:$0xa] =	wrdreg s0;
	s0 =	sshrl.u32 @!p0 s8, $0x3  }
0x1e: {  	s8 =	simm.s32 $0x14230;
	[dreg:$0xc] =	wrdreg s0;
	s0 =	simm.s32 $0x19500  }
.LBB2_4:
0x1f: {  	[spmem:s2] =	stream.indirect.scatter.add.f32 [tilespmem:s24], [sflag:$0x8], $0x80, s25, s18, $0xb8;
	[tilespmem:$0x1E500] =	vst v63  }
0x20: {  	_ =	swait.ge [sflag:s7], $0x2800  }
0x21: {  	[sflag:s7] =	ssyncset.done $0x0  }
0x22: {  	[sflag:s7] =	ssyncadd.s32 $0xFFFFD800  }
0x23: {  	_ =	swait.ge [sflag:s13], $0x2800  }
0x24: {  	[sflag:s13] =	ssyncset.done $0x0  }
0x25: {  	[sflag:s13] =	ssyncadd.s32 $0xFFFFD800  }
0x26: {  	[bflag:$0x0] =	sbarrier.arrive $0xFFFF  }
0x27: {  	s14 =	rddreg [dreg:$0x5]  }
0x28: {  	s5 =	rddreg [dreg:$0xa]  }
0x29: {  	s20 =	simm.s32 $0xB;
	s17 =	rddreg [dreg:$0xd]  }
0x2a: {  	[hbm:s5], [sflag:s14] =	dma.local [spmem:s17], $0x2800  }
0x2b: {  	_ =	swait.ge [sflag:s20], $0x2800  }
0x2c: {  	s5 =	rddreg [dreg:$0xe]  }
0x2d: {  	s23 =	rddreg [dreg:$0x9];
	s17 =	sadd.s32 $0x1, s5  }
0x2e: {  	p1 =	sne.s32 s17, s23  }
.Ltmp1:
0x2f: {  	_ = 	snop;
	(pc) =	sbr.rel @!p1 .LBB2_5-.Ltmp1, $3  }
0x30: {  	_ =	sdelay $0x1  }
0x31: {  	[sflag:s20] =	ssyncset.done $0x0  }
0x32: {  	[sflag:s20] =	ssyncadd.s32 $0xFFFFD800  }
.LBB2_1:
0x33: {  	[dreg:$0xe] =	wrdreg s17  }
0x34: {  	s5 =	rddreg [dreg:$0x4]  }
0x35: {  	s23 =	rddreg [dreg:$0xb]  }
0x36: {  	[spmem:s23], [sflag:s14] =	dma.local [hbm:s5], $0x2700  }
0x37: {  	_ =	swait.ge [sflag:s20], $0x2700  }
0x38: {  	[sflag:s20] =	ssyncset.done $0x0;
	s5 =	rddreg [dreg:$0x6]  }
0x39: {  	s17 =	rddreg [dreg:$0xc];
	[sflag:s20] =	ssyncadd.s32 $0xFFFFD900  }
0x3a: {  	[spmem:s17], [sflag:s14] =	dma.local @!p0 [hbm:s5], $0x100  }
0x3b: {  	s14 =	simm.s32 @!p0 $0xB  }
0x3c: {  	_ =	swait.ge @!p0 [sflag:s14], $0x100  }
0x3d: {  	[sflag:s14] =	ssyncset.done @!p0 $0x0  }
0x3e: {  	[sflag:s14] =	ssyncadd.s32 @!p0 $0xFFFFFF00  }
0x3f: {  	[bflag:$0x0] =	sbarrier.arrive $0xFFFF  }
0x40: {  	s5 =	simm.s32 $0x0;
	s17 =	simm.s32 $0x14000;
	s23 =	rddreg [dreg:$0x7]  }
0x41: {  	[tilespmem:s17], [sflag:$0xB] =	stream.linear.gather [hbm4b:s23+s5], $0x280, $0x38;
	[tilespmem:$0x1E500] =	vst v63  }
0x42: {  	_ =	swait.ge [sflag:s20], $0x280  }
0x43: {  	[sflag:s20] =	ssyncset.done $0x0  }
0x44: {  	s23 =	simm.s32 $0x14280;
	[sflag:s20] =	ssyncadd.s32 $0xFFFFFD80;
	s20 =	rddreg [dreg:$0x8]  }
0x45: {  	[tilespmem:s23], [sflag:$0xA] =	stream.linear.gather [hbm4b:s20+s5], $0x280, $0x38;
	[tilespmem:$0x1E500] =	vst v63  }
0x46: {  	_ = 	snop  }
0x47: {  	[tilespmem:s19], [sflag:$0x1] =	stream.indirect.gather [hbm4b:s1+s18], $0x80, s17, s18, $0xb8;
	[tilespmem:$0x1E500] =	vst v63  }
0x48: {  	s14 =	simm.s32 $0x0;
	s23 =	simm.s32 $0x140A0  }
0x49: {  	[tilespmem:s21], [sflag:$0x2] =	stream.indirect.gather [hbm4b:s1+s18], $0x80, s23, s18, $0xb8;
	[tilespmem:$0x1E500] =	vst v63  }
.LBB2_2:
0x4a: {  	_ =	swait.ge [sflag:s22], $0x2800;
	p1 =	seq.s32 s14, $0x0  }
0x4b: {  	[sflag:s22] =	ssyncset.done $0x0;
	s5 =	simm.s32 @p1 $0x50  }
0x4c: {  	s20 =	simm.s32 @p1 $0x14140;
	s23 =	simm.s32 @p1 $0x19500;
	[sflag:s22] =	ssyncadd.s32 $0xFFFFD800  }
0x4d: {  	[tilespmem:s23], [sflag:$0x3] =	stream.indirect.gather @p1 [hbm4b:s1+s5], $0x80, s20, s5, $0xb8;
	[tilespmem:$0x1E500] =	vst v63  }
0x4e: {  	s20 =	simm.s32 @p1 $0x14050;
	s23 =	simm.s32 @p1 $0x14500  }
0x4f: {  	[spmem:s2] =	stream.indirect.scatter.add.f32 @p1 [tilespmem:s23], [sflag:$0x5], $0x80, s20, s5, $0xb8;
	[tilespmem:$0x1E500] =	vst v63  }
0x50: {  	s5 =	simm.s32 @p1 $0x2  }
0x51: {  	_ =	swait.ge @p1 [sflag:s5], $0x2800  }
0x52: {  	[sflag:s5] =	ssyncset.done @p1 $0x0  }
0x53: {  	[sflag:s5] =	ssyncadd.s32 @p1 $0xFFFFD800;
	s5 =	simm.s32 @!p1 $0x7  }
0x54: {  	_ =	swait.ge @!p1 [sflag:s5], $0x2800  }
0x55: {  	s20 =	simm.s32 @!p1 $0x14140;
	[sflag:s5] =	ssyncset.done @!p1 $0x0  }
0x56: {  	s23 =	simm.s32 @!p1 $0x19500;
	[sflag:s5] =	ssyncadd.s32 @!p1 $0xFFFFD800;
	s5 =	simm.s32 @!p1 $0x50  }
0x57: {  	[tilespmem:s23], [sflag:$0x3] =	stream.indirect.gather @!p1 [hbm4b:s1+s5], $0x80, s20, s5, $0xb8;
	[tilespmem:$0x1E500] =	vst v63  }
0x58: {  	s20 =	simm.s32 @!p1 $0x14050;
	s23 =	simm.s32 @!p1 $0x14500  }
0x59: {  	[spmem:s2] =	stream.indirect.scatter.add.f32 @!p1 [tilespmem:s23], [sflag:$0x5], $0x80, s20, s5, $0xb8;
	[tilespmem:$0x1E500] =	vst v63  }
0x5a: {  	s5 =	simm.s32 @!p1 $0x2  }
0x5b: {  	_ =	swait.ge @!p1 [sflag:s5], $0x2800  }
0x5c: {  	[sflag:s5] =	ssyncset.done @!p1 $0x0  }
0x5d: {  	[sflag:s5] =	ssyncadd.s32 @!p1 $0xFFFFD800;
	s5 =	simm.s32 @!p1 $0x8  }
0x5e: {  	_ =	swait.ge @!p1 [sflag:s5], $0x2800  }
0x5f: {  	s20 =	simm.s32 @!p1 $0x0;
	[sflag:s5] =	ssyncset.done @!p1 $0x0  }
0x60: {  	s23 =	simm.s32 @!p1 $0x14280;
	[sflag:s5] =	ssyncadd.s32 @!p1 $0xFFFFD800;
	s5 =	sadd.s32 @!p1 s14, s12  }
0x61: {  	[tilespmem:s23], [sflag:$0xA] =	stream.linear.gather @!p1 [hbm4b:s5+s20], $0x280, $0x38;
	[tilespmem:$0x1E500] =	vst v63  }
0x62: {  	s20 =	simm.s32 $0x141E0  }
0x63: {  	[tilespmem:s24], [sflag:$0x4] =	stream.indirect.gather [hbm4b:s1+s18], $0x80, s20, s18, $0xb8;
	[tilespmem:$0x1E500] =	vst v63  }
0x64: {  	_ = 	snop  }
0x65: {  	[spmem:s2] =	stream.indirect.scatter.add.f32 [tilespmem:s21], [sflag:$0x6], $0x80, s26, s18, $0xb8;
	[tilespmem:$0x1E500] =	vst v63  }
0x66: {  	_ =	swait.ge [sflag:s28], $0x2800  }
0x67: {  	[sflag:s28] =	ssyncset.done $0x0  }
0x68: {  	[sflag:s28] =	ssyncadd.s32 $0xFFFFD800  }
0x69: {  	_ =	swait.ge [sflag:s29], $0x280  }
0x6a: {  	[sflag:s29] =	ssyncset.done $0x0  }
0x6b: {  	[sflag:s29] =	ssyncadd.s32 $0xFFFFFD80  }
0x6c: {  	_ =	swait.ge [sflag:s30], $0x2800  }
0x6d: {  	[sflag:s30] =	ssyncset.done $0x0  }
0x6e: {  	s23 =	simm.s32 $0x14280;
	[sflag:s30] =	ssyncadd.s32 $0xFFFFD800  }
0x6f: {  	[tilespmem:s19], [sflag:$0x1] =	stream.indirect.gather [hbm4b:s1+s18], $0x80, s23, s18, $0xb8;
	[tilespmem:$0x1E500] =	vst v63  }
0x70: {  	_ = 	snop  }
0x71: {  	[spmem:s2] =	stream.indirect.scatter.add.f32 [tilespmem:s0], [sflag:$0x7], $0x80, s31, s18, $0xb8;
	[tilespmem:$0x1E500] =	vst v63  }
0x72: {  	_ =	swait.ge [sflag:s3], $0x2800  }
0x73: {  	[sflag:s3] =	ssyncset.done $0x0  }
0x74: {  	[sflag:s3] =	ssyncadd.s32 $0xFFFFD800  }
0x75: {  	_ =	swait.ge [sflag:s4], $0x2800  }
0x76: {  	[sflag:s4] =	ssyncset.done $0x0  }
0x77: {  	[sflag:s4] =	ssyncadd.s32 $0xFFFFD800  }
0x78: {  	[tilespmem:s21], [sflag:$0x2] =	stream.indirect.gather [hbm4b:s1+s18], $0x80, s6, s18, $0xb8;
	[tilespmem:$0x1E500] =	vst v63  }
0x79: {  	_ = 	snop  }
0x7a: {  	[spmem:s2] =	stream.indirect.scatter.add.f32 [tilespmem:s24], [sflag:$0x8], $0x80, s8, s18, $0xb8;
	[tilespmem:$0x1E500] =	vst v63  }
0x7b: {  	_ =	swait.ge [sflag:s22], $0x2800  }
0x7c: {  	[sflag:s22] =	ssyncset.done $0x0  }
0x7d: {  	[sflag:s22] =	ssyncadd.s32 $0xFFFFD800  }
0x7e: {  	_ =	swait.ge [sflag:s7], $0x2800  }
0x7f: {  	[sflag:s7] =	ssyncset.done $0x0  }
0x80: {  	[sflag:s7] =	ssyncadd.s32 $0xFFFFD800  }
0x81: {  	[tilespmem:s0], [sflag:$0x3] =	stream.indirect.gather [hbm4b:s1+s18], $0x80, s9, s18, $0xb8;
	[tilespmem:$0x1E500] =	vst v63  }
0x82: {  	_ = 	snop  }
0x83: {  	[spmem:s2] =	stream.indirect.scatter.add.f32 [tilespmem:s19], [sflag:$0x5], $0x80, s10, s18, $0xb8;
	[tilespmem:$0x1E500] =	vst v63  }
0x84: {  	_ =	swait.ge [sflag:s16], $0x2800  }
0x85: {  	[sflag:s16] =	ssyncset.done $0x0  }
0x86: {  	[sflag:s16] =	ssyncadd.s32 $0xFFFFD800  }
0x87: {  	p1 =	seq.s32 s14, $0x960;
	_ =	swait.ge [sflag:s13], $0x2800  }
0x88: {  	s5 =	simm.s32 @p1 $0x50;
	[sflag:s13] =	ssyncset.done $0x0  }
0x89: {  	s20 =	simm.s32 @p1 $0x14460;
	s23 =	simm.s32 @p1 $0x1BD00;
	[sflag:s13] =	ssyncadd.s32 $0xFFFFD800  }
0x8a: {  	[tilespmem:s23], [sflag:$0x4] =	stream.indirect.gather @p1 [hbm4b:s1+s5], $0x80, s20, s5, $0xb8;
	[tilespmem:$0x1E500] =	vst v63  }
0x8b: {  	s20 =	simm.s32 @p1 $0x14370;
	s23 =	simm.s32 @p1 $0x16D00  }
0x8c: {  	[spmem:s2] =	stream.indirect.scatter.add.f32 @p1 [tilespmem:s23], [sflag:$0x6], $0x80, s20, s5, $0xb8;
	[tilespmem:$0x1E500] =	vst v63  }
0x8d: {  	s5 =	simm.s32 @p1 $0x3  }
0x8e: {  	_ =	swait.ge @p1 [sflag:s5], $0x2800  }
0x8f: {  	[sflag:s5] =	ssyncset.done @p1 $0x0  }
0x90: {  	[sflag:s5] =	ssyncadd.s32 @p1 $0xFFFFD800;
	s5 =	simm.s32 @p1 $0x5  }
0x91: {  	_ =	swait.ge @p1 [sflag:s5], $0x2800  }
0x92: {  	s20 =	simm.s32 @!p1 $0x0;
	[sflag:s5] =	ssyncset.done @p1 $0x0  }
0x93: {  	s23 =	simm.s32 @!p1 $0x14000;
	[sflag:s5] =	ssyncadd.s32 @p1 $0xFFFFD800;
	s5 =	sadd.s32 @!p1 s14, s11  }
0x94: {  	[tilespmem:s23], [sflag:$0x9] =	stream.linear.gather @!p1 [hbm4b:s5+s20], $0x280, $0x38;
	[tilespmem:$0x1E500] =	vst v63  }
0x95: {  	s17 =	simm.s32 @!p1 $0x1BD00;
	s5 =	simm.s32 @!p1 $0x50;
	s20 =	simm.s32 @!p1 $0x14460  }
0x96: {  	[tilespmem:s17], [sflag:$0x4] =	stream.indirect.gather @!p1 [hbm4b:s1+s5], $0x80, s20, s5, $0xb8;
	[tilespmem:$0x1E500] =	vst v63  }
0x97: {  	s17 =	simm.s32 @!p1 $0x14370;
	s20 =	simm.s32 @!p1 $0x16D00  }
0x98: {  	[spmem:s2] =	stream.indirect.scatter.add.f32 @!p1 [tilespmem:s20], [sflag:$0x6], $0x80, s17, s5, $0xb8;
	[tilespmem:$0x1E500] =	vst v63  }
0x99: {  	s17 =	simm.s32 @!p1 $0x3  }
0x9a: {  	_ =	swait.ge @!p1 [sflag:s17], $0x2800  }
0x9b: {  	[sflag:s17] =	ssyncset.done @!p1 $0x0  }
0x9c: {  	[sflag:s17] =	ssyncadd.s32 @!p1 $0xFFFFD800;
	s17 =	simm.s32 @!p1 $0x5  }
0x9d: {  	_ =	swait.ge @!p1 [sflag:s17], $0x2800  }
0x9e: {  	[sflag:s17] =	ssyncset.done @!p1 $0x0  }
0x9f: {  	[sflag:s17] =	ssyncadd.s32 @!p1 $0xFFFFD800;
	s17 =	simm.s32 @!p1 $0x9  }
0xa0: {  	_ =	swait.ge @!p1 [sflag:s17], $0x280  }
0xa1: {  	[sflag:s17] =	ssyncset.done @!p1 $0x0  }
0xa2: {  	[sflag:s17] =	ssyncadd.s32 @!p1 $0xFFFFFD80;
	s17 =	simm.s32 @!p1 $0x14500  }
0xa3: {  	[tilespmem:s17], [sflag:$0x1] =	stream.indirect.gather @!p1 [hbm4b:s1+s5], $0x80, s23, s5, $0xb8;
	[tilespmem:$0x1E500] =	vst v63  }
0xa4: {  	_ = 	snop  }
0xa5: {  	[spmem:s2] =	stream.indirect.scatter.add.f32 [tilespmem:s0], [sflag:$0x7], $0x80, s15, s18, $0xb8;
	[tilespmem:$0x1E500] =	vst v63  }
0xa6: {  	_ =	swait.ge [sflag:s3], $0x2800  }
.Ltmp2:
0xa7: {  	[sflag:s3] =	ssyncset.done $0x0;
	(pc) =	sbr.rel @p1 .LBB2_4-.Ltmp2, $4  }
0xa8: {  	[sflag:s3] =	ssyncadd.s32 $0xFFFFD800  }
0xa9: {  	_ =	swait.ge [sflag:s4], $0x2800  }
0xaa: {  	[sflag:s4] =	ssyncset.done $0x0  }
0xab: {  	[sflag:s4] =	ssyncadd.s32 $0xFFFFD800  }
.Ltmp3:
0xac: {  	(pc) =	sbr.rel .LBB2_2-.Ltmp3, $4  }
0xad: {  	s5 =	simm.s32 $0x140A0  }
0xae: {  	[tilespmem:s21], [sflag:$0x2] =	stream.indirect.gather [hbm4b:s1+s18], $0x80, s5, s18, $0xb8;
	[tilespmem:$0x1E500] =	vst v63  }
0xaf: {  	s14 =	sadd.s32 $0xA0, s14  }
0xb0: {  	[spmem:s2] =	stream.indirect.scatter.add.f32 [tilespmem:s24], [sflag:$0x8], $0x80, s25, s18, $0xb8;
	[tilespmem:$0x1E500] =	vst v63  }
.LBB2_5:
0xb1: {  	_ =	sfence.sel $0x180000  }
0xb2: {  	[bflag:$0x0] =	sbarrier.arrive $0xFFFF  }
0xb3: {  	_ =	strace $0x9000004A  }
0xb4: {  	[bflag:$0x2] =	sbarrier.arrive $0xFFFF  }
0xb5: {  	s0 =	rddreg [dreg:$0x3]  }
0xb6: {  	s0 =	sadd.s32 @!p0 $0x100000, s0  }
0xb7: {  	[sflag:s0] =	ssyncadd.tile.s32 @!p0 $0x1;
	_ =	shalt  }
.Lfunc_end2:
_tile_overlayer_lowered:
.L_overlay_start_2:
0xb8: {  	(tag) =	ssettag $0x2  }
0xb9: {  	s0 =	rddreg [dreg:$0x0];
	s2 =	stileid.u32  }
0xba: {  	s1 =	rddreg [dreg:$0x1];
	p0 =	sne.s32 s2, $0x0  }
0xbb: {  	s3 =	rddreg [dreg:$0x2];
	[bflag:$0x3] =	sbarrier.arrive $0xFFFF;
	s2 =	simm.s32 @!p0 $0x1C0B  }
0xbc: {  	[timem:s3], [sflag:s2] =	dma.local @!p0 [hbm:s0], s1  }
0xbd: {  	s0 =	simm.s32 @!p0 $0xB  }
0xbe: {  	_ =	swait.ge @!p0 [sflag:s0], s1  }
0xbf: {  	s1 =	ssub.s32 @!p0 $0x0, s1;
	[sflag:s0] =	ssyncset.done @!p0 $0x0  }
0xc0: {  	[sflag:s0] =	ssyncadd.s32 @!p0 s1  }
0xc1: {  	[bflag:$0x3] =	sbarrier.arrive $0xFFFF  }
0xc2: {  	_ =	shalt  }

// kernel: kernel.16.cloned.1.call-start
scs
__scs_entry_jumppad:
0x0: {  	(pc) =	sbr.rel $0x88, $3  }
0x1: {  	(tag) =	ssettag $0x0;
	lr =	simm.s32 $0x1  }
0x2: {  	[smem:$0x3F99] =	sst lr;
	_ =	strace $0xD0000000  }
0x3: {  	_ = 	snop  }
0x4: {  	_ = 	snop  }
0x5: {  	_ = 	snop  }
0x6: {  	_ = 	snop  }
0x7: {  	_ = 	snop  }
__scs_overlays_trampoline_lowered:
0x8: {  	[smem:$0x3FA8] =	sst s0  }
0x9: {  	[smem:$0x3FA9] =	sst s1  }
0xa: {  	[smem:$0x3FAA] =	sst s2  }
0xb: {  	[smem:$0x3FAB] =	sst s3  }
0xc: {  	[smem:$0x3FAC] =	sst s4  }
0xd: {  	[smem:$0x3FAD] =	sst s5  }
0xe: {  	[smem:$0x3FAE] =	sst s6  }
0xf: {  	[smem:$0x3FAF] =	sst s7  }
0x10: {  	[smem:$0x3FB0] =	sst s8  }
0x11: {  	[smem:$0x3FB1] =	sst s9;
	s0 =	simm.s32 @!p0 $0x0  }
0x12: {  	s1 =	sld [smem:$0x3F97];
	s0 =	simm.s32 @p0 $0x1  }
0x13: {  	[smem:$0x3FB2] =	sst s0;
	s0 =	simm.s32 @!p1 $0x0  }
0x14: {  	s2 =	sld [smem:$0x3F96];
	s0 =	simm.s32 @p1 $0x1  }
0x15: {  	[smem:$0x3FB3] =	sst s0;
	s0 =	simm.s32 @!p2 $0x0  }
0x16: {  	s3 =	sld [smem:$0x3FDB];
	s0 =	simm.s32 @p2 $0x1  }
0x17: {  	s4 =	simm.s32 $0x1BF5;
	[smem:$0x3FB5] =	sst s0  }
0x18: {  	s0 =	sld [smem:$0x3F98];
	_ =	swait.ge [sflag:s4], $0x0  }
0x19: {  	s7 =	sld [smem:$0x3F99]  }
0x1a: {  	s8 =	sadd.s32 $0xFFFFE003, lr  }
0x1b: {  	s9 =	sadd.s32 $0xFFFFFEF7, lr;
	s5 =	simm.s32 $0xFFFFFFFF;
	p2 =	slt.u32 s8, $0xFFFFF086  }
0x1c: {  	p1 =	slt.u32 s9, $0xF7A;
	s5 =	simm.s32 @!p2 $0x0  }
0x1d: {  	s5 =	simm.s32 @p1 $0x1;
	p0 =	seq.s32 s7, s2  }
0x1e: {  	s7 =	smul.u32 @!p0 $0xF7A, s2;
	p2 =	seq.s32 @!p0 s5, $0x0  }
0x1f: {  	s9 =	smul.u32 $0xF7A, s1;
	s8 =	simm.s32 @!p0 $0x1BF5;
	p2 =	por !p2, p0  }
0x20: {  	[sflag:s8] =	ssyncset.s32 @!p0 $0xFFFFF086;
	s6 =	sadd.s32 @!p0 s3, s7;
	s7 =	simm.s32 @!p0 $0x108  }
0x21: {  	s3 =	sadd.s32 s3, s9;
	s6 =	sadd.s32 @!p0 $0x88, s6;
	s7 =	simm.s32 @p2 $0x1082  }
0x22: {  	[simem:s7], [sflag:s8] =	dma.local @!p0 [hbm:s6], $0xF7A  }
0x23: {  	s9 =	sor.u32 $0xD0000000, s2;
	s6 =	simm.s32 $0x108;
	_ =	swait.ge @!p0 [sflag:s8], $0x0  }
0x24: {  	s3 =	sadd.s32 $0x88, s3;
	s6 =	simm.s32 @!p1 $0x1082;
	[sflag:s4] =	ssyncset.s32 $0xFFFFF086  }
0x25: {  	[simem:s6], [sflag:s4] =	dma.local [hbm:s3], $0xF7A  }
0x26: {  	[smem:$0x3F99] =	sst s1;
	(tag) =	ssettag s2;
	_ =	strace s9  }
0x27: {  	s1 =	sld [smem:$0x3FA9]  }
0x28: {  	s2 =	sld [smem:$0x3FAA]  }
0x29: {  	s4 =	sld [smem:$0x3FAC]  }
0x2a: {  	p0 =	seq.s32 s5, $0x0;
	s5 =	sld [smem:$0x3FAD]  }
0x2b: {  	s6 =	sld [smem:$0x3FAE]  }
0x2c: {  	s7 =	sld [smem:$0x3FAF]  }
0x2d: {  	s3 =	simm.s32 $0x108;
	s8 =	sld [smem:$0x3FB0]  }
0x2e: {  	s3 =	simm.s32 @!p0 $0x1082;
	s9 =	sld [smem:$0x3FB1]  }
0x2f: {  	lr =	sadd.s32 s0, s3;
	s0 =	sld [smem:$0x3FA8]  }
0x30: {  	s3 =	sld [smem:$0x3FAB]  }
0x31: {  	[smem:$0x3FB4] =	sst s10  }
0x32: {  	s10 =	sld [smem:$0x3FB2];
	_ =	sdelay $0x3  }
0x33: {  	p0 =	seq.s32 s10, $0x1;
	s10 =	sld [smem:$0x3FB4];
	_ =	sdelay $0x3  }
0x34: {  	[smem:$0x3FB4] =	sst s10  }
0x35: {  	s10 =	sld [smem:$0x3FB3];
	_ =	sdelay $0x3  }
0x36: {  	p1 =	seq.s32 s10, $0x1;
	s10 =	sld [smem:$0x3FB4];
	_ =	sdelay $0x3  }
0x37: {  	[smem:$0x3FB4] =	sst s10  }
0x38: {  	s10 =	sld [smem:$0x3FB5]  }
0x39: {  	_ = 	snop;
	(pc) =	sbr.ind lr, $3  }
0x3a: {  	_ = 	snop  }
0x3b: {  	_ = 	snop  }
0x3c: {  	p2 =	seq.s32 s10, $0x1;
	s10 =	sld [smem:$0x3FB4]  }
0x3d: {  	_ =	shalt  }
0x3e: {  	_ =	shalt  }
0x3f: {  	_ =	shalt  }
0x40: {  	_ =	shalt  }
0x41: {  	_ =	shalt  }
0x42: {  	_ =	shalt  }
0x43: {  	_ =	shalt  }
0x44: {  	_ =	shalt  }
0x45: {  	_ =	shalt  }
0x46: {  	_ =	shalt  }
0x47: {  	_ =	shalt  }
0x48: {  	_ =	shalt  }
0x49: {  	_ =	shalt  }
0x4a: {  	_ =	shalt  }
0x4b: {  	_ =	shalt  }
0x4c: {  	_ =	shalt  }
0x4d: {  	_ =	shalt  }
0x4e: {  	_ =	shalt  }
0x4f: {  	_ =	shalt  }
0x50: {  	_ =	shalt  }
0x51: {  	_ =	shalt  }
0x52: {  	_ =	shalt  }
0x53: {  	_ =	shalt  }
0x54: {  	_ =	shalt  }
0x55: {  	_ =	shalt  }
0x56: {  	_ =	shalt  }
0x57: {  	_ =	shalt  }
0x58: {  	_ =	shalt  }
0x59: {  	_ =	shalt  }
0x5a: {  	_ =	shalt  }
0x5b: {  	_ =	shalt  }
0x5c: {  	_ =	shalt  }
0x5d: {  	_ =	shalt  }
0x5e: {  	_ =	shalt  }
0x5f: {  	_ =	shalt  }
0x60: {  	_ =	shalt  }
0x61: {  	_ =	shalt  }
0x62: {  	_ =	shalt  }
0x63: {  	_ =	shalt  }
0x64: {  	_ =	shalt  }
0x65: {  	_ =	shalt  }
0x66: {  	_ =	shalt  }
0x67: {  	_ =	shalt  }
0x68: {  	_ =	shalt  }
0x69: {  	_ =	shalt  }
0x6a: {  	_ =	shalt  }
0x6b: {  	_ =	shalt  }
0x6c: {  	_ =	shalt  }
0x6d: {  	_ =	shalt  }
0x6e: {  	_ =	shalt  }
0x6f: {  	_ =	shalt  }
0x70: {  	_ =	shalt  }
0x71: {  	_ =	shalt  }
0x72: {  	_ =	shalt  }
0x73: {  	_ =	shalt  }
0x74: {  	_ =	shalt  }
0x75: {  	_ =	shalt  }
0x76: {  	_ =	shalt  }
0x77: {  	_ =	shalt  }
0x78: {  	_ =	shalt  }
0x79: {  	_ =	shalt  }
0x7a: {  	_ =	shalt  }
0x7b: {  	_ =	shalt  }
0x7c: {  	_ =	shalt  }
0x7d: {  	_ =	shalt  }
0x7e: {  	_ =	shalt  }
0x7f: {  	_ =	shalt  }
0x80: {  	_ =	shalt  }
0x81: {  	_ =	shalt  }
0x82: {  	_ =	shalt  }
0x83: {  	_ =	shalt  }
0x84: {  	_ =	shalt  }
0x85: {  	_ =	shalt  }
0x86: {  	_ =	shalt  }
0x87: {  	_ =	shalt  }
.Lfunc_end0:
.L_simem_size_0:
called_computation.2_lowered:
.L_overlay_start_0:
0x88: {  	s2 =	sld [smem:$0x3FD9]  }
0x89: {  	s3 =	sld [smem:$0x3FFE];
	_ =	sdelay $0x1  }
0x8a: {  	s1 =	srdreg.scid  }
0x8b: {  	s0 =	sand.u32 $0x1, s1  }
0x8c: {  	s17 =	sshll.u32 s0, $0xA;
	s2 =	sadd.s32 s3, s2  }
0x8d: {  	s2 =	sadd.s32 s2, s17  }
0x8e: {  	[smem:$0x3FC0] =	sst s2  }
0x8f: {  	_ = 	snop  }
0x90: {  	s2 =	sld [smem:$0x3FD0];
	(tm) =	ssettm $0x1  }
0x91: {  	s18 =	sld [smem:$0x3FFB];
	_ =	sdelay $0x3  }
0x92: {  	_ =	strace s18  }
0x93: {  	s3 =	sld [smem:$0x3FFC];
	_ =	sdelay $0x3  }
0x94: {  	_ =	strace s3  }
0x95: {  	s3 =	sld [smem:$0x3FFD];
	_ =	sdelay $0x3  }
0x96: {  	_ =	strace s3  }
0x97: {  	_ =	strace $0x8FFFFFFF  }
0x98: {  	s19 =	sld [smem:$0x3FDB];
	_ =	sdelay $0x1  }
0x99: {  	s4 =	simm.s32 $_scs_section_size  }
0x9a: {  	s5 =	simm.s32 $_size__tile_overlayer_lowered;
	s6 =	simm.s32 $_tile_overlayer_lowered  }
0x9b: {  	s22 =	simm.s32 $0x1BFF;
	s21 =	sshll.u32 s6, $0x1;
	s3 =	sadd.s32 s4, s19  }
0x9c: {  	s7 =	simm.s32 $0x0;
	s20 =	sshll.u32 s5, $0x1;
	s5 =	sadd.s32 s21, s3  }
0x9d: {  	[timem:s7], [sflag:s22] =	dma.local [hbm:s5], s20  }
0x9e: {  	_ =	swait.ge [sflag:s22], s20  }
0x9f: {  	s4 =	ssub.s32 $0x0, s20;
	[sflag:s22] =	ssyncset.done $0x0  }
0xa0: {  	[sflag:s22] =	ssyncadd.s32 s4;
	_ =	sdelay $0x1  }
0xa1: {  	s23 =	simm.s32 $0x1B8B  }
0xa2: {  	_ =	swait.ge [sflag:s23], $0x1  }
0xa3: {  	[sflag:s23] =	ssyncset.done $0x0  }
0xa4: {  	s25 =	simm.s32 $0x1B8E;
	s24 =	sld [smem:$0x3FFE];
	[sflag:s23] =	ssyncadd.s32 $0xFFFFFFFF  }
0xa5: {  	s26 =	simm.s32 $execute0_lowered;
	[smem:$0x3FD2] =	sst s25  }
0xa6: {  	s5 =	sshll.u32 s26, $0x1;
	_ =	strace $0x8000004C;
	[dreg:$0x1] =	wrdreg $0xFFFFFFFF  }
0xa7: {  	s28 =	simm.s32 $_size_execute0_lowered;
	s3 =	sadd.s32 s3, s5;
	[dreg:$0x0] =	wrdreg $0x0  }
0xa8: {  	s5 =	sshll.u32 s28, $0x1;
	[dreg:$0x2] =	wrdreg s3  }
0xa9: {  	[dreg:$0x3] =	wrdreg s5  }
0xaa: {  	[dreg:$0x4] =	wrdreg $0xC0  }
0xab: {  	_ =	task [dreg:s7], $0x5FFFF  }
0xac: {  	[dreg:$0x1] =	wrdreg $0xFFFFFFFF  }
0xad: {  	[dreg:$0x0] =	wrdreg $0x60  }
0xae: {  	[dreg:$0x2] =	wrdreg s2  }
0xaf: {  	[dreg:$0x3] =	wrdreg s24  }
0xb0: {  	[dreg:$0x4] =	wrdreg $0x0  }
0xb1: {  	[dreg:$0x5] =	wrdreg $0x9  }
0xb2: {  	_ =	task.clear_ibuf [dreg:s7], $0x6FFFF;
	_ =	strace $0x9000004C  }
0xb3: {  	s29 =	simm.s32 $0x9;
	_ =	strace $0x8000004E  }
0xb4: {  	_ =	swait.ge [sflag:s29], $0x1  }
0xb5: {  	[sflag:s29] =	ssyncadd.s32 $0xFFFFFFFF  }
0xb6: {  	_ =	strace $0x9000004E  }
0xb7: {  	_ =	sfence  }
0xb8: {  	s30 =	sld [smem:$0x0];
	_ =	sdelay $0x2  }
0xb9: {  	s31 =	sshll.u32 s1, $0xD;
	s1 =	sshrl.u32 s1, $0x2  }
0xba: {  	s3 =	sand.u32 $0x4000, s31;
	s1 =	sadd.s32 s1, s30  }
0xbb: {  	s0 =	sor.u32 s3, s0;
	s1 =	sshll.u32 s1, $0x11  }
0xbc: {  	s0 =	sor.u32 s1, s0  }
0xbd: {  	s0 =	sadd.s32 $0x8F2B, s0  }
0xbe: {  	[sflag:s0] =	ssyncadd.remote.s32 $0x1  }
0xbf: {  	_ =	sfence.sel $0xFFFF  }
0xc0: {  	[dreg:$0x0] =	wrdreg $0xFFFFFFFF;
	(pc) =	sbr.abs _section_cstart, $3  }
0xc1: {  	[dreg:$0x1] =	wrdreg $0xFFFFFFFF  }
0xc2: {  	_ =	task.clear_ibuf [dreg:s7], $0x2FFFF;
	_ =	strace $0x9FFFFFFF  }
0xc3: {  	(tm) =	ssettm $0x7FFFFFFF  }
tec
execute0_lowered:
.L_overlay_start_1:
0x0: {  	(tag) =	ssettag $0x1  }
0x1: {  	s1 =	rddreg [dreg:$0x0]  }
0x2: {  	s0 =	rddreg [dreg:$0x1]  }
0x3: {  	s2 =	rddreg [dreg:$0x2]  }
0x4: {  	s3 =	srdreg.scid;
	s4 =	simm.s32 $0x0;
	s5 =	stileid.u32  }
0x5: {  	s28 =	simm.s32 $0x3;
	s29 =	simm.s32 $0xA;
	s30 =	simm.s32 $0x5  }
0x6: {  	s31 =	simm.s32 $0x14190;
	s13 =	simm.s32 $0x8;
	s3 =	sand.u32 $0x1, s3  }
0x7: {  	[smem:$0x7FF] =	sst s4;
	s8 =	sshll.u32 s5, $0x7;
	s9 =	smul.u32 $0x13800, s5  }
0x8: {  	s10 =	sadd.s32 $0x6200, s0;
	s18 =	sshll.u32 s5, $0x6;
	s19 =	smul.u32 $0x14000, s5  }
0x9: {  	s12 =	sadd.s32 $0x27000, s1;
	s21 =	smul.u32 $0x5000, s5;
	s14 =	ssub.s32 $0x2, s3  }
0xa: {  	_ =	strace $0x8000004D;
	s7 =	sshll.u32 s3, $0xB;
	s11 =	smul.u32 $0x50000, s3  }
0xb: {  	[dreg:$0x6] =	wrdreg s12;
	p0 =	seq.s32 s3, $0x1;
	s3 =	simm.s32 $0x4  }
0xc: {  	s6 =	sshrl.u32 s14, $0x1;
	s15 =	sor.u32 s8, s7;
	s16 =	sadd.s32 s9, s2  }
0xd: {  	s17 =	sshrl.u32 s9, $0x3;
	s22 =	sshrl.u32 s19, $0x3;
	s9 =	sadd.s32 s19, s2  }
0xe: {  	s19 =	simm.s32 $0x14500;
	s7 =	simm.s32 $0x7;
	s4 =	ssub.s32 s14, s6  }
0xf: {  	s6 =	smul.u32 $0x14, s15;
	s8 =	sadd.s32 s1, s17;
	s14 =	sor.u32 $0x1C0B, s18  }
0x10: {  	s25 =	sshrl.u32 s16, $0x3;
	s18 =	simm.s32 $0x50;
	s26 =	sshrl.u32 s9, $0x3  }
0x11: {  	s9 =	simm.s32 $0x143C0;
	s16 =	simm.s32 $0x2;
	[dreg:$0x4] =	wrdreg s8  }
0x12: {  	s15 =	simm.s32 $0x14410;
	s17 =	simm.s32 $0x0;
	[dreg:$0xb] =	wrdreg s25  }
0x13: {  	s8 =	sadd.s32 $0x138000, s2;
	s4 =	smax.u32 s4, $0x1;
	[dreg:$0xd] =	wrdreg s26  }
0x14: {  	s26 =	simm.s32 $0x140F0;
	s25 =	simm.s32 $0x144B0;
	[dreg:$0x5] =	wrdreg s14  }
0x15: {  	s20 =	sadd.s32 s10, s6;
	s6 =	sadd.s32 s21, s11;
	[dreg:$0x9] =	wrdreg s4  }
0x16: {  	s21 =	simm.s32 $0x16D00;
	[dreg:$0x7] =	wrdreg s20;
	s12 =	sadd.s32 $0x50, s20  }
0x17: {  	s23 =	sor.u32 $0x500, s6;
	s6 =	sor.u32 $0x280, s6;
	s20 =	simm.s32 $0xB  }
0x18: {  	[dreg:$0x8] =	wrdreg s12;
	s12 =	simm.s32 $0x42200;
	s4 =	sshrl.u32 s23, $0x3  }
0x19: {  	s24 =	sshrl.u32 s6, $0x3;
	s6 =	simm.s32 $0x14320;
	s12 =	simm.s32 @!p0 $0x1A200  }
.Ltmp0:
0x1a: {  	s11 =	sadd.s32 s4, s10;
	p0 =	sne.s32 s5, $0x0;
	(pc) =	sbr.rel .LBB2_1-.Ltmp0, $4  }
0x1b: {  	s4 =	simm.s32 $0x6;
	s0 =	sadd.s32 s12, s0;
	s12 =	sadd.s32 s24, s10  }
0x1c: {  	s24 =	simm.s32 $0x1BD00;
	s10 =	simm.s32 $0x142D0;
	s0 =	sadd.s32 s0, s22  }
0x1d: {  	s22 =	simm.s32 $0x1;
	[dreg:$0xa] =	wrdreg s0;
	s0 =	sshrl.u32 @!p0 s8, $0x3  }
0x1e: {  	s8 =	simm.s32 $0x14230;
	[dreg:$0xc] =	wrdreg s0;
	s0 =	simm.s32 $0x19500  }
.LBB2_4:
0x1f: {  	[spmem:s2] =	stream.indirect.scatter.add.f32 [tilespmem:s24], [sflag:$0x8], $0x80, s25, s18, $0xb8;
	[tilespmem:$0x1E500] =	vst v63  }
0x20: {  	_ =	swait.ge [sflag:s7], $0x2800  }
0x21: {  	[sflag:s7] =	ssyncset.done $0x0  }
0x22: {  	[sflag:s7] =	ssyncadd.s32 $0xFFFFD800  }
0x23: {  	_ =	swait.ge [sflag:s13], $0x2800  }
0x24: {  	[sflag:s13] =	ssyncset.done $0x0  }
0x25: {  	[sflag:s13] =	ssyncadd.s32 $0xFFFFD800  }
0x26: {  	[bflag:$0x0] =	sbarrier.arrive $0xFFFF  }
0x27: {  	s14 =	rddreg [dreg:$0x5]  }
0x28: {  	s5 =	rddreg [dreg:$0xa]  }
0x29: {  	s20 =	simm.s32 $0xB;
	s17 =	rddreg [dreg:$0xd]  }
0x2a: {  	[hbm:s5], [sflag:s14] =	dma.local [spmem:s17], $0x2800  }
0x2b: {  	_ =	swait.ge [sflag:s20], $0x2800  }
0x2c: {  	s5 =	rddreg [dreg:$0xe]  }
0x2d: {  	s23 =	rddreg [dreg:$0x9];
	s17 =	sadd.s32 $0x1, s5  }
0x2e: {  	p1 =	sne.s32 s17, s23  }
.Ltmp1:
0x2f: {  	_ = 	snop;
	(pc) =	sbr.rel @!p1 .LBB2_5-.Ltmp1, $3  }
0x30: {  	_ =	sdelay $0x1  }
0x31: {  	[sflag:s20] =	ssyncset.done $0x0  }
0x32: {  	[sflag:s20] =	ssyncadd.s32 $0xFFFFD800  }
.LBB2_1:
0x33: {  	[dreg:$0xe] =	wrdreg s17  }
0x34: {  	s5 =	rddreg [dreg:$0x4]  }
0x35: {  	s23 =	rddreg [dreg:$0xb]  }
0x36: {  	[spmem:s23], [sflag:s14] =	dma.local [hbm:s5], $0x2700  }
0x37: {  	_ =	swait.ge [sflag:s20], $0x2700  }
0x38: {  	[sflag:s20] =	ssyncset.done $0x0;
	s5 =	rddreg [dreg:$0x6]  }
0x39: {  	s17 =	rddreg [dreg:$0xc];
	[sflag:s20] =	ssyncadd.s32 $0xFFFFD900  }
0x3a: {  	[spmem:s17], [sflag:s14] =	dma.local @!p0 [hbm:s5], $0x100  }
0x3b: {  	s14 =	simm.s32 @!p0 $0xB  }
0x3c: {  	_ =	swait.ge @!p0 [sflag:s14], $0x100  }
0x3d: {  	[sflag:s14] =	ssyncset.done @!p0 $0x0  }
0x3e: {  	[sflag:s14] =	ssyncadd.s32 @!p0 $0xFFFFFF00  }
0x3f: {  	[bflag:$0x0] =	sbarrier.arrive $0xFFFF  }
0x40: {  	s5 =	simm.s32 $0x0;
	s17 =	simm.s32 $0x14000;
	s23 =	rddreg [dreg:$0x7]  }
0x41: {  	[tilespmem:s17], [sflag:$0xB] =	stream.linear.gather [hbm4b:s23+s5], $0x280, $0x38;
	[tilespmem:$0x1E500] =	vst v63  }
0x42: {  	_ =	swait.ge [sflag:s20], $0x280  }
0x43: {  	[sflag:s20] =	ssyncset.done $0x0  }
0x44: {  	s23 =	simm.s32 $0x14280;
	[sflag:s20] =	ssyncadd.s32 $0xFFFFFD80;
	s20 =	rddreg [dreg:$0x8]  }
0x45: {  	[tilespmem:s23], [sflag:$0xA] =	stream.linear.gather [hbm4b:s20+s5], $0x280, $0x38;
	[tilespmem:$0x1E500] =	vst v63  }
0x46: {  	_ = 	snop  }
0x47: {  	[tilespmem:s19], [sflag:$0x1] =	stream.indirect.gather [hbm4b:s1+s18], $0x80, s17, s18, $0xb8;
	[tilespmem:$0x1E500] =	vst v63  }
0x48: {  	s14 =	simm.s32 $0x0;
	s23 =	simm.s32 $0x140A0  }
0x49: {  	[tilespmem:s21], [sflag:$0x2] =	stream.indirect.gather [hbm4b:s1+s18], $0x80, s23, s18, $0xb8;
	[tilespmem:$0x1E500] =	vst v63  }
.LBB2_2:
0x4a: {  	_ =	swait.ge [sflag:s22], $0x2800;
	p1 =	seq.s32 s14, $0x0  }
0x4b: {  	[sflag:s22] =	ssyncset.done $0x0;
	s5 =	simm.s32 @p1 $0x50  }
0x4c: {  	s20 =	simm.s32 @p1 $0x14140;
	s23 =	simm.s32 @p1 $0x19500;
	[sflag:s22] =	ssyncadd.s32 $0xFFFFD800  }
0x4d: {  	[tilespmem:s23], [sflag:$0x3] =	stream.indirect.gather @p1 [hbm4b:s1+s5], $0x80, s20, s5, $0xb8;
	[tilespmem:$0x1E500] =	vst v63  }
0x4e: {  	s20 =	simm.s32 @p1 $0x14050;
	s23 =	simm.s32 @p1 $0x14500  }
0x4f: {  	[spmem:s2] =	stream.indirect.scatter.add.f32 @p1 [tilespmem:s23], [sflag:$0x5], $0x80, s20, s5, $0xb8;
	[tilespmem:$0x1E500] =	vst v63  }
0x50: {  	s5 =	simm.s32 @p1 $0x2  }
0x51: {  	_ =	swait.ge @p1 [sflag:s5], $0x2800  }
0x52: {  	[sflag:s5] =	ssyncset.done @p1 $0x0  }
0x53: {  	[sflag:s5] =	ssyncadd.s32 @p1 $0xFFFFD800;
	s5 =	simm.s32 @!p1 $0x7  }
0x54: {  	_ =	swait.ge @!p1 [sflag:s5], $0x2800  }
0x55: {  	s20 =	simm.s32 @!p1 $0x14140;
	[sflag:s5] =	ssyncset.done @!p1 $0x0  }
0x56: {  	s23 =	simm.s32 @!p1 $0x19500;
	[sflag:s5] =	ssyncadd.s32 @!p1 $0xFFFFD800;
	s5 =	simm.s32 @!p1 $0x50  }
0x57: {  	[tilespmem:s23], [sflag:$0x3] =	stream.indirect.gather @!p1 [hbm4b:s1+s5], $0x80, s20, s5, $0xb8;
	[tilespmem:$0x1E500] =	vst v63  }
0x58: {  	s20 =	simm.s32 @!p1 $0x14050;
	s23 =	simm.s32 @!p1 $0x14500  }
0x59: {  	[spmem:s2] =	stream.indirect.scatter.add.f32 @!p1 [tilespmem:s23], [sflag:$0x5], $0x80, s20, s5, $0xb8;
	[tilespmem:$0x1E500] =	vst v63  }
0x5a: {  	s5 =	simm.s32 @!p1 $0x2  }
0x5b: {  	_ =	swait.ge @!p1 [sflag:s5], $0x2800  }
0x5c: {  	[sflag:s5] =	ssyncset.done @!p1 $0x0  }
0x5d: {  	[sflag:s5] =	ssyncadd.s32 @!p1 $0xFFFFD800;
	s5 =	simm.s32 @!p1 $0x8  }
0x5e: {  	_ =	swait.ge @!p1 [sflag:s5], $0x2800  }
0x5f: {  	s20 =	simm.s32 @!p1 $0x0;
	[sflag:s5] =	ssyncset.done @!p1 $0x0  }
0x60: {  	s23 =	simm.s32 @!p1 $0x14280;
	[sflag:s5] =	ssyncadd.s32 @!p1 $0xFFFFD800;
	s5 =	sadd.s32 @!p1 s14, s12  }
0x61: {  	[tilespmem:s23], [sflag:$0xA] =	stream.linear.gather @!p1 [hbm4b:s5+s20], $0x280, $0x38;
	[tilespmem:$0x1E500] =	vst v63  }
0x62: {  	s20 =	simm.s32 $0x141E0  }
0x63: {  	[tilespmem:s24], [sflag:$0x4] =	stream.indirect.gather [hbm4b:s1+s18], $0x80, s20, s18, $0xb8;
	[tilespmem:$0x1E500] =	vst v63  }
0x64: {  	_ = 	snop  }
0x65: {  	[spmem:s2] =	stream.indirect.scatter.add.f32 [tilespmem:s21], [sflag:$0x6], $0x80, s26, s18, $0xb8;
	[tilespmem:$0x1E500] =	vst v63  }
0x66: {  	_ =	swait.ge [sflag:s28], $0x2800  }
0x67: {  	[sflag:s28] =	ssyncset.done $0x0  }
0x68: {  	[sflag:s28] =	ssyncadd.s32 $0xFFFFD800  }
0x69: {  	_ =	swait.ge [sflag:s29], $0x280  }
0x6a: {  	[sflag:s29] =	ssyncset.done $0x0  }
0x6b: {  	[sflag:s29] =	ssyncadd.s32 $0xFFFFFD80  }
0x6c: {  	_ =	swait.ge [sflag:s30], $0x2800  }
0x6d: {  	[sflag:s30] =	ssyncset.done $0x0  }
0x6e: {  	s23 =	simm.s32 $0x14280;
	[sflag:s30] =	ssyncadd.s32 $0xFFFFD800  }
0x6f: {  	[tilespmem:s19], [sflag:$0x1] =	stream.indirect.gather [hbm4b:s1+s18], $0x80, s23, s18, $0xb8;
	[tilespmem:$0x1E500] =	vst v63  }
0x70: {  	_ = 	snop  }
0x71: {  	[spmem:s2] =	stream.indirect.scatter.add.f32 [tilespmem:s0], [sflag:$0x7], $0x80, s31, s18, $0xb8;
	[tilespmem:$0x1E500] =	vst v63  }
0x72: {  	_ =	swait.ge [sflag:s3], $0x2800  }
0x73: {  	[sflag:s3] =	ssyncset.done $0x0  }
0x74: {  	[sflag:s3] =	ssyncadd.s32 $0xFFFFD800  }
0x75: {  	_ =	swait.ge [sflag:s4], $0x2800  }
0x76: {  	[sflag:s4] =	ssyncset.done $0x0  }
0x77: {  	[sflag:s4] =	ssyncadd.s32 $0xFFFFD800  }
0x78: {  	[tilespmem:s21], [sflag:$0x2] =	stream.indirect.gather [hbm4b:s1+s18], $0x80, s6, s18, $0xb8;
	[tilespmem:$0x1E500] =	vst v63  }
0x79: {  	_ = 	snop  }
0x7a: {  	[spmem:s2] =	stream.indirect.scatter.add.f32 [tilespmem:s24], [sflag:$0x8], $0x80, s8, s18, $0xb8;
	[tilespmem:$0x1E500] =	vst v63  }
0x7b: {  	_ =	swait.ge [sflag:s22], $0x2800  }
0x7c: {  	[sflag:s22] =	ssyncset.done $0x0  }
0x7d: {  	[sflag:s22] =	ssyncadd.s32 $0xFFFFD800  }
0x7e: {  	_ =	swait.ge [sflag:s7], $0x2800  }
0x7f: {  	[sflag:s7] =	ssyncset.done $0x0  }
0x80: {  	[sflag:s7] =	ssyncadd.s32 $0xFFFFD800  }
0x81: {  	[tilespmem:s0], [sflag:$0x3] =	stream.indirect.gather [hbm4b:s1+s18], $0x80, s9, s18, $0xb8;
	[tilespmem:$0x1E500] =	vst v63  }
0x82: {  	_ = 	snop  }
0x83: {  	[spmem:s2] =	stream.indirect.scatter.add.f32 [tilespmem:s19], [sflag:$0x5], $0x80, s10, s18, $0xb8;
	[tilespmem:$0x1E500] =	vst v63  }
0x84: {  	_ =	swait.ge [sflag:s16], $0x2800  }
0x85: {  	[sflag:s16] =	ssyncset.done $0x0  }
0x86: {  	[sflag:s16] =	ssyncadd.s32 $0xFFFFD800  }
0x87: {  	p1 =	seq.s32 s14, $0x960;
	_ =	swait.ge [sflag:s13], $0x2800  }
0x88: {  	s5 =	simm.s32 @p1 $0x50;
	[sflag:s13] =	ssyncset.done $0x0  }
0x89: {  	s20 =	simm.s32 @p1 $0x14460;
	s23 =	simm.s32 @p1 $0x1BD00;
	[sflag:s13] =	ssyncadd.s32 $0xFFFFD800  }
0x8a: {  	[tilespmem:s23], [sflag:$0x4] =	stream.indirect.gather @p1 [hbm4b:s1+s5], $0x80, s20, s5, $0xb8;
	[tilespmem:$0x1E500] =	vst v63  }
0x8b: {  	s20 =	simm.s32 @p1 $0x14370;
	s23 =	simm.s32 @p1 $0x16D00  }
0x8c: {  	[spmem:s2] =	stream.indirect.scatter.add.f32 @p1 [tilespmem:s23], [sflag:$0x6], $0x80, s20, s5, $0xb8;
	[tilespmem:$0x1E500] =	vst v63  }
0x8d: {  	s5 =	simm.s32 @p1 $0x3  }
0x8e: {  	_ =	swait.ge @p1 [sflag:s5], $0x2800  }
0x8f: {  	[sflag:s5] =	ssyncset.done @p1 $0x0  }
0x90: {  	[sflag:s5] =	ssyncadd.s32 @p1 $0xFFFFD800;
	s5 =	simm.s32 @p1 $0x5  }
0x91: {  	_ =	swait.ge @p1 [sflag:s5], $0x2800  }
0x92: {  	s20 =	simm.s32 @!p1 $0x0;
	[sflag:s5] =	ssyncset.done @p1 $0x0  }
0x93: {  	s23 =	simm.s32 @!p1 $0x14000;
	[sflag:s5] =	ssyncadd.s32 @p1 $0xFFFFD800;
	s5 =	sadd.s32 @!p1 s14, s11  }
0x94: {  	[tilespmem:s23], [sflag:$0x9] =	stream.linear.gather @!p1 [hbm4b:s5+s20], $0x280, $0x38;
	[tilespmem:$0x1E500] =	vst v63  }
0x95: {  	s17 =	simm.s32 @!p1 $0x1BD00;
	s5 =	simm.s32 @!p1 $0x50;
	s20 =	simm.s32 @!p1 $0x14460  }
0x96: {  	[tilespmem:s17], [sflag:$0x4] =	stream.indirect.gather @!p1 [hbm4b:s1+s5], $0x80, s20, s5, $0xb8;
	[tilespmem:$0x1E500] =	vst v63  }
0x97: {  	s17 =	simm.s32 @!p1 $0x14370;
	s20 =	simm.s32 @!p1 $0x16D00  }
0x98: {  	[spmem:s2] =	stream.indirect.scatter.add.f32 @!p1 [tilespmem:s20], [sflag:$0x6], $0x80, s17, s5, $0xb8;
	[tilespmem:$0x1E500] =	vst v63  }
0x99: {  	s17 =	simm.s32 @!p1 $0x3  }
0x9a: {  	_ =	swait.ge @!p1 [sflag:s17], $0x2800  }
0x9b: {  	[sflag:s17] =	ssyncset.done @!p1 $0x0  }
0x9c: {  	[sflag:s17] =	ssyncadd.s32 @!p1 $0xFFFFD800;
	s17 =	simm.s32 @!p1 $0x5  }
0x9d: {  	_ =	swait.ge @!p1 [sflag:s17], $0x2800  }
0x9e: {  	[sflag:s17] =	ssyncset.done @!p1 $0x0  }
0x9f: {  	[sflag:s17] =	ssyncadd.s32 @!p1 $0xFFFFD800;
	s17 =	simm.s32 @!p1 $0x9  }
0xa0: {  	_ =	swait.ge @!p1 [sflag:s17], $0x280  }
0xa1: {  	[sflag:s17] =	ssyncset.done @!p1 $0x0  }
0xa2: {  	[sflag:s17] =	ssyncadd.s32 @!p1 $0xFFFFFD80;
	s17 =	simm.s32 @!p1 $0x14500  }
0xa3: {  	[tilespmem:s17], [sflag:$0x1] =	stream.indirect.gather @!p1 [hbm4b:s1+s5], $0x80, s23, s5, $0xb8;
	[tilespmem:$0x1E500] =	vst v63  }
0xa4: {  	_ = 	snop  }
0xa5: {  	[spmem:s2] =	stream.indirect.scatter.add.f32 [tilespmem:s0], [sflag:$0x7], $0x80, s15, s18, $0xb8;
	[tilespmem:$0x1E500] =	vst v63  }
0xa6: {  	_ =	swait.ge [sflag:s3], $0x2800  }
.Ltmp2:
0xa7: {  	[sflag:s3] =	ssyncset.done $0x0;
	(pc) =	sbr.rel @p1 .LBB2_4-.Ltmp2, $4  }
0xa8: {  	[sflag:s3] =	ssyncadd.s32 $0xFFFFD800  }
0xa9: {  	_ =	swait.ge [sflag:s4], $0x2800  }
0xaa: {  	[sflag:s4] =	ssyncset.done $0x0  }
0xab: {  	[sflag:s4] =	ssyncadd.s32 $0xFFFFD800  }
.Ltmp3:
0xac: {  	(pc) =	sbr.rel .LBB2_2-.Ltmp3, $4  }
0xad: {  	s5 =	simm.s32 $0x140A0  }
0xae: {  	[tilespmem:s21], [sflag:$0x2] =	stream.indirect.gather [hbm4b:s1+s18], $0x80, s5, s18, $0xb8;
	[tilespmem:$0x1E500] =	vst v63  }
0xaf: {  	s14 =	sadd.s32 $0xA0, s14  }
0xb0: {  	[spmem:s2] =	stream.indirect.scatter.add.f32 [tilespmem:s24], [sflag:$0x8], $0x80, s25, s18, $0xb8;
	[tilespmem:$0x1E500] =	vst v63  }
.LBB2_5:
0xb1: {  	_ =	sfence.sel $0x180000  }
0xb2: {  	[bflag:$0x0] =	sbarrier.arrive $0xFFFF  }
0xb3: {  	_ =	strace $0x9000004D  }
0xb4: {  	[bflag:$0x2] =	sbarrier.arrive $0xFFFF  }
0xb5: {  	s0 =	rddreg [dreg:$0x3]  }
0xb6: {  	s0 =	sadd.s32 @!p0 $0x100000, s0  }
0xb7: {  	[sflag:s0] =	ssyncadd.tile.s32 @!p0 $0x1;
	_ =	shalt  }
.Lfunc_end2:
_tile_overlayer_lowered:
.L_overlay_start_2:
0xb8: {  	(tag) =	ssettag $0x2  }
0xb9: {  	s0 =	rddreg [dreg:$0x0];
	s2 =	stileid.u32  }
0xba: {  	s1 =	rddreg [dreg:$0x1];
	p0 =	sne.s32 s2, $0x0  }
0xbb: {  	s3 =	rddreg [dreg:$0x2];
	[bflag:$0x3] =	sbarrier.arrive $0xFFFF;
	s2 =	simm.s32 @!p0 $0x1C0B  }
0xbc: {  	[timem:s3], [sflag:s2] =	dma.local @!p0 [hbm:s0], s1  }
0xbd: {  	s0 =	simm.s32 @!p0 $0xB  }
0xbe: {  	_ =	swait.ge @!p0 [sflag:s0], s1  }
0xbf: {  	s1 =	ssub.s32 @!p0 $0x0, s1;
	[sflag:s0] =	ssyncset.done @!p0 $0x0  }
0xc0: {  	[sflag:s0] =	ssyncadd.s32 @!p0 s1  }
0xc1: {  	[bflag:$0x3] =	sbarrier.arrive $0xFFFF  }
0xc2: {  	_ =	shalt  }

// kernel: kernel.19.cloned.1.call-start
scs
__scs_entry_jumppad:
0x0: {  	(pc) =	sbr.rel $0x88, $3  }
0x1: {  	(tag) =	ssettag $0x0;
	lr =	simm.s32 $0x1  }
0x2: {  	[smem:$0x3F99] =	sst lr;
	_ =	strace $0xD0000000  }
0x3: {  	_ = 	snop  }
0x4: {  	_ = 	snop  }
0x5: {  	_ = 	snop  }
0x6: {  	_ = 	snop  }
0x7: {  	_ = 	snop  }
__scs_overlays_trampoline_lowered:
0x8: {  	[smem:$0x3FA8] =	sst s0  }
0x9: {  	[smem:$0x3FA9] =	sst s1  }
0xa: {  	[smem:$0x3FAA] =	sst s2  }
0xb: {  	[smem:$0x3FAB] =	sst s3  }
0xc: {  	[smem:$0x3FAC] =	sst s4  }
0xd: {  	[smem:$0x3FAD] =	sst s5  }
0xe: {  	[smem:$0x3FAE] =	sst s6  }
0xf: {  	[smem:$0x3FAF] =	sst s7  }
0x10: {  	[smem:$0x3FB0] =	sst s8  }
0x11: {  	[smem:$0x3FB1] =	sst s9;
	s0 =	simm.s32 @!p0 $0x0  }
0x12: {  	s1 =	sld [smem:$0x3F97];
	s0 =	simm.s32 @p0 $0x1  }
0x13: {  	[smem:$0x3FB2] =	sst s0;
	s0 =	simm.s32 @!p1 $0x0  }
0x14: {  	s2 =	sld [smem:$0x3F96];
	s0 =	simm.s32 @p1 $0x1  }
0x15: {  	[smem:$0x3FB3] =	sst s0;
	s0 =	simm.s32 @!p2 $0x0  }
0x16: {  	s3 =	sld [smem:$0x3FDB];
	s0 =	simm.s32 @p2 $0x1  }
0x17: {  	s4 =	simm.s32 $0x1BF5;
	[smem:$0x3FB5] =	sst s0  }
0x18: {  	s0 =	sld [smem:$0x3F98];
	_ =	swait.ge [sflag:s4], $0x0  }
0x19: {  	s7 =	sld [smem:$0x3F99]  }
0x1a: {  	s8 =	sadd.s32 $0xFFFFE003, lr  }
0x1b: {  	s9 =	sadd.s32 $0xFFFFFEF7, lr;
	s5 =	simm.s32 $0xFFFFFFFF;
	p2 =	slt.u32 s8, $0xFFFFF086  }
0x1c: {  	p1 =	slt.u32 s9, $0xF7A;
	s5 =	simm.s32 @!p2 $0x0  }
0x1d: {  	s5 =	simm.s32 @p1 $0x1;
	p0 =	seq.s32 s7, s2  }
0x1e: {  	s7 =	smul.u32 @!p0 $0xF7A, s2;
	p2 =	seq.s32 @!p0 s5, $0x0  }
0x1f: {  	s9 =	smul.u32 $0xF7A, s1;
	s8 =	simm.s32 @!p0 $0x1BF5;
	p2 =	por !p2, p0  }
0x20: {  	[sflag:s8] =	ssyncset.s32 @!p0 $0xFFFFF086;
	s6 =	sadd.s32 @!p0 s3, s7;
	s7 =	simm.s32 @!p0 $0x108  }
0x21: {  	s3 =	sadd.s32 s3, s9;
	s6 =	sadd.s32 @!p0 $0x88, s6;
	s7 =	simm.s32 @p2 $0x1082  }
0x22: {  	[simem:s7], [sflag:s8] =	dma.local @!p0 [hbm:s6], $0xF7A  }
0x23: {  	s9 =	sor.u32 $0xD0000000, s2;
	s6 =	simm.s32 $0x108;
	_ =	swait.ge @!p0 [sflag:s8], $0x0  }
0x24: {  	s3 =	sadd.s32 $0x88, s3;
	s6 =	simm.s32 @!p1 $0x1082;
	[sflag:s4] =	ssyncset.s32 $0xFFFFF086  }
0x25: {  	[simem:s6], [sflag:s4] =	dma.local [hbm:s3], $0xF7A  }
0x26: {  	[smem:$0x3F99] =	sst s1;
	(tag) =	ssettag s2;
	_ =	strace s9  }
0x27: {  	s1 =	sld [smem:$0x3FA9]  }
0x28: {  	s2 =	sld [smem:$0x3FAA]  }
0x29: {  	s4 =	sld [smem:$0x3FAC]  }
0x2a: {  	p0 =	seq.s32 s5, $0x0;
	s5 =	sld [smem:$0x3FAD]  }
0x2b: {  	s6 =	sld [smem:$0x3FAE]  }
0x2c: {  	s7 =	sld [smem:$0x3FAF]  }
0x2d: {  	s3 =	simm.s32 $0x108;
	s8 =	sld [smem:$0x3FB0]  }
0x2e: {  	s3 =	simm.s32 @!p0 $0x1082;
	s9 =	sld [smem:$0x3FB1]  }
0x2f: {  	lr =	sadd.s32 s0, s3;
	s0 =	sld [smem:$0x3FA8]  }
0x30: {  	s3 =	sld [smem:$0x3FAB]  }
0x31: {  	[smem:$0x3FB4] =	sst s10  }
0x32: {  	s10 =	sld [smem:$0x3FB2];
	_ =	sdelay $0x3  }
0x33: {  	p0 =	seq.s32 s10, $0x1;
	s10 =	sld [smem:$0x3FB4];
	_ =	sdelay $0x3  }
0x34: {  	[smem:$0x3FB4] =	sst s10  }
0x35: {  	s10 =	sld [smem:$0x3FB3];
	_ =	sdelay $0x3  }
0x36: {  	p1 =	seq.s32 s10, $0x1;
	s10 =	sld [smem:$0x3FB4];
	_ =	sdelay $0x3  }
0x37: {  	[smem:$0x3FB4] =	sst s10  }
0x38: {  	s10 =	sld [smem:$0x3FB5]  }
0x39: {  	_ = 	snop;
	(pc) =	sbr.ind lr, $3  }
0x3a: {  	_ = 	snop  }
0x3b: {  	_ = 	snop  }
0x3c: {  	p2 =	seq.s32 s10, $0x1;
	s10 =	sld [smem:$0x3FB4]  }
0x3d: {  	_ =	shalt  }
0x3e: {  	_ =	shalt  }
0x3f: {  	_ =	shalt  }
0x40: {  	_ =	shalt  }
0x41: {  	_ =	shalt  }
0x42: {  	_ =	shalt  }
0x43: {  	_ =	shalt  }
0x44: {  	_ =	shalt  }
0x45: {  	_ =	shalt  }
0x46: {  	_ =	shalt  }
0x47: {  	_ =	shalt  }
0x48: {  	_ =	shalt  }
0x49: {  	_ =	shalt  }
0x4a: {  	_ =	shalt  }
0x4b: {  	_ =	shalt  }
0x4c: {  	_ =	shalt  }
0x4d: {  	_ =	shalt  }
0x4e: {  	_ =	shalt  }
0x4f: {  	_ =	shalt  }
0x50: {  	_ =	shalt  }
0x51: {  	_ =	shalt  }
0x52: {  	_ =	shalt  }
0x53: {  	_ =	shalt  }
0x54: {  	_ =	shalt  }
0x55: {  	_ =	shalt  }
0x56: {  	_ =	shalt  }
0x57: {  	_ =	shalt  }
0x58: {  	_ =	shalt  }
0x59: {  	_ =	shalt  }
0x5a: {  	_ =	shalt  }
0x5b: {  	_ =	shalt  }
0x5c: {  	_ =	shalt  }
0x5d: {  	_ =	shalt  }
0x5e: {  	_ =	shalt  }
0x5f: {  	_ =	shalt  }
0x60: {  	_ =	shalt  }
0x61: {  	_ =	shalt  }
0x62: {  	_ =	shalt  }
0x63: {  	_ =	shalt  }
0x64: {  	_ =	shalt  }
0x65: {  	_ =	shalt  }
0x66: {  	_ =	shalt  }
0x67: {  	_ =	shalt  }
0x68: {  	_ =	shalt  }
0x69: {  	_ =	shalt  }
0x6a: {  	_ =	shalt  }
0x6b: {  	_ =	shalt  }
0x6c: {  	_ =	shalt  }
0x6d: {  	_ =	shalt  }
0x6e: {  	_ =	shalt  }
0x6f: {  	_ =	shalt  }
0x70: {  	_ =	shalt  }
0x71: {  	_ =	shalt  }
0x72: {  	_ =	shalt  }
0x73: {  	_ =	shalt  }
0x74: {  	_ =	shalt  }
0x75: {  	_ =	shalt  }
0x76: {  	_ =	shalt  }
0x77: {  	_ =	shalt  }
0x78: {  	_ =	shalt  }
0x79: {  	_ =	shalt  }
0x7a: {  	_ =	shalt  }
0x7b: {  	_ =	shalt  }
0x7c: {  	_ =	shalt  }
0x7d: {  	_ =	shalt  }
0x7e: {  	_ =	shalt  }
0x7f: {  	_ =	shalt  }
0x80: {  	_ =	shalt  }
0x81: {  	_ =	shalt  }
0x82: {  	_ =	shalt  }
0x83: {  	_ =	shalt  }
0x84: {  	_ =	shalt  }
0x85: {  	_ =	shalt  }
0x86: {  	_ =	shalt  }
0x87: {  	_ =	shalt  }
.Lfunc_end0:
.L_simem_size_0:
called_computation.3_lowered:
.L_overlay_start_0:
0x88: {  	s2 =	sld [smem:$0x3FD9]  }
0x89: {  	s3 =	sld [smem:$0x3FFE];
	_ =	sdelay $0x1  }
0x8a: {  	s1 =	srdreg.scid  }
0x8b: {  	s0 =	sand.u32 $0x1, s1  }
0x8c: {  	s17 =	sshll.u32 s0, $0xA;
	s2 =	sadd.s32 s3, s2  }
0x8d: {  	s2 =	sadd.s32 s2, s17  }
0x8e: {  	[smem:$0x3FC0] =	sst s2  }
0x8f: {  	_ = 	snop  }
0x90: {  	s2 =	sld [smem:$0x3FD0];
	(tm) =	ssettm $0x1  }
0x91: {  	s18 =	sld [smem:$0x3FFB];
	_ =	sdelay $0x3  }
0x92: {  	_ =	strace s18  }
0x93: {  	s3 =	sld [smem:$0x3FFC];
	_ =	sdelay $0x3  }
0x94: {  	_ =	strace s3  }
0x95: {  	s3 =	sld [smem:$0x3FFD];
	_ =	sdelay $0x3  }
0x96: {  	_ =	strace s3  }
0x97: {  	_ =	strace $0x8FFFFFFF  }
0x98: {  	s19 =	sld [smem:$0x3FDB];
	_ =	sdelay $0x1  }
0x99: {  	s4 =	simm.s32 $_scs_section_size  }
0x9a: {  	s5 =	simm.s32 $_size__tile_overlayer_lowered;
	s6 =	simm.s32 $_tile_overlayer_lowered  }
0x9b: {  	s22 =	simm.s32 $0x1BFF;
	s21 =	sshll.u32 s6, $0x1;
	s3 =	sadd.s32 s4, s19  }
0x9c: {  	s7 =	simm.s32 $0x0;
	s20 =	sshll.u32 s5, $0x1;
	s5 =	sadd.s32 s21, s3  }
0x9d: {  	[timem:s7], [sflag:s22] =	dma.local [hbm:s5], s20  }
0x9e: {  	_ =	swait.ge [sflag:s22], s20  }
0x9f: {  	s4 =	ssub.s32 $0x0, s20;
	[sflag:s22] =	ssyncset.done $0x0  }
0xa0: {  	[sflag:s22] =	ssyncadd.s32 s4;
	_ =	sdelay $0x1  }
0xa1: {  	s23 =	simm.s32 $0x1B8B  }
0xa2: {  	_ =	swait.ge [sflag:s23], $0x1  }
0xa3: {  	[sflag:s23] =	ssyncset.done $0x0  }
0xa4: {  	s25 =	simm.s32 $0x1B8E;
	s24 =	sld [smem:$0x3FFE];
	[sflag:s23] =	ssyncadd.s32 $0xFFFFFFFF  }
0xa5: {  	s26 =	simm.s32 $execute0_lowered;
	[smem:$0x3FD2] =	sst s25  }
0xa6: {  	s5 =	sshll.u32 s26, $0x1;
	_ =	strace $0x8000004F;
	[dreg:$0x1] =	wrdreg $0xFFFFFFFF  }
0xa7: {  	s28 =	simm.s32 $_size_execute0_lowered;
	s3 =	sadd.s32 s3, s5;
	[dreg:$0x0] =	wrdreg $0x0  }
0xa8: {  	s5 =	sshll.u32 s28, $0x1;
	[dreg:$0x2] =	wrdreg s3  }
0xa9: {  	[dreg:$0x3] =	wrdreg s5  }
0xaa: {  	[dreg:$0x4] =	wrdreg $0xC0  }
0xab: {  	_ =	task [dreg:s7], $0x5FFFF  }
0xac: {  	[dreg:$0x1] =	wrdreg $0xFFFFFFFF  }
0xad: {  	[dreg:$0x0] =	wrdreg $0x60  }
0xae: {  	[dreg:$0x2] =	wrdreg s2  }
0xaf: {  	[dreg:$0x3] =	wrdreg s24  }
0xb0: {  	[dreg:$0x4] =	wrdreg $0x0  }
0xb1: {  	[dreg:$0x5] =	wrdreg $0x9  }
0xb2: {  	_ =	task.clear_ibuf [dreg:s7], $0x6FFFF;
	_ =	strace $0x9000004F  }
0xb3: {  	s29 =	simm.s32 $0x9;
	_ =	strace $0x80000051  }
0xb4: {  	_ =	swait.ge [sflag:s29], $0x1  }
0xb5: {  	[sflag:s29] =	ssyncadd.s32 $0xFFFFFFFF  }
0xb6: {  	_ =	strace $0x90000051  }
0xb7: {  	_ =	sfence  }
0xb8: {  	s30 =	sld [smem:$0x0];
	_ =	sdelay $0x2  }
0xb9: {  	s31 =	sshll.u32 s1, $0xD;
	s1 =	sshrl.u32 s1, $0x2  }
0xba: {  	s3 =	sand.u32 $0x4000, s31;
	s1 =	sadd.s32 s1, s30  }
0xbb: {  	s0 =	sor.u32 s3, s0;
	s1 =	sshll.u32 s1, $0x11  }
0xbc: {  	s0 =	sor.u32 s1, s0  }
0xbd: {  	s0 =	sadd.s32 $0x8F2B, s0  }
0xbe: {  	[sflag:s0] =	ssyncadd.remote.s32 $0x1  }
0xbf: {  	_ =	sfence.sel $0xFFFF  }
0xc0: {  	[dreg:$0x0] =	wrdreg $0xFFFFFFFF;
	(pc) =	sbr.abs _section_cstart, $3  }
0xc1: {  	[dreg:$0x1] =	wrdreg $0xFFFFFFFF  }
0xc2: {  	_ =	task.clear_ibuf [dreg:s7], $0x2FFFF;
	_ =	strace $0x9FFFFFFF  }
0xc3: {  	(tm) =	ssettm $0x7FFFFFFF  }
tec
execute0_lowered:
.L_overlay_start_1:
0x0: {  	(tag) =	ssettag $0x1  }
0x1: {  	s1 =	rddreg [dreg:$0x0]  }
0x2: {  	s0 =	rddreg [dreg:$0x1]  }
0x3: {  	s2 =	rddreg [dreg:$0x2]  }
0x4: {  	s3 =	srdreg.scid;
	s4 =	simm.s32 $0x0;
	s5 =	stileid.u32  }
0x5: {  	s28 =	simm.s32 $0x3;
	s29 =	simm.s32 $0xA;
	s30 =	simm.s32 $0x5  }
0x6: {  	s31 =	simm.s32 $0x14190;
	s13 =	simm.s32 $0x8;
	s3 =	sand.u32 $0x1, s3  }
0x7: {  	[smem:$0x7FF] =	sst s4;
	s8 =	sshll.u32 s5, $0x7;
	s9 =	smul.u32 $0x13800, s5  }
0x8: {  	s10 =	sadd.s32 $0x6200, s0;
	s18 =	sshll.u32 s5, $0x6;
	s19 =	smul.u32 $0x14000, s5  }
0x9: {  	s12 =	sadd.s32 $0x27000, s1;
	s21 =	smul.u32 $0x5000, s5;
	s14 =	ssub.s32 $0x2, s3  }
0xa: {  	_ =	strace $0x80000050;
	s7 =	sshll.u32 s3, $0xB;
	s11 =	smul.u32 $0x50000, s3  }
0xb: {  	[dreg:$0x6] =	wrdreg s12;
	p0 =	seq.s32 s3, $0x1;
	s3 =	simm.s32 $0x4  }
0xc: {  	s6 =	sshrl.u32 s14, $0x1;
	s15 =	sor.u32 s8, s7;
	s16 =	sadd.s32 s9, s2  }
0xd: {  	s17 =	sshrl.u32 s9, $0x3;
	s22 =	sshrl.u32 s19, $0x3;
	s9 =	sadd.s32 s19, s2  }
0xe: {  	s19 =	simm.s32 $0x14500;
	s7 =	simm.s32 $0x7;
	s4 =	ssub.s32 s14, s6  }
0xf: {  	s6 =	smul.u32 $0x14, s15;
	s8 =	sadd.s32 s1, s17;
	s14 =	sor.u32 $0x1C0B, s18  }
0x10: {  	s25 =	sshrl.u32 s16, $0x3;
	s18 =	simm.s32 $0x50;
	s26 =	sshrl.u32 s9, $0x3  }
0x11: {  	s9 =	simm.s32 $0x143C0;
	s16 =	simm.s32 $0x2;
	[dreg:$0x4] =	wrdreg s8  }
0x12: {  	s15 =	simm.s32 $0x14410;
	s17 =	simm.s32 $0x0;
	[dreg:$0xb] =	wrdreg s25  }
0x13: {  	s8 =	sadd.s32 $0x138000, s2;
	s4 =	smax.u32 s4, $0x1;
	[dreg:$0xd] =	wrdreg s26  }
0x14: {  	s26 =	simm.s32 $0x140F0;
	s25 =	simm.s32 $0x144B0;
	[dreg:$0x5] =	wrdreg s14  }
0x15: {  	s20 =	sadd.s32 s10, s6;
	s6 =	sadd.s32 s21, s11;
	[dreg:$0x9] =	wrdreg s4  }
0x16: {  	s21 =	simm.s32 $0x16D00;
	[dreg:$0x7] =	wrdreg s20;
	s12 =	sadd.s32 $0x50, s20  }
0x17: {  	s23 =	sor.u32 $0x500, s6;
	s6 =	sor.u32 $0x280, s6;
	s20 =	simm.s32 $0xB  }
0x18: {  	[dreg:$0x8] =	wrdreg s12;
	s12 =	simm.s32 $0x42200;
	s4 =	sshrl.u32 s23, $0x3  }
0x19: {  	s24 =	sshrl.u32 s6, $0x3;
	s6 =	simm.s32 $0x14320;
	s12 =	simm.s32 @!p0 $0x1A200  }
.Ltmp0:
0x1a: {  	s11 =	sadd.s32 s4, s10;
	p0 =	sne.s32 s5, $0x0;
	(pc) =	sbr.rel .LBB2_1-.Ltmp0, $4  }
0x1b: {  	s4 =	simm.s32 $0x6;
	s0 =	sadd.s32 s12, s0;
	s12 =	sadd.s32 s24, s10  }
0x1c: {  	s24 =	simm.s32 $0x1BD00;
	s10 =	simm.s32 $0x142D0;
	s0 =	sadd.s32 s0, s22  }
0x1d: {  	s22 =	simm.s32 $0x1;
	[dreg:$0xa] =	wrdreg s0;
	s0 =	sshrl.u32 @!p0 s8, $0x3  }
0x1e: {  	s8 =	simm.s32 $0x14230;
	[dreg:$0xc] =	wrdreg s0;
	s0 =	simm.s32 $0x19500  }
.LBB2_4:
0x1f: {  	[spmem:s2] =	stream.indirect.scatter.add.f32 [tilespmem:s24], [sflag:$0x8], $0x80, s25, s18, $0xb8;
	[tilespmem:$0x1E500] =	vst v63  }
0x20: {  	_ =	swait.ge [sflag:s7], $0x2800  }
0x21: {  	[sflag:s7] =	ssyncset.done $0x0  }
0x22: {  	[sflag:s7] =	ssyncadd.s32 $0xFFFFD800  }
0x23: {  	_ =	swait.ge [sflag:s13], $0x2800  }
0x24: {  	[sflag:s13] =	ssyncset.done $0x0  }
0x25: {  	[sflag:s13] =	ssyncadd.s32 $0xFFFFD800  }
0x26: {  	[bflag:$0x0] =	sbarrier.arrive $0xFFFF  }
0x27: {  	s14 =	rddreg [dreg:$0x5]  }
0x28: {  	s5 =	rddreg [dreg:$0xa]  }
0x29: {  	s20 =	simm.s32 $0xB;
	s17 =	rddreg [dreg:$0xd]  }
0x2a: {  	[hbm:s5], [sflag:s14] =	dma.local [spmem:s17], $0x2800  }
0x2b: {  	_ =	swait.ge [sflag:s20], $0x2800  }
0x2c: {  	s5 =	rddreg [dreg:$0xe]  }
0x2d: {  	s23 =	rddreg [dreg:$0x9];
	s17 =	sadd.s32 $0x1, s5  }
0x2e: {  	p1 =	sne.s32 s17, s23  }
.Ltmp1:
0x2f: {  	_ = 	snop;
	(pc) =	sbr.rel @!p1 .LBB2_5-.Ltmp1, $3  }
0x30: {  	_ =	sdelay $0x1  }
0x31: {  	[sflag:s20] =	ssyncset.done $0x0  }
0x32: {  	[sflag:s20] =	ssyncadd.s32 $0xFFFFD800  }
.LBB2_1:
0x33: {  	[dreg:$0xe] =	wrdreg s17  }
0x34: {  	s5 =	rddreg [dreg:$0x4]  }
0x35: {  	s23 =	rddreg [dreg:$0xb]  }
0x36: {  	[spmem:s23], [sflag:s14] =	dma.local [hbm:s5], $0x2700  }
0x37: {  	_ =	swait.ge [sflag:s20], $0x2700  }
0x38: {  	[sflag:s20] =	ssyncset.done $0x0;
	s5 =	rddreg [dreg:$0x6]  }
0x39: {  	s17 =	rddreg [dreg:$0xc];
	[sflag:s20] =	ssyncadd.s32 $0xFFFFD900  }
0x3a: {  	[spmem:s17], [sflag:s14] =	dma.local @!p0 [hbm:s5], $0x100  }
0x3b: {  	s14 =	simm.s32 @!p0 $0xB  }
0x3c: {  	_ =	swait.ge @!p0 [sflag:s14], $0x100  }
0x3d: {  	[sflag:s14] =	ssyncset.done @!p0 $0x0  }
0x3e: {  	[sflag:s14] =	ssyncadd.s32 @!p0 $0xFFFFFF00  }
0x3f: {  	[bflag:$0x0] =	sbarrier.arrive $0xFFFF  }
0x40: {  	s5 =	simm.s32 $0x0;
	s17 =	simm.s32 $0x14000;
	s23 =	rddreg [dreg:$0x7]  }
0x41: {  	[tilespmem:s17], [sflag:$0xB] =	stream.linear.gather [hbm4b:s23+s5], $0x280, $0x38;
	[tilespmem:$0x1E500] =	vst v63  }
0x42: {  	_ =	swait.ge [sflag:s20], $0x280  }
0x43: {  	[sflag:s20] =	ssyncset.done $0x0  }
0x44: {  	s23 =	simm.s32 $0x14280;
	[sflag:s20] =	ssyncadd.s32 $0xFFFFFD80;
	s20 =	rddreg [dreg:$0x8]  }
0x45: {  	[tilespmem:s23], [sflag:$0xA] =	stream.linear.gather [hbm4b:s20+s5], $0x280, $0x38;
	[tilespmem:$0x1E500] =	vst v63  }
0x46: {  	_ = 	snop  }
0x47: {  	[tilespmem:s19], [sflag:$0x1] =	stream.indirect.gather [hbm4b:s1+s18], $0x80, s17, s18, $0xb8;
	[tilespmem:$0x1E500] =	vst v63  }
0x48: {  	s14 =	simm.s32 $0x0;
	s23 =	simm.s32 $0x140A0  }
0x49: {  	[tilespmem:s21], [sflag:$0x2] =	stream.indirect.gather [hbm4b:s1+s18], $0x80, s23, s18, $0xb8;
	[tilespmem:$0x1E500] =	vst v63  }
.LBB2_2:
0x4a: {  	_ =	swait.ge [sflag:s22], $0x2800;
	p1 =	seq.s32 s14, $0x0  }
0x4b: {  	[sflag:s22] =	ssyncset.done $0x0;
	s5 =	simm.s32 @p1 $0x50  }
0x4c: {  	s20 =	simm.s32 @p1 $0x14140;
	s23 =	simm.s32 @p1 $0x19500;
	[sflag:s22] =	ssyncadd.s32 $0xFFFFD800  }
0x4d: {  	[tilespmem:s23], [sflag:$0x3] =	stream.indirect.gather @p1 [hbm4b:s1+s5], $0x80, s20, s5, $0xb8;
	[tilespmem:$0x1E500] =	vst v63  }
0x4e: {  	s20 =	simm.s32 @p1 $0x14050;
	s23 =	simm.s32 @p1 $0x14500  }
0x4f: {  	[spmem:s2] =	stream.indirect.scatter.add.f32 @p1 [tilespmem:s23], [sflag:$0x5], $0x80, s20, s5, $0xb8;
	[tilespmem:$0x1E500] =	vst v63  }
0x50: {  	s5 =	simm.s32 @p1 $0x2  }
0x51: {  	_ =	swait.ge @p1 [sflag:s5], $0x2800  }
0x52: {  	[sflag:s5] =	ssyncset.done @p1 $0x0  }
0x53: {  	[sflag:s5] =	ssyncadd.s32 @p1 $0xFFFFD800;
	s5 =	simm.s32 @!p1 $0x7  }
0x54: {  	_ =	swait.ge @!p1 [sflag:s5], $0x2800  }
0x55: {  	s20 =	simm.s32 @!p1 $0x14140;
	[sflag:s5] =	ssyncset.done @!p1 $0x0  }
0x56: {  	s23 =	simm.s32 @!p1 $0x19500;
	[sflag:s5] =	ssyncadd.s32 @!p1 $0xFFFFD800;
	s5 =	simm.s32 @!p1 $0x50  }
0x57: {  	[tilespmem:s23], [sflag:$0x3] =	stream.indirect.gather @!p1 [hbm4b:s1+s5], $0x80, s20, s5, $0xb8;
	[tilespmem:$0x1E500] =	vst v63  }
0x58: {  	s20 =	simm.s32 @!p1 $0x14050;
	s23 =	simm.s32 @!p1 $0x14500  }
0x59: {  	[spmem:s2] =	stream.indirect.scatter.add.f32 @!p1 [tilespmem:s23], [sflag:$0x5], $0x80, s20, s5, $0xb8;
	[tilespmem:$0x1E500] =	vst v63  }
0x5a: {  	s5 =	simm.s32 @!p1 $0x2  }
0x5b: {  	_ =	swait.ge @!p1 [sflag:s5], $0x2800  }
0x5c: {  	[sflag:s5] =	ssyncset.done @!p1 $0x0  }
0x5d: {  	[sflag:s5] =	ssyncadd.s32 @!p1 $0xFFFFD800;
	s5 =	simm.s32 @!p1 $0x8  }
0x5e: {  	_ =	swait.ge @!p1 [sflag:s5], $0x2800  }
0x5f: {  	s20 =	simm.s32 @!p1 $0x0;
	[sflag:s5] =	ssyncset.done @!p1 $0x0  }
0x60: {  	s23 =	simm.s32 @!p1 $0x14280;
	[sflag:s5] =	ssyncadd.s32 @!p1 $0xFFFFD800;
	s5 =	sadd.s32 @!p1 s14, s12  }
0x61: {  	[tilespmem:s23], [sflag:$0xA] =	stream.linear.gather @!p1 [hbm4b:s5+s20], $0x280, $0x38;
	[tilespmem:$0x1E500] =	vst v63  }
0x62: {  	s20 =	simm.s32 $0x141E0  }
0x63: {  	[tilespmem:s24], [sflag:$0x4] =	stream.indirect.gather [hbm4b:s1+s18], $0x80, s20, s18, $0xb8;
	[tilespmem:$0x1E500] =	vst v63  }
0x64: {  	_ = 	snop  }
0x65: {  	[spmem:s2] =	stream.indirect.scatter.add.f32 [tilespmem:s21], [sflag:$0x6], $0x80, s26, s18, $0xb8;
	[tilespmem:$0x1E500] =	vst v63  }
0x66: {  	_ =	swait.ge [sflag:s28], $0x2800  }
0x67: {  	[sflag:s28] =	ssyncset.done $0x0  }
0x68: {  	[sflag:s28] =	ssyncadd.s32 $0xFFFFD800  }
0x69: {  	_ =	swait.ge [sflag:s29], $0x280  }
0x6a: {  	[sflag:s29] =	ssyncset.done $0x0  }
0x6b: {  	[sflag:s29] =	ssyncadd.s32 $0xFFFFFD80  }
0x6c: {  	_ =	swait.ge [sflag:s30], $0x2800  }
0x6d: {  	[sflag:s30] =	ssyncset.done $0x0  }
0x6e: {  	s23 =	simm.s32 $0x14280;
	[sflag:s30] =	ssyncadd.s32 $0xFFFFD800  }
0x6f: {  	[tilespmem:s19], [sflag:$0x1] =	stream.indirect.gather [hbm4b:s1+s18], $0x80, s23, s18, $0xb8;
	[tilespmem:$0x1E500] =	vst v63  }
0x70: {  	_ = 	snop  }
0x71: {  	[spmem:s2] =	stream.indirect.scatter.add.f32 [tilespmem:s0], [sflag:$0x7], $0x80, s31, s18, $0xb8;
	[tilespmem:$0x1E500] =	vst v63  }
0x72: {  	_ =	swait.ge [sflag:s3], $0x2800  }
0x73: {  	[sflag:s3] =	ssyncset.done $0x0  }
0x74: {  	[sflag:s3] =	ssyncadd.s32 $0xFFFFD800  }
0x75: {  	_ =	swait.ge [sflag:s4], $0x2800  }
0x76: {  	[sflag:s4] =	ssyncset.done $0x0  }
0x77: {  	[sflag:s4] =	ssyncadd.s32 $0xFFFFD800  }
0x78: {  	[tilespmem:s21], [sflag:$0x2] =	stream.indirect.gather [hbm4b:s1+s18], $0x80, s6, s18, $0xb8;
	[tilespmem:$0x1E500] =	vst v63  }
0x79: {  	_ = 	snop  }
0x7a: {  	[spmem:s2] =	stream.indirect.scatter.add.f32 [tilespmem:s24], [sflag:$0x8], $0x80, s8, s18, $0xb8;
	[tilespmem:$0x1E500] =	vst v63  }
0x7b: {  	_ =	swait.ge [sflag:s22], $0x2800  }
0x7c: {  	[sflag:s22] =	ssyncset.done $0x0  }
0x7d: {  	[sflag:s22] =	ssyncadd.s32 $0xFFFFD800  }
0x7e: {  	_ =	swait.ge [sflag:s7], $0x2800  }
0x7f: {  	[sflag:s7] =	ssyncset.done $0x0  }
0x80: {  	[sflag:s7] =	ssyncadd.s32 $0xFFFFD800  }
0x81: {  	[tilespmem:s0], [sflag:$0x3] =	stream.indirect.gather [hbm4b:s1+s18], $0x80, s9, s18, $0xb8;
	[tilespmem:$0x1E500] =	vst v63  }
0x82: {  	_ = 	snop  }
0x83: {  	[spmem:s2] =	stream.indirect.scatter.add.f32 [tilespmem:s19], [sflag:$0x5], $0x80, s10, s18, $0xb8;
	[tilespmem:$0x1E500] =	vst v63  }
0x84: {  	_ =	swait.ge [sflag:s16], $0x2800  }
0x85: {  	[sflag:s16] =	ssyncset.done $0x0  }
0x86: {  	[sflag:s16] =	ssyncadd.s32 $0xFFFFD800  }
0x87: {  	p1 =	seq.s32 s14, $0x960;
	_ =	swait.ge [sflag:s13], $0x2800  }
0x88: {  	s5 =	simm.s32 @p1 $0x50;
	[sflag:s13] =	ssyncset.done $0x0  }
0x89: {  	s20 =	simm.s32 @p1 $0x14460;
	s23 =	simm.s32 @p1 $0x1BD00;
	[sflag:s13] =	ssyncadd.s32 $0xFFFFD800  }
0x8a: {  	[tilespmem:s23], [sflag:$0x4] =	stream.indirect.gather @p1 [hbm4b:s1+s5], $0x80, s20, s5, $0xb8;
	[tilespmem:$0x1E500] =	vst v63  }
0x8b: {  	s20 =	simm.s32 @p1 $0x14370;
	s23 =	simm.s32 @p1 $0x16D00  }
0x8c: {  	[spmem:s2] =	stream.indirect.scatter.add.f32 @p1 [tilespmem:s23], [sflag:$0x6], $0x80, s20, s5, $0xb8;
	[tilespmem:$0x1E500] =	vst v63  }
0x8d: {  	s5 =	simm.s32 @p1 $0x3  }
0x8e: {  	_ =	swait.ge @p1 [sflag:s5], $0x2800  }
0x8f: {  	[sflag:s5] =	ssyncset.done @p1 $0x0  }
0x90: {  	[sflag:s5] =	ssyncadd.s32 @p1 $0xFFFFD800;
	s5 =	simm.s32 @p1 $0x5  }
0x91: {  	_ =	swait.ge @p1 [sflag:s5], $0x2800  }
0x92: {  	s20 =	simm.s32 @!p1 $0x0;
	[sflag:s5] =	ssyncset.done @p1 $0x0  }
0x93: {  	s23 =	simm.s32 @!p1 $0x14000;
	[sflag:s5] =	ssyncadd.s32 @p1 $0xFFFFD800;
	s5 =	sadd.s32 @!p1 s14, s11  }
0x94: {  	[tilespmem:s23], [sflag:$0x9] =	stream.linear.gather @!p1 [hbm4b:s5+s20], $0x280, $0x38;
	[tilespmem:$0x1E500] =	vst v63  }
0x95: {  	s17 =	simm.s32 @!p1 $0x1BD00;
	s5 =	simm.s32 @!p1 $0x50;
	s20 =	simm.s32 @!p1 $0x14460  }
0x96: {  	[tilespmem:s17], [sflag:$0x4] =	stream.indirect.gather @!p1 [hbm4b:s1+s5], $0x80, s20, s5, $0xb8;
	[tilespmem:$0x1E500] =	vst v63  }
0x97: {  	s17 =	simm.s32 @!p1 $0x14370;
	s20 =	simm.s32 @!p1 $0x16D00  }
0x98: {  	[spmem:s2] =	stream.indirect.scatter.add.f32 @!p1 [tilespmem:s20], [sflag:$0x6], $0x80, s17, s5, $0xb8;
	[tilespmem:$0x1E500] =	vst v63  }
0x99: {  	s17 =	simm.s32 @!p1 $0x3  }
0x9a: {  	_ =	swait.ge @!p1 [sflag:s17], $0x2800  }
0x9b: {  	[sflag:s17] =	ssyncset.done @!p1 $0x0  }
0x9c: {  	[sflag:s17] =	ssyncadd.s32 @!p1 $0xFFFFD800;
	s17 =	simm.s32 @!p1 $0x5  }
0x9d: {  	_ =	swait.ge @!p1 [sflag:s17], $0x2800  }
0x9e: {  	[sflag:s17] =	ssyncset.done @!p1 $0x0  }
0x9f: {  	[sflag:s17] =	ssyncadd.s32 @!p1 $0xFFFFD800;
	s17 =	simm.s32 @!p1 $0x9  }
0xa0: {  	_ =	swait.ge @!p1 [sflag:s17], $0x280  }
0xa1: {  	[sflag:s17] =	ssyncset.done @!p1 $0x0  }
0xa2: {  	[sflag:s17] =	ssyncadd.s32 @!p1 $0xFFFFFD80;
	s17 =	simm.s32 @!p1 $0x14500  }
0xa3: {  	[tilespmem:s17], [sflag:$0x1] =	stream.indirect.gather @!p1 [hbm4b:s1+s5], $0x80, s23, s5, $0xb8;
	[tilespmem:$0x1E500] =	vst v63  }
0xa4: {  	_ = 	snop  }
0xa5: {  	[spmem:s2] =	stream.indirect.scatter.add.f32 [tilespmem:s0], [sflag:$0x7], $0x80, s15, s18, $0xb8;
	[tilespmem:$0x1E500] =	vst v63  }
0xa6: {  	_ =	swait.ge [sflag:s3], $0x2800  }
.Ltmp2:
0xa7: {  	[sflag:s3] =	ssyncset.done $0x0;
	(pc) =	sbr.rel @p1 .LBB2_4-.Ltmp2, $4  }
0xa8: {  	[sflag:s3] =	ssyncadd.s32 $0xFFFFD800  }
0xa9: {  	_ =	swait.ge [sflag:s4], $0x2800  }
0xaa: {  	[sflag:s4] =	ssyncset.done $0x0  }
0xab: {  	[sflag:s4] =	ssyncadd.s32 $0xFFFFD800  }
.Ltmp3:
0xac: {  	(pc) =	sbr.rel .LBB2_2-.Ltmp3, $4  }
0xad: {  	s5 =	simm.s32 $0x140A0  }
0xae: {  	[tilespmem:s21], [sflag:$0x2] =	stream.indirect.gather [hbm4b:s1+s18], $0x80, s5, s18, $0xb8;
	[tilespmem:$0x1E500] =	vst v63  }
0xaf: {  	s14 =	sadd.s32 $0xA0, s14  }
0xb0: {  	[spmem:s2] =	stream.indirect.scatter.add.f32 [tilespmem:s24], [sflag:$0x8], $0x80, s25, s18, $0xb8;
	[tilespmem:$0x1E500] =	vst v63  }
.LBB2_5:
0xb1: {  	_ =	sfence.sel $0x180000  }
0xb2: {  	[bflag:$0x0] =	sbarrier.arrive $0xFFFF  }
0xb3: {  	_ =	strace $0x90000050  }
0xb4: {  	[bflag:$0x2] =	sbarrier.arrive $0xFFFF  }
0xb5: {  	s0 =	rddreg [dreg:$0x3]  }
0xb6: {  	s0 =	sadd.s32 @!p0 $0x100000, s0  }
0xb7: {  	[sflag:s0] =	ssyncadd.tile.s32 @!p0 $0x1;
	_ =	shalt  }
.Lfunc_end2:
_tile_overlayer_lowered:
.L_overlay_start_2:
0xb8: {  	(tag) =	ssettag $0x2  }
0xb9: {  	s0 =	rddreg [dreg:$0x0];
	s2 =	stileid.u32  }
0xba: {  	s1 =	rddreg [dreg:$0x1];
	p0 =	sne.s32 s2, $0x0  }
0xbb: {  	s3 =	rddreg [dreg:$0x2];
	[bflag:$0x3] =	sbarrier.arrive $0xFFFF;
	s2 =	simm.s32 @!p0 $0x1C0B  }
0xbc: {  	[timem:s3], [sflag:s2] =	dma.local @!p0 [hbm:s0], s1  }
0xbd: {  	s0 =	simm.s32 @!p0 $0xB  }
0xbe: {  	_ =	swait.ge @!p0 [sflag:s0], s1  }
0xbf: {  	s1 =	ssub.s32 @!p0 $0x0, s1;
	[sflag:s0] =	ssyncset.done @!p0 $0x0  }
0xc0: {  	[sflag:s0] =	ssyncadd.s32 @!p0 s1  }
0xc1: {  	[bflag:$0x3] =	sbarrier.arrive $0xFFFF  }
0xc2: {  	_ =	shalt  }

</sc_bundles>
